<compile_context>
chip_gen: v7x
topology: tpu7x:2x2x1
jax: 0.10.2.dev20260603
libtpu: 0.0.44.dev20260713+nightly
codegen_flags: <defaults>
</compile_context>

<pallas_src>
import functools

import jax
import jax.numpy as jnp
from jax import lax
from jax.experimental import pallas as pl
from jax.experimental.pallas import tpu as pltpu
from jax.experimental.pallas import tpu_sc as plsc

N = 10000
E = 320000
F_IN = 128
H = 32
G = 64

NC, NS, L = 2, 16, 16
NW = NC * NS
CHUNK = 128
EPT_CHUNKS = 80
E_PAD = NW * EPT_CHUNKS * CHUNK
K = 8
NGRP = EPT_CHUNKS // K
N_PAD = 10240
RPS = N_PAD // NS
DF = 16
R4 = N_PAD // 4
NR = N // 4

_mesh = plsc.VectorSubcoreMesh(
    core_axis_name="c", subcore_axis_name="s", num_cores=NC, num_subcores=NS)
_sc_params = pltpu.CompilerParams(use_tc_tiling_on_sc=False)
_sc_params_nl = pltpu.CompilerParams(use_tc_tiling_on_sc=False,
                                     needs_layout_passes=False)


@functools.partial(
    pl.kernel,
    out_type=jax.ShapeDtypeStruct((N_PAD, H), jnp.float32),
    mesh=_mesh,
    scratch_types=[
        pltpu.VMEM((EPT_CHUNKS, CHUNK), jnp.int32),
        pltpu.VMEM((CHUNK, DF), jnp.float32),
        pltpu.VMEM((RPS, DF), jnp.float32),
        pltpu.VMEM((RPS,), jnp.float32),
        pltpu.VMEM((RPS, H), jnp.float32),
        pltpu.VMEM_SHARED((N_PAD, DF), jnp.float32),
        pltpu.SemaphoreType.DMA,
    ],
    compiler_params=_sc_params_nl,
)
def _deg_sc(dstT_hbm, dinv_hbm, dst_v, ones_v, cbuf, dtmp, rbuf, acc_sh, sem):
    c = lax.axis_index("c")
    s = lax.axis_index("s")

    def _fill(val, i, carry):
        ones_v[i, pl.ds(0, 16)] = jnp.full((16,), val, jnp.float32)
        return carry

    lax.fori_loop(0, CHUNK, functools.partial(_fill, 0.0), 0)
    for k in range(RPS // CHUNK):
        pltpu.sync_copy(ones_v, acc_sh.at[pl.ds(s * RPS + k * CHUNK, CHUNK)])
    lax.fori_loop(0, CHUNK, functools.partial(_fill, 1.0), 0)
    plsc.subcore_barrier()

    def _body(g, carry):
        for b in range(8):
            pltpu.async_copy(ones_v, acc_sh.at[dst_v.at[g * 8 + b]], sem,
                             add=True)
        for b in range(8):
            pltpu.make_async_copy(ones_v, acc_sh.at[pl.ds(0, CHUNK)],
                                  sem).wait()
        return carry

    for wo in range(NC):
        pltpu.sync_copy(dstT_hbm.at[NC * s + wo], dst_v)
        lax.fori_loop(0, EPT_CHUNKS // 8, _body, 0)
    plsc.subcore_barrier()

    pltpu.sync_copy(acc_sh.at[pl.ds(s * RPS, RPS)], cbuf)
    zero16 = jnp.zeros((16,), jnp.int32)

    def _ck(k, carry):
        rows = lax.iota(jnp.int32, 16) + k * 16
        d16 = plsc.load_gather(cbuf, [rows, zero16]) + 1.0
        i32 = plsc.bitcast(d16, jnp.int32)
        i32 = jnp.full((16,), 0x5F3759DF, jnp.int32) - \
            lax.shift_right_logical(i32, 1)
        y = plsc.bitcast(i32, jnp.float32)
        for _ in range(3):
            y = y * (1.5 - 0.5 * d16 * y * y)
        dtmp[pl.ds(k * 16, 16)] = y
        return carry

    lax.fori_loop(0, RPS // 16, _ck, 0)

    def _br(r, carry):
        vv = plsc.load_gather(dtmp, [jnp.full((16,), 0, jnp.int32) + r])
        rbuf[r, pl.ds(0, 16)] = vv
        rbuf[r, pl.ds(16, 16)] = vv
        return carry

    lax.fori_loop(0, RPS, _br, 0)

    @pl.when(c == 0)
    def _():
        pltpu.sync_copy(rbuf, dinv_hbm.at[pl.ds(s * RPS, RPS)])


@functools.partial(
    pl.kernel,
    out_type=jax.ShapeDtypeStruct((NC, N_PAD, H), jnp.float32),
    mesh=_mesh,
    scratch_types=[
        pltpu.VMEM((EPT_CHUNKS, CHUNK), jnp.int32),
        pltpu.VMEM((EPT_CHUNKS, CHUNK), jnp.int32),
        pltpu.VMEM((2 * K, CHUNK, H), jnp.float32),
        pltpu.VMEM_SHARED((N_PAD, H), jnp.float32),
        pltpu.VMEM_SHARED((N_PAD, H), jnp.float32),
        pltpu.SemaphoreType.DMA,
        pltpu.SemaphoreType.DMA,
    ],
    compiler_params=_sc_params,
)
def _agg_sc(hs_hbm, srcT_hbm, dstT_hbm, out_hbm, src_v, dst_v, buf_v, acc_sh,
            hs_sh, gsem, ssem):
    c = lax.axis_index("c")
    s = lax.axis_index("s")
    wid = s * NC + c
    pltpu.sync_copy(srcT_hbm.at[wid], src_v)
    pltpu.sync_copy(dstT_hbm.at[wid], dst_v)
    pltpu.sync_copy(hs_hbm.at[pl.ds(s * RPS, RPS)],
                    hs_sh.at[pl.ds(s * RPS, RPS)])

    def _zfill(i, carry):
        buf_v[0, i, pl.ds(0, 16)] = jnp.zeros((16,), jnp.float32)
        buf_v[0, i, pl.ds(16, 16)] = jnp.zeros((16,), jnp.float32)
        return carry

    lax.fori_loop(0, CHUNK, _zfill, 0)
    for k in range(RPS // CHUNK):
        pltpu.sync_copy(buf_v.at[0],
                        acc_sh.at[pl.ds(s * RPS + k * CHUNK, CHUNK)])
    plsc.subcore_barrier()

    for b in range(K):
        pltpu.async_copy(hs_sh.at[src_v.at[b]], buf_v.at[b], gsem)

    def _body(g, carry):
        base = g * K
        boff = (g % 2) * K
        nboff = K - boff
        for b in range(K):
            pltpu.make_async_copy(hs_hbm.at[pl.ds(0, CHUNK)],
                                  buf_v.at[b], gsem).wait()
        for b in range(K):
            pltpu.async_copy(buf_v.at[boff + b],
                             acc_sh.at[dst_v.at[base + b]], ssem, add=True)

        @pl.when(g < NGRP - 1)
        def _():
            for b in range(K):
                pltpu.async_copy(hs_sh.at[src_v.at[base + K + b]],
                                 buf_v.at[nboff + b], gsem)

        for b in range(K):
            pltpu.make_async_copy(buf_v.at[b], acc_sh.at[pl.ds(0, CHUNK)],
                                  ssem).wait()
        return carry

    lax.fori_loop(0, NGRP, _body, 0)
    plsc.subcore_barrier()
    pltpu.sync_copy(acc_sh.at[pl.ds(s * RPS, RPS)],
                    out_hbm.at[c, pl.ds(s * RPS, RPS)])


MB = 512
NMB = R4 // MB


def _mm1_body(x_ref, w_ref, out_ref):
    out_ref[...] = jnp.dot(x_ref[...], w_ref[...],
                           preferred_element_type=jnp.float32)


def _mm1_tc(x4, W1b):
    return pl.pallas_call(
        _mm1_body,
        grid=(NMB,),
        in_specs=[
            pl.BlockSpec((MB, 4 * F_IN), lambda i: (i, 0)),
            pl.BlockSpec((4 * F_IN, 128), lambda i: (0, 0)),
        ],
        out_specs=pl.BlockSpec((MB, 128), lambda i: (i, 0)),
        out_shape=jax.ShapeDtypeStruct((R4, 128), jnp.float32),
    )(x4, W1b)


def _scale_body(h_ref, dinv_ref, out_ref):
    out_ref[...] = h_ref[...] * dinv_ref[...]


def _scale_tc(h1p, dinvp):
    return pl.pallas_call(
        _scale_body,
        grid=(NMB,),
        in_specs=[
            pl.BlockSpec((MB, 128), lambda i: (i, 0)),
            pl.BlockSpec((MB, 128), lambda i: (i, 0)),
        ],
        out_specs=pl.BlockSpec((MB, 128), lambda i: (i, 0)),
        out_shape=jax.ShapeDtypeStruct((R4, 128), jnp.float32),
    )(h1p, dinvp)


def _fold4(v128):
    return (v128[:, 0:32] + v128[:, 32:64] + v128[:, 64:96] +
            v128[:, 96:128])


def _mid_body(aggp_ref, hs_ref, dinv_ref, b_ref, g_ref, be_ref, wn_ref,
              out_ref):
    dinv = dinv_ref[...]
    pre = dinv * (aggp_ref[0] + aggp_ref[1] + hs_ref[...]) + b_ref[...]
    t = jnp.tanh(pre)
    mask = (lax.broadcasted_iota(jnp.int32, (R4, 1), 0) < NR).astype(
        jnp.float32)
    tm = t * mask
    m32 = _fold4(jnp.sum(tm, axis=0, keepdims=True)) * (1.0 / N)
    q32 = _fold4(jnp.sum(tm * tm, axis=0, keepdims=True)) * (1.0 / N)
    var32 = q32 - m32 * m32
    r32 = lax.rsqrt(var32 + 1e-5)
    m128 = jnp.concatenate([m32] * 4, axis=1)
    r128 = jnp.concatenate([r32] * 4, axis=1)
    gr = g_ref[...] * r128
    c = jnp.dot(be_ref[...] - m128 * gr, wn_ref[...],
                preferred_element_type=jnp.float32)
    hn = jnp.dot(t * gr, wn_ref[...], preferred_element_type=jnp.float32) + c
    out_ref[...] = hn * dinv * mask


def _mid_tc(aggp, hsp, dinvp, b4, g4, be4, Wnb):
    return pl.pallas_call(
        _mid_body,
        out_shape=jax.ShapeDtypeStruct((R4, 128), jnp.float32),
    )(aggp, hsp, dinvp, b4, g4, be4, Wnb)


def _final_body(aggp_ref, hs_ref, dinv_ref, b_ref, batch_ref, wc_ref, bc_ref,
                out_ref):
    dinv = dinv_ref[...]
    pre = dinv * (aggp_ref[0] + aggp_ref[1] + hs_ref[...]) + b_ref[...]
    t = jnp.tanh(pre)
    gid = lax.broadcasted_iota(jnp.int32, (1, G), 1)
    ones = jnp.ones((R4, 1), jnp.float32)
    sums = jnp.zeros((G, H), jnp.float32)
    counts = jnp.zeros((G, 1), jnp.float32)
    for q in range(4):
        Pq = (batch_ref[:, q:q + 1] == gid).astype(jnp.float32)
        sums = sums + lax.dot_general(
            Pq, t[:, 32 * q:32 * q + 32], (((0,), (0,)), ((), ())),
            preferred_element_type=jnp.float32)
        counts = counts + lax.dot_general(
            Pq, ones, (((0,), (0,)), ((), ())),
            preferred_element_type=jnp.float32)
    pooled = sums / jnp.maximum(counts, 1.0)
    out_ref[...] = jnp.dot(pooled, wc_ref[...],
                           preferred_element_type=jnp.float32) + bc_ref[...]


def _final_tc(aggp, hsp, dinvp, b4, batch4, Wc, bc):
    return pl.pallas_call(
        _final_body,
        out_shape=jax.ShapeDtypeStruct((G, 1), jnp.float32),
    )(aggp, hsp, dinvp, b4, batch4, Wc, bc.reshape(1, 1))


def _tile4(v):
    return jnp.tile(v, 4).reshape(1, 128)


def kernel(x, edge_index, batch, W1, b1, g1, be1, W2, b2, g2, be2, W3, b3,
           Wc, bc):
    f32 = jnp.float32
    x_pad = jnp.pad(x, ((0, N_PAD - N), (0, 0)))
    x4 = x_pad.reshape(R4, 4 * F_IN)
    eye4 = jnp.eye(4, dtype=f32)
    W1b = jnp.kron(eye4, W1)
    W2b = jnp.kron(eye4, W2)
    W3b = jnp.kron(eye4, W3)
    pad_e = E_PAD - E
    src = jnp.concatenate(
        [edge_index[0], jnp.full((pad_e,), N, jnp.int32)])
    dst = jnp.concatenate(
        [edge_index[1], jnp.full((pad_e,), N, jnp.int32)])
    srcT = src.reshape(NW, EPT_CHUNKS, CHUNK)
    dstT = dst.reshape(NW, EPT_CHUNKS, CHUNK)
    batch4 = jnp.pad(batch, (0, N_PAD - N),
                     constant_values=G).reshape(R4, 4)

    dinvp = _deg_sc(dstT).reshape(R4, 128)
    h1p = _mm1_tc(x4, W1b)
    hs1p = _scale_tc(h1p, dinvp)
    agg1 = _agg_sc(hs1p.reshape(N_PAD, H), srcT, dstT)
    hs2p = _mid_tc(agg1.reshape(NC, R4, 128), hs1p, dinvp,
                   _tile4(b1), _tile4(g1), _tile4(be1), W2b)
    agg2 = _agg_sc(hs2p.reshape(N_PAD, H), srcT, dstT)
    hs3p = _mid_tc(agg2.reshape(NC, R4, 128), hs2p, dinvp,
                   _tile4(b2), _tile4(g2), _tile4(be2), W3b)
    agg3 = _agg_sc(hs3p.reshape(N_PAD, H), srcT, dstT)
    out = _final_tc(agg3.reshape(NC, R4, 128), hs3p, dinvp,
                    _tile4(b3), batch4, Wc, bc)
    return out

# --- scband reference (transcript-rebuilt; emitter-appended) ---
"""Pipeline reference for scband-gcn-16879221473613 (READ-ONLY COPY).

The authoritative reference and input builder live on the scoring server;
editing this copy changes nothing except your own understanding.
"""

import jax, jax.numpy as jnp
import numpy as np

N = 10000
E = 320000
F_IN = 128
H = 32
G = 64


def setup_inputs(seed: int = 0) -> dict:
    key = jax.random.key(seed)
    ks = jax.random.split(key, 16)
    x = jax.random.normal(ks[0], (N, F_IN), dtype=jnp.float32)
    edge_index = jax.random.randint(ks[1], (2, E), 0, N, dtype=jnp.int32)
    batch = jnp.sort(jax.random.randint(ks[2], (N,), 0, G, dtype=jnp.int32))
    W1 = jax.random.normal(ks[3], (F_IN, H), dtype=jnp.float32) * (1.0 / np.sqrt(F_IN))
    b1 = jnp.zeros((H,), dtype=jnp.float32)
    g1 = jnp.ones((H,), dtype=jnp.float32)
    be1 = jnp.zeros((H,), dtype=jnp.float32)
    W2 = jax.random.normal(ks[4], (H, H), dtype=jnp.float32) * (1.0 / np.sqrt(H))
    b2 = jnp.zeros((H,), dtype=jnp.float32)
    g2 = jnp.ones((H,), dtype=jnp.float32)
    be2 = jnp.zeros((H,), dtype=jnp.float32)
    W3 = jax.random.normal(ks[5], (H, H), dtype=jnp.float32) * (1.0 / np.sqrt(H))
    b3 = jnp.zeros((H,), dtype=jnp.float32)
    Wc = jax.random.normal(ks[6], (H, 1), dtype=jnp.float32) * (1.0 / np.sqrt(H))
    bc = jnp.zeros((1,), dtype=jnp.float32)
    return {"x": x, "edge_index": edge_index, "batch": batch,
            "W1": W1, "b1": b1, "g1": g1, "be1": be1,
            "W2": W2, "b2": b2, "g2": g2, "be2": be2,
            "W3": W3, "b3": b3, "Wc": Wc, "bc": bc}


def _gcn_norm(edge_index):
    # add self loops (PyG GCNConv default), symmetric normalization
    loop = jnp.arange(N, dtype=edge_index.dtype)
    src = jnp.concatenate([edge_index[0], loop])
    dst = jnp.concatenate([edge_index[1], loop])
    deg = jax.ops.segment_sum(jnp.ones_like(dst, dtype=jnp.float32), dst, num_segments=N)
    deg_inv_sqrt = jnp.where(deg > 0, jax.lax.rsqrt(jnp.maximum(deg, 1e-12)), 0.0)
    norm = deg_inv_sqrt[src] * deg_inv_sqrt[dst]
    return src, dst, norm


def _gcn_conv(x, src, dst, norm, W, b):
    h = x @ W
    msg = h[src] * norm[:, None]
    out = jax.ops.segment_sum(msg, dst, num_segments=N)
    return out + b


def _batchnorm(h, gamma, beta):
    mean = jnp.mean(h, axis=0)
    var = jnp.mean((h - mean) ** 2, axis=0)  # biased, as torch BN training
    return gamma * (h - mean) * jax.lax.rsqrt(var + 1e-5) + beta


def reference(x, edge_index, batch, W1, b1, g1, be1, W2, b2, g2, be2, W3, b3, Wc, bc):
    src, dst, norm = _gcn_norm(edge_index)
    h = _gcn_conv(x, src, dst, norm, W1, b1)
    h = jnp.tanh(h)
    h = _batchnorm(h, g1, be1)
    h = _gcn_conv(h, src, dst, norm, W2, b2)
    h = jnp.tanh(h)
    h = _batchnorm(h, g2, be2)
    h = _gcn_conv(h, src, dst, norm, W3, b3)
    h = jnp.tanh(h)
    sums = jax.ops.segment_sum(h, batch, num_segments=G)
    counts = jax.ops.segment_sum(jnp.ones((N,), dtype=jnp.float32), batch, num_segments=G)
    pooled = sums / jnp.maximum(counts, 1.0)[:, None]
    out = pooled @ Wc + bc
    return out

if __name__ == "__main__":
    import jax
    _d = setup_inputs()
    print(jax.jit(kernel)(*tuple(_d.values())))

</pallas_src>

<mosaic_0001>
#map = affine_map<(d0, d1) -> (0, 0, 0)>
#map1 = affine_map<(d0, d1) -> (0, 0)>
module attributes {stable_mosaic.version = 14 : i64} {
  func.func @_deg_sc(%arg0: i32, %arg1: i32, %arg2: memref<32x80x128xi32, #tpu.memory_space<hbm>>, %arg3: memref<10240x32xf32, #tpu.memory_space<hbm>>, %arg4: memref<80x128xi32, #tpu.memory_space<vmem>>, %arg5: memref<128x16xf32, #tpu.memory_space<vmem>>, %arg6: memref<640x16xf32, #tpu.memory_space<vmem>>, %arg7: memref<640xf32, #tpu.memory_space<vmem>>, %arg8: memref<640x32xf32, #tpu.memory_space<vmem>>, %arg9: memref<10240x16xf32, #tpu.memory_space<vmem_shared>>, %arg10: memref<!tpu.dma_semaphore, #tpu.memory_space<semaphore_mem>>) attributes {dimension_semantics = [#tpu.dimension_semantics<core_parallel>, #tpu.dimension_semantics<subcore_parallel>], iteration_bounds = array<i64: 2, 16>, scalar_prefetch = 0 : i64, scratch_operands = 7 : i64, tpu.core_type = #tpu.core_type<sc_vector_subcore>, window_params = [{transform_indices = #map}, {transform_indices = #map1}]} {
    %scan3A = arith.constant 0 : i32
    %scan3A_0 = arith.constant 0 : i32
    %scan3A_1 = arith.constant 128 : i32
    %scan3A_2 = arith.addi %scan3A_0, %scan3A_1 : i32
    %scan3A_3 = arith.constant 1 : i32
    scf.for %scan3A_67 = %scan3A_0 to %scan3A_2 step %scan3A_3  : i32 {
      %broadcast_in_dim3A_68 = arith.constant 0.000000e+00 : f32
      %broadcast_in_dim3A_69 = vector.broadcast %broadcast_in_dim3A_68 : f32 to vector<16xf32>
      %swap3A = arith.index_cast %scan3A_67 : i32 to index
      %swap3A_70 = arith.constant 0 : index
      %swap3A_71 = tpu.vector_load %arg5[%swap3A, %swap3A_70] {strides = array<i32>} : memref<128x16xf32, #tpu.memory_space<vmem>>, vector<16xf32>,
      tpu.vector_store %arg5[%swap3A, %swap3A_70], %broadcast_in_dim3A_69 {strides = array<i32>} : memref<128x16xf32, #tpu.memory_space<vmem>>, vector<16xf32>,
    }
    %scan3A_4 = arith.constant 128 : i32
    %mul3A = arith.constant 640 : i32
    %mul3A_5 = arith.muli %arg1, %mul3A : i32
    %add3A = arith.constant 0 : i32
    %add3A_6 = arith.addi %mul3A_5, %add3A : i32
    "tpu.region"() ({
      %run_scoped3A = tpu.sem_alloc : memref<!tpu.dma_semaphore, #tpu.memory_space<semaphore_mem>>
      %dma_start3A = arith.constant 0 : i32
      %dma_start3A_67 = tpu.memref_slice %arg9[%add3A_6, %dma_start3A] : memref<10240x16xf32, #tpu.memory_space<vmem_shared>> -> memref<128x16xf32, #tpu.memory_space<vmem_shared>>
      %dma_start3A_68 = arith.constant 0 : i32
      %dma_start3A_69 = tpu.memref_slice %arg9[%add3A_6, %dma_start3A_68] : memref<10240x16xf32, #tpu.memory_space<vmem_shared>> -> memref<128x16xf32, #tpu.memory_space<vmem_shared>>
      tpu.enqueue_dma source(%arg5 : memref<128x16xf32, #tpu.memory_space<vmem>>) target(%dma_start3A_69 : memref<128x16xf32, #tpu.memory_space<vmem_shared>>) target_semaphore(%run_scoped3A : memref<!tpu.dma_semaphore, #tpu.memory_space<semaphore_mem>>)
      %dma_wait3A = arith.constant 0 : i32
      %dma_wait3A_70 = tpu.memref_slice %arg9[%add3A_6, %dma_wait3A] : memref<10240x16xf32, #tpu.memory_space<vmem_shared>> -> memref<128x16xf32, #tpu.memory_space<vmem_shared>>
      %dma_wait3A_71 = arith.constant 0 : i32
      %dma_wait3A_72 = tpu.memref_slice %arg9[%add3A_6, %dma_wait3A_71] : memref<10240x16xf32, #tpu.memory_space<vmem_shared>> -> memref<128x16xf32, #tpu.memory_space<vmem_shared>>
      tpu.wait_dma2 semaphore(%run_scoped3A : memref<!tpu.dma_semaphore, #tpu.memory_space<semaphore_mem>>) src(%arg5 : memref<128x16xf32, #tpu.memory_space<vmem>>) dst(%dma_wait3A_72 : memref<128x16xf32, #tpu.memory_space<vmem_shared>>)
      tpu.yield
    }) : () -> ()
    %mul3A_7 = arith.constant 640 : i32
    %mul3A_8 = arith.muli %arg1, %mul3A_7 : i32
    %add3A_9 = arith.constant 128 : i32
    %add3A_10 = arith.addi %mul3A_8, %add3A_9 : i32
    "tpu.region"() ({
      %run_scoped3A = tpu.sem_alloc : memref<!tpu.dma_semaphore, #tpu.memory_space<semaphore_mem>>
      %dma_start3A = arith.constant 0 : i32
      %dma_start3A_67 = tpu.memref_slice %arg9[%add3A_10, %dma_start3A] : memref<10240x16xf32, #tpu.memory_space<vmem_shared>> -> memref<128x16xf32, #tpu.memory_space<vmem_shared>>
      %dma_start3A_68 = arith.constant 0 : i32
      %dma_start3A_69 = tpu.memref_slice %arg9[%add3A_10, %dma_start3A_68] : memref<10240x16xf32, #tpu.memory_space<vmem_shared>> -> memref<128x16xf32, #tpu.memory_space<vmem_shared>>
      tpu.enqueue_dma source(%arg5 : memref<128x16xf32, #tpu.memory_space<vmem>>) target(%dma_start3A_69 : memref<128x16xf32, #tpu.memory_space<vmem_shared>>) target_semaphore(%run_scoped3A : memref<!tpu.dma_semaphore, #tpu.memory_space<semaphore_mem>>)
      %dma_wait3A = arith.constant 0 : i32
      %dma_wait3A_70 = tpu.memref_slice %arg9[%add3A_10, %dma_wait3A] : memref<10240x16xf32, #tpu.memory_space<vmem_shared>> -> memref<128x16xf32, #tpu.memory_space<vmem_shared>>
      %dma_wait3A_71 = arith.constant 0 : i32
      %dma_wait3A_72 = tpu.memref_slice %arg9[%add3A_10, %dma_wait3A_71] : memref<10240x16xf32, #tpu.memory_space<vmem_shared>> -> memref<128x16xf32, #tpu.memory_space<vmem_shared>>
      tpu.wait_dma2 semaphore(%run_scoped3A : memref<!tpu.dma_semaphore, #tpu.memory_space<semaphore_mem>>) src(%arg5 : memref<128x16xf32, #tpu.memory_space<vmem>>) dst(%dma_wait3A_72 : memref<128x16xf32, #tpu.memory_space<vmem_shared>>)
      tpu.yield
    }) : () -> ()
    %mul3A_11 = arith.constant 640 : i32
    %mul3A_12 = arith.muli %arg1, %mul3A_11 : i32
    %add3A_13 = arith.constant 256 : i32
    %add3A_14 = arith.addi %mul3A_12, %add3A_13 : i32
    "tpu.region"() ({
      %run_scoped3A = tpu.sem_alloc : memref<!tpu.dma_semaphore, #tpu.memory_space<semaphore_mem>>
      %dma_start3A = arith.constant 0 : i32
      %dma_start3A_67 = tpu.memref_slice %arg9[%add3A_14, %dma_start3A] : memref<10240x16xf32, #tpu.memory_space<vmem_shared>> -> memref<128x16xf32, #tpu.memory_space<vmem_shared>>
      %dma_start3A_68 = arith.constant 0 : i32
      %dma_start3A_69 = tpu.memref_slice %arg9[%add3A_14, %dma_start3A_68] : memref<10240x16xf32, #tpu.memory_space<vmem_shared>> -> memref<128x16xf32, #tpu.memory_space<vmem_shared>>
      tpu.enqueue_dma source(%arg5 : memref<128x16xf32, #tpu.memory_space<vmem>>) target(%dma_start3A_69 : memref<128x16xf32, #tpu.memory_space<vmem_shared>>) target_semaphore(%run_scoped3A : memref<!tpu.dma_semaphore, #tpu.memory_space<semaphore_mem>>)
      %dma_wait3A = arith.constant 0 : i32
      %dma_wait3A_70 = tpu.memref_slice %arg9[%add3A_14, %dma_wait3A] : memref<10240x16xf32, #tpu.memory_space<vmem_shared>> -> memref<128x16xf32, #tpu.memory_space<vmem_shared>>
      %dma_wait3A_71 = arith.constant 0 : i32
      %dma_wait3A_72 = tpu.memref_slice %arg9[%add3A_14, %dma_wait3A_71] : memref<10240x16xf32, #tpu.memory_space<vmem_shared>> -> memref<128x16xf32, #tpu.memory_space<vmem_shared>>
      tpu.wait_dma2 semaphore(%run_scoped3A : memref<!tpu.dma_semaphore, #tpu.memory_space<semaphore_mem>>) src(%arg5 : memref<128x16xf32, #tpu.memory_space<vmem>>) dst(%dma_wait3A_72 : memref<128x16xf32, #tpu.memory_space<vmem_shared>>)
      tpu.yield
    }) : () -> ()
    %mul3A_15 = arith.constant 640 : i32
    %mul3A_16 = arith.muli %arg1, %mul3A_15 : i32
    %add3A_17 = arith.constant 384 : i32
    %add3A_18 = arith.addi %mul3A_16, %add3A_17 : i32
    "tpu.region"() ({
      %run_scoped3A = tpu.sem_alloc : memref<!tpu.dma_semaphore, #tpu.memory_space<semaphore_mem>>
      %dma_start3A = arith.constant 0 : i32
      %dma_start3A_67 = tpu.memref_slice %arg9[%add3A_18, %dma_start3A] : memref<10240x16xf32, #tpu.memory_space<vmem_shared>> -> memref<128x16xf32, #tpu.memory_space<vmem_shared>>
      %dma_start3A_68 = arith.constant 0 : i32
      %dma_start3A_69 = tpu.memref_slice %arg9[%add3A_18, %dma_start3A_68] : memref<10240x16xf32, #tpu.memory_space<vmem_shared>> -> memref<128x16xf32, #tpu.memory_space<vmem_shared>>
      tpu.enqueue_dma source(%arg5 : memref<128x16xf32, #tpu.memory_space<vmem>>) target(%dma_start3A_69 : memref<128x16xf32, #tpu.memory_space<vmem_shared>>) target_semaphore(%run_scoped3A : memref<!tpu.dma_semaphore, #tpu.memory_space<semaphore_mem>>)
      %dma_wait3A = arith.constant 0 : i32
      %dma_wait3A_70 = tpu.memref_slice %arg9[%add3A_18, %dma_wait3A] : memref<10240x16xf32, #tpu.memory_space<vmem_shared>> -> memref<128x16xf32, #tpu.memory_space<vmem_shared>>
      %dma_wait3A_71 = arith.constant 0 : i32
      %dma_wait3A_72 = tpu.memref_slice %arg9[%add3A_18, %dma_wait3A_71] : memref<10240x16xf32, #tpu.memory_space<vmem_shared>> -> memref<128x16xf32, #tpu.memory_space<vmem_shared>>
      tpu.wait_dma2 semaphore(%run_scoped3A : memref<!tpu.dma_semaphore, #tpu.memory_space<semaphore_mem>>) src(%arg5 : memref<128x16xf32, #tpu.memory_space<vmem>>) dst(%dma_wait3A_72 : memref<128x16xf32, #tpu.memory_space<vmem_shared>>)
      tpu.yield
    }) : () -> ()
    %mul3A_19 = arith.constant 640 : i32
    %mul3A_20 = arith.muli %arg1, %mul3A_19 : i32
    %add3A_21 = arith.constant 512 : i32
    %add3A_22 = arith.addi %mul3A_20, %add3A_21 : i32
    "tpu.region"() ({
      %run_scoped3A = tpu.sem_alloc : memref<!tpu.dma_semaphore, #tpu.memory_space<semaphore_mem>>
      %dma_start3A = arith.constant 0 : i32
      %dma_start3A_67 = tpu.memref_slice %arg9[%add3A_22, %dma_start3A] : memref<10240x16xf32, #tpu.memory_space<vmem_shared>> -> memref<128x16xf32, #tpu.memory_space<vmem_shared>>
      %dma_start3A_68 = arith.constant 0 : i32
      %dma_start3A_69 = tpu.memref_slice %arg9[%add3A_22, %dma_start3A_68] : memref<10240x16xf32, #tpu.memory_space<vmem_shared>> -> memref<128x16xf32, #tpu.memory_space<vmem_shared>>
      tpu.enqueue_dma source(%arg5 : memref<128x16xf32, #tpu.memory_space<vmem>>) target(%dma_start3A_69 : memref<128x16xf32, #tpu.memory_space<vmem_shared>>) target_semaphore(%run_scoped3A : memref<!tpu.dma_semaphore, #tpu.memory_space<semaphore_mem>>)
      %dma_wait3A = arith.constant 0 : i32
      %dma_wait3A_70 = tpu.memref_slice %arg9[%add3A_22, %dma_wait3A] : memref<10240x16xf32, #tpu.memory_space<vmem_shared>> -> memref<128x16xf32, #tpu.memory_space<vmem_shared>>
      %dma_wait3A_71 = arith.constant 0 : i32
      %dma_wait3A_72 = tpu.memref_slice %arg9[%add3A_22, %dma_wait3A_71] : memref<10240x16xf32, #tpu.memory_space<vmem_shared>> -> memref<128x16xf32, #tpu.memory_space<vmem_shared>>
      tpu.wait_dma2 semaphore(%run_scoped3A : memref<!tpu.dma_semaphore, #tpu.memory_space<semaphore_mem>>) src(%arg5 : memref<128x16xf32, #tpu.memory_space<vmem>>) dst(%dma_wait3A_72 : memref<128x16xf32, #tpu.memory_space<vmem_shared>>)
      tpu.yield
    }) : () -> ()
    %scan3A_23 = arith.constant 0 : i32
    %scan3A_24 = arith.constant 0 : i32
    %scan3A_25 = arith.constant 128 : i32
    %scan3A_26 = arith.addi %scan3A_24, %scan3A_25 : i32
    %scan3A_27 = arith.constant 1 : i32
    scf.for %scan3A_67 = %scan3A_24 to %scan3A_26 step %scan3A_27  : i32 {
      %broadcast_in_dim3A_68 = arith.constant 1.000000e+00 : f32
      %broadcast_in_dim3A_69 = vector.broadcast %broadcast_in_dim3A_68 : f32 to vector<16xf32>
      %swap3A = arith.index_cast %scan3A_67 : i32 to index
      %swap3A_70 = arith.constant 0 : index
      %swap3A_71 = tpu.vector_load %arg5[%swap3A, %swap3A_70] {strides = array<i32>} : memref<128x16xf32, #tpu.memory_space<vmem>>, vector<16xf32>,
      tpu.vector_store %arg5[%swap3A, %swap3A_70], %broadcast_in_dim3A_69 {strides = array<i32>} : memref<128x16xf32, #tpu.memory_space<vmem>>, vector<16xf32>,
    }
    %scan3A_28 = arith.constant 128 : i32
    %barrier3A = arith.constant 0 : index
    tpu.barrier barrier_id(%barrier3A)
    %mul3A_29 = arith.constant 2 : i32
    %mul3A_30 = arith.muli %mul3A_29, %arg1 : i32
    %add3A_31 = arith.constant 0 : i32
    %add3A_32 = arith.addi %mul3A_30, %add3A_31 : i32
    "tpu.region"() ({
      %run_scoped3A = tpu.sem_alloc : memref<!tpu.dma_semaphore, #tpu.memory_space<semaphore_mem>>
      %dma_start3A = arith.constant 0 : i32
      %dma_start3A_67 = arith.constant 0 : i32
      %dma_start3A_68 = tpu.memref_slice %arg2[%add3A_32, %dma_start3A, %dma_start3A_67] : memref<32x80x128xi32, #tpu.memory_space<hbm>> -> memref<1x80x128xi32, #tpu.memory_space<hbm>>
      %dma_start3A_69 = tpu.memref_squeeze %dma_start3A_68 : memref<1x80x128xi32, #tpu.memory_space<hbm>> -> memref<80x128xi32, #tpu.memory_space<hbm>>
      %dma_start3A_70 = arith.constant 0 : i32
      %dma_start3A_71 = arith.constant 0 : i32
      %dma_start3A_72 = tpu.memref_slice %arg2[%add3A_32, %dma_start3A_70, %dma_start3A_71] : memref<32x80x128xi32, #tpu.memory_space<hbm>> -> memref<1x80x128xi32, #tpu.memory_space<hbm>>
      %dma_start3A_73 = tpu.memref_squeeze %dma_start3A_72 : memref<1x80x128xi32, #tpu.memory_space<hbm>> -> memref<80x128xi32, #tpu.memory_space<hbm>>
      tpu.enqueue_dma source(%dma_start3A_73 : memref<80x128xi32, #tpu.memory_space<hbm>>) target(%arg4 : memref<80x128xi32, #tpu.memory_space<vmem>>) target_semaphore(%run_scoped3A : memref<!tpu.dma_semaphore, #tpu.memory_space<semaphore_mem>>)
      %dma_wait3A = arith.constant 0 : i32
      %dma_wait3A_74 = arith.constant 0 : i32
      %dma_wait3A_75 = tpu.memref_slice %arg2[%add3A_32, %dma_wait3A, %dma_wait3A_74] : memref<32x80x128xi32, #tpu.memory_space<hbm>> -> memref<1x80x128xi32, #tpu.memory_space<hbm>>
      %dma_wait3A_76 = tpu.memref_squeeze %dma_wait3A_75 : memref<1x80x128xi32, #tpu.memory_space<hbm>> -> memref<80x128xi32, #tpu.memory_space<hbm>>
      %dma_wait3A_77 = arith.constant 0 : i32
      %dma_wait3A_78 = arith.constant 0 : i32
      %dma_wait3A_79 = tpu.memref_slice %arg2[%add3A_32, %dma_wait3A_77, %dma_wait3A_78] : memref<32x80x128xi32, #tpu.memory_space<hbm>> -> memref<1x80x128xi32, #tpu.memory_space<hbm>>
      %dma_wait3A_80 = tpu.memref_squeeze %dma_wait3A_79 : memref<1x80x128xi32, #tpu.memory_space<hbm>> -> memref<80x128xi32, #tpu.memory_space<hbm>>
      tpu.wait_dma2 semaphore(%run_scoped3A : memref<!tpu.dma_semaphore, #tpu.memory_space<semaphore_mem>>) src(%dma_wait3A_80 : memref<80x128xi32, #tpu.memory_space<hbm>>) dst(%arg4 : memref<80x128xi32, #tpu.memory_space<vmem>>)
      tpu.yield
    }) : () -> ()
    %scan3A_33 = arith.constant 0 : i32
    %scan3A_34 = arith.constant 0 : i32
    %scan3A_35 = arith.constant 10 : i32
    %scan3A_36 = arith.addi %scan3A_34, %scan3A_35 : i32
    %scan3A_37 = arith.constant 1 : i32
    scf.for %scan3A_67 = %scan3A_34 to %scan3A_36 step %scan3A_37  : i32 {
      %mul3A_68 = arith.constant 8 : i32
      %mul3A_69 = arith.muli %scan3A_67, %mul3A_68 : i32
      %add3A_70 = arith.constant 0 : i32
      %add3A_71 = arith.addi %mul3A_69, %add3A_70 : i32
      %dma_start3A = arith.constant 0 : i32
      %dma_start3A_72 = tpu.memref_slice %arg4[%add3A_71, %dma_start3A] : memref<80x128xi32, #tpu.memory_space<vmem>> -> memref<1x128xi32, #tpu.memory_space<vmem>>
      %dma_start3A_73 = tpu.memref_squeeze %dma_start3A_72 : memref<1x128xi32, #tpu.memory_space<vmem>> -> memref<128xi32, #tpu.memory_space<vmem>>
      %dma_start3A_74 = arith.constant 0 : i32
      %dma_start3A_75 = arith.constant 0 : i32
      %dma_start3A_76 = tpu.memref_slice %arg9[%dma_start3A_74, %dma_start3A_75] : memref<10240x16xf32, #tpu.memory_space<vmem_shared>> -> memref<10240x16xf32, #tpu.memory_space<vmem_shared>>
      tpu.enqueue_indirect_dma source(%arg5 : memref<128x16xf32, #tpu.memory_space<vmem>>) target(%dma_start3A_76 : memref<10240x16xf32, #tpu.memory_space<vmem_shared>>) offsets(%dma_start3A_73 : memref<128xi32, #tpu.memory_space<vmem>>) semaphore(%arg10 : memref<!tpu.dma_semaphore, #tpu.memory_space<semaphore_mem>>) {add = true}
      %mul3A_77 = arith.constant 8 : i32
      %mul3A_78 = arith.muli %scan3A_67, %mul3A_77 : i32
      %add3A_79 = arith.constant 1 : i32
      %add3A_80 = arith.addi %mul3A_78, %add3A_79 : i32
      %dma_start3A_81 = arith.constant 0 : i32
      %dma_start3A_82 = tpu.memref_slice %arg4[%add3A_80, %dma_start3A_81] : memref<80x128xi32, #tpu.memory_space<vmem>> -> memref<1x128xi32, #tpu.memory_space<vmem>>
      %dma_start3A_83 = tpu.memref_squeeze %dma_start3A_82 : memref<1x128xi32, #tpu.memory_space<vmem>> -> memref<128xi32, #tpu.memory_space<vmem>>
      %dma_start3A_84 = arith.constant 0 : i32
      %dma_start3A_85 = arith.constant 0 : i32
      %dma_start3A_86 = tpu.memref_slice %arg9[%dma_start3A_84, %dma_start3A_85] : memref<10240x16xf32, #tpu.memory_space<vmem_shared>> -> memref<10240x16xf32, #tpu.memory_space<vmem_shared>>
      tpu.enqueue_indirect_dma source(%arg5 : memref<128x16xf32, #tpu.memory_space<vmem>>) target(%dma_start3A_86 : memref<10240x16xf32, #tpu.memory_space<vmem_shared>>) offsets(%dma_start3A_83 : memref<128xi32, #tpu.memory_space<vmem>>) semaphore(%arg10 : memref<!tpu.dma_semaphore, #tpu.memory_space<semaphore_mem>>) {add = true}
      %mul3A_87 = arith.constant 8 : i32
      %mul3A_88 = arith.muli %scan3A_67, %mul3A_87 : i32
      %add3A_89 = arith.constant 2 : i32
      %add3A_90 = arith.addi %mul3A_88, %add3A_89 : i32
      %dma_start3A_91 = arith.constant 0 : i32
      %dma_start3A_92 = tpu.memref_slice %arg4[%add3A_90, %dma_start3A_91] : memref<80x128xi32, #tpu.memory_space<vmem>> -> memref<1x128xi32, #tpu.memory_space<vmem>>
      %dma_start3A_93 = tpu.memref_squeeze %dma_start3A_92 : memref<1x128xi32, #tpu.memory_space<vmem>> -> memref<128xi32, #tpu.memory_space<vmem>>
      %dma_start3A_94 = arith.constant 0 : i32
      %dma_start3A_95 = arith.constant 0 : i32
      %dma_start3A_96 = tpu.memref_slice %arg9[%dma_start3A_94, %dma_start3A_95] : memref<10240x16xf32, #tpu.memory_space<vmem_shared>> -> memref<10240x16xf32, #tpu.memory_space<vmem_shared>>
      tpu.enqueue_indirect_dma source(%arg5 : memref<128x16xf32, #tpu.memory_space<vmem>>) target(%dma_start3A_96 : memref<10240x16xf32, #tpu.memory_space<vmem_shared>>) offsets(%dma_start3A_93 : memref<128xi32, #tpu.memory_space<vmem>>) semaphore(%arg10 : memref<!tpu.dma_semaphore, #tpu.memory_space<semaphore_mem>>) {add = true}
      %mul3A_97 = arith.constant 8 : i32
      %mul3A_98 = arith.muli %scan3A_67, %mul3A_97 : i32
      %add3A_99 = arith.constant 3 : i32
      %add3A_100 = arith.addi %mul3A_98, %add3A_99 : i32
      %dma_start3A_101 = arith.constant 0 : i32
      %dma_start3A_102 = tpu.memref_slice %arg4[%add3A_100, %dma_start3A_101] : memref<80x128xi32, #tpu.memory_space<vmem>> -> memref<1x128xi32, #tpu.memory_space<vmem>>
      %dma_start3A_103 = tpu.memref_squeeze %dma_start3A_102 : memref<1x128xi32, #tpu.memory_space<vmem>> -> memref<128xi32, #tpu.memory_space<vmem>>
      %dma_start3A_104 = arith.constant 0 : i32
      %dma_start3A_105 = arith.constant 0 : i32
      %dma_start3A_106 = tpu.memref_slice %arg9[%dma_start3A_104, %dma_start3A_105] : memref<10240x16xf32, #tpu.memory_space<vmem_shared>> -> memref<10240x16xf32, #tpu.memory_space<vmem_shared>>
      tpu.enqueue_indirect_dma source(%arg5 : memref<128x16xf32, #tpu.memory_space<vmem>>) target(%dma_start3A_106 : memref<10240x16xf32, #tpu.memory_space<vmem_shared>>) offsets(%dma_start3A_103 : memref<128xi32, #tpu.memory_space<vmem>>) semaphore(%arg10 : memref<!tpu.dma_semaphore, #tpu.memory_space<semaphore_mem>>) {add = true}
      %mul3A_107 = arith.constant 8 : i32
      %mul3A_108 = arith.muli %scan3A_67, %mul3A_107 : i32
      %add3A_109 = arith.constant 4 : i32
      %add3A_110 = arith.addi %mul3A_108, %add3A_109 : i32
      %dma_start3A_111 = arith.constant 0 : i32
      %dma_start3A_112 = tpu.memref_slice %arg4[%add3A_110, %dma_start3A_111] : memref<80x128xi32, #tpu.memory_space<vmem>> -> memref<1x128xi32, #tpu.memory_space<vmem>>
      %dma_start3A_113 = tpu.memref_squeeze %dma_start3A_112 : memref<1x128xi32, #tpu.memory_space<vmem>> -> memref<128xi32, #tpu.memory_space<vmem>>
      %dma_start3A_114 = arith.constant 0 : i32
      %dma_start3A_115 = arith.constant 0 : i32
      %dma_start3A_116 = tpu.memref_slice %arg9[%dma_start3A_114, %dma_start3A_115] : memref<10240x16xf32, #tpu.memory_space<vmem_shared>> -> memref<10240x16xf32, #tpu.memory_space<vmem_shared>>
      tpu.enqueue_indirect_dma source(%arg5 : memref<128x16xf32, #tpu.memory_space<vmem>>) target(%dma_start3A_116 : memref<10240x16xf32, #tpu.memory_space<vmem_shared>>) offsets(%dma_start3A_113 : memref<128xi32, #tpu.memory_space<vmem>>) semaphore(%arg10 : memref<!tpu.dma_semaphore, #tpu.memory_space<semaphore_mem>>) {add = true}
      %mul3A_117 = arith.constant 8 : i32
      %mul3A_118 = arith.muli %scan3A_67, %mul3A_117 : i32
      %add3A_119 = arith.constant 5 : i32
      %add3A_120 = arith.addi %mul3A_118, %add3A_119 : i32
      %dma_start3A_121 = arith.constant 0 : i32
      %dma_start3A_122 = tpu.memref_slice %arg4[%add3A_120, %dma_start3A_121] : memref<80x128xi32, #tpu.memory_space<vmem>> -> memref<1x128xi32, #tpu.memory_space<vmem>>
      %dma_start3A_123 = tpu.memref_squeeze %dma_start3A_122 : memref<1x128xi32, #tpu.memory_space<vmem>> -> memref<128xi32, #tpu.memory_space<vmem>>
      %dma_start3A_124 = arith.constant 0 : i32
      %dma_start3A_125 = arith.constant 0 : i32
      %dma_start3A_126 = tpu.memref_slice %arg9[%dma_start3A_124, %dma_start3A_125] : memref<10240x16xf32, #tpu.memory_space<vmem_shared>> -> memref<10240x16xf32, #tpu.memory_space<vmem_shared>>
      tpu.enqueue_indirect_dma source(%arg5 : memref<128x16xf32, #tpu.memory_space<vmem>>) target(%dma_start3A_126 : memref<10240x16xf32, #tpu.memory_space<vmem_shared>>) offsets(%dma_start3A_123 : memref<128xi32, #tpu.memory_space<vmem>>) semaphore(%arg10 : memref<!tpu.dma_semaphore, #tpu.memory_space<semaphore_mem>>) {add = true}
      %mul3A_127 = arith.constant 8 : i32
      %mul3A_128 = arith.muli %scan3A_67, %mul3A_127 : i32
      %add3A_129 = arith.constant 6 : i32
      %add3A_130 = arith.addi %mul3A_128, %add3A_129 : i32
      %dma_start3A_131 = arith.constant 0 : i32
      %dma_start3A_132 = tpu.memref_slice %arg4[%add3A_130, %dma_start3A_131] : memref<80x128xi32, #tpu.memory_space<vmem>> -> memref<1x128xi32, #tpu.memory_space<vmem>>
      %dma_start3A_133 = tpu.memref_squeeze %dma_start3A_132 : memref<1x128xi32, #tpu.memory_space<vmem>> -> memref<128xi32, #tpu.memory_space<vmem>>
      %dma_start3A_134 = arith.constant 0 : i32
      %dma_start3A_135 = arith.constant 0 : i32
      %dma_start3A_136 = tpu.memref_slice %arg9[%dma_start3A_134, %dma_start3A_135] : memref<10240x16xf32, #tpu.memory_space<vmem_shared>> -> memref<10240x16xf32, #tpu.memory_space<vmem_shared>>
      tpu.enqueue_indirect_dma source(%arg5 : memref<128x16xf32, #tpu.memory_space<vmem>>) target(%dma_start3A_136 : memref<10240x16xf32, #tpu.memory_space<vmem_shared>>) offsets(%dma_start3A_133 : memref<128xi32, #tpu.memory_space<vmem>>) semaphore(%arg10 : memref<!tpu.dma_semaphore, #tpu.memory_space<semaphore_mem>>) {add = true}
      %mul3A_137 = arith.constant 8 : i32
      %mul3A_138 = arith.muli %scan3A_67, %mul3A_137 : i32
      %add3A_139 = arith.constant 7 : i32
      %add3A_140 = arith.addi %mul3A_138, %add3A_139 : i32
      %dma_start3A_141 = arith.constant 0 : i32
      %dma_start3A_142 = tpu.memref_slice %arg4[%add3A_140, %dma_start3A_141] : memref<80x128xi32, #tpu.memory_space<vmem>> -> memref<1x128xi32, #tpu.memory_space<vmem>>
      %dma_start3A_143 = tpu.memref_squeeze %dma_start3A_142 : memref<1x128xi32, #tpu.memory_space<vmem>> -> memref<128xi32, #tpu.memory_space<vmem>>
      %dma_start3A_144 = arith.constant 0 : i32
      %dma_start3A_145 = arith.constant 0 : i32
      %dma_start3A_146 = tpu.memref_slice %arg9[%dma_start3A_144, %dma_start3A_145] : memref<10240x16xf32, #tpu.memory_space<vmem_shared>> -> memref<10240x16xf32, #tpu.memory_space<vmem_shared>>
      tpu.enqueue_indirect_dma source(%arg5 : memref<128x16xf32, #tpu.memory_space<vmem>>) target(%dma_start3A_146 : memref<10240x16xf32, #tpu.memory_space<vmem_shared>>) offsets(%dma_start3A_143 : memref<128xi32, #tpu.memory_space<vmem>>) semaphore(%arg10 : memref<!tpu.dma_semaphore, #tpu.memory_space<semaphore_mem>>) {add = true}
      %dma_wait3A = arith.constant 0 : i32
      %dma_wait3A_147 = arith.constant 0 : i32
      %dma_wait3A_148 = tpu.memref_slice %arg9[%dma_wait3A, %dma_wait3A_147] : memref<10240x16xf32, #tpu.memory_space<vmem_shared>> -> memref<128x16xf32, #tpu.memory_space<vmem_shared>>
      %dma_wait3A_149 = arith.constant 0 : i32
      %dma_wait3A_150 = arith.constant 0 : i32
      %dma_wait3A_151 = tpu.memref_slice %arg9[%dma_wait3A_149, %dma_wait3A_150] : memref<10240x16xf32, #tpu.memory_space<vmem_shared>> -> memref<128x16xf32, #tpu.memory_space<vmem_shared>>
      tpu.wait_dma2 semaphore(%arg10 : memref<!tpu.dma_semaphore, #tpu.memory_space<semaphore_mem>>) src(%arg5 : memref<128x16xf32, #tpu.memory_space<vmem>>) dst(%dma_wait3A_151 : memref<128x16xf32, #tpu.memory_space<vmem_shared>>)
      %dma_wait3A_152 = arith.constant 0 : i32
      %dma_wait3A_153 = arith.constant 0 : i32
      %dma_wait3A_154 = tpu.memref_slice %arg9[%dma_wait3A_152, %dma_wait3A_153] : memref<10240x16xf32, #tpu.memory_space<vmem_shared>> -> memref<128x16xf32, #tpu.memory_space<vmem_shared>>
      %dma_wait3A_155 = arith.constant 0 : i32
      %dma_wait3A_156 = arith.constant 0 : i32
      %dma_wait3A_157 = tpu.memref_slice %arg9[%dma_wait3A_155, %dma_wait3A_156] : memref<10240x16xf32, #tpu.memory_space<vmem_shared>> -> memref<128x16xf32, #tpu.memory_space<vmem_shared>>
      tpu.wait_dma2 semaphore(%arg10 : memref<!tpu.dma_semaphore, #tpu.memory_space<semaphore_mem>>) src(%arg5 : memref<128x16xf32, #tpu.memory_space<vmem>>) dst(%dma_wait3A_157 : memref<128x16xf32, #tpu.memory_space<vmem_shared>>)
      %dma_wait3A_158 = arith.constant 0 : i32
      %dma_wait3A_159 = arith.constant 0 : i32
      %dma_wait3A_160 = tpu.memref_slice %arg9[%dma_wait3A_158, %dma_wait3A_159] : memref<10240x16xf32, #tpu.memory_space<vmem_shared>> -> memref<128x16xf32, #tpu.memory_space<vmem_shared>>
      %dma_wait3A_161 = arith.constant 0 : i32
      %dma_wait3A_162 = arith.constant 0 : i32
      %dma_wait3A_163 = tpu.memref_slice %arg9[%dma_wait3A_161, %dma_wait3A_162] : memref<10240x16xf32, #tpu.memory_space<vmem_shared>> -> memref<128x16xf32, #tpu.memory_space<vmem_shared>>
      tpu.wait_dma2 semaphore(%arg10 : memref<!tpu.dma_semaphore, #tpu.memory_space<semaphore_mem>>) src(%arg5 : memref<128x16xf32, #tpu.memory_space<vmem>>) dst(%dma_wait3A_163 : memref<128x16xf32, #tpu.memory_space<vmem_shared>>)
      %dma_wait3A_164 = arith.constant 0 : i32
      %dma_wait3A_165 = arith.constant 0 : i32
      %dma_wait3A_166 = tpu.memref_slice %arg9[%dma_wait3A_164, %dma_wait3A_165] : memref<10240x16xf32, #tpu.memory_space<vmem_shared>> -> memref<128x16xf32, #tpu.memory_space<vmem_shared>>
      %dma_wait3A_167 = arith.constant 0 : i32
      %dma_wait3A_168 = arith.constant 0 : i32
      %dma_wait3A_169 = tpu.memref_slice %arg9[%dma_wait3A_167, %dma_wait3A_168] : memref<10240x16xf32, #tpu.memory_space<vmem_shared>> -> memref<128x16xf32, #tpu.memory_space<vmem_shared>>
      tpu.wait_dma2 semaphore(%arg10 : memref<!tpu.dma_semaphore, #tpu.memory_space<semaphore_mem>>) src(%arg5 : memref<128x16xf32, #tpu.memory_space<vmem>>) dst(%dma_wait3A_169 : memref<128x16xf32, #tpu.memory_space<vmem_shared>>)
      %dma_wait3A_170 = arith.constant 0 : i32
      %dma_wait3A_171 = arith.constant 0 : i32
      %dma_wait3A_172 = tpu.memref_slice %arg9[%dma_wait3A_170, %dma_wait3A_171] : memref<10240x16xf32, #tpu.memory_space<vmem_shared>> -> memref<128x16xf32, #tpu.memory_space<vmem_shared>>
      %dma_wait3A_173 = arith.constant 0 : i32
      %dma_wait3A_174 = arith.constant 0 : i32
      %dma_wait3A_175 = tpu.memref_slice %arg9[%dma_wait3A_173, %dma_wait3A_174] : memref<10240x16xf32, #tpu.memory_space<vmem_shared>> -> memref<128x16xf32, #tpu.memory_space<vmem_shared>>
      tpu.wait_dma2 semaphore(%arg10 : memref<!tpu.dma_semaphore, #tpu.memory_space<semaphore_mem>>) src(%arg5 : memref<128x16xf32, #tpu.memory_space<vmem>>) dst(%dma_wait3A_175 : memref<128x16xf32, #tpu.memory_space<vmem_shared>>)
      %dma_wait3A_176 = arith.constant 0 : i32
      %dma_wait3A_177 = arith.constant 0 : i32
      %dma_wait3A_178 = tpu.memref_slice %arg9[%dma_wait3A_176, %dma_wait3A_177] : memref<10240x16xf32, #tpu.memory_space<vmem_shared>> -> memref<128x16xf32, #tpu.memory_space<vmem_shared>>
      %dma_wait3A_179 = arith.constant 0 : i32
      %dma_wait3A_180 = arith.constant 0 : i32
      %dma_wait3A_181 = tpu.memref_slice %arg9[%dma_wait3A_179, %dma_wait3A_180] : memref<10240x16xf32, #tpu.memory_space<vmem_shared>> -> memref<128x16xf32, #tpu.memory_space<vmem_shared>>
      tpu.wait_dma2 semaphore(%arg10 : memref<!tpu.dma_semaphore, #tpu.memory_space<semaphore_mem>>) src(%arg5 : memref<128x16xf32, #tpu.memory_space<vmem>>) dst(%dma_wait3A_181 : memref<128x16xf32, #tpu.memory_space<vmem_shared>>)
      %dma_wait3A_182 = arith.constant 0 : i32
      %dma_wait3A_183 = arith.constant 0 : i32
      %dma_wait3A_184 = tpu.memref_slice %arg9[%dma_wait3A_182, %dma_wait3A_183] : memref<10240x16xf32, #tpu.memory_space<vmem_shared>> -> memref<128x16xf32, #tpu.memory_space<vmem_shared>>
      %dma_wait3A_185 = arith.constant 0 : i32
      %dma_wait3A_186 = arith.constant 0 : i32
      %dma_wait3A_187 = tpu.memref_slice %arg9[%dma_wait3A_185, %dma_wait3A_186] : memref<10240x16xf32, #tpu.memory_space<vmem_shared>> -> memref<128x16xf32, #tpu.memory_space<vmem_shared>>
      tpu.wait_dma2 semaphore(%arg10 : memref<!tpu.dma_semaphore, #tpu.memory_space<semaphore_mem>>) src(%arg5 : memref<128x16xf32, #tpu.memory_space<vmem>>) dst(%dma_wait3A_187 : memref<128x16xf32, #tpu.memory_space<vmem_shared>>)
      %dma_wait3A_188 = arith.constant 0 : i32
      %dma_wait3A_189 = arith.constant 0 : i32
      %dma_wait3A_190 = tpu.memref_slice %arg9[%dma_wait3A_188, %dma_wait3A_189] : memref<10240x16xf32, #tpu.memory_space<vmem_shared>> -> memref<128x16xf32, #tpu.memory_space<vmem_shared>>
      %dma_wait3A_191 = arith.constant 0 : i32
      %dma_wait3A_192 = arith.constant 0 : i32
      %dma_wait3A_193 = tpu.memref_slice %arg9[%dma_wait3A_191, %dma_wait3A_192] : memref<10240x16xf32, #tpu.memory_space<vmem_shared>> -> memref<128x16xf32, #tpu.memory_space<vmem_shared>>
      tpu.wait_dma2 semaphore(%arg10 : memref<!tpu.dma_semaphore, #tpu.memory_space<semaphore_mem>>) src(%arg5 : memref<128x16xf32, #tpu.memory_space<vmem>>) dst(%dma_wait3A_193 : memref<128x16xf32, #tpu.memory_space<vmem_shared>>)
    }
    %scan3A_38 = arith.constant 10 : i32
    %mul3A_39 = arith.constant 2 : i32
    %mul3A_40 = arith.muli %mul3A_39, %arg1 : i32
    %add3A_41 = arith.constant 1 : i32
    %add3A_42 = arith.addi %mul3A_40, %add3A_41 : i32
    "tpu.region"() ({
      %run_scoped3A = tpu.sem_alloc : memref<!tpu.dma_semaphore, #tpu.memory_space<semaphore_mem>>
      %dma_start3A = arith.constant 0 : i32
      %dma_start3A_67 = arith.constant 0 : i32
      %dma_start3A_68 = tpu.memref_slice %arg2[%add3A_42, %dma_start3A, %dma_start3A_67] : memref<32x80x128xi32, #tpu.memory_space<hbm>> -> memref<1x80x128xi32, #tpu.memory_space<hbm>>
      %dma_start3A_69 = tpu.memref_squeeze %dma_start3A_68 : memref<1x80x128xi32, #tpu.memory_space<hbm>> -> memref<80x128xi32, #tpu.memory_space<hbm>>
      %dma_start3A_70 = arith.constant 0 : i32
      %dma_start3A_71 = arith.constant 0 : i32
      %dma_start3A_72 = tpu.memref_slice %arg2[%add3A_42, %dma_start3A_70, %dma_start3A_71] : memref<32x80x128xi32, #tpu.memory_space<hbm>> -> memref<1x80x128xi32, #tpu.memory_space<hbm>>
      %dma_start3A_73 = tpu.memref_squeeze %dma_start3A_72 : memref<1x80x128xi32, #tpu.memory_space<hbm>> -> memref<80x128xi32, #tpu.memory_space<hbm>>
      tpu.enqueue_dma source(%dma_start3A_73 : memref<80x128xi32, #tpu.memory_space<hbm>>) target(%arg4 : memref<80x128xi32, #tpu.memory_space<vmem>>) target_semaphore(%run_scoped3A : memref<!tpu.dma_semaphore, #tpu.memory_space<semaphore_mem>>)
      %dma_wait3A = arith.constant 0 : i32
      %dma_wait3A_74 = arith.constant 0 : i32
      %dma_wait3A_75 = tpu.memref_slice %arg2[%add3A_42, %dma_wait3A, %dma_wait3A_74] : memref<32x80x128xi32, #tpu.memory_space<hbm>> -> memref<1x80x128xi32, #tpu.memory_space<hbm>>
      %dma_wait3A_76 = tpu.memref_squeeze %dma_wait3A_75 : memref<1x80x128xi32, #tpu.memory_space<hbm>> -> memref<80x128xi32, #tpu.memory_space<hbm>>
      %dma_wait3A_77 = arith.constant 0 : i32
      %dma_wait3A_78 = arith.constant 0 : i32
      %dma_wait3A_79 = tpu.memref_slice %arg2[%add3A_42, %dma_wait3A_77, %dma_wait3A_78] : memref<32x80x128xi32, #tpu.memory_space<hbm>> -> memref<1x80x128xi32, #tpu.memory_space<hbm>>
      %dma_wait3A_80 = tpu.memref_squeeze %dma_wait3A_79 : memref<1x80x128xi32, #tpu.memory_space<hbm>> -> memref<80x128xi32, #tpu.memory_space<hbm>>
      tpu.wait_dma2 semaphore(%run_scoped3A : memref<!tpu.dma_semaphore, #tpu.memory_space<semaphore_mem>>) src(%dma_wait3A_80 : memref<80x128xi32, #tpu.memory_space<hbm>>) dst(%arg4 : memref<80x128xi32, #tpu.memory_space<vmem>>)
      tpu.yield
    }) : () -> ()
    %scan3A_43 = arith.constant 0 : i32
    %scan3A_44 = arith.constant 0 : i32
    %scan3A_45 = arith.constant 10 : i32
    %scan3A_46 = arith.addi %scan3A_44, %scan3A_45 : i32
    %scan3A_47 = arith.constant 1 : i32
    scf.for %scan3A_67 = %scan3A_44 to %scan3A_46 step %scan3A_47  : i32 {
      %mul3A_68 = arith.constant 8 : i32
      %mul3A_69 = arith.muli %scan3A_67, %mul3A_68 : i32
      %add3A_70 = arith.constant 0 : i32
      %add3A_71 = arith.addi %mul3A_69, %add3A_70 : i32
      %dma_start3A = arith.constant 0 : i32
      %dma_start3A_72 = tpu.memref_slice %arg4[%add3A_71, %dma_start3A] : memref<80x128xi32, #tpu.memory_space<vmem>> -> memref<1x128xi32, #tpu.memory_space<vmem>>
      %dma_start3A_73 = tpu.memref_squeeze %dma_start3A_72 : memref<1x128xi32, #tpu.memory_space<vmem>> -> memref<128xi32, #tpu.memory_space<vmem>>
      %dma_start3A_74 = arith.constant 0 : i32
      %dma_start3A_75 = arith.constant 0 : i32
      %dma_start3A_76 = tpu.memref_slice %arg9[%dma_start3A_74, %dma_start3A_75] : memref<10240x16xf32, #tpu.memory_space<vmem_shared>> -> memref<10240x16xf32, #tpu.memory_space<vmem_shared>>
      tpu.enqueue_indirect_dma source(%arg5 : memref<128x16xf32, #tpu.memory_space<vmem>>) target(%dma_start3A_76 : memref<10240x16xf32, #tpu.memory_space<vmem_shared>>) offsets(%dma_start3A_73 : memref<128xi32, #tpu.memory_space<vmem>>) semaphore(%arg10 : memref<!tpu.dma_semaphore, #tpu.memory_space<semaphore_mem>>) {add = true}
      %mul3A_77 = arith.constant 8 : i32
      %mul3A_78 = arith.muli %scan3A_67, %mul3A_77 : i32
      %add3A_79 = arith.constant 1 : i32
      %add3A_80 = arith.addi %mul3A_78, %add3A_79 : i32
      %dma_start3A_81 = arith.constant 0 : i32
      %dma_start3A_82 = tpu.memref_slice %arg4[%add3A_80, %dma_start3A_81] : memref<80x128xi32, #tpu.memory_space<vmem>> -> memref<1x128xi32, #tpu.memory_space<vmem>>
      %dma_start3A_83 = tpu.memref_squeeze %dma_start3A_82 : memref<1x128xi32, #tpu.memory_space<vmem>> -> memref<128xi32, #tpu.memory_space<vmem>>
      %dma_start3A_84 = arith.constant 0 : i32
      %dma_start3A_85 = arith.constant 0 : i32
      %dma_start3A_86 = tpu.memref_slice %arg9[%dma_start3A_84, %dma_start3A_85] : memref<10240x16xf32, #tpu.memory_space<vmem_shared>> -> memref<10240x16xf32, #tpu.memory_space<vmem_shared>>
      tpu.enqueue_indirect_dma source(%arg5 : memref<128x16xf32, #tpu.memory_space<vmem>>) target(%dma_start3A_86 : memref<10240x16xf32, #tpu.memory_space<vmem_shared>>) offsets(%dma_start3A_83 : memref<128xi32, #tpu.memory_space<vmem>>) semaphore(%arg10 : memref<!tpu.dma_semaphore, #tpu.memory_space<semaphore_mem>>) {add = true}
      %mul3A_87 = arith.constant 8 : i32
      %mul3A_88 = arith.muli %scan3A_67, %mul3A_87 : i32
      %add3A_89 = arith.constant 2 : i32
      %add3A_90 = arith.addi %mul3A_88, %add3A_89 : i32
      %dma_start3A_91 = arith.constant 0 : i32
      %dma_start3A_92 = tpu.memref_slice %arg4[%add3A_90, %dma_start3A_91] : memref<80x128xi32, #tpu.memory_space<vmem>> -> memref<1x128xi32, #tpu.memory_space<vmem>>
      %dma_start3A_93 = tpu.memref_squeeze %dma_start3A_92 : memref<1x128xi32, #tpu.memory_space<vmem>> -> memref<128xi32, #tpu.memory_space<vmem>>
      %dma_start3A_94 = arith.constant 0 : i32
      %dma_start3A_95 = arith.constant 0 : i32
      %dma_start3A_96 = tpu.memref_slice %arg9[%dma_start3A_94, %dma_start3A_95] : memref<10240x16xf32, #tpu.memory_space<vmem_shared>> -> memref<10240x16xf32, #tpu.memory_space<vmem_shared>>
      tpu.enqueue_indirect_dma source(%arg5 : memref<128x16xf32, #tpu.memory_space<vmem>>) target(%dma_start3A_96 : memref<10240x16xf32, #tpu.memory_space<vmem_shared>>) offsets(%dma_start3A_93 : memref<128xi32, #tpu.memory_space<vmem>>) semaphore(%arg10 : memref<!tpu.dma_semaphore, #tpu.memory_space<semaphore_mem>>) {add = true}
      %mul3A_97 = arith.constant 8 : i32
      %mul3A_98 = arith.muli %scan3A_67, %mul3A_97 : i32
      %add3A_99 = arith.constant 3 : i32
      %add3A_100 = arith.addi %mul3A_98, %add3A_99 : i32
      %dma_start3A_101 = arith.constant 0 : i32
      %dma_start3A_102 = tpu.memref_slice %arg4[%add3A_100, %dma_start3A_101] : memref<80x128xi32, #tpu.memory_space<vmem>> -> memref<1x128xi32, #tpu.memory_space<vmem>>
      %dma_start3A_103 = tpu.memref_squeeze %dma_start3A_102 : memref<1x128xi32, #tpu.memory_space<vmem>> -> memref<128xi32, #tpu.memory_space<vmem>>
      %dma_start3A_104 = arith.constant 0 : i32
      %dma_start3A_105 = arith.constant 0 : i32
      %dma_start3A_106 = tpu.memref_slice %arg9[%dma_start3A_104, %dma_start3A_105] : memref<10240x16xf32, #tpu.memory_space<vmem_shared>> -> memref<10240x16xf32, #tpu.memory_space<vmem_shared>>
      tpu.enqueue_indirect_dma source(%arg5 : memref<128x16xf32, #tpu.memory_space<vmem>>) target(%dma_start3A_106 : memref<10240x16xf32, #tpu.memory_space<vmem_shared>>) offsets(%dma_start3A_103 : memref<128xi32, #tpu.memory_space<vmem>>) semaphore(%arg10 : memref<!tpu.dma_semaphore, #tpu.memory_space<semaphore_mem>>) {add = true}
      %mul3A_107 = arith.constant 8 : i32
      %mul3A_108 = arith.muli %scan3A_67, %mul3A_107 : i32
      %add3A_109 = arith.constant 4 : i32
      %add3A_110 = arith.addi %mul3A_108, %add3A_109 : i32
      %dma_start3A_111 = arith.constant 0 : i32
      %dma_start3A_112 = tpu.memref_slice %arg4[%add3A_110, %dma_start3A_111] : memref<80x128xi32, #tpu.memory_space<vmem>> -> memref<1x128xi32, #tpu.memory_space<vmem>>
      %dma_start3A_113 = tpu.memref_squeeze %dma_start3A_112 : memref<1x128xi32, #tpu.memory_space<vmem>> -> memref<128xi32, #tpu.memory_space<vmem>>
      %dma_start3A_114 = arith.constant 0 : i32
      %dma_start3A_115 = arith.constant 0 : i32
      %dma_start3A_116 = tpu.memref_slice %arg9[%dma_start3A_114, %dma_start3A_115] : memref<10240x16xf32, #tpu.memory_space<vmem_shared>> -> memref<10240x16xf32, #tpu.memory_space<vmem_shared>>
      tpu.enqueue_indirect_dma source(%arg5 : memref<128x16xf32, #tpu.memory_space<vmem>>) target(%dma_start3A_116 : memref<10240x16xf32, #tpu.memory_space<vmem_shared>>) offsets(%dma_start3A_113 : memref<128xi32, #tpu.memory_space<vmem>>) semaphore(%arg10 : memref<!tpu.dma_semaphore, #tpu.memory_space<semaphore_mem>>) {add = true}
      %mul3A_117 = arith.constant 8 : i32
      %mul3A_118 = arith.muli %scan3A_67, %mul3A_117 : i32
      %add3A_119 = arith.constant 5 : i32
      %add3A_120 = arith.addi %mul3A_118, %add3A_119 : i32
      %dma_start3A_121 = arith.constant 0 : i32
      %dma_start3A_122 = tpu.memref_slice %arg4[%add3A_120, %dma_start3A_121] : memref<80x128xi32, #tpu.memory_space<vmem>> -> memref<1x128xi32, #tpu.memory_space<vmem>>
      %dma_start3A_123 = tpu.memref_squeeze %dma_start3A_122 : memref<1x128xi32, #tpu.memory_space<vmem>> -> memref<128xi32, #tpu.memory_space<vmem>>
      %dma_start3A_124 = arith.constant 0 : i32
      %dma_start3A_125 = arith.constant 0 : i32
      %dma_start3A_126 = tpu.memref_slice %arg9[%dma_start3A_124, %dma_start3A_125] : memref<10240x16xf32, #tpu.memory_space<vmem_shared>> -> memref<10240x16xf32, #tpu.memory_space<vmem_shared>>
      tpu.enqueue_indirect_dma source(%arg5 : memref<128x16xf32, #tpu.memory_space<vmem>>) target(%dma_start3A_126 : memref<10240x16xf32, #tpu.memory_space<vmem_shared>>) offsets(%dma_start3A_123 : memref<128xi32, #tpu.memory_space<vmem>>) semaphore(%arg10 : memref<!tpu.dma_semaphore, #tpu.memory_space<semaphore_mem>>) {add = true}
      %mul3A_127 = arith.constant 8 : i32
      %mul3A_128 = arith.muli %scan3A_67, %mul3A_127 : i32
      %add3A_129 = arith.constant 6 : i32
      %add3A_130 = arith.addi %mul3A_128, %add3A_129 : i32
      %dma_start3A_131 = arith.constant 0 : i32
      %dma_start3A_132 = tpu.memref_slice %arg4[%add3A_130, %dma_start3A_131] : memref<80x128xi32, #tpu.memory_space<vmem>> -> memref<1x128xi32, #tpu.memory_space<vmem>>
      %dma_start3A_133 = tpu.memref_squeeze %dma_start3A_132 : memref<1x128xi32, #tpu.memory_space<vmem>> -> memref<128xi32, #tpu.memory_space<vmem>>
      %dma_start3A_134 = arith.constant 0 : i32
      %dma_start3A_135 = arith.constant 0 : i32
      %dma_start3A_136 = tpu.memref_slice %arg9[%dma_start3A_134, %dma_start3A_135] : memref<10240x16xf32, #tpu.memory_space<vmem_shared>> -> memref<10240x16xf32, #tpu.memory_space<vmem_shared>>
      tpu.enqueue_indirect_dma source(%arg5 : memref<128x16xf32, #tpu.memory_space<vmem>>) target(%dma_start3A_136 : memref<10240x16xf32, #tpu.memory_space<vmem_shared>>) offsets(%dma_start3A_133 : memref<128xi32, #tpu.memory_space<vmem>>) semaphore(%arg10 : memref<!tpu.dma_semaphore, #tpu.memory_space<semaphore_mem>>) {add = true}
      %mul3A_137 = arith.constant 8 : i32
      %mul3A_138 = arith.muli %scan3A_67, %mul3A_137 : i32
      %add3A_139 = arith.constant 7 : i32
      %add3A_140 = arith.addi %mul3A_138, %add3A_139 : i32
      %dma_start3A_141 = arith.constant 0 : i32
      %dma_start3A_142 = tpu.memref_slice %arg4[%add3A_140, %dma_start3A_141] : memref<80x128xi32, #tpu.memory_space<vmem>> -> memref<1x128xi32, #tpu.memory_space<vmem>>
      %dma_start3A_143 = tpu.memref_squeeze %dma_start3A_142 : memref<1x128xi32, #tpu.memory_space<vmem>> -> memref<128xi32, #tpu.memory_space<vmem>>
      %dma_start3A_144 = arith.constant 0 : i32
      %dma_start3A_145 = arith.constant 0 : i32
      %dma_start3A_146 = tpu.memref_slice %arg9[%dma_start3A_144, %dma_start3A_145] : memref<10240x16xf32, #tpu.memory_space<vmem_shared>> -> memref<10240x16xf32, #tpu.memory_space<vmem_shared>>
      tpu.enqueue_indirect_dma source(%arg5 : memref<128x16xf32, #tpu.memory_space<vmem>>) target(%dma_start3A_146 : memref<10240x16xf32, #tpu.memory_space<vmem_shared>>) offsets(%dma_start3A_143 : memref<128xi32, #tpu.memory_space<vmem>>) semaphore(%arg10 : memref<!tpu.dma_semaphore, #tpu.memory_space<semaphore_mem>>) {add = true}
      %dma_wait3A = arith.constant 0 : i32
      %dma_wait3A_147 = arith.constant 0 : i32
      %dma_wait3A_148 = tpu.memref_slice %arg9[%dma_wait3A, %dma_wait3A_147] : memref<10240x16xf32, #tpu.memory_space<vmem_shared>> -> memref<128x16xf32, #tpu.memory_space<vmem_shared>>
      %dma_wait3A_149 = arith.constant 0 : i32
      %dma_wait3A_150 = arith.constant 0 : i32
      %dma_wait3A_151 = tpu.memref_slice %arg9[%dma_wait3A_149, %dma_wait3A_150] : memref<10240x16xf32, #tpu.memory_space<vmem_shared>> -> memref<128x16xf32, #tpu.memory_space<vmem_shared>>
      tpu.wait_dma2 semaphore(%arg10 : memref<!tpu.dma_semaphore, #tpu.memory_space<semaphore_mem>>) src(%arg5 : memref<128x16xf32, #tpu.memory_space<vmem>>) dst(%dma_wait3A_151 : memref<128x16xf32, #tpu.memory_space<vmem_shared>>)
      %dma_wait3A_152 = arith.constant 0 : i32
      %dma_wait3A_153 = arith.constant 0 : i32
      %dma_wait3A_154 = tpu.memref_slice %arg9[%dma_wait3A_152, %dma_wait3A_153] : memref<10240x16xf32, #tpu.memory_space<vmem_shared>> -> memref<128x16xf32, #tpu.memory_space<vmem_shared>>
      %dma_wait3A_155 = arith.constant 0 : i32
      %dma_wait3A_156 = arith.constant 0 : i32
      %dma_wait3A_157 = tpu.memref_slice %arg9[%dma_wait3A_155, %dma_wait3A_156] : memref<10240x16xf32, #tpu.memory_space<vmem_shared>> -> memref<128x16xf32, #tpu.memory_space<vmem_shared>>
      tpu.wait_dma2 semaphore(%arg10 : memref<!tpu.dma_semaphore, #tpu.memory_space<semaphore_mem>>) src(%arg5 : memref<128x16xf32, #tpu.memory_space<vmem>>) dst(%dma_wait3A_157 : memref<128x16xf32, #tpu.memory_space<vmem_shared>>)
      %dma_wait3A_158 = arith.constant 0 : i32
      %dma_wait3A_159 = arith.constant 0 : i32
      %dma_wait3A_160 = tpu.memref_slice %arg9[%dma_wait3A_158, %dma_wait3A_159] : memref<10240x16xf32, #tpu.memory_space<vmem_shared>> -> memref<128x16xf32, #tpu.memory_space<vmem_shared>>
      %dma_wait3A_161 = arith.constant 0 : i32
      %dma_wait3A_162 = arith.constant 0 : i32
      %dma_wait3A_163 = tpu.memref_slice %arg9[%dma_wait3A_161, %dma_wait3A_162] : memref<10240x16xf32, #tpu.memory_space<vmem_shared>> -> memref<128x16xf32, #tpu.memory_space<vmem_shared>>
      tpu.wait_dma2 semaphore(%arg10 : memref<!tpu.dma_semaphore, #tpu.memory_space<semaphore_mem>>) src(%arg5 : memref<128x16xf32, #tpu.memory_space<vmem>>) dst(%dma_wait3A_163 : memref<128x16xf32, #tpu.memory_space<vmem_shared>>)
      %dma_wait3A_164 = arith.constant 0 : i32
      %dma_wait3A_165 = arith.constant 0 : i32
      %dma_wait3A_166 = tpu.memref_slice %arg9[%dma_wait3A_164, %dma_wait3A_165] : memref<10240x16xf32, #tpu.memory_space<vmem_shared>> -> memref<128x16xf32, #tpu.memory_space<vmem_shared>>
      %dma_wait3A_167 = arith.constant 0 : i32
      %dma_wait3A_168 = arith.constant 0 : i32
      %dma_wait3A_169 = tpu.memref_slice %arg9[%dma_wait3A_167, %dma_wait3A_168] : memref<10240x16xf32, #tpu.memory_space<vmem_shared>> -> memref<128x16xf32, #tpu.memory_space<vmem_shared>>
      tpu.wait_dma2 semaphore(%arg10 : memref<!tpu.dma_semaphore, #tpu.memory_space<semaphore_mem>>) src(%arg5 : memref<128x16xf32, #tpu.memory_space<vmem>>) dst(%dma_wait3A_169 : memref<128x16xf32, #tpu.memory_space<vmem_shared>>)
      %dma_wait3A_170 = arith.constant 0 : i32
      %dma_wait3A_171 = arith.constant 0 : i32
      %dma_wait3A_172 = tpu.memref_slice %arg9[%dma_wait3A_170, %dma_wait3A_171] : memref<10240x16xf32, #tpu.memory_space<vmem_shared>> -> memref<128x16xf32, #tpu.memory_space<vmem_shared>>
      %dma_wait3A_173 = arith.constant 0 : i32
      %dma_wait3A_174 = arith.constant 0 : i32
      %dma_wait3A_175 = tpu.memref_slice %arg9[%dma_wait3A_173, %dma_wait3A_174] : memref<10240x16xf32, #tpu.memory_space<vmem_shared>> -> memref<128x16xf32, #tpu.memory_space<vmem_shared>>
      tpu.wait_dma2 semaphore(%arg10 : memref<!tpu.dma_semaphore, #tpu.memory_space<semaphore_mem>>) src(%arg5 : memref<128x16xf32, #tpu.memory_space<vmem>>) dst(%dma_wait3A_175 : memref<128x16xf32, #tpu.memory_space<vmem_shared>>)
      %dma_wait3A_176 = arith.constant 0 : i32
      %dma_wait3A_177 = arith.constant 0 : i32
      %dma_wait3A_178 = tpu.memref_slice %arg9[%dma_wait3A_176, %dma_wait3A_177] : memref<10240x16xf32, #tpu.memory_space<vmem_shared>> -> memref<128x16xf32, #tpu.memory_space<vmem_shared>>
      %dma_wait3A_179 = arith.constant 0 : i32
      %dma_wait3A_180 = arith.constant 0 : i32
      %dma_wait3A_181 = tpu.memref_slice %arg9[%dma_wait3A_179, %dma_wait3A_180] : memref<10240x16xf32, #tpu.memory_space<vmem_shared>> -> memref<128x16xf32, #tpu.memory_space<vmem_shared>>
      tpu.wait_dma2 semaphore(%arg10 : memref<!tpu.dma_semaphore, #tpu.memory_space<semaphore_mem>>) src(%arg5 : memref<128x16xf32, #tpu.memory_space<vmem>>) dst(%dma_wait3A_181 : memref<128x16xf32, #tpu.memory_space<vmem_shared>>)
      %dma_wait3A_182 = arith.constant 0 : i32
      %dma_wait3A_183 = arith.constant 0 : i32
      %dma_wait3A_184 = tpu.memref_slice %arg9[%dma_wait3A_182, %dma_wait3A_183] : memref<10240x16xf32, #tpu.memory_space<vmem_shared>> -> memref<128x16xf32, #tpu.memory_space<vmem_shared>>
      %dma_wait3A_185 = arith.constant 0 : i32
      %dma_wait3A_186 = arith.constant 0 : i32
      %dma_wait3A_187 = tpu.memref_slice %arg9[%dma_wait3A_185, %dma_wait3A_186] : memref<10240x16xf32, #tpu.memory_space<vmem_shared>> -> memref<128x16xf32, #tpu.memory_space<vmem_shared>>
      tpu.wait_dma2 semaphore(%arg10 : memref<!tpu.dma_semaphore, #tpu.memory_space<semaphore_mem>>) src(%arg5 : memref<128x16xf32, #tpu.memory_space<vmem>>) dst(%dma_wait3A_187 : memref<128x16xf32, #tpu.memory_space<vmem_shared>>)
      %dma_wait3A_188 = arith.constant 0 : i32
      %dma_wait3A_189 = arith.constant 0 : i32
      %dma_wait3A_190 = tpu.memref_slice %arg9[%dma_wait3A_188, %dma_wait3A_189] : memref<10240x16xf32, #tpu.memory_space<vmem_shared>> -> memref<128x16xf32, #tpu.memory_space<vmem_shared>>
      %dma_wait3A_191 = arith.constant 0 : i32
      %dma_wait3A_192 = arith.constant 0 : i32
      %dma_wait3A_193 = tpu.memref_slice %arg9[%dma_wait3A_191, %dma_wait3A_192] : memref<10240x16xf32, #tpu.memory_space<vmem_shared>> -> memref<128x16xf32, #tpu.memory_space<vmem_shared>>
      tpu.wait_dma2 semaphore(%arg10 : memref<!tpu.dma_semaphore, #tpu.memory_space<semaphore_mem>>) src(%arg5 : memref<128x16xf32, #tpu.memory_space<vmem>>) dst(%dma_wait3A_193 : memref<128x16xf32, #tpu.memory_space<vmem_shared>>)
    }
    %scan3A_48 = arith.constant 10 : i32
    %barrier3A_49 = arith.constant 0 : index
    tpu.barrier barrier_id(%barrier3A_49)
    %mul3A_50 = arith.constant 640 : i32
    %mul3A_51 = arith.muli %arg1, %mul3A_50 : i32
    "tpu.region"() ({
      %run_scoped3A = tpu.sem_alloc : memref<!tpu.dma_semaphore, #tpu.memory_space<semaphore_mem>>
      %dma_start3A = arith.constant 0 : i32
      %dma_start3A_67 = tpu.memref_slice %arg9[%mul3A_51, %dma_start3A] : memref<10240x16xf32, #tpu.memory_space<vmem_shared>> -> memref<640x16xf32, #tpu.memory_space<vmem_shared>>
      %dma_start3A_68 = arith.constant 0 : i32
      %dma_start3A_69 = tpu.memref_slice %arg9[%mul3A_51, %dma_start3A_68] : memref<10240x16xf32, #tpu.memory_space<vmem_shared>> -> memref<640x16xf32, #tpu.memory_space<vmem_shared>>
      tpu.enqueue_dma source(%dma_start3A_69 : memref<640x16xf32, #tpu.memory_space<vmem_shared>>) target(%arg6 : memref<640x16xf32, #tpu.memory_space<vmem>>) target_semaphore(%run_scoped3A : memref<!tpu.dma_semaphore, #tpu.memory_space<semaphore_mem>>)
      %dma_wait3A = arith.constant 0 : i32
      %dma_wait3A_70 = tpu.memref_slice %arg9[%mul3A_51, %dma_wait3A] : memref<10240x16xf32, #tpu.memory_space<vmem_shared>> -> memref<640x16xf32, #tpu.memory_space<vmem_shared>>
      %dma_wait3A_71 = arith.constant 0 : i32
      %dma_wait3A_72 = tpu.memref_slice %arg9[%mul3A_51, %dma_wait3A_71] : memref<10240x16xf32, #tpu.memory_space<vmem_shared>> -> memref<640x16xf32, #tpu.memory_space<vmem_shared>>
      tpu.wait_dma2 semaphore(%run_scoped3A : memref<!tpu.dma_semaphore, #tpu.memory_space<semaphore_mem>>) src(%dma_wait3A_72 : memref<640x16xf32, #tpu.memory_space<vmem_shared>>) dst(%arg6 : memref<640x16xf32, #tpu.memory_space<vmem>>)
      tpu.yield
    }) : () -> ()
    %broadcast_in_dim3A = arith.constant 0 : i32
    %broadcast_in_dim3A_52 = vector.broadcast %broadcast_in_dim3A : i32 to vector<16xi32>
    %scan3A_53 = arith.constant 0 : i32
    %scan3A_54 = arith.constant 0 : i32
    %scan3A_55 = arith.constant 40 : i32
    %scan3A_56 = arith.addi %scan3A_54, %scan3A_55 : i32
    %scan3A_57 = arith.constant 1 : i32
    scf.for %scan3A_67 = %scan3A_54 to %scan3A_56 step %scan3A_57  : i32 {
      %iota3A = tpu.iota {dimensions = array<i32: 0>} : vector<16xi32>
      %mul3A_68 = arith.constant 16 : i32
      %mul3A_69 = arith.muli %scan3A_67, %mul3A_68 : i32
      %add3A_70 = vector.broadcast %mul3A_69 : i32 to vector<16xi32>
      %add3A_71 = arith.addi %iota3A, %add3A_70 : vector<16xi32>
      %gather3A = tpu.vector_load_idx %arg6[%add3A_71, %broadcast_in_dim3A_52] : memref<640x16xf32, #tpu.memory_space<vmem>>[vector<16xi32>, vector<16xi32>], vector<16xf32>,
      %add3A_72 = arith.constant 1.000000e+00 : f32
      %add3A_73 = vector.broadcast %add3A_72 : f32 to vector<16xf32>
      %add3A_74 = arith.addf %gather3A, %add3A_73 : vector<16xf32>
      %bitcast3A = vector.bitcast %add3A_74 : vector<16xf32> to vector<16xi32>
      %broadcast_in_dim3A_75 = arith.constant 1597463007 : i32
      %broadcast_in_dim3A_76 = vector.broadcast %broadcast_in_dim3A_75 : i32 to vector<16xi32>
      %shift_right_logical3A = arith.constant 1 : i32
      %shift_right_logical3A_77 = vector.broadcast %shift_right_logical3A : i32 to vector<16xi32>
      %shift_right_logical3A_78 = arith.shrui %bitcast3A, %shift_right_logical3A_77 : vector<16xi32>
      %sub3A = arith.subi %broadcast_in_dim3A_76, %shift_right_logical3A_78 : vector<16xi32>
      %bitcast3A_79 = vector.bitcast %sub3A : vector<16xi32> to vector<16xf32>
      %mul3A_80 = arith.constant 5.000000e-01 : f32
      %mul3A_81 = vector.broadcast %mul3A_80 : f32 to vector<16xf32>
      %mul3A_82 = arith.mulf %mul3A_81, %add3A_74 : vector<16xf32>
      %mul3A_83 = arith.mulf %mul3A_82, %bitcast3A_79 : vector<16xf32>
      %mul3A_84 = arith.mulf %mul3A_83, %bitcast3A_79 : vector<16xf32>
      %sub3A_85 = arith.constant 1.500000e+00 : f32
      %sub3A_86 = vector.broadcast %sub3A_85 : f32 to vector<16xf32>
      %sub3A_87 = arith.subf %sub3A_86, %mul3A_84 : vector<16xf32>
      %mul3A_88 = arith.mulf %bitcast3A_79, %sub3A_87 : vector<16xf32>
      %mul3A_89 = arith.constant 5.000000e-01 : f32
      %mul3A_90 = vector.broadcast %mul3A_89 : f32 to vector<16xf32>
      %mul3A_91 = arith.mulf %mul3A_90, %add3A_74 : vector<16xf32>
      %mul3A_92 = arith.mulf %mul3A_91, %mul3A_88 : vector<16xf32>
      %mul3A_93 = arith.mulf %mul3A_92, %mul3A_88 : vector<16xf32>
      %sub3A_94 = arith.constant 1.500000e+00 : f32
      %sub3A_95 = vector.broadcast %sub3A_94 : f32 to vector<16xf32>
      %sub3A_96 = arith.subf %sub3A_95, %mul3A_93 : vector<16xf32>
      %mul3A_97 = arith.mulf %mul3A_88, %sub3A_96 : vector<16xf32>
      %mul3A_98 = arith.constant 5.000000e-01 : f32
      %mul3A_99 = vector.broadcast %mul3A_98 : f32 to vector<16xf32>
      %mul3A_100 = arith.mulf %mul3A_99, %add3A_74 : vector<16xf32>
      %mul3A_101 = arith.mulf %mul3A_100, %mul3A_97 : vector<16xf32>
      %mul3A_102 = arith.mulf %mul3A_101, %mul3A_97 : vector<16xf32>
      %sub3A_103 = arith.constant 1.500000e+00 : f32
      %sub3A_104 = vector.broadcast %sub3A_103 : f32 to vector<16xf32>
      %sub3A_105 = arith.subf %sub3A_104, %mul3A_102 : vector<16xf32>
      %mul3A_106 = arith.mulf %mul3A_97, %sub3A_105 : vector<16xf32>
      %mul3A_107 = arith.constant 16 : i32
      %mul3A_108 = arith.muli %scan3A_67, %mul3A_107 : i32
      %swap3A = arith.index_cast %mul3A_108 : i32 to index
      %swap3A_109 = tpu.vector_load %arg7[%swap3A] {strides = array<i32>} : memref<640xf32, #tpu.memory_space<vmem>>, vector<16xf32>,
      tpu.vector_store %arg7[%swap3A], %mul3A_106 {strides = array<i32>} : memref<640xf32, #tpu.memory_space<vmem>>, vector<16xf32>,
    }
    %scan3A_58 = arith.constant 40 : i32
    %scan3A_59 = arith.constant 0 : i32
    %scan3A_60 = arith.constant 0 : i32
    %scan3A_61 = arith.constant 640 : i32
    %scan3A_62 = arith.addi %scan3A_60, %scan3A_61 : i32
    %scan3A_63 = arith.constant 1 : i32
    scf.for %scan3A_67 = %scan3A_60 to %scan3A_62 step %scan3A_63  : i32 {
      %broadcast_in_dim3A_68 = arith.constant 0 : i32
      %broadcast_in_dim3A_69 = vector.broadcast %broadcast_in_dim3A_68 : i32 to vector<16xi32>
      %add3A_70 = vector.broadcast %scan3A_67 : i32 to vector<16xi32>
      %add3A_71 = arith.addi %broadcast_in_dim3A_69, %add3A_70 : vector<16xi32>
      %gather3A = tpu.vector_load_idx %arg7[%add3A_71] : memref<640xf32, #tpu.memory_space<vmem>>[vector<16xi32>], vector<16xf32>,
      %swap3A = arith.index_cast %scan3A_67 : i32 to index
      %swap3A_72 = arith.constant 0 : index
      %swap3A_73 = tpu.vector_load %arg8[%swap3A, %swap3A_72] {strides = array<i32>} : memref<640x32xf32, #tpu.memory_space<vmem>>, vector<16xf32>,
      tpu.vector_store %arg8[%swap3A, %swap3A_72], %gather3A {strides = array<i32>} : memref<640x32xf32, #tpu.memory_space<vmem>>, vector<16xf32>,
      %swap3A_74 = arith.index_cast %scan3A_67 : i32 to index
      %swap3A_75 = arith.constant 16 : index
      %swap3A_76 = tpu.vector_load %arg8[%swap3A_74, %swap3A_75] {strides = array<i32>} : memref<640x32xf32, #tpu.memory_space<vmem>>, vector<16xf32>,
      tpu.vector_store %arg8[%swap3A_74, %swap3A_75], %gather3A {strides = array<i32>} : memref<640x32xf32, #tpu.memory_space<vmem>>, vector<16xf32>,
    }
    %scan3A_64 = arith.constant 640 : i32
    %eq3A = arith.constant 0 : i32
    %eq3A_65 = arith.cmpi eq, %arg0, %eq3A : i32
    %convert_element_type3A = arith.extui %eq3A_65 : i1 to i32
    %cond3A = arith.constant 0 : i32
    %cond3A_66 = arith.cmpi ne, %convert_element_type3A, %cond3A : i32
    scf.if %cond3A_66 {
      %mul3A_67 = arith.constant 640 : i32
      %mul3A_68 = arith.muli %arg1, %mul3A_67 : i32
      "tpu.region"() ({
        %run_scoped3A = tpu.sem_alloc : memref<!tpu.dma_semaphore, #tpu.memory_space<semaphore_mem>>
        %dma_start3A = arith.constant 0 : i32
        %dma_start3A_69 = tpu.memref_slice %arg3[%mul3A_68, %dma_start3A] : memref<10240x32xf32, #tpu.memory_space<hbm>> -> memref<640x32xf32, #tpu.memory_space<hbm>>
        %dma_start3A_70 = arith.constant 0 : i32
        %dma_start3A_71 = tpu.memref_slice %arg3[%mul3A_68, %dma_start3A_70] : memref<10240x32xf32, #tpu.memory_space<hbm>> -> memref<640x32xf32, #tpu.memory_space<hbm>>
        tpu.enqueue_dma source(%arg8 : memref<640x32xf32, #tpu.memory_space<vmem>>) target(%dma_start3A_71 : memref<640x32xf32, #tpu.memory_space<hbm>>) target_semaphore(%run_scoped3A : memref<!tpu.dma_semaphore, #tpu.memory_space<semaphore_mem>>)
        %dma_wait3A = arith.constant 0 : i32
        %dma_wait3A_72 = tpu.memref_slice %arg3[%mul3A_68, %dma_wait3A] : memref<10240x32xf32, #tpu.memory_space<hbm>> -> memref<640x32xf32, #tpu.memory_space<hbm>>
        %dma_wait3A_73 = arith.constant 0 : i32
        %dma_wait3A_74 = tpu.memref_slice %arg3[%mul3A_68, %dma_wait3A_73] : memref<10240x32xf32, #tpu.memory_space<hbm>> -> memref<640x32xf32, #tpu.memory_space<hbm>>
        tpu.wait_dma2 semaphore(%run_scoped3A : memref<!tpu.dma_semaphore, #tpu.memory_space<semaphore_mem>>) src(%arg8 : memref<640x32xf32, #tpu.memory_space<vmem>>) dst(%dma_wait3A_74 : memref<640x32xf32, #tpu.memory_space<hbm>>)
        tpu.yield
      }) : () -> ()
    } else {
    }
    return
  }
}

#map = affine_map<(d0, d1) -> (0, 0)>
#map1 = affine_map<(d0, d1) -> (0, 0, 0)>
module attributes {stable_mosaic.version = 14 : i64} {
  func.func @_agg_sc(%arg0: i32, %arg1: i32, %arg2: memref<10240x32xf32, #tpu.memory_space<hbm>>, %arg3: memref<32x80x128xi32, #tpu.memory_space<hbm>>, %arg4: memref<32x80x128xi32, #tpu.memory_space<hbm>>, %arg5: memref<2x10240x32xf32, #tpu.memory_space<hbm>>, %arg6: memref<80x128xi32, #tpu.memory_space<vmem>>, %arg7: memref<80x128xi32, #tpu.memory_space<vmem>>, %arg8: memref<16x128x32xf32, #tpu.memory_space<vmem>>, %arg9: memref<10240x32xf32, #tpu.memory_space<vmem_shared>>, %arg10: memref<10240x32xf32, #tpu.memory_space<vmem_shared>>, %arg11: memref<!tpu.dma_semaphore, #tpu.memory_space<semaphore_mem>>, %arg12: memref<!tpu.dma_semaphore, #tpu.memory_space<semaphore_mem>>) attributes {dimension_semantics = [#tpu.dimension_semantics<core_parallel>, #tpu.dimension_semantics<subcore_parallel>], iteration_bounds = array<i64: 2, 16>, scalar_prefetch = 0 : i64, scratch_operands = 7 : i64, tpu.core_type = #tpu.core_type<sc_vector_subcore>, window_params = [{transform_indices = #map}, {transform_indices = #map1}, {transform_indices = #map1}, {transform_indices = #map1}]} {
    %mul3A = arith.constant 2 : i32
    %mul3A_0 = arith.muli %arg1, %mul3A : i32
    %add3A = arith.addi %mul3A_0, %arg0 : i32
    "tpu.region"() ({
      %run_scoped3A_140 = tpu.sem_alloc : memref<!tpu.dma_semaphore, #tpu.memory_space<semaphore_mem>>
      %dma_start3A_141 = arith.constant 0 : i32
      %dma_start3A_142 = arith.constant 0 : i32
      %dma_start3A_143 = tpu.memref_slice %arg3[%add3A, %dma_start3A_141, %dma_start3A_142] : memref<32x80x128xi32, #tpu.memory_space<hbm>> -> memref<1x80x128xi32, #tpu.memory_space<hbm>>
      %dma_start3A_144 = tpu.memref_squeeze %dma_start3A_143 : memref<1x80x128xi32, #tpu.memory_space<hbm>> -> memref<80x128xi32, #tpu.memory_space<hbm>>
      %dma_start3A_145 = arith.constant 0 : i32
      %dma_start3A_146 = arith.constant 0 : i32
      %dma_start3A_147 = tpu.memref_slice %arg3[%add3A, %dma_start3A_145, %dma_start3A_146] : memref<32x80x128xi32, #tpu.memory_space<hbm>> -> memref<1x80x128xi32, #tpu.memory_space<hbm>>
      %dma_start3A_148 = tpu.memref_squeeze %dma_start3A_147 : memref<1x80x128xi32, #tpu.memory_space<hbm>> -> memref<80x128xi32, #tpu.memory_space<hbm>>
      tpu.enqueue_dma source(%dma_start3A_148 : memref<80x128xi32, #tpu.memory_space<hbm>>) target(%arg6 : memref<80x128xi32, #tpu.memory_space<vmem>>) target_semaphore(%run_scoped3A_140 : memref<!tpu.dma_semaphore, #tpu.memory_space<semaphore_mem>>)
      %dma_wait3A = arith.constant 0 : i32
      %dma_wait3A_149 = arith.constant 0 : i32
      %dma_wait3A_150 = tpu.memref_slice %arg3[%add3A, %dma_wait3A, %dma_wait3A_149] : memref<32x80x128xi32, #tpu.memory_space<hbm>> -> memref<1x80x128xi32, #tpu.memory_space<hbm>>
      %dma_wait3A_151 = tpu.memref_squeeze %dma_wait3A_150 : memref<1x80x128xi32, #tpu.memory_space<hbm>> -> memref<80x128xi32, #tpu.memory_space<hbm>>
      %dma_wait3A_152 = arith.constant 0 : i32
      %dma_wait3A_153 = arith.constant 0 : i32
      %dma_wait3A_154 = tpu.memref_slice %arg3[%add3A, %dma_wait3A_152, %dma_wait3A_153] : memref<32x80x128xi32, #tpu.memory_space<hbm>> -> memref<1x80x128xi32, #tpu.memory_space<hbm>>
      %dma_wait3A_155 = tpu.memref_squeeze %dma_wait3A_154 : memref<1x80x128xi32, #tpu.memory_space<hbm>> -> memref<80x128xi32, #tpu.memory_space<hbm>>
      tpu.wait_dma2 semaphore(%run_scoped3A_140 : memref<!tpu.dma_semaphore, #tpu.memory_space<semaphore_mem>>) src(%dma_wait3A_155 : memref<80x128xi32, #tpu.memory_space<hbm>>) dst(%arg6 : memref<80x128xi32, #tpu.memory_space<vmem>>)
      tpu.yield
    }) : () -> ()
    "tpu.region"() ({
      %run_scoped3A_140 = tpu.sem_alloc : memref<!tpu.dma_semaphore, #tpu.memory_space<semaphore_mem>>
      %dma_start3A_141 = arith.constant 0 : i32
      %dma_start3A_142 = arith.constant 0 : i32
      %dma_start3A_143 = tpu.memref_slice %arg4[%add3A, %dma_start3A_141, %dma_start3A_142] : memref<32x80x128xi32, #tpu.memory_space<hbm>> -> memref<1x80x128xi32, #tpu.memory_space<hbm>>
      %dma_start3A_144 = tpu.memref_squeeze %dma_start3A_143 : memref<1x80x128xi32, #tpu.memory_space<hbm>> -> memref<80x128xi32, #tpu.memory_space<hbm>>
      %dma_start3A_145 = arith.constant 0 : i32
      %dma_start3A_146 = arith.constant 0 : i32
      %dma_start3A_147 = tpu.memref_slice %arg4[%add3A, %dma_start3A_145, %dma_start3A_146] : memref<32x80x128xi32, #tpu.memory_space<hbm>> -> memref<1x80x128xi32, #tpu.memory_space<hbm>>
      %dma_start3A_148 = tpu.memref_squeeze %dma_start3A_147 : memref<1x80x128xi32, #tpu.memory_space<hbm>> -> memref<80x128xi32, #tpu.memory_space<hbm>>
      tpu.enqueue_dma source(%dma_start3A_148 : memref<80x128xi32, #tpu.memory_space<hbm>>) target(%arg7 : memref<80x128xi32, #tpu.memory_space<vmem>>) target_semaphore(%run_scoped3A_140 : memref<!tpu.dma_semaphore, #tpu.memory_space<semaphore_mem>>)
      %dma_wait3A = arith.constant 0 : i32
      %dma_wait3A_149 = arith.constant 0 : i32
      %dma_wait3A_150 = tpu.memref_slice %arg4[%add3A, %dma_wait3A, %dma_wait3A_149] : memref<32x80x128xi32, #tpu.memory_space<hbm>> -> memref<1x80x128xi32, #tpu.memory_space<hbm>>
      %dma_wait3A_151 = tpu.memref_squeeze %dma_wait3A_150 : memref<1x80x128xi32, #tpu.memory_space<hbm>> -> memref<80x128xi32, #tpu.memory_space<hbm>>
      %dma_wait3A_152 = arith.constant 0 : i32
      %dma_wait3A_153 = arith.constant 0 : i32
      %dma_wait3A_154 = tpu.memref_slice %arg4[%add3A, %dma_wait3A_152, %dma_wait3A_153] : memref<32x80x128xi32, #tpu.memory_space<hbm>> -> memref<1x80x128xi32, #tpu.memory_space<hbm>>
      %dma_wait3A_155 = tpu.memref_squeeze %dma_wait3A_154 : memref<1x80x128xi32, #tpu.memory_space<hbm>> -> memref<80x128xi32, #tpu.memory_space<hbm>>
      tpu.wait_dma2 semaphore(%run_scoped3A_140 : memref<!tpu.dma_semaphore, #tpu.memory_space<semaphore_mem>>) src(%dma_wait3A_155 : memref<80x128xi32, #tpu.memory_space<hbm>>) dst(%arg7 : memref<80x128xi32, #tpu.memory_space<vmem>>)
      tpu.yield
    }) : () -> ()
    %mul3A_1 = arith.constant 640 : i32
    %mul3A_2 = arith.muli %arg1, %mul3A_1 : i32
    %mul3A_3 = arith.constant 640 : i32
    %mul3A_4 = arith.muli %arg1, %mul3A_3 : i32
    "tpu.region"() ({
      %run_scoped3A_140 = tpu.sem_alloc : memref<!tpu.dma_semaphore, #tpu.memory_space<semaphore_mem>>
      %dma_start3A_141 = arith.constant 0 : i32
      %dma_start3A_142 = tpu.memref_slice %arg10[%mul3A_4, %dma_start3A_141] : memref<10240x32xf32, #tpu.memory_space<vmem_shared>> -> memref<640x32xf32, #tpu.memory_space<vmem_shared>>
      %dma_start3A_143 = arith.constant 0 : i32
      %dma_start3A_144 = tpu.memref_slice %arg2[%mul3A_2, %dma_start3A_143] : memref<10240x32xf32, #tpu.memory_space<hbm>> -> memref<640x32xf32, #tpu.memory_space<hbm>>
      tpu.enqueue_dma source(%dma_start3A_144 : memref<640x32xf32, #tpu.memory_space<hbm>>) target(%dma_start3A_142 : memref<640x32xf32, #tpu.memory_space<vmem_shared>>) target_semaphore(%run_scoped3A_140 : memref<!tpu.dma_semaphore, #tpu.memory_space<semaphore_mem>>)
      %dma_wait3A = arith.constant 0 : i32
      %dma_wait3A_145 = tpu.memref_slice %arg10[%mul3A_4, %dma_wait3A] : memref<10240x32xf32, #tpu.memory_space<vmem_shared>> -> memref<640x32xf32, #tpu.memory_space<vmem_shared>>
      %dma_wait3A_146 = arith.constant 0 : i32
      %dma_wait3A_147 = tpu.memref_slice %arg2[%mul3A_2, %dma_wait3A_146] : memref<10240x32xf32, #tpu.memory_space<hbm>> -> memref<640x32xf32, #tpu.memory_space<hbm>>
      tpu.wait_dma2 semaphore(%run_scoped3A_140 : memref<!tpu.dma_semaphore, #tpu.memory_space<semaphore_mem>>) src(%dma_wait3A_147 : memref<640x32xf32, #tpu.memory_space<hbm>>) dst(%dma_wait3A_145 : memref<640x32xf32, #tpu.memory_space<vmem_shared>>)
      tpu.yield
    }) : () -> ()
    %scan3A = arith.constant 0 : i32
    %scan3A_5 = arith.constant 0 : i32
    %scan3A_6 = arith.constant 128 : i32
    %scan3A_7 = arith.addi %scan3A_5, %scan3A_6 : i32
    %scan3A_8 = arith.constant 1 : i32
    scf.for %scan3A_140 = %scan3A_5 to %scan3A_7 step %scan3A_8  : i32 {
      %broadcast_in_dim3A = arith.constant 0.000000e+00 : f32
      %broadcast_in_dim3A_141 = vector.broadcast %broadcast_in_dim3A : f32 to vector<16xf32>
      %swap3A = arith.constant 0 : i32
      %swap3A_142 = arith.index_cast %swap3A : i32 to index
      %swap3A_143 = arith.index_cast %scan3A_140 : i32 to index
      %swap3A_144 = arith.constant 0 : index
      %swap3A_145 = tpu.vector_load %arg8[%swap3A_142, %swap3A_143, %swap3A_144] {strides = array<i32>} : memref<16x128x32xf32, #tpu.memory_space<vmem>>, vector<1x1x16xf32>,
      %swap3A_146 = vector.shape_cast %swap3A_145 : vector<1x1x16xf32> to vector<16xf32>
      %swap3A_147 = vector.shape_cast %broadcast_in_dim3A_141 : vector<16xf32> to vector<1x1x16xf32>
      tpu.vector_store %arg8[%swap3A_142, %swap3A_143, %swap3A_144], %swap3A_147 {strides = array<i32>} : memref<16x128x32xf32, #tpu.memory_space<vmem>>, vector<1x1x16xf32>,
      %broadcast_in_dim3A_148 = arith.constant 0.000000e+00 : f32
      %broadcast_in_dim3A_149 = vector.broadcast %broadcast_in_dim3A_148 : f32 to vector<16xf32>
      %swap3A_150 = arith.constant 0 : i32
      %swap3A_151 = arith.index_cast %swap3A_150 : i32 to index
      %swap3A_152 = arith.index_cast %scan3A_140 : i32 to index
      %swap3A_153 = arith.constant 16 : index
      %swap3A_154 = tpu.vector_load %arg8[%swap3A_151, %swap3A_152, %swap3A_153] {strides = array<i32>} : memref<16x128x32xf32, #tpu.memory_space<vmem>>, vector<1x1x16xf32>,
      %swap3A_155 = vector.shape_cast %swap3A_154 : vector<1x1x16xf32> to vector<16xf32>
      %swap3A_156 = vector.shape_cast %broadcast_in_dim3A_149 : vector<16xf32> to vector<1x1x16xf32>
      tpu.vector_store %arg8[%swap3A_151, %swap3A_152, %swap3A_153], %swap3A_156 {strides = array<i32>} : memref<16x128x32xf32, #tpu.memory_space<vmem>>, vector<1x1x16xf32>,
    }
    %scan3A_9 = arith.constant 128 : i32
    %mul3A_10 = arith.constant 640 : i32
    %mul3A_11 = arith.muli %arg1, %mul3A_10 : i32
    %add3A_12 = arith.constant 0 : i32
    %add3A_13 = arith.addi %mul3A_11, %add3A_12 : i32
    %run_scoped3A = arith.constant 0 : i32
    "tpu.region"() ({
      %run_scoped3A_140 = tpu.sem_alloc : memref<!tpu.dma_semaphore, #tpu.memory_space<semaphore_mem>>
      %dma_start3A_141 = arith.constant 0 : i32
      %dma_start3A_142 = arith.constant 0 : i32
      %dma_start3A_143 = tpu.memref_slice %arg8[%run_scoped3A, %dma_start3A_141, %dma_start3A_142] : memref<16x128x32xf32, #tpu.memory_space<vmem>> -> memref<1x128x32xf32, #tpu.memory_space<vmem>>
      %dma_start3A_144 = tpu.memref_squeeze %dma_start3A_143 : memref<1x128x32xf32, #tpu.memory_space<vmem>> -> memref<128x32xf32, #tpu.memory_space<vmem>>
      %dma_start3A_145 = arith.constant 0 : i32
      %dma_start3A_146 = tpu.memref_slice %arg9[%add3A_13, %dma_start3A_145] : memref<10240x32xf32, #tpu.memory_space<vmem_shared>> -> memref<128x32xf32, #tpu.memory_space<vmem_shared>>
      %dma_start3A_147 = arith.constant 0 : i32
      %dma_start3A_148 = tpu.memref_slice %arg9[%add3A_13, %dma_start3A_147] : memref<10240x32xf32, #tpu.memory_space<vmem_shared>> -> memref<128x32xf32, #tpu.memory_space<vmem_shared>>
      %dma_start3A_149 = arith.constant 0 : i32
      %dma_start3A_150 = arith.constant 0 : i32
      %dma_start3A_151 = tpu.memref_slice %arg8[%run_scoped3A, %dma_start3A_149, %dma_start3A_150] : memref<16x128x32xf32, #tpu.memory_space<vmem>> -> memref<1x128x32xf32, #tpu.memory_space<vmem>>
      %dma_start3A_152 = tpu.memref_squeeze %dma_start3A_151 : memref<1x128x32xf32, #tpu.memory_space<vmem>> -> memref<128x32xf32, #tpu.memory_space<vmem>>
      tpu.enqueue_dma source(%dma_start3A_152 : memref<128x32xf32, #tpu.memory_space<vmem>>) target(%dma_start3A_148 : memref<128x32xf32, #tpu.memory_space<vmem_shared>>) target_semaphore(%run_scoped3A_140 : memref<!tpu.dma_semaphore, #tpu.memory_space<semaphore_mem>>)
      %dma_wait3A = arith.constant 0 : i32
      %dma_wait3A_153 = arith.constant 0 : i32
      %dma_wait3A_154 = tpu.memref_slice %arg8[%run_scoped3A, %dma_wait3A, %dma_wait3A_153] : memref<16x128x32xf32, #tpu.memory_space<vmem>> -> memref<1x128x32xf32, #tpu.memory_space<vmem>>
      %dma_wait3A_155 = tpu.memref_squeeze %dma_wait3A_154 : memref<1x128x32xf32, #tpu.memory_space<vmem>> -> memref<128x32xf32, #tpu.memory_space<vmem>>
      %dma_wait3A_156 = arith.constant 0 : i32
      %dma_wait3A_157 = tpu.memref_slice %arg9[%add3A_13, %dma_wait3A_156] : memref<10240x32xf32, #tpu.memory_space<vmem_shared>> -> memref<128x32xf32, #tpu.memory_space<vmem_shared>>
      %dma_wait3A_158 = arith.constant 0 : i32
      %dma_wait3A_159 = tpu.memref_slice %arg9[%add3A_13, %dma_wait3A_158] : memref<10240x32xf32, #tpu.memory_space<vmem_shared>> -> memref<128x32xf32, #tpu.memory_space<vmem_shared>>
      %dma_wait3A_160 = arith.constant 0 : i32
      %dma_wait3A_161 = arith.constant 0 : i32
      %dma_wait3A_162 = tpu.memref_slice %arg8[%run_scoped3A, %dma_wait3A_160, %dma_wait3A_161] : memref<16x128x32xf32, #tpu.memory_space<vmem>> -> memref<1x128x32xf32, #tpu.memory_space<vmem>>
      %dma_wait3A_163 = tpu.memref_squeeze %dma_wait3A_162 : memref<1x128x32xf32, #tpu.memory_space<vmem>> -> memref<128x32xf32, #tpu.memory_space<vmem>>
      tpu.wait_dma2 semaphore(%run_scoped3A_140 : memref<!tpu.dma_semaphore, #tpu.memory_space<semaphore_mem>>) src(%dma_wait3A_163 : memref<128x32xf32, #tpu.memory_space<vmem>>) dst(%dma_wait3A_159 : memref<128x32xf32, #tpu.memory_space<vmem_shared>>)
      tpu.yield
    }) : () -> ()
    %mul3A_14 = arith.constant 640 : i32
    %mul3A_15 = arith.muli %arg1, %mul3A_14 : i32
    %add3A_16 = arith.constant 128 : i32
    %add3A_17 = arith.addi %mul3A_15, %add3A_16 : i32
    %run_scoped3A_18 = arith.constant 0 : i32
    "tpu.region"() ({
      %run_scoped3A_140 = tpu.sem_alloc : memref<!tpu.dma_semaphore, #tpu.memory_space<semaphore_mem>>
      %dma_start3A_141 = arith.constant 0 : i32
      %dma_start3A_142 = arith.constant 0 : i32
      %dma_start3A_143 = tpu.memref_slice %arg8[%run_scoped3A_18, %dma_start3A_141, %dma_start3A_142] : memref<16x128x32xf32, #tpu.memory_space<vmem>> -> memref<1x128x32xf32, #tpu.memory_space<vmem>>
      %dma_start3A_144 = tpu.memref_squeeze %dma_start3A_143 : memref<1x128x32xf32, #tpu.memory_space<vmem>> -> memref<128x32xf32, #tpu.memory_space<vmem>>
      %dma_start3A_145 = arith.constant 0 : i32
      %dma_start3A_146 = tpu.memref_slice %arg9[%add3A_17, %dma_start3A_145] : memref<10240x32xf32, #tpu.memory_space<vmem_shared>> -> memref<128x32xf32, #tpu.memory_space<vmem_shared>>
      %dma_start3A_147 = arith.constant 0 : i32
      %dma_start3A_148 = tpu.memref_slice %arg9[%add3A_17, %dma_start3A_147] : memref<10240x32xf32, #tpu.memory_space<vmem_shared>> -> memref<128x32xf32, #tpu.memory_space<vmem_shared>>
      %dma_start3A_149 = arith.constant 0 : i32
      %dma_start3A_150 = arith.constant 0 : i32
      %dma_start3A_151 = tpu.memref_slice %arg8[%run_scoped3A_18, %dma_start3A_149, %dma_start3A_150] : memref<16x128x32xf32, #tpu.memory_space<vmem>> -> memref<1x128x32xf32, #tpu.memory_space<vmem>>
      %dma_start3A_152 = tpu.memref_squeeze %dma_start3A_151 : memref<1x128x32xf32, #tpu.memory_space<vmem>> -> memref<128x32xf32, #tpu.memory_space<vmem>>
      tpu.enqueue_dma source(%dma_start3A_152 : memref<128x32xf32, #tpu.memory_space<vmem>>) target(%dma_start3A_148 : memref<128x32xf32, #tpu.memory_space<vmem_shared>>) target_semaphore(%run_scoped3A_140 : memref<!tpu.dma_semaphore, #tpu.memory_space<semaphore_mem>>)
      %dma_wait3A = arith.constant 0 : i32
      %dma_wait3A_153 = arith.constant 0 : i32
      %dma_wait3A_154 = tpu.memref_slice %arg8[%run_scoped3A_18, %dma_wait3A, %dma_wait3A_153] : memref<16x128x32xf32, #tpu.memory_space<vmem>> -> memref<1x128x32xf32, #tpu.memory_space<vmem>>
      %dma_wait3A_155 = tpu.memref_squeeze %dma_wait3A_154 : memref<1x128x32xf32, #tpu.memory_space<vmem>> -> memref<128x32xf32, #tpu.memory_space<vmem>>
      %dma_wait3A_156 = arith.constant 0 : i32
      %dma_wait3A_157 = tpu.memref_slice %arg9[%add3A_17, %dma_wait3A_156] : memref<10240x32xf32, #tpu.memory_space<vmem_shared>> -> memref<128x32xf32, #tpu.memory_space<vmem_shared>>
      %dma_wait3A_158 = arith.constant 0 : i32
      %dma_wait3A_159 = tpu.memref_slice %arg9[%add3A_17, %dma_wait3A_158] : memref<10240x32xf32, #tpu.memory_space<vmem_shared>> -> memref<128x32xf32, #tpu.memory_space<vmem_shared>>
      %dma_wait3A_160 = arith.constant 0 : i32
      %dma_wait3A_161 = arith.constant 0 : i32
      %dma_wait3A_162 = tpu.memref_slice %arg8[%run_scoped3A_18, %dma_wait3A_160, %dma_wait3A_161] : memref<16x128x32xf32, #tpu.memory_space<vmem>> -> memref<1x128x32xf32, #tpu.memory_space<vmem>>
      %dma_wait3A_163 = tpu.memref_squeeze %dma_wait3A_162 : memref<1x128x32xf32, #tpu.memory_space<vmem>> -> memref<128x32xf32, #tpu.memory_space<vmem>>
      tpu.wait_dma2 semaphore(%run_scoped3A_140 : memref<!tpu.dma_semaphore, #tpu.memory_space<semaphore_mem>>) src(%dma_wait3A_163 : memref<128x32xf32, #tpu.memory_space<vmem>>) dst(%dma_wait3A_159 : memref<128x32xf32, #tpu.memory_space<vmem_shared>>)
      tpu.yield
    }) : () -> ()
    %mul3A_19 = arith.constant 640 : i32
    %mul3A_20 = arith.muli %arg1, %mul3A_19 : i32
    %add3A_21 = arith.constant 256 : i32
    %add3A_22 = arith.addi %mul3A_20, %add3A_21 : i32
    %run_scoped3A_23 = arith.constant 0 : i32
    "tpu.region"() ({
      %run_scoped3A_140 = tpu.sem_alloc : memref<!tpu.dma_semaphore, #tpu.memory_space<semaphore_mem>>
      %dma_start3A_141 = arith.constant 0 : i32
      %dma_start3A_142 = arith.constant 0 : i32
      %dma_start3A_143 = tpu.memref_slice %arg8[%run_scoped3A_23, %dma_start3A_141, %dma_start3A_142] : memref<16x128x32xf32, #tpu.memory_space<vmem>> -> memref<1x128x32xf32, #tpu.memory_space<vmem>>
      %dma_start3A_144 = tpu.memref_squeeze %dma_start3A_143 : memref<1x128x32xf32, #tpu.memory_space<vmem>> -> memref<128x32xf32, #tpu.memory_space<vmem>>
      %dma_start3A_145 = arith.constant 0 : i32
      %dma_start3A_146 = tpu.memref_slice %arg9[%add3A_22, %dma_start3A_145] : memref<10240x32xf32, #tpu.memory_space<vmem_shared>> -> memref<128x32xf32, #tpu.memory_space<vmem_shared>>
      %dma_start3A_147 = arith.constant 0 : i32
      %dma_start3A_148 = tpu.memref_slice %arg9[%add3A_22, %dma_start3A_147] : memref<10240x32xf32, #tpu.memory_space<vmem_shared>> -> memref<128x32xf32, #tpu.memory_space<vmem_shared>>
      %dma_start3A_149 = arith.constant 0 : i32
      %dma_start3A_150 = arith.constant 0 : i32
      %dma_start3A_151 = tpu.memref_slice %arg8[%run_scoped3A_23, %dma_start3A_149, %dma_start3A_150] : memref<16x128x32xf32, #tpu.memory_space<vmem>> -> memref<1x128x32xf32, #tpu.memory_space<vmem>>
      %dma_start3A_152 = tpu.memref_squeeze %dma_start3A_151 : memref<1x128x32xf32, #tpu.memory_space<vmem>> -> memref<128x32xf32, #tpu.memory_space<vmem>>
      tpu.enqueue_dma source(%dma_start3A_152 : memref<128x32xf32, #tpu.memory_space<vmem>>) target(%dma_start3A_148 : memref<128x32xf32, #tpu.memory_space<vmem_shared>>) target_semaphore(%run_scoped3A_140 : memref<!tpu.dma_semaphore, #tpu.memory_space<semaphore_mem>>)
      %dma_wait3A = arith.constant 0 : i32
      %dma_wait3A_153 = arith.constant 0 : i32
      %dma_wait3A_154 = tpu.memref_slice %arg8[%run_scoped3A_23, %dma_wait3A, %dma_wait3A_153] : memref<16x128x32xf32, #tpu.memory_space<vmem>> -> memref<1x128x32xf32, #tpu.memory_space<vmem>>
      %dma_wait3A_155 = tpu.memref_squeeze %dma_wait3A_154 : memref<1x128x32xf32, #tpu.memory_space<vmem>> -> memref<128x32xf32, #tpu.memory_space<vmem>>
      %dma_wait3A_156 = arith.constant 0 : i32
      %dma_wait3A_157 = tpu.memref_slice %arg9[%add3A_22, %dma_wait3A_156] : memref<10240x32xf32, #tpu.memory_space<vmem_shared>> -> memref<128x32xf32, #tpu.memory_space<vmem_shared>>
      %dma_wait3A_158 = arith.constant 0 : i32
      %dma_wait3A_159 = tpu.memref_slice %arg9[%add3A_22, %dma_wait3A_158] : memref<10240x32xf32, #tpu.memory_space<vmem_shared>> -> memref<128x32xf32, #tpu.memory_space<vmem_shared>>
      %dma_wait3A_160 = arith.constant 0 : i32
      %dma_wait3A_161 = arith.constant 0 : i32
      %dma_wait3A_162 = tpu.memref_slice %arg8[%run_scoped3A_23, %dma_wait3A_160, %dma_wait3A_161] : memref<16x128x32xf32, #tpu.memory_space<vmem>> -> memref<1x128x32xf32, #tpu.memory_space<vmem>>
      %dma_wait3A_163 = tpu.memref_squeeze %dma_wait3A_162 : memref<1x128x32xf32, #tpu.memory_space<vmem>> -> memref<128x32xf32, #tpu.memory_space<vmem>>
      tpu.wait_dma2 semaphore(%run_scoped3A_140 : memref<!tpu.dma_semaphore, #tpu.memory_space<semaphore_mem>>) src(%dma_wait3A_163 : memref<128x32xf32, #tpu.memory_space<vmem>>) dst(%dma_wait3A_159 : memref<128x32xf32, #tpu.memory_space<vmem_shared>>)
      tpu.yield
    }) : () -> ()
    %mul3A_24 = arith.constant 640 : i32
    %mul3A_25 = arith.muli %arg1, %mul3A_24 : i32
    %add3A_26 = arith.constant 384 : i32
    %add3A_27 = arith.addi %mul3A_25, %add3A_26 : i32
    %run_scoped3A_28 = arith.constant 0 : i32
    "tpu.region"() ({
      %run_scoped3A_140 = tpu.sem_alloc : memref<!tpu.dma_semaphore, #tpu.memory_space<semaphore_mem>>
      %dma_start3A_141 = arith.constant 0 : i32
      %dma_start3A_142 = arith.constant 0 : i32
      %dma_start3A_143 = tpu.memref_slice %arg8[%run_scoped3A_28, %dma_start3A_141, %dma_start3A_142] : memref<16x128x32xf32, #tpu.memory_space<vmem>> -> memref<1x128x32xf32, #tpu.memory_space<vmem>>
      %dma_start3A_144 = tpu.memref_squeeze %dma_start3A_143 : memref<1x128x32xf32, #tpu.memory_space<vmem>> -> memref<128x32xf32, #tpu.memory_space<vmem>>
      %dma_start3A_145 = arith.constant 0 : i32
      %dma_start3A_146 = tpu.memref_slice %arg9[%add3A_27, %dma_start3A_145] : memref<10240x32xf32, #tpu.memory_space<vmem_shared>> -> memref<128x32xf32, #tpu.memory_space<vmem_shared>>
      %dma_start3A_147 = arith.constant 0 : i32
      %dma_start3A_148 = tpu.memref_slice %arg9[%add3A_27, %dma_start3A_147] : memref<10240x32xf32, #tpu.memory_space<vmem_shared>> -> memref<128x32xf32, #tpu.memory_space<vmem_shared>>
      %dma_start3A_149 = arith.constant 0 : i32
      %dma_start3A_150 = arith.constant 0 : i32
      %dma_start3A_151 = tpu.memref_slice %arg8[%run_scoped3A_28, %dma_start3A_149, %dma_start3A_150] : memref<16x128x32xf32, #tpu.memory_space<vmem>> -> memref<1x128x32xf32, #tpu.memory_space<vmem>>
      %dma_start3A_152 = tpu.memref_squeeze %dma_start3A_151 : memref<1x128x32xf32, #tpu.memory_space<vmem>> -> memref<128x32xf32, #tpu.memory_space<vmem>>
      tpu.enqueue_dma source(%dma_start3A_152 : memref<128x32xf32, #tpu.memory_space<vmem>>) target(%dma_start3A_148 : memref<128x32xf32, #tpu.memory_space<vmem_shared>>) target_semaphore(%run_scoped3A_140 : memref<!tpu.dma_semaphore, #tpu.memory_space<semaphore_mem>>)
      %dma_wait3A = arith.constant 0 : i32
      %dma_wait3A_153 = arith.constant 0 : i32
      %dma_wait3A_154 = tpu.memref_slice %arg8[%run_scoped3A_28, %dma_wait3A, %dma_wait3A_153] : memref<16x128x32xf32, #tpu.memory_space<vmem>> -> memref<1x128x32xf32, #tpu.memory_space<vmem>>
      %dma_wait3A_155 = tpu.memref_squeeze %dma_wait3A_154 : memref<1x128x32xf32, #tpu.memory_space<vmem>> -> memref<128x32xf32, #tpu.memory_space<vmem>>
      %dma_wait3A_156 = arith.constant 0 : i32
      %dma_wait3A_157 = tpu.memref_slice %arg9[%add3A_27, %dma_wait3A_156] : memref<10240x32xf32, #tpu.memory_space<vmem_shared>> -> memref<128x32xf32, #tpu.memory_space<vmem_shared>>
      %dma_wait3A_158 = arith.constant 0 : i32
      %dma_wait3A_159 = tpu.memref_slice %arg9[%add3A_27, %dma_wait3A_158] : memref<10240x32xf32, #tpu.memory_space<vmem_shared>> -> memref<128x32xf32, #tpu.memory_space<vmem_shared>>
      %dma_wait3A_160 = arith.constant 0 : i32
      %dma_wait3A_161 = arith.constant 0 : i32
      %dma_wait3A_162 = tpu.memref_slice %arg8[%run_scoped3A_28, %dma_wait3A_160, %dma_wait3A_161] : memref<16x128x32xf32, #tpu.memory_space<vmem>> -> memref<1x128x32xf32, #tpu.memory_space<vmem>>
      %dma_wait3A_163 = tpu.memref_squeeze %dma_wait3A_162 : memref<1x128x32xf32, #tpu.memory_space<vmem>> -> memref<128x32xf32, #tpu.memory_space<vmem>>
      tpu.wait_dma2 semaphore(%run_scoped3A_140 : memref<!tpu.dma_semaphore, #tpu.memory_space<semaphore_mem>>) src(%dma_wait3A_163 : memref<128x32xf32, #tpu.memory_space<vmem>>) dst(%dma_wait3A_159 : memref<128x32xf32, #tpu.memory_space<vmem_shared>>)
      tpu.yield
    }) : () -> ()
    %mul3A_29 = arith.constant 640 : i32
    %mul3A_30 = arith.muli %arg1, %mul3A_29 : i32
    %add3A_31 = arith.constant 512 : i32
    %add3A_32 = arith.addi %mul3A_30, %add3A_31 : i32
    %run_scoped3A_33 = arith.constant 0 : i32
    "tpu.region"() ({
      %run_scoped3A_140 = tpu.sem_alloc : memref<!tpu.dma_semaphore, #tpu.memory_space<semaphore_mem>>
      %dma_start3A_141 = arith.constant 0 : i32
      %dma_start3A_142 = arith.constant 0 : i32
      %dma_start3A_143 = tpu.memref_slice %arg8[%run_scoped3A_33, %dma_start3A_141, %dma_start3A_142] : memref<16x128x32xf32, #tpu.memory_space<vmem>> -> memref<1x128x32xf32, #tpu.memory_space<vmem>>
      %dma_start3A_144 = tpu.memref_squeeze %dma_start3A_143 : memref<1x128x32xf32, #tpu.memory_space<vmem>> -> memref<128x32xf32, #tpu.memory_space<vmem>>
      %dma_start3A_145 = arith.constant 0 : i32
      %dma_start3A_146 = tpu.memref_slice %arg9[%add3A_32, %dma_start3A_145] : memref<10240x32xf32, #tpu.memory_space<vmem_shared>> -> memref<128x32xf32, #tpu.memory_space<vmem_shared>>
      %dma_start3A_147 = arith.constant 0 : i32
      %dma_start3A_148 = tpu.memref_slice %arg9[%add3A_32, %dma_start3A_147] : memref<10240x32xf32, #tpu.memory_space<vmem_shared>> -> memref<128x32xf32, #tpu.memory_space<vmem_shared>>
      %dma_start3A_149 = arith.constant 0 : i32
      %dma_start3A_150 = arith.constant 0 : i32
      %dma_start3A_151 = tpu.memref_slice %arg8[%run_scoped3A_33, %dma_start3A_149, %dma_start3A_150] : memref<16x128x32xf32, #tpu.memory_space<vmem>> -> memref<1x128x32xf32, #tpu.memory_space<vmem>>
      %dma_start3A_152 = tpu.memref_squeeze %dma_start3A_151 : memref<1x128x32xf32, #tpu.memory_space<vmem>> -> memref<128x32xf32, #tpu.memory_space<vmem>>
      tpu.enqueue_dma source(%dma_start3A_152 : memref<128x32xf32, #tpu.memory_space<vmem>>) target(%dma_start3A_148 : memref<128x32xf32, #tpu.memory_space<vmem_shared>>) target_semaphore(%run_scoped3A_140 : memref<!tpu.dma_semaphore, #tpu.memory_space<semaphore_mem>>)
      %dma_wait3A = arith.constant 0 : i32
      %dma_wait3A_153 = arith.constant 0 : i32
      %dma_wait3A_154 = tpu.memref_slice %arg8[%run_scoped3A_33, %dma_wait3A, %dma_wait3A_153] : memref<16x128x32xf32, #tpu.memory_space<vmem>> -> memref<1x128x32xf32, #tpu.memory_space<vmem>>
      %dma_wait3A_155 = tpu.memref_squeeze %dma_wait3A_154 : memref<1x128x32xf32, #tpu.memory_space<vmem>> -> memref<128x32xf32, #tpu.memory_space<vmem>>
      %dma_wait3A_156 = arith.constant 0 : i32
      %dma_wait3A_157 = tpu.memref_slice %arg9[%add3A_32, %dma_wait3A_156] : memref<10240x32xf32, #tpu.memory_space<vmem_shared>> -> memref<128x32xf32, #tpu.memory_space<vmem_shared>>
      %dma_wait3A_158 = arith.constant 0 : i32
      %dma_wait3A_159 = tpu.memref_slice %arg9[%add3A_32, %dma_wait3A_158] : memref<10240x32xf32, #tpu.memory_space<vmem_shared>> -> memref<128x32xf32, #tpu.memory_space<vmem_shared>>
      %dma_wait3A_160 = arith.constant 0 : i32
      %dma_wait3A_161 = arith.constant 0 : i32
      %dma_wait3A_162 = tpu.memref_slice %arg8[%run_scoped3A_33, %dma_wait3A_160, %dma_wait3A_161] : memref<16x128x32xf32, #tpu.memory_space<vmem>> -> memref<1x128x32xf32, #tpu.memory_space<vmem>>
      %dma_wait3A_163 = tpu.memref_squeeze %dma_wait3A_162 : memref<1x128x32xf32, #tpu.memory_space<vmem>> -> memref<128x32xf32, #tpu.memory_space<vmem>>
      tpu.wait_dma2 semaphore(%run_scoped3A_140 : memref<!tpu.dma_semaphore, #tpu.memory_space<semaphore_mem>>) src(%dma_wait3A_163 : memref<128x32xf32, #tpu.memory_space<vmem>>) dst(%dma_wait3A_159 : memref<128x32xf32, #tpu.memory_space<vmem_shared>>)
      tpu.yield
    }) : () -> ()
    %barrier3A = arith.constant 0 : index
    tpu.barrier barrier_id(%barrier3A)
    %dma_start3A = arith.constant 0 : i32
    %dma_start3A_34 = arith.constant 0 : i32
    %dma_start3A_35 = arith.constant 0 : i32
    %dma_start3A_36 = arith.constant 0 : i32
    %dma_start3A_37 = tpu.memref_slice %arg8[%dma_start3A_34, %dma_start3A_35, %dma_start3A_36] : memref<16x128x32xf32, #tpu.memory_space<vmem>> -> memref<1x128x32xf32, #tpu.memory_space<vmem>>
    %dma_start3A_38 = tpu.memref_squeeze %dma_start3A_37 : memref<1x128x32xf32, #tpu.memory_space<vmem>> -> memref<128x32xf32, #tpu.memory_space<vmem>>
    %dma_start3A_39 = arith.constant 0 : i32
    %dma_start3A_40 = tpu.memref_slice %arg6[%dma_start3A, %dma_start3A_39] : memref<80x128xi32, #tpu.memory_space<vmem>> -> memref<1x128xi32, #tpu.memory_space<vmem>>
    %dma_start3A_41 = tpu.memref_squeeze %dma_start3A_40 : memref<1x128xi32, #tpu.memory_space<vmem>> -> memref<128xi32, #tpu.memory_space<vmem>>
    %dma_start3A_42 = arith.constant 0 : i32
    %dma_start3A_43 = arith.constant 0 : i32
    %dma_start3A_44 = tpu.memref_slice %arg10[%dma_start3A_42, %dma_start3A_43] : memref<10240x32xf32, #tpu.memory_space<vmem_shared>> -> memref<10240x32xf32, #tpu.memory_space<vmem_shared>>
    tpu.enqueue_indirect_dma source(%dma_start3A_44 : memref<10240x32xf32, #tpu.memory_space<vmem_shared>>) target(%dma_start3A_38 : memref<128x32xf32, #tpu.memory_space<vmem>>) offsets(%dma_start3A_41 : memref<128xi32, #tpu.memory_space<vmem>>) semaphore(%arg11 : memref<!tpu.dma_semaphore, #tpu.memory_space<semaphore_mem>>)
    %dma_start3A_45 = arith.constant 1 : i32
    %dma_start3A_46 = arith.constant 1 : i32
    %dma_start3A_47 = arith.constant 0 : i32
    %dma_start3A_48 = arith.constant 0 : i32
    %dma_start3A_49 = tpu.memref_slice %arg8[%dma_start3A_46, %dma_start3A_47, %dma_start3A_48] : memref<16x128x32xf32, #tpu.memory_space<vmem>> -> memref<1x128x32xf32, #tpu.memory_space<vmem>>
    %dma_start3A_50 = tpu.memref_squeeze %dma_start3A_49 : memref<1x128x32xf32, #tpu.memory_space<vmem>> -> memref<128x32xf32, #tpu.memory_space<vmem>>
    %dma_start3A_51 = arith.constant 0 : i32
    %dma_start3A_52 = tpu.memref_slice %arg6[%dma_start3A_45, %dma_start3A_51] : memref<80x128xi32, #tpu.memory_space<vmem>> -> memref<1x128xi32, #tpu.memory_space<vmem>>
    %dma_start3A_53 = tpu.memref_squeeze %dma_start3A_52 : memref<1x128xi32, #tpu.memory_space<vmem>> -> memref<128xi32, #tpu.memory_space<vmem>>
    %dma_start3A_54 = arith.constant 0 : i32
    %dma_start3A_55 = arith.constant 0 : i32
    %dma_start3A_56 = tpu.memref_slice %arg10[%dma_start3A_54, %dma_start3A_55] : memref<10240x32xf32, #tpu.memory_space<vmem_shared>> -> memref<10240x32xf32, #tpu.memory_space<vmem_shared>>
    tpu.enqueue_indirect_dma source(%dma_start3A_56 : memref<10240x32xf32, #tpu.memory_space<vmem_shared>>) target(%dma_start3A_50 : memref<128x32xf32, #tpu.memory_space<vmem>>) offsets(%dma_start3A_53 : memref<128xi32, #tpu.memory_space<vmem>>) semaphore(%arg11 : memref<!tpu.dma_semaphore, #tpu.memory_space<semaphore_mem>>)
    %dma_start3A_57 = arith.constant 2 : i32
    %dma_start3A_58 = arith.constant 2 : i32
    %dma_start3A_59 = arith.constant 0 : i32
    %dma_start3A_60 = arith.constant 0 : i32
    %dma_start3A_61 = tpu.memref_slice %arg8[%dma_start3A_58, %dma_start3A_59, %dma_start3A_60] : memref<16x128x32xf32, #tpu.memory_space<vmem>> -> memref<1x128x32xf32, #tpu.memory_space<vmem>>
    %dma_start3A_62 = tpu.memref_squeeze %dma_start3A_61 : memref<1x128x32xf32, #tpu.memory_space<vmem>> -> memref<128x32xf32, #tpu.memory_space<vmem>>
    %dma_start3A_63 = arith.constant 0 : i32
    %dma_start3A_64 = tpu.memref_slice %arg6[%dma_start3A_57, %dma_start3A_63] : memref<80x128xi32, #tpu.memory_space<vmem>> -> memref<1x128xi32, #tpu.memory_space<vmem>>
    %dma_start3A_65 = tpu.memref_squeeze %dma_start3A_64 : memref<1x128xi32, #tpu.memory_space<vmem>> -> memref<128xi32, #tpu.memory_space<vmem>>
    %dma_start3A_66 = arith.constant 0 : i32
    %dma_start3A_67 = arith.constant 0 : i32
    %dma_start3A_68 = tpu.memref_slice %arg10[%dma_start3A_66, %dma_start3A_67] : memref<10240x32xf32, #tpu.memory_space<vmem_shared>> -> memref<10240x32xf32, #tpu.memory_space<vmem_shared>>
    tpu.enqueue_indirect_dma source(%dma_start3A_68 : memref<10240x32xf32, #tpu.memory_space<vmem_shared>>) target(%dma_start3A_62 : memref<128x32xf32, #tpu.memory_space<vmem>>) offsets(%dma_start3A_65 : memref<128xi32, #tpu.memory_space<vmem>>) semaphore(%arg11 : memref<!tpu.dma_semaphore, #tpu.memory_space<semaphore_mem>>)
    %dma_start3A_69 = arith.constant 3 : i32
    %dma_start3A_70 = arith.constant 3 : i32
    %dma_start3A_71 = arith.constant 0 : i32
    %dma_start3A_72 = arith.constant 0 : i32
    %dma_start3A_73 = tpu.memref_slice %arg8[%dma_start3A_70, %dma_start3A_71, %dma_start3A_72] : memref<16x128x32xf32, #tpu.memory_space<vmem>> -> memref<1x128x32xf32, #tpu.memory_space<vmem>>
    %dma_start3A_74 = tpu.memref_squeeze %dma_start3A_73 : memref<1x128x32xf32, #tpu.memory_space<vmem>> -> memref<128x32xf32, #tpu.memory_space<vmem>>
    %dma_start3A_75 = arith.constant 0 : i32
    %dma_start3A_76 = tpu.memref_slice %arg6[%dma_start3A_69, %dma_start3A_75] : memref<80x128xi32, #tpu.memory_space<vmem>> -> memref<1x128xi32, #tpu.memory_space<vmem>>
    %dma_start3A_77 = tpu.memref_squeeze %dma_start3A_76 : memref<1x128xi32, #tpu.memory_space<vmem>> -> memref<128xi32, #tpu.memory_space<vmem>>
    %dma_start3A_78 = arith.constant 0 : i32
    %dma_start3A_79 = arith.constant 0 : i32
    %dma_start3A_80 = tpu.memref_slice %arg10[%dma_start3A_78, %dma_start3A_79] : memref<10240x32xf32, #tpu.memory_space<vmem_shared>> -> memref<10240x32xf32, #tpu.memory_space<vmem_shared>>
    tpu.enqueue_indirect_dma source(%dma_start3A_80 : memref<10240x32xf32, #tpu.memory_space<vmem_shared>>) target(%dma_start3A_74 : memref<128x32xf32, #tpu.memory_space<vmem>>) offsets(%dma_start3A_77 : memref<128xi32, #tpu.memory_space<vmem>>) semaphore(%arg11 : memref<!tpu.dma_semaphore, #tpu.memory_space<semaphore_mem>>)
    %dma_start3A_81 = arith.constant 4 : i32
    %dma_start3A_82 = arith.constant 4 : i32
    %dma_start3A_83 = arith.constant 0 : i32
    %dma_start3A_84 = arith.constant 0 : i32
    %dma_start3A_85 = tpu.memref_slice %arg8[%dma_start3A_82, %dma_start3A_83, %dma_start3A_84] : memref<16x128x32xf32, #tpu.memory_space<vmem>> -> memref<1x128x32xf32, #tpu.memory_space<vmem>>
    %dma_start3A_86 = tpu.memref_squeeze %dma_start3A_85 : memref<1x128x32xf32, #tpu.memory_space<vmem>> -> memref<128x32xf32, #tpu.memory_space<vmem>>
    %dma_start3A_87 = arith.constant 0 : i32
    %dma_start3A_88 = tpu.memref_slice %arg6[%dma_start3A_81, %dma_start3A_87] : memref<80x128xi32, #tpu.memory_space<vmem>> -> memref<1x128xi32, #tpu.memory_space<vmem>>
    %dma_start3A_89 = tpu.memref_squeeze %dma_start3A_88 : memref<1x128xi32, #tpu.memory_space<vmem>> -> memref<128xi32, #tpu.memory_space<vmem>>
    %dma_start3A_90 = arith.constant 0 : i32
    %dma_start3A_91 = arith.constant 0 : i32
    %dma_start3A_92 = tpu.memref_slice %arg10[%dma_start3A_90, %dma_start3A_91] : memref<10240x32xf32, #tpu.memory_space<vmem_shared>> -> memref<10240x32xf32, #tpu.memory_space<vmem_shared>>
    tpu.enqueue_indirect_dma source(%dma_start3A_92 : memref<10240x32xf32, #tpu.memory_space<vmem_shared>>) target(%dma_start3A_86 : memref<128x32xf32, #tpu.memory_space<vmem>>) offsets(%dma_start3A_89 : memref<128xi32, #tpu.memory_space<vmem>>) semaphore(%arg11 : memref<!tpu.dma_semaphore, #tpu.memory_space<semaphore_mem>>)
    %dma_start3A_93 = arith.constant 5 : i32
    %dma_start3A_94 = arith.constant 5 : i32
    %dma_start3A_95 = arith.constant 0 : i32
    %dma_start3A_96 = arith.constant 0 : i32
    %dma_start3A_97 = tpu.memref_slice %arg8[%dma_start3A_94, %dma_start3A_95, %dma_start3A_96] : memref<16x128x32xf32, #tpu.memory_space<vmem>> -> memref<1x128x32xf32, #tpu.memory_space<vmem>>
    %dma_start3A_98 = tpu.memref_squeeze %dma_start3A_97 : memref<1x128x32xf32, #tpu.memory_space<vmem>> -> memref<128x32xf32, #tpu.memory_space<vmem>>
    %dma_start3A_99 = arith.constant 0 : i32
    %dma_start3A_100 = tpu.memref_slice %arg6[%dma_start3A_93, %dma_start3A_99] : memref<80x128xi32, #tpu.memory_space<vmem>> -> memref<1x128xi32, #tpu.memory_space<vmem>>
    %dma_start3A_101 = tpu.memref_squeeze %dma_start3A_100 : memref<1x128xi32, #tpu.memory_space<vmem>> -> memref<128xi32, #tpu.memory_space<vmem>>
    %dma_start3A_102 = arith.constant 0 : i32
    %dma_start3A_103 = arith.constant 0 : i32
    %dma_start3A_104 = tpu.memref_slice %arg10[%dma_start3A_102, %dma_start3A_103] : memref<10240x32xf32, #tpu.memory_space<vmem_shared>> -> memref<10240x32xf32, #tpu.memory_space<vmem_shared>>
    tpu.enqueue_indirect_dma source(%dma_start3A_104 : memref<10240x32xf32, #tpu.memory_space<vmem_shared>>) target(%dma_start3A_98 : memref<128x32xf32, #tpu.memory_space<vmem>>) offsets(%dma_start3A_101 : memref<128xi32, #tpu.memory_space<vmem>>) semaphore(%arg11 : memref<!tpu.dma_semaphore, #tpu.memory_space<semaphore_mem>>)
    %dma_start3A_105 = arith.constant 6 : i32
    %dma_start3A_106 = arith.constant 6 : i32
    %dma_start3A_107 = arith.constant 0 : i32
    %dma_start3A_108 = arith.constant 0 : i32
    %dma_start3A_109 = tpu.memref_slice %arg8[%dma_start3A_106, %dma_start3A_107, %dma_start3A_108] : memref<16x128x32xf32, #tpu.memory_space<vmem>> -> memref<1x128x32xf32, #tpu.memory_space<vmem>>
    %dma_start3A_110 = tpu.memref_squeeze %dma_start3A_109 : memref<1x128x32xf32, #tpu.memory_space<vmem>> -> memref<128x32xf32, #tpu.memory_space<vmem>>
    %dma_start3A_111 = arith.constant 0 : i32
    %dma_start3A_112 = tpu.memref_slice %arg6[%dma_start3A_105, %dma_start3A_111] : memref<80x128xi32, #tpu.memory_space<vmem>> -> memref<1x128xi32, #tpu.memory_space<vmem>>
    %dma_start3A_113 = tpu.memref_squeeze %dma_start3A_112 : memref<1x128xi32, #tpu.memory_space<vmem>> -> memref<128xi32, #tpu.memory_space<vmem>>
    %dma_start3A_114 = arith.constant 0 : i32
    %dma_start3A_115 = arith.constant 0 : i32
    %dma_start3A_116 = tpu.memref_slice %arg10[%dma_start3A_114, %dma_start3A_115] : memref<10240x32xf32, #tpu.memory_space<vmem_shared>> -> memref<10240x32xf32, #tpu.memory_space<vmem_shared>>
    tpu.enqueue_indirect_dma source(%dma_start3A_116 : memref<10240x32xf32, #tpu.memory_space<vmem_shared>>) target(%dma_start3A_110 : memref<128x32xf32, #tpu.memory_space<vmem>>) offsets(%dma_start3A_113 : memref<128xi32, #tpu.memory_space<vmem>>) semaphore(%arg11 : memref<!tpu.dma_semaphore, #tpu.memory_space<semaphore_mem>>)
    %dma_start3A_117 = arith.constant 7 : i32
    %dma_start3A_118 = arith.constant 7 : i32
    %dma_start3A_119 = arith.constant 0 : i32
    %dma_start3A_120 = arith.constant 0 : i32
    %dma_start3A_121 = tpu.memref_slice %arg8[%dma_start3A_118, %dma_start3A_119, %dma_start3A_120] : memref<16x128x32xf32, #tpu.memory_space<vmem>> -> memref<1x128x32xf32, #tpu.memory_space<vmem>>
    %dma_start3A_122 = tpu.memref_squeeze %dma_start3A_121 : memref<1x128x32xf32, #tpu.memory_space<vmem>> -> memref<128x32xf32, #tpu.memory_space<vmem>>
    %dma_start3A_123 = arith.constant 0 : i32
    %dma_start3A_124 = tpu.memref_slice %arg6[%dma_start3A_117, %dma_start3A_123] : memref<80x128xi32, #tpu.memory_space<vmem>> -> memref<1x128xi32, #tpu.memory_space<vmem>>
    %dma_start3A_125 = tpu.memref_squeeze %dma_start3A_124 : memref<1x128xi32, #tpu.memory_space<vmem>> -> memref<128xi32, #tpu.memory_space<vmem>>
    %dma_start3A_126 = arith.constant 0 : i32
    %dma_start3A_127 = arith.constant 0 : i32
    %dma_start3A_128 = tpu.memref_slice %arg10[%dma_start3A_126, %dma_start3A_127] : memref<10240x32xf32, #tpu.memory_space<vmem_shared>> -> memref<10240x32xf32, #tpu.memory_space<vmem_shared>>
    tpu.enqueue_indirect_dma source(%dma_start3A_128 : memref<10240x32xf32, #tpu.memory_space<vmem_shared>>) target(%dma_start3A_122 : memref<128x32xf32, #tpu.memory_space<vmem>>) offsets(%dma_start3A_125 : memref<128xi32, #tpu.memory_space<vmem>>) semaphore(%arg11 : memref<!tpu.dma_semaphore, #tpu.memory_space<semaphore_mem>>)
    %scan3A_129 = arith.constant 0 : i32
    %scan3A_130 = arith.constant 0 : i32
    %scan3A_131 = arith.constant 10 : i32
    %scan3A_132 = arith.addi %scan3A_130, %scan3A_131 : i32
    %scan3A_133 = arith.constant 1 : i32
    scf.for %scan3A_140 = %scan3A_130 to %scan3A_132 step %scan3A_133  : i32 {
      %mul3A_141 = arith.constant 8 : i32
      %mul3A_142 = arith.muli %scan3A_140, %mul3A_141 : i32
      %jit3A = arith.constant 2 : i32
      %eq3A = arith.constant 0 : i32
      %eq3A_143 = arith.cmpi eq, %jit3A, %eq3A : i32
      %jit3A_144 = arith.constant 1 : i32
      %select_n3A = arith.select %eq3A_143, %jit3A_144, %jit3A : i32
      %rem3A = arith.remsi %scan3A_140, %select_n3A : i32
      %ne3A = arith.constant 0 : i32
      %ne3A_145 = arith.cmpi ne, %rem3A, %ne3A : i32
      %lt3A = arith.constant 0 : i32
      %lt3A_146 = arith.cmpi slt, %rem3A, %lt3A : i32
      %lt3A_147 = arith.constant 0 : i32
      %lt3A_148 = arith.cmpi slt, %select_n3A, %lt3A_147 : i32
      %ne3A_149 = arith.xori %lt3A_146, %lt3A_148 : i1
      %and3A = arith.andi %ne3A_149, %ne3A_145 : i1
      %add3A_150 = arith.addi %rem3A, %select_n3A : i32
      %select_n3A_151 = arith.select %and3A, %add3A_150, %rem3A : i32
      %mul3A_152 = arith.constant 8 : i32
      %mul3A_153 = arith.muli %select_n3A_151, %mul3A_152 : i32
      %sub3A = arith.constant 8 : i32
      %sub3A_154 = arith.subi %sub3A, %mul3A_153 : i32
      %dma_wait3A = arith.constant 0 : i32
      %dma_wait3A_155 = arith.constant 0 : i32
      %dma_wait3A_156 = arith.constant 0 : i32
      %dma_wait3A_157 = tpu.memref_slice %arg8[%dma_wait3A, %dma_wait3A_155, %dma_wait3A_156] : memref<16x128x32xf32, #tpu.memory_space<vmem>> -> memref<1x128x32xf32, #tpu.memory_space<vmem>>
      %dma_wait3A_158 = tpu.memref_squeeze %dma_wait3A_157 : memref<1x128x32xf32, #tpu.memory_space<vmem>> -> memref<128x32xf32, #tpu.memory_space<vmem>>
      %dma_wait3A_159 = arith.constant 0 : i32
      %dma_wait3A_160 = arith.constant 0 : i32
      %dma_wait3A_161 = tpu.memref_slice %arg2[%dma_wait3A_159, %dma_wait3A_160] : memref<10240x32xf32, #tpu.memory_space<hbm>> -> memref<128x32xf32, #tpu.memory_space<hbm>>
      %dma_wait3A_162 = arith.constant 0 : i32
      %dma_wait3A_163 = arith.constant 0 : i32
      %dma_wait3A_164 = tpu.memref_slice %arg8[%dma_wait3A, %dma_wait3A_162, %dma_wait3A_163] : memref<16x128x32xf32, #tpu.memory_space<vmem>> -> memref<1x128x32xf32, #tpu.memory_space<vmem>>
      %dma_wait3A_165 = tpu.memref_squeeze %dma_wait3A_164 : memref<1x128x32xf32, #tpu.memory_space<vmem>> -> memref<128x32xf32, #tpu.memory_space<vmem>>
      %dma_wait3A_166 = arith.constant 0 : i32
      %dma_wait3A_167 = arith.constant 0 : i32
      %dma_wait3A_168 = tpu.memref_slice %arg2[%dma_wait3A_166, %dma_wait3A_167] : memref<10240x32xf32, #tpu.memory_space<hbm>> -> memref<128x32xf32, #tpu.memory_space<hbm>>
      tpu.wait_dma2 semaphore(%arg11 : memref<!tpu.dma_semaphore, #tpu.memory_space<semaphore_mem>>) src(%dma_wait3A_168 : memref<128x32xf32, #tpu.memory_space<hbm>>) dst(%dma_wait3A_165 : memref<128x32xf32, #tpu.memory_space<vmem>>)
      %dma_wait3A_169 = arith.constant 1 : i32
      %dma_wait3A_170 = arith.constant 0 : i32
      %dma_wait3A_171 = arith.constant 0 : i32
      %dma_wait3A_172 = tpu.memref_slice %arg8[%dma_wait3A_169, %dma_wait3A_170, %dma_wait3A_171] : memref<16x128x32xf32, #tpu.memory_space<vmem>> -> memref<1x128x32xf32, #tpu.memory_space<vmem>>
      %dma_wait3A_173 = tpu.memref_squeeze %dma_wait3A_172 : memref<1x128x32xf32, #tpu.memory_space<vmem>> -> memref<128x32xf32, #tpu.memory_space<vmem>>
      %dma_wait3A_174 = arith.constant 0 : i32
      %dma_wait3A_175 = arith.constant 0 : i32
      %dma_wait3A_176 = tpu.memref_slice %arg2[%dma_wait3A_174, %dma_wait3A_175] : memref<10240x32xf32, #tpu.memory_space<hbm>> -> memref<128x32xf32, #tpu.memory_space<hbm>>
      %dma_wait3A_177 = arith.constant 0 : i32
      %dma_wait3A_178 = arith.constant 0 : i32
      %dma_wait3A_179 = tpu.memref_slice %arg8[%dma_wait3A_169, %dma_wait3A_177, %dma_wait3A_178] : memref<16x128x32xf32, #tpu.memory_space<vmem>> -> memref<1x128x32xf32, #tpu.memory_space<vmem>>
      %dma_wait3A_180 = tpu.memref_squeeze %dma_wait3A_179 : memref<1x128x32xf32, #tpu.memory_space<vmem>> -> memref<128x32xf32, #tpu.memory_space<vmem>>
      %dma_wait3A_181 = arith.constant 0 : i32
      %dma_wait3A_182 = arith.constant 0 : i32
      %dma_wait3A_183 = tpu.memref_slice %arg2[%dma_wait3A_181, %dma_wait3A_182] : memref<10240x32xf32, #tpu.memory_space<hbm>> -> memref<128x32xf32, #tpu.memory_space<hbm>>
      tpu.wait_dma2 semaphore(%arg11 : memref<!tpu.dma_semaphore, #tpu.memory_space<semaphore_mem>>) src(%dma_wait3A_183 : memref<128x32xf32, #tpu.memory_space<hbm>>) dst(%dma_wait3A_180 : memref<128x32xf32, #tpu.memory_space<vmem>>)
      %dma_wait3A_184 = arith.constant 2 : i32
      %dma_wait3A_185 = arith.constant 0 : i32
      %dma_wait3A_186 = arith.constant 0 : i32
      %dma_wait3A_187 = tpu.memref_slice %arg8[%dma_wait3A_184, %dma_wait3A_185, %dma_wait3A_186] : memref<16x128x32xf32, #tpu.memory_space<vmem>> -> memref<1x128x32xf32, #tpu.memory_space<vmem>>
      %dma_wait3A_188 = tpu.memref_squeeze %dma_wait3A_187 : memref<1x128x32xf32, #tpu.memory_space<vmem>> -> memref<128x32xf32, #tpu.memory_space<vmem>>
      %dma_wait3A_189 = arith.constant 0 : i32
      %dma_wait3A_190 = arith.constant 0 : i32
      %dma_wait3A_191 = tpu.memref_slice %arg2[%dma_wait3A_189, %dma_wait3A_190] : memref<10240x32xf32, #tpu.memory_space<hbm>> -> memref<128x32xf32, #tpu.memory_space<hbm>>
      %dma_wait3A_192 = arith.constant 0 : i32
      %dma_wait3A_193 = arith.constant 0 : i32
      %dma_wait3A_194 = tpu.memref_slice %arg8[%dma_wait3A_184, %dma_wait3A_192, %dma_wait3A_193] : memref<16x128x32xf32, #tpu.memory_space<vmem>> -> memref<1x128x32xf32, #tpu.memory_space<vmem>>
      %dma_wait3A_195 = tpu.memref_squeeze %dma_wait3A_194 : memref<1x128x32xf32, #tpu.memory_space<vmem>> -> memref<128x32xf32, #tpu.memory_space<vmem>>
      %dma_wait3A_196 = arith.constant 0 : i32
      %dma_wait3A_197 = arith.constant 0 : i32
      %dma_wait3A_198 = tpu.memref_slice %arg2[%dma_wait3A_196, %dma_wait3A_197] : memref<10240x32xf32, #tpu.memory_space<hbm>> -> memref<128x32xf32, #tpu.memory_space<hbm>>
      tpu.wait_dma2 semaphore(%arg11 : memref<!tpu.dma_semaphore, #tpu.memory_space<semaphore_mem>>) src(%dma_wait3A_198 : memref<128x32xf32, #tpu.memory_space<hbm>>) dst(%dma_wait3A_195 : memref<128x32xf32, #tpu.memory_space<vmem>>)
      %dma_wait3A_199 = arith.constant 3 : i32
      %dma_wait3A_200 = arith.constant 0 : i32
      %dma_wait3A_201 = arith.constant 0 : i32
      %dma_wait3A_202 = tpu.memref_slice %arg8[%dma_wait3A_199, %dma_wait3A_200, %dma_wait3A_201] : memref<16x128x32xf32, #tpu.memory_space<vmem>> -> memref<1x128x32xf32, #tpu.memory_space<vmem>>
      %dma_wait3A_203 = tpu.memref_squeeze %dma_wait3A_202 : memref<1x128x32xf32, #tpu.memory_space<vmem>> -> memref<128x32xf32, #tpu.memory_space<vmem>>
      %dma_wait3A_204 = arith.constant 0 : i32
      %dma_wait3A_205 = arith.constant 0 : i32
      %dma_wait3A_206 = tpu.memref_slice %arg2[%dma_wait3A_204, %dma_wait3A_205] : memref<10240x32xf32, #tpu.memory_space<hbm>> -> memref<128x32xf32, #tpu.memory_space<hbm>>
      %dma_wait3A_207 = arith.constant 0 : i32
      %dma_wait3A_208 = arith.constant 0 : i32
      %dma_wait3A_209 = tpu.memref_slice %arg8[%dma_wait3A_199, %dma_wait3A_207, %dma_wait3A_208] : memref<16x128x32xf32, #tpu.memory_space<vmem>> -> memref<1x128x32xf32, #tpu.memory_space<vmem>>
      %dma_wait3A_210 = tpu.memref_squeeze %dma_wait3A_209 : memref<1x128x32xf32, #tpu.memory_space<vmem>> -> memref<128x32xf32, #tpu.memory_space<vmem>>
      %dma_wait3A_211 = arith.constant 0 : i32
      %dma_wait3A_212 = arith.constant 0 : i32
      %dma_wait3A_213 = tpu.memref_slice %arg2[%dma_wait3A_211, %dma_wait3A_212] : memref<10240x32xf32, #tpu.memory_space<hbm>> -> memref<128x32xf32, #tpu.memory_space<hbm>>
      tpu.wait_dma2 semaphore(%arg11 : memref<!tpu.dma_semaphore, #tpu.memory_space<semaphore_mem>>) src(%dma_wait3A_213 : memref<128x32xf32, #tpu.memory_space<hbm>>) dst(%dma_wait3A_210 : memref<128x32xf32, #tpu.memory_space<vmem>>)
      %dma_wait3A_214 = arith.constant 4 : i32
      %dma_wait3A_215 = arith.constant 0 : i32
      %dma_wait3A_216 = arith.constant 0 : i32
      %dma_wait3A_217 = tpu.memref_slice %arg8[%dma_wait3A_214, %dma_wait3A_215, %dma_wait3A_216] : memref<16x128x32xf32, #tpu.memory_space<vmem>> -> memref<1x128x32xf32, #tpu.memory_space<vmem>>
      %dma_wait3A_218 = tpu.memref_squeeze %dma_wait3A_217 : memref<1x128x32xf32, #tpu.memory_space<vmem>> -> memref<128x32xf32, #tpu.memory_space<vmem>>
      %dma_wait3A_219 = arith.constant 0 : i32
      %dma_wait3A_220 = arith.constant 0 : i32
      %dma_wait3A_221 = tpu.memref_slice %arg2[%dma_wait3A_219, %dma_wait3A_220] : memref<10240x32xf32, #tpu.memory_space<hbm>> -> memref<128x32xf32, #tpu.memory_space<hbm>>
      %dma_wait3A_222 = arith.constant 0 : i32
      %dma_wait3A_223 = arith.constant 0 : i32
      %dma_wait3A_224 = tpu.memref_slice %arg8[%dma_wait3A_214, %dma_wait3A_222, %dma_wait3A_223] : memref<16x128x32xf32, #tpu.memory_space<vmem>> -> memref<1x128x32xf32, #tpu.memory_space<vmem>>
      %dma_wait3A_225 = tpu.memref_squeeze %dma_wait3A_224 : memref<1x128x32xf32, #tpu.memory_space<vmem>> -> memref<128x32xf32, #tpu.memory_space<vmem>>
      %dma_wait3A_226 = arith.constant 0 : i32
      %dma_wait3A_227 = arith.constant 0 : i32
      %dma_wait3A_228 = tpu.memref_slice %arg2[%dma_wait3A_226, %dma_wait3A_227] : memref<10240x32xf32, #tpu.memory_space<hbm>> -> memref<128x32xf32, #tpu.memory_space<hbm>>
      tpu.wait_dma2 semaphore(%arg11 : memref<!tpu.dma_semaphore, #tpu.memory_space<semaphore_mem>>) src(%dma_wait3A_228 : memref<128x32xf32, #tpu.memory_space<hbm>>) dst(%dma_wait3A_225 : memref<128x32xf32, #tpu.memory_space<vmem>>)
      %dma_wait3A_229 = arith.constant 5 : i32
      %dma_wait3A_230 = arith.constant 0 : i32
      %dma_wait3A_231 = arith.constant 0 : i32
      %dma_wait3A_232 = tpu.memref_slice %arg8[%dma_wait3A_229, %dma_wait3A_230, %dma_wait3A_231] : memref<16x128x32xf32, #tpu.memory_space<vmem>> -> memref<1x128x32xf32, #tpu.memory_space<vmem>>
      %dma_wait3A_233 = tpu.memref_squeeze %dma_wait3A_232 : memref<1x128x32xf32, #tpu.memory_space<vmem>> -> memref<128x32xf32, #tpu.memory_space<vmem>>
      %dma_wait3A_234 = arith.constant 0 : i32
      %dma_wait3A_235 = arith.constant 0 : i32
      %dma_wait3A_236 = tpu.memref_slice %arg2[%dma_wait3A_234, %dma_wait3A_235] : memref<10240x32xf32, #tpu.memory_space<hbm>> -> memref<128x32xf32, #tpu.memory_space<hbm>>
      %dma_wait3A_237 = arith.constant 0 : i32
      %dma_wait3A_238 = arith.constant 0 : i32
      %dma_wait3A_239 = tpu.memref_slice %arg8[%dma_wait3A_229, %dma_wait3A_237, %dma_wait3A_238] : memref<16x128x32xf32, #tpu.memory_space<vmem>> -> memref<1x128x32xf32, #tpu.memory_space<vmem>>
      %dma_wait3A_240 = tpu.memref_squeeze %dma_wait3A_239 : memref<1x128x32xf32, #tpu.memory_space<vmem>> -> memref<128x32xf32, #tpu.memory_space<vmem>>
      %dma_wait3A_241 = arith.constant 0 : i32
      %dma_wait3A_242 = arith.constant 0 : i32
      %dma_wait3A_243 = tpu.memref_slice %arg2[%dma_wait3A_241, %dma_wait3A_242] : memref<10240x32xf32, #tpu.memory_space<hbm>> -> memref<128x32xf32, #tpu.memory_space<hbm>>
      tpu.wait_dma2 semaphore(%arg11 : memref<!tpu.dma_semaphore, #tpu.memory_space<semaphore_mem>>) src(%dma_wait3A_243 : memref<128x32xf32, #tpu.memory_space<hbm>>) dst(%dma_wait3A_240 : memref<128x32xf32, #tpu.memory_space<vmem>>)
      %dma_wait3A_244 = arith.constant 6 : i32
      %dma_wait3A_245 = arith.constant 0 : i32
      %dma_wait3A_246 = arith.constant 0 : i32
      %dma_wait3A_247 = tpu.memref_slice %arg8[%dma_wait3A_244, %dma_wait3A_245, %dma_wait3A_246] : memref<16x128x32xf32, #tpu.memory_space<vmem>> -> memref<1x128x32xf32, #tpu.memory_space<vmem>>
      %dma_wait3A_248 = tpu.memref_squeeze %dma_wait3A_247 : memref<1x128x32xf32, #tpu.memory_space<vmem>> -> memref<128x32xf32, #tpu.memory_space<vmem>>
      %dma_wait3A_249 = arith.constant 0 : i32
      %dma_wait3A_250 = arith.constant 0 : i32
      %dma_wait3A_251 = tpu.memref_slice %arg2[%dma_wait3A_249, %dma_wait3A_250] : memref<10240x32xf32, #tpu.memory_space<hbm>> -> memref<128x32xf32, #tpu.memory_space<hbm>>
      %dma_wait3A_252 = arith.constant 0 : i32
      %dma_wait3A_253 = arith.constant 0 : i32
      %dma_wait3A_254 = tpu.memref_slice %arg8[%dma_wait3A_244, %dma_wait3A_252, %dma_wait3A_253] : memref<16x128x32xf32, #tpu.memory_space<vmem>> -> memref<1x128x32xf32, #tpu.memory_space<vmem>>
      %dma_wait3A_255 = tpu.memref_squeeze %dma_wait3A_254 : memref<1x128x32xf32, #tpu.memory_space<vmem>> -> memref<128x32xf32, #tpu.memory_space<vmem>>
      %dma_wait3A_256 = arith.constant 0 : i32
      %dma_wait3A_257 = arith.constant 0 : i32
      %dma_wait3A_258 = tpu.memref_slice %arg2[%dma_wait3A_256, %dma_wait3A_257] : memref<10240x32xf32, #tpu.memory_space<hbm>> -> memref<128x32xf32, #tpu.memory_space<hbm>>
      tpu.wait_dma2 semaphore(%arg11 : memref<!tpu.dma_semaphore, #tpu.memory_space<semaphore_mem>>) src(%dma_wait3A_258 : memref<128x32xf32, #tpu.memory_space<hbm>>) dst(%dma_wait3A_255 : memref<128x32xf32, #tpu.memory_space<vmem>>)
      %dma_wait3A_259 = arith.constant 7 : i32
      %dma_wait3A_260 = arith.constant 0 : i32
      %dma_wait3A_261 = arith.constant 0 : i32
      %dma_wait3A_262 = tpu.memref_slice %arg8[%dma_wait3A_259, %dma_wait3A_260, %dma_wait3A_261] : memref<16x128x32xf32, #tpu.memory_space<vmem>> -> memref<1x128x32xf32, #tpu.memory_space<vmem>>
      %dma_wait3A_263 = tpu.memref_squeeze %dma_wait3A_262 : memref<1x128x32xf32, #tpu.memory_space<vmem>> -> memref<128x32xf32, #tpu.memory_space<vmem>>
      %dma_wait3A_264 = arith.constant 0 : i32
      %dma_wait3A_265 = arith.constant 0 : i32
      %dma_wait3A_266 = tpu.memref_slice %arg2[%dma_wait3A_264, %dma_wait3A_265] : memref<10240x32xf32, #tpu.memory_space<hbm>> -> memref<128x32xf32, #tpu.memory_space<hbm>>
      %dma_wait3A_267 = arith.constant 0 : i32
      %dma_wait3A_268 = arith.constant 0 : i32
      %dma_wait3A_269 = tpu.memref_slice %arg8[%dma_wait3A_259, %dma_wait3A_267, %dma_wait3A_268] : memref<16x128x32xf32, #tpu.memory_space<vmem>> -> memref<1x128x32xf32, #tpu.memory_space<vmem>>
      %dma_wait3A_270 = tpu.memref_squeeze %dma_wait3A_269 : memref<1x128x32xf32, #tpu.memory_space<vmem>> -> memref<128x32xf32, #tpu.memory_space<vmem>>
      %dma_wait3A_271 = arith.constant 0 : i32
      %dma_wait3A_272 = arith.constant 0 : i32
      %dma_wait3A_273 = tpu.memref_slice %arg2[%dma_wait3A_271, %dma_wait3A_272] : memref<10240x32xf32, #tpu.memory_space<hbm>> -> memref<128x32xf32, #tpu.memory_space<hbm>>
      tpu.wait_dma2 semaphore(%arg11 : memref<!tpu.dma_semaphore, #tpu.memory_space<semaphore_mem>>) src(%dma_wait3A_273 : memref<128x32xf32, #tpu.memory_space<hbm>>) dst(%dma_wait3A_270 : memref<128x32xf32, #tpu.memory_space<vmem>>)
      %add3A_274 = arith.constant 0 : i32
      %add3A_275 = arith.addi %mul3A_153, %add3A_274 : i32
      %add3A_276 = arith.constant 0 : i32
      %add3A_277 = arith.addi %mul3A_142, %add3A_276 : i32
      %dma_start3A_278 = arith.constant 0 : i32
      %dma_start3A_279 = arith.constant 0 : i32
      %dma_start3A_280 = tpu.memref_slice %arg8[%add3A_275, %dma_start3A_278, %dma_start3A_279] : memref<16x128x32xf32, #tpu.memory_space<vmem>> -> memref<1x128x32xf32, #tpu.memory_space<vmem>>
      %dma_start3A_281 = tpu.memref_squeeze %dma_start3A_280 : memref<1x128x32xf32, #tpu.memory_space<vmem>> -> memref<128x32xf32, #tpu.memory_space<vmem>>
      %dma_start3A_282 = arith.constant 0 : i32
      %dma_start3A_283 = tpu.memref_slice %arg7[%add3A_277, %dma_start3A_282] : memref<80x128xi32, #tpu.memory_space<vmem>> -> memref<1x128xi32, #tpu.memory_space<vmem>>
      %dma_start3A_284 = tpu.memref_squeeze %dma_start3A_283 : memref<1x128xi32, #tpu.memory_space<vmem>> -> memref<128xi32, #tpu.memory_space<vmem>>
      %dma_start3A_285 = arith.constant 0 : i32
      %dma_start3A_286 = arith.constant 0 : i32
      %dma_start3A_287 = tpu.memref_slice %arg9[%dma_start3A_285, %dma_start3A_286] : memref<10240x32xf32, #tpu.memory_space<vmem_shared>> -> memref<10240x32xf32, #tpu.memory_space<vmem_shared>>
      tpu.enqueue_indirect_dma source(%dma_start3A_281 : memref<128x32xf32, #tpu.memory_space<vmem>>) target(%dma_start3A_287 : memref<10240x32xf32, #tpu.memory_space<vmem_shared>>) offsets(%dma_start3A_284 : memref<128xi32, #tpu.memory_space<vmem>>) semaphore(%arg12 : memref<!tpu.dma_semaphore, #tpu.memory_space<semaphore_mem>>) {add = true}
      %add3A_288 = arith.constant 1 : i32
      %add3A_289 = arith.addi %mul3A_153, %add3A_288 : i32
      %add3A_290 = arith.constant 1 : i32
      %add3A_291 = arith.addi %mul3A_142, %add3A_290 : i32
      %dma_start3A_292 = arith.constant 0 : i32
      %dma_start3A_293 = arith.constant 0 : i32
      %dma_start3A_294 = tpu.memref_slice %arg8[%add3A_289, %dma_start3A_292, %dma_start3A_293] : memref<16x128x32xf32, #tpu.memory_space<vmem>> -> memref<1x128x32xf32, #tpu.memory_space<vmem>>
      %dma_start3A_295 = tpu.memref_squeeze %dma_start3A_294 : memref<1x128x32xf32, #tpu.memory_space<vmem>> -> memref<128x32xf32, #tpu.memory_space<vmem>>
      %dma_start3A_296 = arith.constant 0 : i32
      %dma_start3A_297 = tpu.memref_slice %arg7[%add3A_291, %dma_start3A_296] : memref<80x128xi32, #tpu.memory_space<vmem>> -> memref<1x128xi32, #tpu.memory_space<vmem>>
      %dma_start3A_298 = tpu.memref_squeeze %dma_start3A_297 : memref<1x128xi32, #tpu.memory_space<vmem>> -> memref<128xi32, #tpu.memory_space<vmem>>
      %dma_start3A_299 = arith.constant 0 : i32
      %dma_start3A_300 = arith.constant 0 : i32
      %dma_start3A_301 = tpu.memref_slice %arg9[%dma_start3A_299, %dma_start3A_300] : memref<10240x32xf32, #tpu.memory_space<vmem_shared>> -> memref<10240x32xf32, #tpu.memory_space<vmem_shared>>
      tpu.enqueue_indirect_dma source(%dma_start3A_295 : memref<128x32xf32, #tpu.memory_space<vmem>>) target(%dma_start3A_301 : memref<10240x32xf32, #tpu.memory_space<vmem_shared>>) offsets(%dma_start3A_298 : memref<128xi32, #tpu.memory_space<vmem>>) semaphore(%arg12 : memref<!tpu.dma_semaphore, #tpu.memory_space<semaphore_mem>>) {add = true}
      %add3A_302 = arith.constant 2 : i32
      %add3A_303 = arith.addi %mul3A_153, %add3A_302 : i32
      %add3A_304 = arith.constant 2 : i32
      %add3A_305 = arith.addi %mul3A_142, %add3A_304 : i32
      %dma_start3A_306 = arith.constant 0 : i32
      %dma_start3A_307 = arith.constant 0 : i32
      %dma_start3A_308 = tpu.memref_slice %arg8[%add3A_303, %dma_start3A_306, %dma_start3A_307] : memref<16x128x32xf32, #tpu.memory_space<vmem>> -> memref<1x128x32xf32, #tpu.memory_space<vmem>>
      %dma_start3A_309 = tpu.memref_squeeze %dma_start3A_308 : memref<1x128x32xf32, #tpu.memory_space<vmem>> -> memref<128x32xf32, #tpu.memory_space<vmem>>
      %dma_start3A_310 = arith.constant 0 : i32
      %dma_start3A_311 = tpu.memref_slice %arg7[%add3A_305, %dma_start3A_310] : memref<80x128xi32, #tpu.memory_space<vmem>> -> memref<1x128xi32, #tpu.memory_space<vmem>>
      %dma_start3A_312 = tpu.memref_squeeze %dma_start3A_311 : memref<1x128xi32, #tpu.memory_space<vmem>> -> memref<128xi32, #tpu.memory_space<vmem>>
      %dma_start3A_313 = arith.constant 0 : i32
      %dma_start3A_314 = arith.constant 0 : i32
      %dma_start3A_315 = tpu.memref_slice %arg9[%dma_start3A_313, %dma_start3A_314] : memref<10240x32xf32, #tpu.memory_space<vmem_shared>> -> memref<10240x32xf32, #tpu.memory_space<vmem_shared>>
      tpu.enqueue_indirect_dma source(%dma_start3A_309 : memref<128x32xf32, #tpu.memory_space<vmem>>) target(%dma_start3A_315 : memref<10240x32xf32, #tpu.memory_space<vmem_shared>>) offsets(%dma_start3A_312 : memref<128xi32, #tpu.memory_space<vmem>>) semaphore(%arg12 : memref<!tpu.dma_semaphore, #tpu.memory_space<semaphore_mem>>) {add = true}
      %add3A_316 = arith.constant 3 : i32
      %add3A_317 = arith.addi %mul3A_153, %add3A_316 : i32
      %add3A_318 = arith.constant 3 : i32
      %add3A_319 = arith.addi %mul3A_142, %add3A_318 : i32
      %dma_start3A_320 = arith.constant 0 : i32
      %dma_start3A_321 = arith.constant 0 : i32
      %dma_start3A_322 = tpu.memref_slice %arg8[%add3A_317, %dma_start3A_320, %dma_start3A_321] : memref<16x128x32xf32, #tpu.memory_space<vmem>> -> memref<1x128x32xf32, #tpu.memory_space<vmem>>
      %dma_start3A_323 = tpu.memref_squeeze %dma_start3A_322 : memref<1x128x32xf32, #tpu.memory_space<vmem>> -> memref<128x32xf32, #tpu.memory_space<vmem>>
      %dma_start3A_324 = arith.constant 0 : i32
      %dma_start3A_325 = tpu.memref_slice %arg7[%add3A_319, %dma_start3A_324] : memref<80x128xi32, #tpu.memory_space<vmem>> -> memref<1x128xi32, #tpu.memory_space<vmem>>
      %dma_start3A_326 = tpu.memref_squeeze %dma_start3A_325 : memref<1x128xi32, #tpu.memory_space<vmem>> -> memref<128xi32, #tpu.memory_space<vmem>>
      %dma_start3A_327 = arith.constant 0 : i32
      %dma_start3A_328 = arith.constant 0 : i32
      %dma_start3A_329 = tpu.memref_slice %arg9[%dma_start3A_327, %dma_start3A_328] : memref<10240x32xf32, #tpu.memory_space<vmem_shared>> -> memref<10240x32xf32, #tpu.memory_space<vmem_shared>>
      tpu.enqueue_indirect_dma source(%dma_start3A_323 : memref<128x32xf32, #tpu.memory_space<vmem>>) target(%dma_start3A_329 : memref<10240x32xf32, #tpu.memory_space<vmem_shared>>) offsets(%dma_start3A_326 : memref<128xi32, #tpu.memory_space<vmem>>) semaphore(%arg12 : memref<!tpu.dma_semaphore, #tpu.memory_space<semaphore_mem>>) {add = true}
      %add3A_330 = arith.constant 4 : i32
      %add3A_331 = arith.addi %mul3A_153, %add3A_330 : i32
      %add3A_332 = arith.constant 4 : i32
      %add3A_333 = arith.addi %mul3A_142, %add3A_332 : i32
      %dma_start3A_334 = arith.constant 0 : i32
      %dma_start3A_335 = arith.constant 0 : i32
      %dma_start3A_336 = tpu.memref_slice %arg8[%add3A_331, %dma_start3A_334, %dma_start3A_335] : memref<16x128x32xf32, #tpu.memory_space<vmem>> -> memref<1x128x32xf32, #tpu.memory_space<vmem>>
      %dma_start3A_337 = tpu.memref_squeeze %dma_start3A_336 : memref<1x128x32xf32, #tpu.memory_space<vmem>> -> memref<128x32xf32, #tpu.memory_space<vmem>>
      %dma_start3A_338 = arith.constant 0 : i32
      %dma_start3A_339 = tpu.memref_slice %arg7[%add3A_333, %dma_start3A_338] : memref<80x128xi32, #tpu.memory_space<vmem>> -> memref<1x128xi32, #tpu.memory_space<vmem>>
      %dma_start3A_340 = tpu.memref_squeeze %dma_start3A_339 : memref<1x128xi32, #tpu.memory_space<vmem>> -> memref<128xi32, #tpu.memory_space<vmem>>
      %dma_start3A_341 = arith.constant 0 : i32
      %dma_start3A_342 = arith.constant 0 : i32
      %dma_start3A_343 = tpu.memref_slice %arg9[%dma_start3A_341, %dma_start3A_342] : memref<10240x32xf32, #tpu.memory_space<vmem_shared>> -> memref<10240x32xf32, #tpu.memory_space<vmem_shared>>
      tpu.enqueue_indirect_dma source(%dma_start3A_337 : memref<128x32xf32, #tpu.memory_space<vmem>>) target(%dma_start3A_343 : memref<10240x32xf32, #tpu.memory_space<vmem_shared>>) offsets(%dma_start3A_340 : memref<128xi32, #tpu.memory_space<vmem>>) semaphore(%arg12 : memref<!tpu.dma_semaphore, #tpu.memory_space<semaphore_mem>>) {add = true}
      %add3A_344 = arith.constant 5 : i32
      %add3A_345 = arith.addi %mul3A_153, %add3A_344 : i32
      %add3A_346 = arith.constant 5 : i32
      %add3A_347 = arith.addi %mul3A_142, %add3A_346 : i32
      %dma_start3A_348 = arith.constant 0 : i32
      %dma_start3A_349 = arith.constant 0 : i32
      %dma_start3A_350 = tpu.memref_slice %arg8[%add3A_345, %dma_start3A_348, %dma_start3A_349] : memref<16x128x32xf32, #tpu.memory_space<vmem>> -> memref<1x128x32xf32, #tpu.memory_space<vmem>>
      %dma_start3A_351 = tpu.memref_squeeze %dma_start3A_350 : memref<1x128x32xf32, #tpu.memory_space<vmem>> -> memref<128x32xf32, #tpu.memory_space<vmem>>
      %dma_start3A_352 = arith.constant 0 : i32
      %dma_start3A_353 = tpu.memref_slice %arg7[%add3A_347, %dma_start3A_352] : memref<80x128xi32, #tpu.memory_space<vmem>> -> memref<1x128xi32, #tpu.memory_space<vmem>>
      %dma_start3A_354 = tpu.memref_squeeze %dma_start3A_353 : memref<1x128xi32, #tpu.memory_space<vmem>> -> memref<128xi32, #tpu.memory_space<vmem>>
      %dma_start3A_355 = arith.constant 0 : i32
      %dma_start3A_356 = arith.constant 0 : i32
      %dma_start3A_357 = tpu.memref_slice %arg9[%dma_start3A_355, %dma_start3A_356] : memref<10240x32xf32, #tpu.memory_space<vmem_shared>> -> memref<10240x32xf32, #tpu.memory_space<vmem_shared>>
      tpu.enqueue_indirect_dma source(%dma_start3A_351 : memref<128x32xf32, #tpu.memory_space<vmem>>) target(%dma_start3A_357 : memref<10240x32xf32, #tpu.memory_space<vmem_shared>>) offsets(%dma_start3A_354 : memref<128xi32, #tpu.memory_space<vmem>>) semaphore(%arg12 : memref<!tpu.dma_semaphore, #tpu.memory_space<semaphore_mem>>) {add = true}
      %add3A_358 = arith.constant 6 : i32
      %add3A_359 = arith.addi %mul3A_153, %add3A_358 : i32
      %add3A_360 = arith.constant 6 : i32
      %add3A_361 = arith.addi %mul3A_142, %add3A_360 : i32
      %dma_start3A_362 = arith.constant 0 : i32
      %dma_start3A_363 = arith.constant 0 : i32
      %dma_start3A_364 = tpu.memref_slice %arg8[%add3A_359, %dma_start3A_362, %dma_start3A_363] : memref<16x128x32xf32, #tpu.memory_space<vmem>> -> memref<1x128x32xf32, #tpu.memory_space<vmem>>
      %dma_start3A_365 = tpu.memref_squeeze %dma_start3A_364 : memref<1x128x32xf32, #tpu.memory_space<vmem>> -> memref<128x32xf32, #tpu.memory_space<vmem>>
      %dma_start3A_366 = arith.constant 0 : i32
      %dma_start3A_367 = tpu.memref_slice %arg7[%add3A_361, %dma_start3A_366] : memref<80x128xi32, #tpu.memory_space<vmem>> -> memref<1x128xi32, #tpu.memory_space<vmem>>
      %dma_start3A_368 = tpu.memref_squeeze %dma_start3A_367 : memref<1x128xi32, #tpu.memory_space<vmem>> -> memref<128xi32, #tpu.memory_space<vmem>>
      %dma_start3A_369 = arith.constant 0 : i32
      %dma_start3A_370 = arith.constant 0 : i32
      %dma_start3A_371 = tpu.memref_slice %arg9[%dma_start3A_369, %dma_start3A_370] : memref<10240x32xf32, #tpu.memory_space<vmem_shared>> -> memref<10240x32xf32, #tpu.memory_space<vmem_shared>>
      tpu.enqueue_indirect_dma source(%dma_start3A_365 : memref<128x32xf32, #tpu.memory_space<vmem>>) target(%dma_start3A_371 : memref<10240x32xf32, #tpu.memory_space<vmem_shared>>) offsets(%dma_start3A_368 : memref<128xi32, #tpu.memory_space<vmem>>) semaphore(%arg12 : memref<!tpu.dma_semaphore, #tpu.memory_space<semaphore_mem>>) {add = true}
      %add3A_372 = arith.constant 7 : i32
      %add3A_373 = arith.addi %mul3A_153, %add3A_372 : i32
      %add3A_374 = arith.constant 7 : i32
      %add3A_375 = arith.addi %mul3A_142, %add3A_374 : i32
      %dma_start3A_376 = arith.constant 0 : i32
      %dma_start3A_377 = arith.constant 0 : i32
      %dma_start3A_378 = tpu.memref_slice %arg8[%add3A_373, %dma_start3A_376, %dma_start3A_377] : memref<16x128x32xf32, #tpu.memory_space<vmem>> -> memref<1x128x32xf32, #tpu.memory_space<vmem>>
      %dma_start3A_379 = tpu.memref_squeeze %dma_start3A_378 : memref<1x128x32xf32, #tpu.memory_space<vmem>> -> memref<128x32xf32, #tpu.memory_space<vmem>>
      %dma_start3A_380 = arith.constant 0 : i32
      %dma_start3A_381 = tpu.memref_slice %arg7[%add3A_375, %dma_start3A_380] : memref<80x128xi32, #tpu.memory_space<vmem>> -> memref<1x128xi32, #tpu.memory_space<vmem>>
      %dma_start3A_382 = tpu.memref_squeeze %dma_start3A_381 : memref<1x128xi32, #tpu.memory_space<vmem>> -> memref<128xi32, #tpu.memory_space<vmem>>
      %dma_start3A_383 = arith.constant 0 : i32
      %dma_start3A_384 = arith.constant 0 : i32
      %dma_start3A_385 = tpu.memref_slice %arg9[%dma_start3A_383, %dma_start3A_384] : memref<10240x32xf32, #tpu.memory_space<vmem_shared>> -> memref<10240x32xf32, #tpu.memory_space<vmem_shared>>
      tpu.enqueue_indirect_dma source(%dma_start3A_379 : memref<128x32xf32, #tpu.memory_space<vmem>>) target(%dma_start3A_385 : memref<10240x32xf32, #tpu.memory_space<vmem_shared>>) offsets(%dma_start3A_382 : memref<128xi32, #tpu.memory_space<vmem>>) semaphore(%arg12 : memref<!tpu.dma_semaphore, #tpu.memory_space<semaphore_mem>>) {add = true}
      %lt3A_386 = arith.constant 9 : i32
      %lt3A_387 = arith.cmpi slt, %scan3A_140, %lt3A_386 : i32
      %convert_element_type3A = arith.extui %lt3A_387 : i1 to i32
      %cond3A = arith.constant 0 : i32
      %cond3A_388 = arith.cmpi ne, %convert_element_type3A, %cond3A : i32
      scf.if %cond3A_388 {
        %add3A_509 = arith.constant 8 : i32
        %add3A_510 = arith.addi %mul3A_142, %add3A_509 : i32
        %add3A_511 = arith.constant 0 : i32
        %add3A_512 = arith.addi %add3A_510, %add3A_511 : i32
        %add3A_513 = arith.constant 0 : i32
        %add3A_514 = arith.addi %sub3A_154, %add3A_513 : i32
        %dma_start3A_515 = arith.constant 0 : i32
        %dma_start3A_516 = arith.constant 0 : i32
        %dma_start3A_517 = tpu.memref_slice %arg8[%add3A_514, %dma_start3A_515, %dma_start3A_516] : memref<16x128x32xf32, #tpu.memory_space<vmem>> -> memref<1x128x32xf32, #tpu.memory_space<vmem>>
        %dma_start3A_518 = tpu.memref_squeeze %dma_start3A_517 : memref<1x128x32xf32, #tpu.memory_space<vmem>> -> memref<128x32xf32, #tpu.memory_space<vmem>>
        %dma_start3A_519 = arith.constant 0 : i32
        %dma_start3A_520 = tpu.memref_slice %arg6[%add3A_512, %dma_start3A_519] : memref<80x128xi32, #tpu.memory_space<vmem>> -> memref<1x128xi32, #tpu.memory_space<vmem>>
        %dma_start3A_521 = tpu.memref_squeeze %dma_start3A_520 : memref<1x128xi32, #tpu.memory_space<vmem>> -> memref<128xi32, #tpu.memory_space<vmem>>
        %dma_start3A_522 = arith.constant 0 : i32
        %dma_start3A_523 = arith.constant 0 : i32
        %dma_start3A_524 = tpu.memref_slice %arg10[%dma_start3A_522, %dma_start3A_523] : memref<10240x32xf32, #tpu.memory_space<vmem_shared>> -> memref<10240x32xf32, #tpu.memory_space<vmem_shared>>
        tpu.enqueue_indirect_dma source(%dma_start3A_524 : memref<10240x32xf32, #tpu.memory_space<vmem_shared>>) target(%dma_start3A_518 : memref<128x32xf32, #tpu.memory_space<vmem>>) offsets(%dma_start3A_521 : memref<128xi32, #tpu.memory_space<vmem>>) semaphore(%arg11 : memref<!tpu.dma_semaphore, #tpu.memory_space<semaphore_mem>>)
        %add3A_525 = arith.constant 8 : i32
        %add3A_526 = arith.addi %mul3A_142, %add3A_525 : i32
        %add3A_527 = arith.constant 1 : i32
        %add3A_528 = arith.addi %add3A_526, %add3A_527 : i32
        %add3A_529 = arith.constant 1 : i32
        %add3A_530 = arith.addi %sub3A_154, %add3A_529 : i32
        %dma_start3A_531 = arith.constant 0 : i32
        %dma_start3A_532 = arith.constant 0 : i32
        %dma_start3A_533 = tpu.memref_slice %arg8[%add3A_530, %dma_start3A_531, %dma_start3A_532] : memref<16x128x32xf32, #tpu.memory_space<vmem>> -> memref<1x128x32xf32, #tpu.memory_space<vmem>>
        %dma_start3A_534 = tpu.memref_squeeze %dma_start3A_533 : memref<1x128x32xf32, #tpu.memory_space<vmem>> -> memref<128x32xf32, #tpu.memory_space<vmem>>
        %dma_start3A_535 = arith.constant 0 : i32
        %dma_start3A_536 = tpu.memref_slice %arg6[%add3A_528, %dma_start3A_535] : memref<80x128xi32, #tpu.memory_space<vmem>> -> memref<1x128xi32, #tpu.memory_space<vmem>>
        %dma_start3A_537 = tpu.memref_squeeze %dma_start3A_536 : memref<1x128xi32, #tpu.memory_space<vmem>> -> memref<128xi32, #tpu.memory_space<vmem>>
        %dma_start3A_538 = arith.constant 0 : i32
        %dma_start3A_539 = arith.constant 0 : i32
        %dma_start3A_540 = tpu.memref_slice %arg10[%dma_start3A_538, %dma_start3A_539] : memref<10240x32xf32, #tpu.memory_space<vmem_shared>> -> memref<10240x32xf32, #tpu.memory_space<vmem_shared>>
        tpu.enqueue_indirect_dma source(%dma_start3A_540 : memref<10240x32xf32, #tpu.memory_space<vmem_shared>>) target(%dma_start3A_534 : memref<128x32xf32, #tpu.memory_space<vmem>>) offsets(%dma_start3A_537 : memref<128xi32, #tpu.memory_space<vmem>>) semaphore(%arg11 : memref<!tpu.dma_semaphore, #tpu.memory_space<semaphore_mem>>)
        %add3A_541 = arith.constant 8 : i32
        %add3A_542 = arith.addi %mul3A_142, %add3A_541 : i32
        %add3A_543 = arith.constant 2 : i32
        %add3A_544 = arith.addi %add3A_542, %add3A_543 : i32
        %add3A_545 = arith.constant 2 : i32
        %add3A_546 = arith.addi %sub3A_154, %add3A_545 : i32
        %dma_start3A_547 = arith.constant 0 : i32
        %dma_start3A_548 = arith.constant 0 : i32
        %dma_start3A_549 = tpu.memref_slice %arg8[%add3A_546, %dma_start3A_547, %dma_start3A_548] : memref<16x128x32xf32, #tpu.memory_space<vmem>> -> memref<1x128x32xf32, #tpu.memory_space<vmem>>
        %dma_start3A_550 = tpu.memref_squeeze %dma_start3A_549 : memref<1x128x32xf32, #tpu.memory_space<vmem>> -> memref<128x32xf32, #tpu.memory_space<vmem>>
        %dma_start3A_551 = arith.constant 0 : i32
        %dma_start3A_552 = tpu.memref_slice %arg6[%add3A_544, %dma_start3A_551] : memref<80x128xi32, #tpu.memory_space<vmem>> -> memref<1x128xi32, #tpu.memory_space<vmem>>
        %dma_start3A_553 = tpu.memref_squeeze %dma_start3A_552 : memref<1x128xi32, #tpu.memory_space<vmem>> -> memref<128xi32, #tpu.memory_space<vmem>>
        %dma_start3A_554 = arith.constant 0 : i32
        %dma_start3A_555 = arith.constant 0 : i32
        %dma_start3A_556 = tpu.memref_slice %arg10[%dma_start3A_554, %dma_start3A_555] : memref<10240x32xf32, #tpu.memory_space<vmem_shared>> -> memref<10240x32xf32, #tpu.memory_space<vmem_shared>>
        tpu.enqueue_indirect_dma source(%dma_start3A_556 : memref<10240x32xf32, #tpu.memory_space<vmem_shared>>) target(%dma_start3A_550 : memref<128x32xf32, #tpu.memory_space<vmem>>) offsets(%dma_start3A_553 : memref<128xi32, #tpu.memory_space<vmem>>) semaphore(%arg11 : memref<!tpu.dma_semaphore, #tpu.memory_space<semaphore_mem>>)
        %add3A_557 = arith.constant 8 : i32
        %add3A_558 = arith.addi %mul3A_142, %add3A_557 : i32
        %add3A_559 = arith.constant 3 : i32
        %add3A_560 = arith.addi %add3A_558, %add3A_559 : i32
        %add3A_561 = arith.constant 3 : i32
        %add3A_562 = arith.addi %sub3A_154, %add3A_561 : i32
        %dma_start3A_563 = arith.constant 0 : i32
        %dma_start3A_564 = arith.constant 0 : i32
        %dma_start3A_565 = tpu.memref_slice %arg8[%add3A_562, %dma_start3A_563, %dma_start3A_564] : memref<16x128x32xf32, #tpu.memory_space<vmem>> -> memref<1x128x32xf32, #tpu.memory_space<vmem>>
        %dma_start3A_566 = tpu.memref_squeeze %dma_start3A_565 : memref<1x128x32xf32, #tpu.memory_space<vmem>> -> memref<128x32xf32, #tpu.memory_space<vmem>>
        %dma_start3A_567 = arith.constant 0 : i32
        %dma_start3A_568 = tpu.memref_slice %arg6[%add3A_560, %dma_start3A_567] : memref<80x128xi32, #tpu.memory_space<vmem>> -> memref<1x128xi32, #tpu.memory_space<vmem>>
        %dma_start3A_569 = tpu.memref_squeeze %dma_start3A_568 : memref<1x128xi32, #tpu.memory_space<vmem>> -> memref<128xi32, #tpu.memory_space<vmem>>
        %dma_start3A_570 = arith.constant 0 : i32
        %dma_start3A_571 = arith.constant 0 : i32
        %dma_start3A_572 = tpu.memref_slice %arg10[%dma_start3A_570, %dma_start3A_571] : memref<10240x32xf32, #tpu.memory_space<vmem_shared>> -> memref<10240x32xf32, #tpu.memory_space<vmem_shared>>
        tpu.enqueue_indirect_dma source(%dma_start3A_572 : memref<10240x32xf32, #tpu.memory_space<vmem_shared>>) target(%dma_start3A_566 : memref<128x32xf32, #tpu.memory_space<vmem>>) offsets(%dma_start3A_569 : memref<128xi32, #tpu.memory_space<vmem>>) semaphore(%arg11 : memref<!tpu.dma_semaphore, #tpu.memory_space<semaphore_mem>>)
        %add3A_573 = arith.constant 8 : i32
        %add3A_574 = arith.addi %mul3A_142, %add3A_573 : i32
        %add3A_575 = arith.constant 4 : i32
        %add3A_576 = arith.addi %add3A_574, %add3A_575 : i32
        %add3A_577 = arith.constant 4 : i32
        %add3A_578 = arith.addi %sub3A_154, %add3A_577 : i32
        %dma_start3A_579 = arith.constant 0 : i32
        %dma_start3A_580 = arith.constant 0 : i32
        %dma_start3A_581 = tpu.memref_slice %arg8[%add3A_578, %dma_start3A_579, %dma_start3A_580] : memref<16x128x32xf32, #tpu.memory_space<vmem>> -> memref<1x128x32xf32, #tpu.memory_space<vmem>>
        %dma_start3A_582 = tpu.memref_squeeze %dma_start3A_581 : memref<1x128x32xf32, #tpu.memory_space<vmem>> -> memref<128x32xf32, #tpu.memory_space<vmem>>
        %dma_start3A_583 = arith.constant 0 : i32
        %dma_start3A_584 = tpu.memref_slice %arg6[%add3A_576, %dma_start3A_583] : memref<80x128xi32, #tpu.memory_space<vmem>> -> memref<1x128xi32, #tpu.memory_space<vmem>>
        %dma_start3A_585 = tpu.memref_squeeze %dma_start3A_584 : memref<1x128xi32, #tpu.memory_space<vmem>> -> memref<128xi32, #tpu.memory_space<vmem>>
        %dma_start3A_586 = arith.constant 0 : i32
        %dma_start3A_587 = arith.constant 0 : i32
        %dma_start3A_588 = tpu.memref_slice %arg10[%dma_start3A_586, %dma_start3A_587] : memref<10240x32xf32, #tpu.memory_space<vmem_shared>> -> memref<10240x32xf32, #tpu.memory_space<vmem_shared>>
        tpu.enqueue_indirect_dma source(%dma_start3A_588 : memref<10240x32xf32, #tpu.memory_space<vmem_shared>>) target(%dma_start3A_582 : memref<128x32xf32, #tpu.memory_space<vmem>>) offsets(%dma_start3A_585 : memref<128xi32, #tpu.memory_space<vmem>>) semaphore(%arg11 : memref<!tpu.dma_semaphore, #tpu.memory_space<semaphore_mem>>)
        %add3A_589 = arith.constant 8 : i32
        %add3A_590 = arith.addi %mul3A_142, %add3A_589 : i32
        %add3A_591 = arith.constant 5 : i32
        %add3A_592 = arith.addi %add3A_590, %add3A_591 : i32
        %add3A_593 = arith.constant 5 : i32
        %add3A_594 = arith.addi %sub3A_154, %add3A_593 : i32
        %dma_start3A_595 = arith.constant 0 : i32
        %dma_start3A_596 = arith.constant 0 : i32
        %dma_start3A_597 = tpu.memref_slice %arg8[%add3A_594, %dma_start3A_595, %dma_start3A_596] : memref<16x128x32xf32, #tpu.memory_space<vmem>> -> memref<1x128x32xf32, #tpu.memory_space<vmem>>
        %dma_start3A_598 = tpu.memref_squeeze %dma_start3A_597 : memref<1x128x32xf32, #tpu.memory_space<vmem>> -> memref<128x32xf32, #tpu.memory_space<vmem>>
        %dma_start3A_599 = arith.constant 0 : i32
        %dma_start3A_600 = tpu.memref_slice %arg6[%add3A_592, %dma_start3A_599] : memref<80x128xi32, #tpu.memory_space<vmem>> -> memref<1x128xi32, #tpu.memory_space<vmem>>
        %dma_start3A_601 = tpu.memref_squeeze %dma_start3A_600 : memref<1x128xi32, #tpu.memory_space<vmem>> -> memref<128xi32, #tpu.memory_space<vmem>>
        %dma_start3A_602 = arith.constant 0 : i32
        %dma_start3A_603 = arith.constant 0 : i32
        %dma_start3A_604 = tpu.memref_slice %arg10[%dma_start3A_602, %dma_start3A_603] : memref<10240x32xf32, #tpu.memory_space<vmem_shared>> -> memref<10240x32xf32, #tpu.memory_space<vmem_shared>>
        tpu.enqueue_indirect_dma source(%dma_start3A_604 : memref<10240x32xf32, #tpu.memory_space<vmem_shared>>) target(%dma_start3A_598 : memref<128x32xf32, #tpu.memory_space<vmem>>) offsets(%dma_start3A_601 : memref<128xi32, #tpu.memory_space<vmem>>) semaphore(%arg11 : memref<!tpu.dma_semaphore, #tpu.memory_space<semaphore_mem>>)
        %add3A_605 = arith.constant 8 : i32
        %add3A_606 = arith.addi %mul3A_142, %add3A_605 : i32
        %add3A_607 = arith.constant 6 : i32
        %add3A_608 = arith.addi %add3A_606, %add3A_607 : i32
        %add3A_609 = arith.constant 6 : i32
        %add3A_610 = arith.addi %sub3A_154, %add3A_609 : i32
        %dma_start3A_611 = arith.constant 0 : i32
        %dma_start3A_612 = arith.constant 0 : i32
        %dma_start3A_613 = tpu.memref_slice %arg8[%add3A_610, %dma_start3A_611, %dma_start3A_612] : memref<16x128x32xf32, #tpu.memory_space<vmem>> -> memref<1x128x32xf32, #tpu.memory_space<vmem>>
        %dma_start3A_614 = tpu.memref_squeeze %dma_start3A_613 : memref<1x128x32xf32, #tpu.memory_space<vmem>> -> memref<128x32xf32, #tpu.memory_space<vmem>>
        %dma_start3A_615 = arith.constant 0 : i32
        %dma_start3A_616 = tpu.memref_slice %arg6[%add3A_608, %dma_start3A_615] : memref<80x128xi32, #tpu.memory_space<vmem>> -> memref<1x128xi32, #tpu.memory_space<vmem>>
        %dma_start3A_617 = tpu.memref_squeeze %dma_start3A_616 : memref<1x128xi32, #tpu.memory_space<vmem>> -> memref<128xi32, #tpu.memory_space<vmem>>
        %dma_start3A_618 = arith.constant 0 : i32
        %dma_start3A_619 = arith.constant 0 : i32
        %dma_start3A_620 = tpu.memref_slice %arg10[%dma_start3A_618, %dma_start3A_619] : memref<10240x32xf32, #tpu.memory_space<vmem_shared>> -> memref<10240x32xf32, #tpu.memory_space<vmem_shared>>
        tpu.enqueue_indirect_dma source(%dma_start3A_620 : memref<10240x32xf32, #tpu.memory_space<vmem_shared>>) target(%dma_start3A_614 : memref<128x32xf32, #tpu.memory_space<vmem>>) offsets(%dma_start3A_617 : memref<128xi32, #tpu.memory_space<vmem>>) semaphore(%arg11 : memref<!tpu.dma_semaphore, #tpu.memory_space<semaphore_mem>>)
        %add3A_621 = arith.constant 8 : i32
        %add3A_622 = arith.addi %mul3A_142, %add3A_621 : i32
        %add3A_623 = arith.constant 7 : i32
        %add3A_624 = arith.addi %add3A_622, %add3A_623 : i32
        %add3A_625 = arith.constant 7 : i32
        %add3A_626 = arith.addi %sub3A_154, %add3A_625 : i32
        %dma_start3A_627 = arith.constant 0 : i32
        %dma_start3A_628 = arith.constant 0 : i32
        %dma_start3A_629 = tpu.memref_slice %arg8[%add3A_626, %dma_start3A_627, %dma_start3A_628] : memref<16x128x32xf32, #tpu.memory_space<vmem>> -> memref<1x128x32xf32, #tpu.memory_space<vmem>>
        %dma_start3A_630 = tpu.memref_squeeze %dma_start3A_629 : memref<1x128x32xf32, #tpu.memory_space<vmem>> -> memref<128x32xf32, #tpu.memory_space<vmem>>
        %dma_start3A_631 = arith.constant 0 : i32
        %dma_start3A_632 = tpu.memref_slice %arg6[%add3A_624, %dma_start3A_631] : memref<80x128xi32, #tpu.memory_space<vmem>> -> memref<1x128xi32, #tpu.memory_space<vmem>>
        %dma_start3A_633 = tpu.memref_squeeze %dma_start3A_632 : memref<1x128xi32, #tpu.memory_space<vmem>> -> memref<128xi32, #tpu.memory_space<vmem>>
        %dma_start3A_634 = arith.constant 0 : i32
        %dma_start3A_635 = arith.constant 0 : i32
        %dma_start3A_636 = tpu.memref_slice %arg10[%dma_start3A_634, %dma_start3A_635] : memref<10240x32xf32, #tpu.memory_space<vmem_shared>> -> memref<10240x32xf32, #tpu.memory_space<vmem_shared>>
        tpu.enqueue_indirect_dma source(%dma_start3A_636 : memref<10240x32xf32, #tpu.memory_space<vmem_shared>>) target(%dma_start3A_630 : memref<128x32xf32, #tpu.memory_space<vmem>>) offsets(%dma_start3A_633 : memref<128xi32, #tpu.memory_space<vmem>>) semaphore(%arg11 : memref<!tpu.dma_semaphore, #tpu.memory_space<semaphore_mem>>)
      } else {
      }
      %dma_wait3A_389 = arith.constant 0 : i32
      %dma_wait3A_390 = arith.constant 0 : i32
      %dma_wait3A_391 = arith.constant 0 : i32
      %dma_wait3A_392 = tpu.memref_slice %arg8[%dma_wait3A_389, %dma_wait3A_390, %dma_wait3A_391] : memref<16x128x32xf32, #tpu.memory_space<vmem>> -> memref<1x128x32xf32, #tpu.memory_space<vmem>>
      %dma_wait3A_393 = tpu.memref_squeeze %dma_wait3A_392 : memref<1x128x32xf32, #tpu.memory_space<vmem>> -> memref<128x32xf32, #tpu.memory_space<vmem>>
      %dma_wait3A_394 = arith.constant 0 : i32
      %dma_wait3A_395 = arith.constant 0 : i32
      %dma_wait3A_396 = tpu.memref_slice %arg9[%dma_wait3A_394, %dma_wait3A_395] : memref<10240x32xf32, #tpu.memory_space<vmem_shared>> -> memref<128x32xf32, #tpu.memory_space<vmem_shared>>
      %dma_wait3A_397 = arith.constant 0 : i32
      %dma_wait3A_398 = arith.constant 0 : i32
      %dma_wait3A_399 = tpu.memref_slice %arg9[%dma_wait3A_397, %dma_wait3A_398] : memref<10240x32xf32, #tpu.memory_space<vmem_shared>> -> memref<128x32xf32, #tpu.memory_space<vmem_shared>>
      %dma_wait3A_400 = arith.constant 0 : i32
      %dma_wait3A_401 = arith.constant 0 : i32
      %dma_wait3A_402 = tpu.memref_slice %arg8[%dma_wait3A_389, %dma_wait3A_400, %dma_wait3A_401] : memref<16x128x32xf32, #tpu.memory_space<vmem>> -> memref<1x128x32xf32, #tpu.memory_space<vmem>>
      %dma_wait3A_403 = tpu.memref_squeeze %dma_wait3A_402 : memref<1x128x32xf32, #tpu.memory_space<vmem>> -> memref<128x32xf32, #tpu.memory_space<vmem>>
      tpu.wait_dma2 semaphore(%arg12 : memref<!tpu.dma_semaphore, #tpu.memory_space<semaphore_mem>>) src(%dma_wait3A_403 : memref<128x32xf32, #tpu.memory_space<vmem>>) dst(%dma_wait3A_399 : memref<128x32xf32, #tpu.memory_space<vmem_shared>>)
      %dma_wait3A_404 = arith.constant 1 : i32
      %dma_wait3A_405 = arith.constant 0 : i32
      %dma_wait3A_406 = arith.constant 0 : i32
      %dma_wait3A_407 = tpu.memref_slice %arg8[%dma_wait3A_404, %dma_wait3A_405, %dma_wait3A_406] : memref<16x128x32xf32, #tpu.memory_space<vmem>> -> memref<1x128x32xf32, #tpu.memory_space<vmem>>
      %dma_wait3A_408 = tpu.memref_squeeze %dma_wait3A_407 : memref<1x128x32xf32, #tpu.memory_space<vmem>> -> memref<128x32xf32, #tpu.memory_space<vmem>>
      %dma_wait3A_409 = arith.constant 0 : i32
      %dma_wait3A_410 = arith.constant 0 : i32
      %dma_wait3A_411 = tpu.memref_slice %arg9[%dma_wait3A_409, %dma_wait3A_410] : memref<10240x32xf32, #tpu.memory_space<vmem_shared>> -> memref<128x32xf32, #tpu.memory_space<vmem_shared>>
      %dma_wait3A_412 = arith.constant 0 : i32
      %dma_wait3A_413 = arith.constant 0 : i32
      %dma_wait3A_414 = tpu.memref_slice %arg9[%dma_wait3A_412, %dma_wait3A_413] : memref<10240x32xf32, #tpu.memory_space<vmem_shared>> -> memref<128x32xf32, #tpu.memory_space<vmem_shared>>
      %dma_wait3A_415 = arith.constant 0 : i32
      %dma_wait3A_416 = arith.constant 0 : i32
      %dma_wait3A_417 = tpu.memref_slice %arg8[%dma_wait3A_404, %dma_wait3A_415, %dma_wait3A_416] : memref<16x128x32xf32, #tpu.memory_space<vmem>> -> memref<1x128x32xf32, #tpu.memory_space<vmem>>
      %dma_wait3A_418 = tpu.memref_squeeze %dma_wait3A_417 : memref<1x128x32xf32, #tpu.memory_space<vmem>> -> memref<128x32xf32, #tpu.memory_space<vmem>>
      tpu.wait_dma2 semaphore(%arg12 : memref<!tpu.dma_semaphore, #tpu.memory_space<semaphore_mem>>) src(%dma_wait3A_418 : memref<128x32xf32, #tpu.memory_space<vmem>>) dst(%dma_wait3A_414 : memref<128x32xf32, #tpu.memory_space<vmem_shared>>)
      %dma_wait3A_419 = arith.constant 2 : i32
      %dma_wait3A_420 = arith.constant 0 : i32
      %dma_wait3A_421 = arith.constant 0 : i32
      %dma_wait3A_422 = tpu.memref_slice %arg8[%dma_wait3A_419, %dma_wait3A_420, %dma_wait3A_421] : memref<16x128x32xf32, #tpu.memory_space<vmem>> -> memref<1x128x32xf32, #tpu.memory_space<vmem>>
      %dma_wait3A_423 = tpu.memref_squeeze %dma_wait3A_422 : memref<1x128x32xf32, #tpu.memory_space<vmem>> -> memref<128x32xf32, #tpu.memory_space<vmem>>
      %dma_wait3A_424 = arith.constant 0 : i32
      %dma_wait3A_425 = arith.constant 0 : i32
      %dma_wait3A_426 = tpu.memref_slice %arg9[%dma_wait3A_424, %dma_wait3A_425] : memref<10240x32xf32, #tpu.memory_space<vmem_shared>> -> memref<128x32xf32, #tpu.memory_space<vmem_shared>>
      %dma_wait3A_427 = arith.constant 0 : i32
      %dma_wait3A_428 = arith.constant 0 : i32
      %dma_wait3A_429 = tpu.memref_slice %arg9[%dma_wait3A_427, %dma_wait3A_428] : memref<10240x32xf32, #tpu.memory_space<vmem_shared>> -> memref<128x32xf32, #tpu.memory_space<vmem_shared>>
      %dma_wait3A_430 = arith.constant 0 : i32
      %dma_wait3A_431 = arith.constant 0 : i32
      %dma_wait3A_432 = tpu.memref_slice %arg8[%dma_wait3A_419, %dma_wait3A_430, %dma_wait3A_431] : memref<16x128x32xf32, #tpu.memory_space<vmem>> -> memref<1x128x32xf32, #tpu.memory_space<vmem>>
      %dma_wait3A_433 = tpu.memref_squeeze %dma_wait3A_432 : memref<1x128x32xf32, #tpu.memory_space<vmem>> -> memref<128x32xf32, #tpu.memory_space<vmem>>
      tpu.wait_dma2 semaphore(%arg12 : memref<!tpu.dma_semaphore, #tpu.memory_space<semaphore_mem>>) src(%dma_wait3A_433 : memref<128x32xf32, #tpu.memory_space<vmem>>) dst(%dma_wait3A_429 : memref<128x32xf32, #tpu.memory_space<vmem_shared>>)
      %dma_wait3A_434 = arith.constant 3 : i32
      %dma_wait3A_435 = arith.constant 0 : i32
      %dma_wait3A_436 = arith.constant 0 : i32
      %dma_wait3A_437 = tpu.memref_slice %arg8[%dma_wait3A_434, %dma_wait3A_435, %dma_wait3A_436] : memref<16x128x32xf32, #tpu.memory_space<vmem>> -> memref<1x128x32xf32, #tpu.memory_space<vmem>>
      %dma_wait3A_438 = tpu.memref_squeeze %dma_wait3A_437 : memref<1x128x32xf32, #tpu.memory_space<vmem>> -> memref<128x32xf32, #tpu.memory_space<vmem>>
      %dma_wait3A_439 = arith.constant 0 : i32
      %dma_wait3A_440 = arith.constant 0 : i32
      %dma_wait3A_441 = tpu.memref_slice %arg9[%dma_wait3A_439, %dma_wait3A_440] : memref<10240x32xf32, #tpu.memory_space<vmem_shared>> -> memref<128x32xf32, #tpu.memory_space<vmem_shared>>
      %dma_wait3A_442 = arith.constant 0 : i32
      %dma_wait3A_443 = arith.constant 0 : i32
      %dma_wait3A_444 = tpu.memref_slice %arg9[%dma_wait3A_442, %dma_wait3A_443] : memref<10240x32xf32, #tpu.memory_space<vmem_shared>> -> memref<128x32xf32, #tpu.memory_space<vmem_shared>>
      %dma_wait3A_445 = arith.constant 0 : i32
      %dma_wait3A_446 = arith.constant 0 : i32
      %dma_wait3A_447 = tpu.memref_slice %arg8[%dma_wait3A_434, %dma_wait3A_445, %dma_wait3A_446] : memref<16x128x32xf32, #tpu.memory_space<vmem>> -> memref<1x128x32xf32, #tpu.memory_space<vmem>>
      %dma_wait3A_448 = tpu.memref_squeeze %dma_wait3A_447 : memref<1x128x32xf32, #tpu.memory_space<vmem>> -> memref<128x32xf32, #tpu.memory_space<vmem>>
      tpu.wait_dma2 semaphore(%arg12 : memref<!tpu.dma_semaphore, #tpu.memory_space<semaphore_mem>>) src(%dma_wait3A_448 : memref<128x32xf32, #tpu.memory_space<vmem>>) dst(%dma_wait3A_444 : memref<128x32xf32, #tpu.memory_space<vmem_shared>>)
      %dma_wait3A_449 = arith.constant 4 : i32
      %dma_wait3A_450 = arith.constant 0 : i32
      %dma_wait3A_451 = arith.constant 0 : i32
      %dma_wait3A_452 = tpu.memref_slice %arg8[%dma_wait3A_449, %dma_wait3A_450, %dma_wait3A_451] : memref<16x128x32xf32, #tpu.memory_space<vmem>> -> memref<1x128x32xf32, #tpu.memory_space<vmem>>
      %dma_wait3A_453 = tpu.memref_squeeze %dma_wait3A_452 : memref<1x128x32xf32, #tpu.memory_space<vmem>> -> memref<128x32xf32, #tpu.memory_space<vmem>>
      %dma_wait3A_454 = arith.constant 0 : i32
      %dma_wait3A_455 = arith.constant 0 : i32
      %dma_wait3A_456 = tpu.memref_slice %arg9[%dma_wait3A_454, %dma_wait3A_455] : memref<10240x32xf32, #tpu.memory_space<vmem_shared>> -> memref<128x32xf32, #tpu.memory_space<vmem_shared>>
      %dma_wait3A_457 = arith.constant 0 : i32
      %dma_wait3A_458 = arith.constant 0 : i32
      %dma_wait3A_459 = tpu.memref_slice %arg9[%dma_wait3A_457, %dma_wait3A_458] : memref<10240x32xf32, #tpu.memory_space<vmem_shared>> -> memref<128x32xf32, #tpu.memory_space<vmem_shared>>
      %dma_wait3A_460 = arith.constant 0 : i32
      %dma_wait3A_461 = arith.constant 0 : i32
      %dma_wait3A_462 = tpu.memref_slice %arg8[%dma_wait3A_449, %dma_wait3A_460, %dma_wait3A_461] : memref<16x128x32xf32, #tpu.memory_space<vmem>> -> memref<1x128x32xf32, #tpu.memory_space<vmem>>
      %dma_wait3A_463 = tpu.memref_squeeze %dma_wait3A_462 : memref<1x128x32xf32, #tpu.memory_space<vmem>> -> memref<128x32xf32, #tpu.memory_space<vmem>>
      tpu.wait_dma2 semaphore(%arg12 : memref<!tpu.dma_semaphore, #tpu.memory_space<semaphore_mem>>) src(%dma_wait3A_463 : memref<128x32xf32, #tpu.memory_space<vmem>>) dst(%dma_wait3A_459 : memref<128x32xf32, #tpu.memory_space<vmem_shared>>)
      %dma_wait3A_464 = arith.constant 5 : i32
      %dma_wait3A_465 = arith.constant 0 : i32
      %dma_wait3A_466 = arith.constant 0 : i32
      %dma_wait3A_467 = tpu.memref_slice %arg8[%dma_wait3A_464, %dma_wait3A_465, %dma_wait3A_466] : memref<16x128x32xf32, #tpu.memory_space<vmem>> -> memref<1x128x32xf32, #tpu.memory_space<vmem>>
      %dma_wait3A_468 = tpu.memref_squeeze %dma_wait3A_467 : memref<1x128x32xf32, #tpu.memory_space<vmem>> -> memref<128x32xf32, #tpu.memory_space<vmem>>
      %dma_wait3A_469 = arith.constant 0 : i32
      %dma_wait3A_470 = arith.constant 0 : i32
      %dma_wait3A_471 = tpu.memref_slice %arg9[%dma_wait3A_469, %dma_wait3A_470] : memref<10240x32xf32, #tpu.memory_space<vmem_shared>> -> memref<128x32xf32, #tpu.memory_space<vmem_shared>>
      %dma_wait3A_472 = arith.constant 0 : i32
      %dma_wait3A_473 = arith.constant 0 : i32
      %dma_wait3A_474 = tpu.memref_slice %arg9[%dma_wait3A_472, %dma_wait3A_473] : memref<10240x32xf32, #tpu.memory_space<vmem_shared>> -> memref<128x32xf32, #tpu.memory_space<vmem_shared>>
      %dma_wait3A_475 = arith.constant 0 : i32
      %dma_wait3A_476 = arith.constant 0 : i32
      %dma_wait3A_477 = tpu.memref_slice %arg8[%dma_wait3A_464, %dma_wait3A_475, %dma_wait3A_476] : memref<16x128x32xf32, #tpu.memory_space<vmem>> -> memref<1x128x32xf32, #tpu.memory_space<vmem>>
      %dma_wait3A_478 = tpu.memref_squeeze %dma_wait3A_477 : memref<1x128x32xf32, #tpu.memory_space<vmem>> -> memref<128x32xf32, #tpu.memory_space<vmem>>
      tpu.wait_dma2 semaphore(%arg12 : memref<!tpu.dma_semaphore, #tpu.memory_space<semaphore_mem>>) src(%dma_wait3A_478 : memref<128x32xf32, #tpu.memory_space<vmem>>) dst(%dma_wait3A_474 : memref<128x32xf32, #tpu.memory_space<vmem_shared>>)
      %dma_wait3A_479 = arith.constant 6 : i32
      %dma_wait3A_480 = arith.constant 0 : i32
      %dma_wait3A_481 = arith.constant 0 : i32
      %dma_wait3A_482 = tpu.memref_slice %arg8[%dma_wait3A_479, %dma_wait3A_480, %dma_wait3A_481] : memref<16x128x32xf32, #tpu.memory_space<vmem>> -> memref<1x128x32xf32, #tpu.memory_space<vmem>>
      %dma_wait3A_483 = tpu.memref_squeeze %dma_wait3A_482 : memref<1x128x32xf32, #tpu.memory_space<vmem>> -> memref<128x32xf32, #tpu.memory_space<vmem>>
      %dma_wait3A_484 = arith.constant 0 : i32
      %dma_wait3A_485 = arith.constant 0 : i32
      %dma_wait3A_486 = tpu.memref_slice %arg9[%dma_wait3A_484, %dma_wait3A_485] : memref<10240x32xf32, #tpu.memory_space<vmem_shared>> -> memref<128x32xf32, #tpu.memory_space<vmem_shared>>
      %dma_wait3A_487 = arith.constant 0 : i32
      %dma_wait3A_488 = arith.constant 0 : i32
      %dma_wait3A_489 = tpu.memref_slice %arg9[%dma_wait3A_487, %dma_wait3A_488] : memref<10240x32xf32, #tpu.memory_space<vmem_shared>> -> memref<128x32xf32, #tpu.memory_space<vmem_shared>>
      %dma_wait3A_490 = arith.constant 0 : i32
      %dma_wait3A_491 = arith.constant 0 : i32
      %dma_wait3A_492 = tpu.memref_slice %arg8[%dma_wait3A_479, %dma_wait3A_490, %dma_wait3A_491] : memref<16x128x32xf32, #tpu.memory_space<vmem>> -> memref<1x128x32xf32, #tpu.memory_space<vmem>>
      %dma_wait3A_493 = tpu.memref_squeeze %dma_wait3A_492 : memref<1x128x32xf32, #tpu.memory_space<vmem>> -> memref<128x32xf32, #tpu.memory_space<vmem>>
      tpu.wait_dma2 semaphore(%arg12 : memref<!tpu.dma_semaphore, #tpu.memory_space<semaphore_mem>>) src(%dma_wait3A_493 : memref<128x32xf32, #tpu.memory_space<vmem>>) dst(%dma_wait3A_489 : memref<128x32xf32, #tpu.memory_space<vmem_shared>>)
      %dma_wait3A_494 = arith.constant 7 : i32
      %dma_wait3A_495 = arith.constant 0 : i32
      %dma_wait3A_496 = arith.constant 0 : i32
      %dma_wait3A_497 = tpu.memref_slice %arg8[%dma_wait3A_494, %dma_wait3A_495, %dma_wait3A_496] : memref<16x128x32xf32, #tpu.memory_space<vmem>> -> memref<1x128x32xf32, #tpu.memory_space<vmem>>
      %dma_wait3A_498 = tpu.memref_squeeze %dma_wait3A_497 : memref<1x128x32xf32, #tpu.memory_space<vmem>> -> memref<128x32xf32, #tpu.memory_space<vmem>>
      %dma_wait3A_499 = arith.constant 0 : i32
      %dma_wait3A_500 = arith.constant 0 : i32
      %dma_wait3A_501 = tpu.memref_slice %arg9[%dma_wait3A_499, %dma_wait3A_500] : memref<10240x32xf32, #tpu.memory_space<vmem_shared>> -> memref<128x32xf32, #tpu.memory_space<vmem_shared>>
      %dma_wait3A_502 = arith.constant 0 : i32
      %dma_wait3A_503 = arith.constant 0 : i32
      %dma_wait3A_504 = tpu.memref_slice %arg9[%dma_wait3A_502, %dma_wait3A_503] : memref<10240x32xf32, #tpu.memory_space<vmem_shared>> -> memref<128x32xf32, #tpu.memory_space<vmem_shared>>
      %dma_wait3A_505 = arith.constant 0 : i32
      %dma_wait3A_506 = arith.constant 0 : i32
      %dma_wait3A_507 = tpu.memref_slice %arg8[%dma_wait3A_494, %dma_wait3A_505, %dma_wait3A_506] : memref<16x128x32xf32, #tpu.memory_space<vmem>> -> memref<1x128x32xf32, #tpu.memory_space<vmem>>
      %dma_wait3A_508 = tpu.memref_squeeze %dma_wait3A_507 : memref<1x128x32xf32, #tpu.memory_space<vmem>> -> memref<128x32xf32, #tpu.memory_space<vmem>>
      tpu.wait_dma2 semaphore(%arg12 : memref<!tpu.dma_semaphore, #tpu.memory_space<semaphore_mem>>) src(%dma_wait3A_508 : memref<128x32xf32, #tpu.memory_space<vmem>>) dst(%dma_wait3A_504 : memref<128x32xf32, #tpu.memory_space<vmem_shared>>)
    }
    %scan3A_134 = arith.constant 10 : i32
    %barrier3A_135 = arith.constant 0 : index
    tpu.barrier barrier_id(%barrier3A_135)
    %mul3A_136 = arith.constant 640 : i32
    %mul3A_137 = arith.muli %arg1, %mul3A_136 : i32
    %mul3A_138 = arith.constant 640 : i32
    %mul3A_139 = arith.muli %arg1, %mul3A_138 : i32
    "tpu.region"() ({
      %run_scoped3A_140 = tpu.sem_alloc : memref<!tpu.dma_semaphore, #tpu.memory_space<semaphore_mem>>
      %dma_start3A_141 = arith.constant 0 : i32
      %dma_start3A_142 = tpu.memref_slice %arg5[%arg0, %mul3A_139, %dma_start3A_141] : memref<2x10240x32xf32, #tpu.memory_space<hbm>> -> memref<1x640x32xf32, #tpu.memory_space<hbm>>
      %dma_start3A_143 = tpu.memref_squeeze %dma_start3A_142 : memref<1x640x32xf32, #tpu.memory_space<hbm>> -> memref<640x32xf32, #tpu.memory_space<hbm>>
      %dma_start3A_144 = arith.constant 0 : i32
      %dma_start3A_145 = tpu.memref_slice %arg9[%mul3A_137, %dma_start3A_144] : memref<10240x32xf32, #tpu.memory_space<vmem_shared>> -> memref<640x32xf32, #tpu.memory_space<vmem_shared>>
      tpu.enqueue_dma source(%dma_start3A_145 : memref<640x32xf32, #tpu.memory_space<vmem_shared>>) target(%dma_start3A_143 : memref<640x32xf32, #tpu.memory_space<hbm>>) target_semaphore(%run_scoped3A_140 : memref<!tpu.dma_semaphore, #tpu.memory_space<semaphore_mem>>)
      %dma_wait3A = arith.constant 0 : i32
      %dma_wait3A_146 = tpu.memref_slice %arg5[%arg0, %mul3A_139, %dma_wait3A] : memref<2x10240x32xf32, #tpu.memory_space<hbm>> -> memref<1x640x32xf32, #tpu.memory_space<hbm>>
      %dma_wait3A_147 = tpu.memref_squeeze %dma_wait3A_146 : memref<1x640x32xf32, #tpu.memory_space<hbm>> -> memref<640x32xf32, #tpu.memory_space<hbm>>
      %dma_wait3A_148 = arith.constant 0 : i32
      %dma_wait3A_149 = tpu.memref_slice %arg9[%mul3A_137, %dma_wait3A_148] : memref<10240x32xf32, #tpu.memory_space<vmem_shared>> -> memref<640x32xf32, #tpu.memory_space<vmem_shared>>
      tpu.wait_dma2 semaphore(%run_scoped3A_140 : memref<!tpu.dma_semaphore, #tpu.memory_space<semaphore_mem>>) src(%dma_wait3A_149 : memref<640x32xf32, #tpu.memory_space<vmem_shared>>) dst(%dma_wait3A_147 : memref<640x32xf32, #tpu.memory_space<hbm>>)
      tpu.yield
    }) : () -> ()
    return
  }
}

#map = affine_map<(d0, d1) -> (0, 0)>
#map1 = affine_map<(d0, d1) -> (0, 0, 0)>
module attributes {stable_mosaic.version = 14 : i64} {
  func.func @_agg_sc(%arg0: i32, %arg1: i32, %arg2: memref<10240x32xf32, #tpu.memory_space<hbm>>, %arg3: memref<32x80x128xi32, #tpu.memory_space<hbm>>, %arg4: memref<32x80x128xi32, #tpu.memory_space<hbm>>, %arg5: memref<2x10240x32xf32, #tpu.memory_space<hbm>>, %arg6: memref<80x128xi32, #tpu.memory_space<vmem>>, %arg7: memref<80x128xi32, #tpu.memory_space<vmem>>, %arg8: memref<16x128x32xf32, #tpu.memory_space<vmem>>, %arg9: memref<10240x32xf32, #tpu.memory_space<vmem_shared>>, %arg10: memref<10240x32xf32, #tpu.memory_space<vmem_shared>>, %arg11: memref<!tpu.dma_semaphore, #tpu.memory_space<semaphore_mem>>, %arg12: memref<!tpu.dma_semaphore, #tpu.memory_space<semaphore_mem>>) attributes {dimension_semantics = [#tpu.dimension_semantics<core_parallel>, #tpu.dimension_semantics<subcore_parallel>], iteration_bounds = array<i64: 2, 16>, scalar_prefetch = 0 : i64, scratch_operands = 7 : i64, tpu.core_type = #tpu.core_type<sc_vector_subcore>, window_params = [{transform_indices = #map}, {transform_indices = #map1}, {transform_indices = #map1}, {transform_indices = #map1}]} {
    %mul3A = arith.constant 2 : i32
    %mul3A_0 = arith.muli %arg1, %mul3A : i32
    %add3A = arith.addi %mul3A_0, %arg0 : i32
    "tpu.region"() ({
      %run_scoped3A_140 = tpu.sem_alloc : memref<!tpu.dma_semaphore, #tpu.memory_space<semaphore_mem>>
      %dma_start3A_141 = arith.constant 0 : i32
      %dma_start3A_142 = arith.constant 0 : i32
      %dma_start3A_143 = tpu.memref_slice %arg3[%add3A, %dma_start3A_141, %dma_start3A_142] : memref<32x80x128xi32, #tpu.memory_space<hbm>> -> memref<1x80x128xi32, #tpu.memory_space<hbm>>
      %dma_start3A_144 = tpu.memref_squeeze %dma_start3A_143 : memref<1x80x128xi32, #tpu.memory_space<hbm>> -> memref<80x128xi32, #tpu.memory_space<hbm>>
      %dma_start3A_145 = arith.constant 0 : i32
      %dma_start3A_146 = arith.constant 0 : i32
      %dma_start3A_147 = tpu.memref_slice %arg3[%add3A, %dma_start3A_145, %dma_start3A_146] : memref<32x80x128xi32, #tpu.memory_space<hbm>> -> memref<1x80x128xi32, #tpu.memory_space<hbm>>
      %dma_start3A_148 = tpu.memref_squeeze %dma_start3A_147 : memref<1x80x128xi32, #tpu.memory_space<hbm>> -> memref<80x128xi32, #tpu.memory_space<hbm>>
      tpu.enqueue_dma source(%dma_start3A_148 : memref<80x128xi32, #tpu.memory_space<hbm>>) target(%arg6 : memref<80x128xi32, #tpu.memory_space<vmem>>) target_semaphore(%run_scoped3A_140 : memref<!tpu.dma_semaphore, #tpu.memory_space<semaphore_mem>>)
      %dma_wait3A = arith.constant 0 : i32
      %dma_wait3A_149 = arith.constant 0 : i32
      %dma_wait3A_150 = tpu.memref_slice %arg3[%add3A, %dma_wait3A, %dma_wait3A_149] : memref<32x80x128xi32, #tpu.memory_space<hbm>> -> memref<1x80x128xi32, #tpu.memory_space<hbm>>
      %dma_wait3A_151 = tpu.memref_squeeze %dma_wait3A_150 : memref<1x80x128xi32, #tpu.memory_space<hbm>> -> memref<80x128xi32, #tpu.memory_space<hbm>>
      %dma_wait3A_152 = arith.constant 0 : i32
      %dma_wait3A_153 = arith.constant 0 : i32
      %dma_wait3A_154 = tpu.memref_slice %arg3[%add3A, %dma_wait3A_152, %dma_wait3A_153] : memref<32x80x128xi32, #tpu.memory_space<hbm>> -> memref<1x80x128xi32, #tpu.memory_space<hbm>>
      %dma_wait3A_155 = tpu.memref_squeeze %dma_wait3A_154 : memref<1x80x128xi32, #tpu.memory_space<hbm>> -> memref<80x128xi32, #tpu.memory_space<hbm>>
      tpu.wait_dma2 semaphore(%run_scoped3A_140 : memref<!tpu.dma_semaphore, #tpu.memory_space<semaphore_mem>>) src(%dma_wait3A_155 : memref<80x128xi32, #tpu.memory_space<hbm>>) dst(%arg6 : memref<80x128xi32, #tpu.memory_space<vmem>>)
      tpu.yield
    }) : () -> ()
    "tpu.region"() ({
      %run_scoped3A_140 = tpu.sem_alloc : memref<!tpu.dma_semaphore, #tpu.memory_space<semaphore_mem>>
      %dma_start3A_141 = arith.constant 0 : i32
      %dma_start3A_142 = arith.constant 0 : i32
      %dma_start3A_143 = tpu.memref_slice %arg4[%add3A, %dma_start3A_141, %dma_start3A_142] : memref<32x80x128xi32, #tpu.memory_space<hbm>> -> memref<1x80x128xi32, #tpu.memory_space<hbm>>
      %dma_start3A_144 = tpu.memref_squeeze %dma_start3A_143 : memref<1x80x128xi32, #tpu.memory_space<hbm>> -> memref<80x128xi32, #tpu.memory_space<hbm>>
      %dma_start3A_145 = arith.constant 0 : i32
      %dma_start3A_146 = arith.constant 0 : i32
      %dma_start3A_147 = tpu.memref_slice %arg4[%add3A, %dma_start3A_145, %dma_start3A_146] : memref<32x80x128xi32, #tpu.memory_space<hbm>> -> memref<1x80x128xi32, #tpu.memory_space<hbm>>
      %dma_start3A_148 = tpu.memref_squeeze %dma_start3A_147 : memref<1x80x128xi32, #tpu.memory_space<hbm>> -> memref<80x128xi32, #tpu.memory_space<hbm>>
      tpu.enqueue_dma source(%dma_start3A_148 : memref<80x128xi32, #tpu.memory_space<hbm>>) target(%arg7 : memref<80x128xi32, #tpu.memory_space<vmem>>) target_semaphore(%run_scoped3A_140 : memref<!tpu.dma_semaphore, #tpu.memory_space<semaphore_mem>>)
      %dma_wait3A = arith.constant 0 : i32
      %dma_wait3A_149 = arith.constant 0 : i32
      %dma_wait3A_150 = tpu.memref_slice %arg4[%add3A, %dma_wait3A, %dma_wait3A_149] : memref<32x80x128xi32, #tpu.memory_space<hbm>> -> memref<1x80x128xi32, #tpu.memory_space<hbm>>
      %dma_wait3A_151 = tpu.memref_squeeze %dma_wait3A_150 : memref<1x80x128xi32, #tpu.memory_space<hbm>> -> memref<80x128xi32, #tpu.memory_space<hbm>>
      %dma_wait3A_152 = arith.constant 0 : i32
      %dma_wait3A_153 = arith.constant 0 : i32
      %dma_wait3A_154 = tpu.memref_slice %arg4[%add3A, %dma_wait3A_152, %dma_wait3A_153] : memref<32x80x128xi32, #tpu.memory_space<hbm>> -> memref<1x80x128xi32, #tpu.memory_space<hbm>>
      %dma_wait3A_155 = tpu.memref_squeeze %dma_wait3A_154 : memref<1x80x128xi32, #tpu.memory_space<hbm>> -> memref<80x128xi32, #tpu.memory_space<hbm>>
      tpu.wait_dma2 semaphore(%run_scoped3A_140 : memref<!tpu.dma_semaphore, #tpu.memory_space<semaphore_mem>>) src(%dma_wait3A_155 : memref<80x128xi32, #tpu.memory_space<hbm>>) dst(%arg7 : memref<80x128xi32, #tpu.memory_space<vmem>>)
      tpu.yield
    }) : () -> ()
    %mul3A_1 = arith.constant 640 : i32
    %mul3A_2 = arith.muli %arg1, %mul3A_1 : i32
    %mul3A_3 = arith.constant 640 : i32
    %mul3A_4 = arith.muli %arg1, %mul3A_3 : i32
    "tpu.region"() ({
      %run_scoped3A_140 = tpu.sem_alloc : memref<!tpu.dma_semaphore, #tpu.memory_space<semaphore_mem>>
      %dma_start3A_141 = arith.constant 0 : i32
      %dma_start3A_142 = tpu.memref_slice %arg10[%mul3A_4, %dma_start3A_141] : memref<10240x32xf32, #tpu.memory_space<vmem_shared>> -> memref<640x32xf32, #tpu.memory_space<vmem_shared>>
      %dma_start3A_143 = arith.constant 0 : i32
      %dma_start3A_144 = tpu.memref_slice %arg2[%mul3A_2, %dma_start3A_143] : memref<10240x32xf32, #tpu.memory_space<hbm>> -> memref<640x32xf32, #tpu.memory_space<hbm>>
      tpu.enqueue_dma source(%dma_start3A_144 : memref<640x32xf32, #tpu.memory_space<hbm>>) target(%dma_start3A_142 : memref<640x32xf32, #tpu.memory_space<vmem_shared>>) target_semaphore(%run_scoped3A_140 : memref<!tpu.dma_semaphore, #tpu.memory_space<semaphore_mem>>)
      %dma_wait3A = arith.constant 0 : i32
      %dma_wait3A_145 = tpu.memref_slice %arg10[%mul3A_4, %dma_wait3A] : memref<10240x32xf32, #tpu.memory_space<vmem_shared>> -> memref<640x32xf32, #tpu.memory_space<vmem_shared>>
      %dma_wait3A_146 = arith.constant 0 : i32
      %dma_wait3A_147 = tpu.memref_slice %arg2[%mul3A_2, %dma_wait3A_146] : memref<10240x32xf32, #tpu.memory_space<hbm>> -> memref<640x32xf32, #tpu.memory_space<hbm>>
      tpu.wait_dma2 semaphore(%run_scoped3A_140 : memref<!tpu.dma_semaphore, #tpu.memory_space<semaphore_mem>>) src(%dma_wait3A_147 : memref<640x32xf32, #tpu.memory_space<hbm>>) dst(%dma_wait3A_145 : memref<640x32xf32, #tpu.memory_space<vmem_shared>>)
      tpu.yield
    }) : () -> ()
    %scan3A = arith.constant 0 : i32
    %scan3A_5 = arith.constant 0 : i32
    %scan3A_6 = arith.constant 128 : i32
    %scan3A_7 = arith.addi %scan3A_5, %scan3A_6 : i32
    %scan3A_8 = arith.constant 1 : i32
    scf.for %scan3A_140 = %scan3A_5 to %scan3A_7 step %scan3A_8  : i32 {
      %broadcast_in_dim3A = arith.constant 0.000000e+00 : f32
      %broadcast_in_dim3A_141 = vector.broadcast %broadcast_in_dim3A : f32 to vector<16xf32>
      %swap3A = arith.constant 0 : i32
      %swap3A_142 = arith.index_cast %swap3A : i32 to index
      %swap3A_143 = arith.index_cast %scan3A_140 : i32 to index
      %swap3A_144 = arith.constant 0 : index
      %swap3A_145 = tpu.vector_load %arg8[%swap3A_142, %swap3A_143, %swap3A_144] {strides = array<i32>} : memref<16x128x32xf32, #tpu.memory_space<vmem>>, vector<1x1x16xf32>,
      %swap3A_146 = vector.shape_cast %swap3A_145 : vector<1x1x16xf32> to vector<16xf32>
      %swap3A_147 = vector.shape_cast %broadcast_in_dim3A_141 : vector<16xf32> to vector<1x1x16xf32>
      tpu.vector_store %arg8[%swap3A_142, %swap3A_143, %swap3A_144], %swap3A_147 {strides = array<i32>} : memref<16x128x32xf32, #tpu.memory_space<vmem>>, vector<1x1x16xf32>,
      %broadcast_in_dim3A_148 = arith.constant 0.000000e+00 : f32
      %broadcast_in_dim3A_149 = vector.broadcast %broadcast_in_dim3A_148 : f32 to vector<16xf32>
      %swap3A_150 = arith.constant 0 : i32
      %swap3A_151 = arith.index_cast %swap3A_150 : i32 to index
      %swap3A_152 = arith.index_cast %scan3A_140 : i32 to index
      %swap3A_153 = arith.constant 16 : index
      %swap3A_154 = tpu.vector_load %arg8[%swap3A_151, %swap3A_152, %swap3A_153] {strides = array<i32>} : memref<16x128x32xf32, #tpu.memory_space<vmem>>, vector<1x1x16xf32>,
      %swap3A_155 = vector.shape_cast %swap3A_154 : vector<1x1x16xf32> to vector<16xf32>
      %swap3A_156 = vector.shape_cast %broadcast_in_dim3A_149 : vector<16xf32> to vector<1x1x16xf32>
      tpu.vector_store %arg8[%swap3A_151, %swap3A_152, %swap3A_153], %swap3A_156 {strides = array<i32>} : memref<16x128x32xf32, #tpu.memory_space<vmem>>, vector<1x1x16xf32>,
    }
    %scan3A_9 = arith.constant 128 : i32
    %mul3A_10 = arith.constant 640 : i32
    %mul3A_11 = arith.muli %arg1, %mul3A_10 : i32
    %add3A_12 = arith.constant 0 : i32
    %add3A_13 = arith.addi %mul3A_11, %add3A_12 : i32
    %run_scoped3A = arith.constant 0 : i32
    "tpu.region"() ({
      %run_scoped3A_140 = tpu.sem_alloc : memref<!tpu.dma_semaphore, #tpu.memory_space<semaphore_mem>>
      %dma_start3A_141 = arith.constant 0 : i32
      %dma_start3A_142 = arith.constant 0 : i32
      %dma_start3A_143 = tpu.memref_slice %arg8[%run_scoped3A, %dma_start3A_141, %dma_start3A_142] : memref<16x128x32xf32, #tpu.memory_space<vmem>> -> memref<1x128x32xf32, #tpu.memory_space<vmem>>
      %dma_start3A_144 = tpu.memref_squeeze %dma_start3A_143 : memref<1x128x32xf32, #tpu.memory_space<vmem>> -> memref<128x32xf32, #tpu.memory_space<vmem>>
      %dma_start3A_145 = arith.constant 0 : i32
      %dma_start3A_146 = tpu.memref_slice %arg9[%add3A_13, %dma_start3A_145] : memref<10240x32xf32, #tpu.memory_space<vmem_shared>> -> memref<128x32xf32, #tpu.memory_space<vmem_shared>>
      %dma_start3A_147 = arith.constant 0 : i32
      %dma_start3A_148 = tpu.memref_slice %arg9[%add3A_13, %dma_start3A_147] : memref<10240x32xf32, #tpu.memory_space<vmem_shared>> -> memref<128x32xf32, #tpu.memory_space<vmem_shared>>
      %dma_start3A_149 = arith.constant 0 : i32
      %dma_start3A_150 = arith.constant 0 : i32
      %dma_start3A_151 = tpu.memref_slice %arg8[%run_scoped3A, %dma_start3A_149, %dma_start3A_150] : memref<16x128x32xf32, #tpu.memory_space<vmem>> -> memref<1x128x32xf32, #tpu.memory_space<vmem>>
      %dma_start3A_152 = tpu.memref_squeeze %dma_start3A_151 : memref<1x128x32xf32, #tpu.memory_space<vmem>> -> memref<128x32xf32, #tpu.memory_space<vmem>>
      tpu.enqueue_dma source(%dma_start3A_152 : memref<128x32xf32, #tpu.memory_space<vmem>>) target(%dma_start3A_148 : memref<128x32xf32, #tpu.memory_space<vmem_shared>>) target_semaphore(%run_scoped3A_140 : memref<!tpu.dma_semaphore, #tpu.memory_space<semaphore_mem>>)
      %dma_wait3A = arith.constant 0 : i32
      %dma_wait3A_153 = arith.constant 0 : i32
      %dma_wait3A_154 = tpu.memref_slice %arg8[%run_scoped3A, %dma_wait3A, %dma_wait3A_153] : memref<16x128x32xf32, #tpu.memory_space<vmem>> -> memref<1x128x32xf32, #tpu.memory_space<vmem>>
      %dma_wait3A_155 = tpu.memref_squeeze %dma_wait3A_154 : memref<1x128x32xf32, #tpu.memory_space<vmem>> -> memref<128x32xf32, #tpu.memory_space<vmem>>
      %dma_wait3A_156 = arith.constant 0 : i32
      %dma_wait3A_157 = tpu.memref_slice %arg9[%add3A_13, %dma_wait3A_156] : memref<10240x32xf32, #tpu.memory_space<vmem_shared>> -> memref<128x32xf32, #tpu.memory_space<vmem_shared>>
      %dma_wait3A_158 = arith.constant 0 : i32
      %dma_wait3A_159 = tpu.memref_slice %arg9[%add3A_13, %dma_wait3A_158] : memref<10240x32xf32, #tpu.memory_space<vmem_shared>> -> memref<128x32xf32, #tpu.memory_space<vmem_shared>>
      %dma_wait3A_160 = arith.constant 0 : i32
      %dma_wait3A_161 = arith.constant 0 : i32
      %dma_wait3A_162 = tpu.memref_slice %arg8[%run_scoped3A, %dma_wait3A_160, %dma_wait3A_161] : memref<16x128x32xf32, #tpu.memory_space<vmem>> -> memref<1x128x32xf32, #tpu.memory_space<vmem>>
      %dma_wait3A_163 = tpu.memref_squeeze %dma_wait3A_162 : memref<1x128x32xf32, #tpu.memory_space<vmem>> -> memref<128x32xf32, #tpu.memory_space<vmem>>
      tpu.wait_dma2 semaphore(%run_scoped3A_140 : memref<!tpu.dma_semaphore, #tpu.memory_space<semaphore_mem>>) src(%dma_wait3A_163 : memref<128x32xf32, #tpu.memory_space<vmem>>) dst(%dma_wait3A_159 : memref<128x32xf32, #tpu.memory_space<vmem_shared>>)
      tpu.yield
    }) : () -> ()
    %mul3A_14 = arith.constant 640 : i32
    %mul3A_15 = arith.muli %arg1, %mul3A_14 : i32
    %add3A_16 = arith.constant 128 : i32
    %add3A_17 = arith.addi %mul3A_15, %add3A_16 : i32
    %run_scoped3A_18 = arith.constant 0 : i32
    "tpu.region"() ({
      %run_scoped3A_140 = tpu.sem_alloc : memref<!tpu.dma_semaphore, #tpu.memory_space<semaphore_mem>>
      %dma_start3A_141 = arith.constant 0 : i32
      %dma_start3A_142 = arith.constant 0 : i32
      %dma_start3A_143 = tpu.memref_slice %arg8[%run_scoped3A_18, %dma_start3A_141, %dma_start3A_142] : memref<16x128x32xf32, #tpu.memory_space<vmem>> -> memref<1x128x32xf32, #tpu.memory_space<vmem>>
      %dma_start3A_144 = tpu.memref_squeeze %dma_start3A_143 : memref<1x128x32xf32, #tpu.memory_space<vmem>> -> memref<128x32xf32, #tpu.memory_space<vmem>>
      %dma_start3A_145 = arith.constant 0 : i32
      %dma_start3A_146 = tpu.memref_slice %arg9[%add3A_17, %dma_start3A_145] : memref<10240x32xf32, #tpu.memory_space<vmem_shared>> -> memref<128x32xf32, #tpu.memory_space<vmem_shared>>
      %dma_start3A_147 = arith.constant 0 : i32
      %dma_start3A_148 = tpu.memref_slice %arg9[%add3A_17, %dma_start3A_147] : memref<10240x32xf32, #tpu.memory_space<vmem_shared>> -> memref<128x32xf32, #tpu.memory_space<vmem_shared>>
      %dma_start3A_149 = arith.constant 0 : i32
      %dma_start3A_150 = arith.constant 0 : i32
      %dma_start3A_151 = tpu.memref_slice %arg8[%run_scoped3A_18, %dma_start3A_149, %dma_start3A_150] : memref<16x128x32xf32, #tpu.memory_space<vmem>> -> memref<1x128x32xf32, #tpu.memory_space<vmem>>
      %dma_start3A_152 = tpu.memref_squeeze %dma_start3A_151 : memref<1x128x32xf32, #tpu.memory_space<vmem>> -> memref<128x32xf32, #tpu.memory_space<vmem>>
      tpu.enqueue_dma source(%dma_start3A_152 : memref<128x32xf32, #tpu.memory_space<vmem>>) target(%dma_start3A_148 : memref<128x32xf32, #tpu.memory_space<vmem_shared>>) target_semaphore(%run_scoped3A_140 : memref<!tpu.dma_semaphore, #tpu.memory_space<semaphore_mem>>)
      %dma_wait3A = arith.constant 0 : i32
      %dma_wait3A_153 = arith.constant 0 : i32
      %dma_wait3A_154 = tpu.memref_slice %arg8[%run_scoped3A_18, %dma_wait3A, %dma_wait3A_153] : memref<16x128x32xf32, #tpu.memory_space<vmem>> -> memref<1x128x32xf32, #tpu.memory_space<vmem>>
      %dma_wait3A_155 = tpu.memref_squeeze %dma_wait3A_154 : memref<1x128x32xf32, #tpu.memory_space<vmem>> -> memref<128x32xf32, #tpu.memory_space<vmem>>
      %dma_wait3A_156 = arith.constant 0 : i32
      %dma_wait3A_157 = tpu.memref_slice %arg9[%add3A_17, %dma_wait3A_156] : memref<10240x32xf32, #tpu.memory_space<vmem_shared>> -> memref<128x32xf32, #tpu.memory_space<vmem_shared>>
      %dma_wait3A_158 = arith.constant 0 : i32
      %dma_wait3A_159 = tpu.memref_slice %arg9[%add3A_17, %dma_wait3A_158] : memref<10240x32xf32, #tpu.memory_space<vmem_shared>> -> memref<128x32xf32, #tpu.memory_space<vmem_shared>>
      %dma_wait3A_160 = arith.constant 0 : i32
      %dma_wait3A_161 = arith.constant 0 : i32
      %dma_wait3A_162 = tpu.memref_slice %arg8[%run_scoped3A_18, %dma_wait3A_160, %dma_wait3A_161] : memref<16x128x32xf32, #tpu.memory_space<vmem>> -> memref<1x128x32xf32, #tpu.memory_space<vmem>>
      %dma_wait3A_163 = tpu.memref_squeeze %dma_wait3A_162 : memref<1x128x32xf32, #tpu.memory_space<vmem>> -> memref<128x32xf32, #tpu.memory_space<vmem>>
      tpu.wait_dma2 semaphore(%run_scoped3A_140 : memref<!tpu.dma_semaphore, #tpu.memory_space<semaphore_mem>>) src(%dma_wait3A_163 : memref<128x32xf32, #tpu.memory_space<vmem>>) dst(%dma_wait3A_159 : memref<128x32xf32, #tpu.memory_space<vmem_shared>>)
      tpu.yield
    }) : () -> ()
    %mul3A_19 = arith.constant 640 : i32
    %mul3A_20 = arith.muli %arg1, %mul3A_19 : i32
    %add3A_21 = arith.constant 256 : i32
    %add3A_22 = arith.addi %mul3A_20, %add3A_21 : i32
    %run_scoped3A_23 = arith.constant 0 : i32
    "tpu.region"() ({
      %run_scoped3A_140 = tpu.sem_alloc : memref<!tpu.dma_semaphore, #tpu.memory_space<semaphore_mem>>
      %dma_start3A_141 = arith.constant 0 : i32
      %dma_start3A_142 = arith.constant 0 : i32
      %dma_start3A_143 = tpu.memref_slice %arg8[%run_scoped3A_23, %dma_start3A_141, %dma_start3A_142] : memref<16x128x32xf32, #tpu.memory_space<vmem>> -> memref<1x128x32xf32, #tpu.memory_space<vmem>>
      %dma_start3A_144 = tpu.memref_squeeze %dma_start3A_143 : memref<1x128x32xf32, #tpu.memory_space<vmem>> -> memref<128x32xf32, #tpu.memory_space<vmem>>
      %dma_start3A_145 = arith.constant 0 : i32
      %dma_start3A_146 = tpu.memref_slice %arg9[%add3A_22, %dma_start3A_145] : memref<10240x32xf32, #tpu.memory_space<vmem_shared>> -> memref<128x32xf32, #tpu.memory_space<vmem_shared>>
      %dma_start3A_147 = arith.constant 0 : i32
      %dma_start3A_148 = tpu.memref_slice %arg9[%add3A_22, %dma_start3A_147] : memref<10240x32xf32, #tpu.memory_space<vmem_shared>> -> memref<128x32xf32, #tpu.memory_space<vmem_shared>>
      %dma_start3A_149 = arith.constant 0 : i32
      %dma_start3A_150 = arith.constant 0 : i32
      %dma_start3A_151 = tpu.memref_slice %arg8[%run_scoped3A_23, %dma_start3A_149, %dma_start3A_150] : memref<16x128x32xf32, #tpu.memory_space<vmem>> -> memref<1x128x32xf32, #tpu.memory_space<vmem>>
      %dma_start3A_152 = tpu.memref_squeeze %dma_start3A_151 : memref<1x128x32xf32, #tpu.memory_space<vmem>> -> memref<128x32xf32, #tpu.memory_space<vmem>>
      tpu.enqueue_dma source(%dma_start3A_152 : memref<128x32xf32, #tpu.memory_space<vmem>>) target(%dma_start3A_148 : memref<128x32xf32, #tpu.memory_space<vmem_shared>>) target_semaphore(%run_scoped3A_140 : memref<!tpu.dma_semaphore, #tpu.memory_space<semaphore_mem>>)
      %dma_wait3A = arith.constant 0 : i32
      %dma_wait3A_153 = arith.constant 0 : i32
      %dma_wait3A_154 = tpu.memref_slice %arg8[%run_scoped3A_23, %dma_wait3A, %dma_wait3A_153] : memref<16x128x32xf32, #tpu.memory_space<vmem>> -> memref<1x128x32xf32, #tpu.memory_space<vmem>>
      %dma_wait3A_155 = tpu.memref_squeeze %dma_wait3A_154 : memref<1x128x32xf32, #tpu.memory_space<vmem>> -> memref<128x32xf32, #tpu.memory_space<vmem>>
      %dma_wait3A_156 = arith.constant 0 : i32
      %dma_wait3A_157 = tpu.memref_slice %arg9[%add3A_22, %dma_wait3A_156] : memref<10240x32xf32, #tpu.memory_space<vmem_shared>> -> memref<128x32xf32, #tpu.memory_space<vmem_shared>>
      %dma_wait3A_158 = arith.constant 0 : i32
      %dma_wait3A_159 = tpu.memref_slice %arg9[%add3A_22, %dma_wait3A_158] : memref<10240x32xf32, #tpu.memory_space<vmem_shared>> -> memref<128x32xf32, #tpu.memory_space<vmem_shared>>
      %dma_wait3A_160 = arith.constant 0 : i32
      %dma_wait3A_161 = arith.constant 0 : i32
      %dma_wait3A_162 = tpu.memref_slice %arg8[%run_scoped3A_23, %dma_wait3A_160, %dma_wait3A_161] : memref<16x128x32xf32, #tpu.memory_space<vmem>> -> memref<1x128x32xf32, #tpu.memory_space<vmem>>
      %dma_wait3A_163 = tpu.memref_squeeze %dma_wait3A_162 : memref<1x128x32xf32, #tpu.memory_space<vmem>> -> memref<128x32xf32, #tpu.memory_space<vmem>>
      tpu.wait_dma2 semaphore(%run_scoped3A_140 : memref<!tpu.dma_semaphore, #tpu.memory_space<semaphore_mem>>) src(%dma_wait3A_163 : memref<128x32xf32, #tpu.memory_space<vmem>>) dst(%dma_wait3A_159 : memref<128x32xf32, #tpu.memory_space<vmem_shared>>)
      tpu.yield
    }) : () -> ()
    %mul3A_24 = arith.constant 640 : i32
    %mul3A_25 = arith.muli %arg1, %mul3A_24 : i32
    %add3A_26 = arith.constant 384 : i32
    %add3A_27 = arith.addi %mul3A_25, %add3A_26 : i32
    %run_scoped3A_28 = arith.constant 0 : i32
    "tpu.region"() ({
      %run_scoped3A_140 = tpu.sem_alloc : memref<!tpu.dma_semaphore, #tpu.memory_space<semaphore_mem>>
      %dma_start3A_141 = arith.constant 0 : i32
      %dma_start3A_142 = arith.constant 0 : i32
      %dma_start3A_143 = tpu.memref_slice %arg8[%run_scoped3A_28, %dma_start3A_141, %dma_start3A_142] : memref<16x128x32xf32, #tpu.memory_space<vmem>> -> memref<1x128x32xf32, #tpu.memory_space<vmem>>
      %dma_start3A_144 = tpu.memref_squeeze %dma_start3A_143 : memref<1x128x32xf32, #tpu.memory_space<vmem>> -> memref<128x32xf32, #tpu.memory_space<vmem>>
      %dma_start3A_145 = arith.constant 0 : i32
      %dma_start3A_146 = tpu.memref_slice %arg9[%add3A_27, %dma_start3A_145] : memref<10240x32xf32, #tpu.memory_space<vmem_shared>> -> memref<128x32xf32, #tpu.memory_space<vmem_shared>>
      %dma_start3A_147 = arith.constant 0 : i32
      %dma_start3A_148 = tpu.memref_slice %arg9[%add3A_27, %dma_start3A_147] : memref<10240x32xf32, #tpu.memory_space<vmem_shared>> -> memref<128x32xf32, #tpu.memory_space<vmem_shared>>
      %dma_start3A_149 = arith.constant 0 : i32
      %dma_start3A_150 = arith.constant 0 : i32
      %dma_start3A_151 = tpu.memref_slice %arg8[%run_scoped3A_28, %dma_start3A_149, %dma_start3A_150] : memref<16x128x32xf32, #tpu.memory_space<vmem>> -> memref<1x128x32xf32, #tpu.memory_space<vmem>>
      %dma_start3A_152 = tpu.memref_squeeze %dma_start3A_151 : memref<1x128x32xf32, #tpu.memory_space<vmem>> -> memref<128x32xf32, #tpu.memory_space<vmem>>
      tpu.enqueue_dma source(%dma_start3A_152 : memref<128x32xf32, #tpu.memory_space<vmem>>) target(%dma_start3A_148 : memref<128x32xf32, #tpu.memory_space<vmem_shared>>) target_semaphore(%run_scoped3A_140 : memref<!tpu.dma_semaphore, #tpu.memory_space<semaphore_mem>>)
      %dma_wait3A = arith.constant 0 : i32
      %dma_wait3A_153 = arith.constant 0 : i32
      %dma_wait3A_154 = tpu.memref_slice %arg8[%run_scoped3A_28, %dma_wait3A, %dma_wait3A_153] : memref<16x128x32xf32, #tpu.memory_space<vmem>> -> memref<1x128x32xf32, #tpu.memory_space<vmem>>
      %dma_wait3A_155 = tpu.memref_squeeze %dma_wait3A_154 : memref<1x128x32xf32, #tpu.memory_space<vmem>> -> memref<128x32xf32, #tpu.memory_space<vmem>>
      %dma_wait3A_156 = arith.constant 0 : i32
      %dma_wait3A_157 = tpu.memref_slice %arg9[%add3A_27, %dma_wait3A_156] : memref<10240x32xf32, #tpu.memory_space<vmem_shared>> -> memref<128x32xf32, #tpu.memory_space<vmem_shared>>
      %dma_wait3A_158 = arith.constant 0 : i32
      %dma_wait3A_159 = tpu.memref_slice %arg9[%add3A_27, %dma_wait3A_158] : memref<10240x32xf32, #tpu.memory_space<vmem_shared>> -> memref<128x32xf32, #tpu.memory_space<vmem_shared>>
      %dma_wait3A_160 = arith.constant 0 : i32
      %dma_wait3A_161 = arith.constant 0 : i32
      %dma_wait3A_162 = tpu.memref_slice %arg8[%run_scoped3A_28, %dma_wait3A_160, %dma_wait3A_161] : memref<16x128x32xf32, #tpu.memory_space<vmem>> -> memref<1x128x32xf32, #tpu.memory_space<vmem>>
      %dma_wait3A_163 = tpu.memref_squeeze %dma_wait3A_162 : memref<1x128x32xf32, #tpu.memory_space<vmem>> -> memref<128x32xf32, #tpu.memory_space<vmem>>
      tpu.wait_dma2 semaphore(%run_scoped3A_140 : memref<!tpu.dma_semaphore, #tpu.memory_space<semaphore_mem>>) src(%dma_wait3A_163 : memref<128x32xf32, #tpu.memory_space<vmem>>) dst(%dma_wait3A_159 : memref<128x32xf32, #tpu.memory_space<vmem_shared>>)
      tpu.yield
    }) : () -> ()
    %mul3A_29 = arith.constant 640 : i32
    %mul3A_30 = arith.muli %arg1, %mul3A_29 : i32
    %add3A_31 = arith.constant 512 : i32
    %add3A_32 = arith.addi %mul3A_30, %add3A_31 : i32
    %run_scoped3A_33 = arith.constant 0 : i32
    "tpu.region"() ({
      %run_scoped3A_140 = tpu.sem_alloc : memref<!tpu.dma_semaphore, #tpu.memory_space<semaphore_mem>>
      %dma_start3A_141 = arith.constant 0 : i32
      %dma_start3A_142 = arith.constant 0 : i32
      %dma_start3A_143 = tpu.memref_slice %arg8[%run_scoped3A_33, %dma_start3A_141, %dma_start3A_142] : memref<16x128x32xf32, #tpu.memory_space<vmem>> -> memref<1x128x32xf32, #tpu.memory_space<vmem>>
      %dma_start3A_144 = tpu.memref_squeeze %dma_start3A_143 : memref<1x128x32xf32, #tpu.memory_space<vmem>> -> memref<128x32xf32, #tpu.memory_space<vmem>>
      %dma_start3A_145 = arith.constant 0 : i32
      %dma_start3A_146 = tpu.memref_slice %arg9[%add3A_32, %dma_start3A_145] : memref<10240x32xf32, #tpu.memory_space<vmem_shared>> -> memref<128x32xf32, #tpu.memory_space<vmem_shared>>
      %dma_start3A_147 = arith.constant 0 : i32
      %dma_start3A_148 = tpu.memref_slice %arg9[%add3A_32, %dma_start3A_147] : memref<10240x32xf32, #tpu.memory_space<vmem_shared>> -> memref<128x32xf32, #tpu.memory_space<vmem_shared>>
      %dma_start3A_149 = arith.constant 0 : i32
      %dma_start3A_150 = arith.constant 0 : i32
      %dma_start3A_151 = tpu.memref_slice %arg8[%run_scoped3A_33, %dma_start3A_149, %dma_start3A_150] : memref<16x128x32xf32, #tpu.memory_space<vmem>> -> memref<1x128x32xf32, #tpu.memory_space<vmem>>
      %dma_start3A_152 = tpu.memref_squeeze %dma_start3A_151 : memref<1x128x32xf32, #tpu.memory_space<vmem>> -> memref<128x32xf32, #tpu.memory_space<vmem>>
      tpu.enqueue_dma source(%dma_start3A_152 : memref<128x32xf32, #tpu.memory_space<vmem>>) target(%dma_start3A_148 : memref<128x32xf32, #tpu.memory_space<vmem_shared>>) target_semaphore(%run_scoped3A_140 : memref<!tpu.dma_semaphore, #tpu.memory_space<semaphore_mem>>)
      %dma_wait3A = arith.constant 0 : i32
      %dma_wait3A_153 = arith.constant 0 : i32
      %dma_wait3A_154 = tpu.memref_slice %arg8[%run_scoped3A_33, %dma_wait3A, %dma_wait3A_153] : memref<16x128x32xf32, #tpu.memory_space<vmem>> -> memref<1x128x32xf32, #tpu.memory_space<vmem>>
      %dma_wait3A_155 = tpu.memref_squeeze %dma_wait3A_154 : memref<1x128x32xf32, #tpu.memory_space<vmem>> -> memref<128x32xf32, #tpu.memory_space<vmem>>
      %dma_wait3A_156 = arith.constant 0 : i32
      %dma_wait3A_157 = tpu.memref_slice %arg9[%add3A_32, %dma_wait3A_156] : memref<10240x32xf32, #tpu.memory_space<vmem_shared>> -> memref<128x32xf32, #tpu.memory_space<vmem_shared>>
      %dma_wait3A_158 = arith.constant 0 : i32
      %dma_wait3A_159 = tpu.memref_slice %arg9[%add3A_32, %dma_wait3A_158] : memref<10240x32xf32, #tpu.memory_space<vmem_shared>> -> memref<128x32xf32, #tpu.memory_space<vmem_shared>>
      %dma_wait3A_160 = arith.constant 0 : i32
      %dma_wait3A_161 = arith.constant 0 : i32
      %dma_wait3A_162 = tpu.memref_slice %arg8[%run_scoped3A_33, %dma_wait3A_160, %dma_wait3A_161] : memref<16x128x32xf32, #tpu.memory_space<vmem>> -> memref<1x128x32xf32, #tpu.memory_space<vmem>>
      %dma_wait3A_163 = tpu.memref_squeeze %dma_wait3A_162 : memref<1x128x32xf32, #tpu.memory_space<vmem>> -> memref<128x32xf32, #tpu.memory_space<vmem>>
      tpu.wait_dma2 semaphore(%run_scoped3A_140 : memref<!tpu.dma_semaphore, #tpu.memory_space<semaphore_mem>>) src(%dma_wait3A_163 : memref<128x32xf32, #tpu.memory_space<vmem>>) dst(%dma_wait3A_159 : memref<128x32xf32, #tpu.memory_space<vmem_shared>>)
      tpu.yield
    }) : () -> ()
    %barrier3A = arith.constant 0 : index
    tpu.barrier barrier_id(%barrier3A)
    %dma_start3A = arith.constant 0 : i32
    %dma_start3A_34 = arith.constant 0 : i32
    %dma_start3A_35 = arith.constant 0 : i32
    %dma_start3A_36 = arith.constant 0 : i32
    %dma_start3A_37 = tpu.memref_slice %arg8[%dma_start3A_34, %dma_start3A_35, %dma_start3A_36] : memref<16x128x32xf32, #tpu.memory_space<vmem>> -> memref<1x128x32xf32, #tpu.memory_space<vmem>>
    %dma_start3A_38 = tpu.memref_squeeze %dma_start3A_37 : memref<1x128x32xf32, #tpu.memory_space<vmem>> -> memref<128x32xf32, #tpu.memory_space<vmem>>
    %dma_start3A_39 = arith.constant 0 : i32
    %dma_start3A_40 = tpu.memref_slice %arg6[%dma_start3A, %dma_start3A_39] : memref<80x128xi32, #tpu.memory_space<vmem>> -> memref<1x128xi32, #tpu.memory_space<vmem>>
    %dma_start3A_41 = tpu.memref_squeeze %dma_start3A_40 : memref<1x128xi32, #tpu.memory_space<vmem>> -> memref<128xi32, #tpu.memory_space<vmem>>
    %dma_start3A_42 = arith.constant 0 : i32
    %dma_start3A_43 = arith.constant 0 : i32
    %dma_start3A_44 = tpu.memref_slice %arg10[%dma_start3A_42, %dma_start3A_43] : memref<10240x32xf32, #tpu.memory_space<vmem_shared>> -> memref<10240x32xf32, #tpu.memory_space<vmem_shared>>
    tpu.enqueue_indirect_dma source(%dma_start3A_44 : memref<10240x32xf32, #tpu.memory_space<vmem_shared>>) target(%dma_start3A_38 : memref<128x32xf32, #tpu.memory_space<vmem>>) offsets(%dma_start3A_41 : memref<128xi32, #tpu.memory_space<vmem>>) semaphore(%arg11 : memref<!tpu.dma_semaphore, #tpu.memory_space<semaphore_mem>>)
    %dma_start3A_45 = arith.constant 1 : i32
    %dma_start3A_46 = arith.constant 1 : i32
    %dma_start3A_47 = arith.constant 0 : i32
    %dma_start3A_48 = arith.constant 0 : i32
    %dma_start3A_49 = tpu.memref_slice %arg8[%dma_start3A_46, %dma_start3A_47, %dma_start3A_48] : memref<16x128x32xf32, #tpu.memory_space<vmem>> -> memref<1x128x32xf32, #tpu.memory_space<vmem>>
    %dma_start3A_50 = tpu.memref_squeeze %dma_start3A_49 : memref<1x128x32xf32, #tpu.memory_space<vmem>> -> memref<128x32xf32, #tpu.memory_space<vmem>>
    %dma_start3A_51 = arith.constant 0 : i32
    %dma_start3A_52 = tpu.memref_slice %arg6[%dma_start3A_45, %dma_start3A_51] : memref<80x128xi32, #tpu.memory_space<vmem>> -> memref<1x128xi32, #tpu.memory_space<vmem>>
    %dma_start3A_53 = tpu.memref_squeeze %dma_start3A_52 : memref<1x128xi32, #tpu.memory_space<vmem>> -> memref<128xi32, #tpu.memory_space<vmem>>
    %dma_start3A_54 = arith.constant 0 : i32
    %dma_start3A_55 = arith.constant 0 : i32
    %dma_start3A_56 = tpu.memref_slice %arg10[%dma_start3A_54, %dma_start3A_55] : memref<10240x32xf32, #tpu.memory_space<vmem_shared>> -> memref<10240x32xf32, #tpu.memory_space<vmem_shared>>
    tpu.enqueue_indirect_dma source(%dma_start3A_56 : memref<10240x32xf32, #tpu.memory_space<vmem_shared>>) target(%dma_start3A_50 : memref<128x32xf32, #tpu.memory_space<vmem>>) offsets(%dma_start3A_53 : memref<128xi32, #tpu.memory_space<vmem>>) semaphore(%arg11 : memref<!tpu.dma_semaphore, #tpu.memory_space<semaphore_mem>>)
    %dma_start3A_57 = arith.constant 2 : i32
    %dma_start3A_58 = arith.constant 2 : i32
    %dma_start3A_59 = arith.constant 0 : i32
    %dma_start3A_60 = arith.constant 0 : i32
    %dma_start3A_61 = tpu.memref_slice %arg8[%dma_start3A_58, %dma_start3A_59, %dma_start3A_60] : memref<16x128x32xf32, #tpu.memory_space<vmem>> -> memref<1x128x32xf32, #tpu.memory_space<vmem>>
    %dma_start3A_62 = tpu.memref_squeeze %dma_start3A_61 : memref<1x128x32xf32, #tpu.memory_space<vmem>> -> memref<128x32xf32, #tpu.memory_space<vmem>>
    %dma_start3A_63 = arith.constant 0 : i32
    %dma_start3A_64 = tpu.memref_slice %arg6[%dma_start3A_57, %dma_start3A_63] : memref<80x128xi32, #tpu.memory_space<vmem>> -> memref<1x128xi32, #tpu.memory_space<vmem>>
    %dma_start3A_65 = tpu.memref_squeeze %dma_start3A_64 : memref<1x128xi32, #tpu.memory_space<vmem>> -> memref<128xi32, #tpu.memory_space<vmem>>
    %dma_start3A_66 = arith.constant 0 : i32
    %dma_start3A_67 = arith.constant 0 : i32
    %dma_start3A_68 = tpu.memref_slice %arg10[%dma_start3A_66, %dma_start3A_67] : memref<10240x32xf32, #tpu.memory_space<vmem_shared>> -> memref<10240x32xf32, #tpu.memory_space<vmem_shared>>
    tpu.enqueue_indirect_dma source(%dma_start3A_68 : memref<10240x32xf32, #tpu.memory_space<vmem_shared>>) target(%dma_start3A_62 : memref<128x32xf32, #tpu.memory_space<vmem>>) offsets(%dma_start3A_65 : memref<128xi32, #tpu.memory_space<vmem>>) semaphore(%arg11 : memref<!tpu.dma_semaphore, #tpu.memory_space<semaphore_mem>>)
    %dma_start3A_69 = arith.constant 3 : i32
    %dma_start3A_70 = arith.constant 3 : i32
    %dma_start3A_71 = arith.constant 0 : i32
    %dma_start3A_72 = arith.constant 0 : i32
    %dma_start3A_73 = tpu.memref_slice %arg8[%dma_start3A_70, %dma_start3A_71, %dma_start3A_72] : memref<16x128x32xf32, #tpu.memory_space<vmem>> -> memref<1x128x32xf32, #tpu.memory_space<vmem>>
    %dma_start3A_74 = tpu.memref_squeeze %dma_start3A_73 : memref<1x128x32xf32, #tpu.memory_space<vmem>> -> memref<128x32xf32, #tpu.memory_space<vmem>>
    %dma_start3A_75 = arith.constant 0 : i32
    %dma_start3A_76 = tpu.memref_slice %arg6[%dma_start3A_69, %dma_start3A_75] : memref<80x128xi32, #tpu.memory_space<vmem>> -> memref<1x128xi32, #tpu.memory_space<vmem>>
    %dma_start3A_77 = tpu.memref_squeeze %dma_start3A_76 : memref<1x128xi32, #tpu.memory_space<vmem>> -> memref<128xi32, #tpu.memory_space<vmem>>
    %dma_start3A_78 = arith.constant 0 : i32
    %dma_start3A_79 = arith.constant 0 : i32
    %dma_start3A_80 = tpu.memref_slice %arg10[%dma_start3A_78, %dma_start3A_79] : memref<10240x32xf32, #tpu.memory_space<vmem_shared>> -> memref<10240x32xf32, #tpu.memory_space<vmem_shared>>
    tpu.enqueue_indirect_dma source(%dma_start3A_80 : memref<10240x32xf32, #tpu.memory_space<vmem_shared>>) target(%dma_start3A_74 : memref<128x32xf32, #tpu.memory_space<vmem>>) offsets(%dma_start3A_77 : memref<128xi32, #tpu.memory_space<vmem>>) semaphore(%arg11 : memref<!tpu.dma_semaphore, #tpu.memory_space<semaphore_mem>>)
    %dma_start3A_81 = arith.constant 4 : i32
    %dma_start3A_82 = arith.constant 4 : i32
    %dma_start3A_83 = arith.constant 0 : i32
    %dma_start3A_84 = arith.constant 0 : i32
    %dma_start3A_85 = tpu.memref_slice %arg8[%dma_start3A_82, %dma_start3A_83, %dma_start3A_84] : memref<16x128x32xf32, #tpu.memory_space<vmem>> -> memref<1x128x32xf32, #tpu.memory_space<vmem>>
    %dma_start3A_86 = tpu.memref_squeeze %dma_start3A_85 : memref<1x128x32xf32, #tpu.memory_space<vmem>> -> memref<128x32xf32, #tpu.memory_space<vmem>>
    %dma_start3A_87 = arith.constant 0 : i32
    %dma_start3A_88 = tpu.memref_slice %arg6[%dma_start3A_81, %dma_start3A_87] : memref<80x128xi32, #tpu.memory_space<vmem>> -> memref<1x128xi32, #tpu.memory_space<vmem>>
    %dma_start3A_89 = tpu.memref_squeeze %dma_start3A_88 : memref<1x128xi32, #tpu.memory_space<vmem>> -> memref<128xi32, #tpu.memory_space<vmem>>
    %dma_start3A_90 = arith.constant 0 : i32
    %dma_start3A_91 = arith.constant 0 : i32
    %dma_start3A_92 = tpu.memref_slice %arg10[%dma_start3A_90, %dma_start3A_91] : memref<10240x32xf32, #tpu.memory_space<vmem_shared>> -> memref<10240x32xf32, #tpu.memory_space<vmem_shared>>
    tpu.enqueue_indirect_dma source(%dma_start3A_92 : memref<10240x32xf32, #tpu.memory_space<vmem_shared>>) target(%dma_start3A_86 : memref<128x32xf32, #tpu.memory_space<vmem>>) offsets(%dma_start3A_89 : memref<128xi32, #tpu.memory_space<vmem>>) semaphore(%arg11 : memref<!tpu.dma_semaphore, #tpu.memory_space<semaphore_mem>>)
    %dma_start3A_93 = arith.constant 5 : i32
    %dma_start3A_94 = arith.constant 5 : i32
    %dma_start3A_95 = arith.constant 0 : i32
    %dma_start3A_96 = arith.constant 0 : i32
    %dma_start3A_97 = tpu.memref_slice %arg8[%dma_start3A_94, %dma_start3A_95, %dma_start3A_96] : memref<16x128x32xf32, #tpu.memory_space<vmem>> -> memref<1x128x32xf32, #tpu.memory_space<vmem>>
    %dma_start3A_98 = tpu.memref_squeeze %dma_start3A_97 : memref<1x128x32xf32, #tpu.memory_space<vmem>> -> memref<128x32xf32, #tpu.memory_space<vmem>>
    %dma_start3A_99 = arith.constant 0 : i32
    %dma_start3A_100 = tpu.memref_slice %arg6[%dma_start3A_93, %dma_start3A_99] : memref<80x128xi32, #tpu.memory_space<vmem>> -> memref<1x128xi32, #tpu.memory_space<vmem>>
    %dma_start3A_101 = tpu.memref_squeeze %dma_start3A_100 : memref<1x128xi32, #tpu.memory_space<vmem>> -> memref<128xi32, #tpu.memory_space<vmem>>
    %dma_start3A_102 = arith.constant 0 : i32
    %dma_start3A_103 = arith.constant 0 : i32
    %dma_start3A_104 = tpu.memref_slice %arg10[%dma_start3A_102, %dma_start3A_103] : memref<10240x32xf32, #tpu.memory_space<vmem_shared>> -> memref<10240x32xf32, #tpu.memory_space<vmem_shared>>
    tpu.enqueue_indirect_dma source(%dma_start3A_104 : memref<10240x32xf32, #tpu.memory_space<vmem_shared>>) target(%dma_start3A_98 : memref<128x32xf32, #tpu.memory_space<vmem>>) offsets(%dma_start3A_101 : memref<128xi32, #tpu.memory_space<vmem>>) semaphore(%arg11 : memref<!tpu.dma_semaphore, #tpu.memory_space<semaphore_mem>>)
    %dma_start3A_105 = arith.constant 6 : i32
    %dma_start3A_106 = arith.constant 6 : i32
    %dma_start3A_107 = arith.constant 0 : i32
    %dma_start3A_108 = arith.constant 0 : i32
    %dma_start3A_109 = tpu.memref_slice %arg8[%dma_start3A_106, %dma_start3A_107, %dma_start3A_108] : memref<16x128x32xf32, #tpu.memory_space<vmem>> -> memref<1x128x32xf32, #tpu.memory_space<vmem>>
    %dma_start3A_110 = tpu.memref_squeeze %dma_start3A_109 : memref<1x128x32xf32, #tpu.memory_space<vmem>> -> memref<128x32xf32, #tpu.memory_space<vmem>>
    %dma_start3A_111 = arith.constant 0 : i32
    %dma_start3A_112 = tpu.memref_slice %arg6[%dma_start3A_105, %dma_start3A_111] : memref<80x128xi32, #tpu.memory_space<vmem>> -> memref<1x128xi32, #tpu.memory_space<vmem>>
    %dma_start3A_113 = tpu.memref_squeeze %dma_start3A_112 : memref<1x128xi32, #tpu.memory_space<vmem>> -> memref<128xi32, #tpu.memory_space<vmem>>
    %dma_start3A_114 = arith.constant 0 : i32
    %dma_start3A_115 = arith.constant 0 : i32
    %dma_start3A_116 = tpu.memref_slice %arg10[%dma_start3A_114, %dma_start3A_115] : memref<10240x32xf32, #tpu.memory_space<vmem_shared>> -> memref<10240x32xf32, #tpu.memory_space<vmem_shared>>
    tpu.enqueue_indirect_dma source(%dma_start3A_116 : memref<10240x32xf32, #tpu.memory_space<vmem_shared>>) target(%dma_start3A_110 : memref<128x32xf32, #tpu.memory_space<vmem>>) offsets(%dma_start3A_113 : memref<128xi32, #tpu.memory_space<vmem>>) semaphore(%arg11 : memref<!tpu.dma_semaphore, #tpu.memory_space<semaphore_mem>>)
    %dma_start3A_117 = arith.constant 7 : i32
    %dma_start3A_118 = arith.constant 7 : i32
    %dma_start3A_119 = arith.constant 0 : i32
    %dma_start3A_120 = arith.constant 0 : i32
    %dma_start3A_121 = tpu.memref_slice %arg8[%dma_start3A_118, %dma_start3A_119, %dma_start3A_120] : memref<16x128x32xf32, #tpu.memory_space<vmem>> -> memref<1x128x32xf32, #tpu.memory_space<vmem>>
    %dma_start3A_122 = tpu.memref_squeeze %dma_start3A_121 : memref<1x128x32xf32, #tpu.memory_space<vmem>> -> memref<128x32xf32, #tpu.memory_space<vmem>>
    %dma_start3A_123 = arith.constant 0 : i32
    %dma_start3A_124 = tpu.memref_slice %arg6[%dma_start3A_117, %dma_start3A_123] : memref<80x128xi32, #tpu.memory_space<vmem>> -> memref<1x128xi32, #tpu.memory_space<vmem>>
    %dma_start3A_125 = tpu.memref_squeeze %dma_start3A_124 : memref<1x128xi32, #tpu.memory_space<vmem>> -> memref<128xi32, #tpu.memory_space<vmem>>
    %dma_start3A_126 = arith.constant 0 : i32
    %dma_start3A_127 = arith.constant 0 : i32
    %dma_start3A_128 = tpu.memref_slice %arg10[%dma_start3A_126, %dma_start3A_127] : memref<10240x32xf32, #tpu.memory_space<vmem_shared>> -> memref<10240x32xf32, #tpu.memory_space<vmem_shared>>
    tpu.enqueue_indirect_dma source(%dma_start3A_128 : memref<10240x32xf32, #tpu.memory_space<vmem_shared>>) target(%dma_start3A_122 : memref<128x32xf32, #tpu.memory_space<vmem>>) offsets(%dma_start3A_125 : memref<128xi32, #tpu.memory_space<vmem>>) semaphore(%arg11 : memref<!tpu.dma_semaphore, #tpu.memory_space<semaphore_mem>>)
    %scan3A_129 = arith.constant 0 : i32
    %scan3A_130 = arith.constant 0 : i32
    %scan3A_131 = arith.constant 10 : i32
    %scan3A_132 = arith.addi %scan3A_130, %scan3A_131 : i32
    %scan3A_133 = arith.constant 1 : i32
    scf.for %scan3A_140 = %scan3A_130 to %scan3A_132 step %scan3A_133  : i32 {
      %mul3A_141 = arith.constant 8 : i32
      %mul3A_142 = arith.muli %scan3A_140, %mul3A_141 : i32
      %jit3A = arith.constant 2 : i32
      %eq3A = arith.constant 0 : i32
      %eq3A_143 = arith.cmpi eq, %jit3A, %eq3A : i32
      %jit3A_144 = arith.constant 1 : i32
      %select_n3A = arith.select %eq3A_143, %jit3A_144, %jit3A : i32
      %rem3A = arith.remsi %scan3A_140, %select_n3A : i32
      %ne3A = arith.constant 0 : i32
      %ne3A_145 = arith.cmpi ne, %rem3A, %ne3A : i32
      %lt3A = arith.constant 0 : i32
      %lt3A_146 = arith.cmpi slt, %rem3A, %lt3A : i32
      %lt3A_147 = arith.constant 0 : i32
      %lt3A_148 = arith.cmpi slt, %select_n3A, %lt3A_147 : i32
      %ne3A_149 = arith.xori %lt3A_146, %lt3A_148 : i1
      %and3A = arith.andi %ne3A_149, %ne3A_145 : i1
      %add3A_150 = arith.addi %rem3A, %select_n3A : i32
      %select_n3A_151 = arith.select %and3A, %add3A_150, %rem3A : i32
      %mul3A_152 = arith.constant 8 : i32
      %mul3A_153 = arith.muli %select_n3A_151, %mul3A_152 : i32
      %sub3A = arith.constant 8 : i32
      %sub3A_154 = arith.subi %sub3A, %mul3A_153 : i32
      %dma_wait3A = arith.constant 0 : i32
      %dma_wait3A_155 = arith.constant 0 : i32
      %dma_wait3A_156 = arith.constant 0 : i32
      %dma_wait3A_157 = tpu.memref_slice %arg8[%dma_wait3A, %dma_wait3A_155, %dma_wait3A_156] : memref<16x128x32xf32, #tpu.memory_space<vmem>> -> memref<1x128x32xf32, #tpu.memory_space<vmem>>
      %dma_wait3A_158 = tpu.memref_squeeze %dma_wait3A_157 : memref<1x128x32xf32, #tpu.memory_space<vmem>> -> memref<128x32xf32, #tpu.memory_space<vmem>>
      %dma_wait3A_159 = arith.constant 0 : i32
      %dma_wait3A_160 = arith.constant 0 : i32
      %dma_wait3A_161 = tpu.memref_slice %arg2[%dma_wait3A_159, %dma_wait3A_160] : memref<10240x32xf32, #tpu.memory_space<hbm>> -> memref<128x32xf32, #tpu.memory_space<hbm>>
      %dma_wait3A_162 = arith.constant 0 : i32
      %dma_wait3A_163 = arith.constant 0 : i32
      %dma_wait3A_164 = tpu.memref_slice %arg8[%dma_wait3A, %dma_wait3A_162, %dma_wait3A_163] : memref<16x128x32xf32, #tpu.memory_space<vmem>> -> memref<1x128x32xf32, #tpu.memory_space<vmem>>
      %dma_wait3A_165 = tpu.memref_squeeze %dma_wait3A_164 : memref<1x128x32xf32, #tpu.memory_space<vmem>> -> memref<128x32xf32, #tpu.memory_space<vmem>>
      %dma_wait3A_166 = arith.constant 0 : i32
      %dma_wait3A_167 = arith.constant 0 : i32
      %dma_wait3A_168 = tpu.memref_slice %arg2[%dma_wait3A_166, %dma_wait3A_167] : memref<10240x32xf32, #tpu.memory_space<hbm>> -> memref<128x32xf32, #tpu.memory_space<hbm>>
      tpu.wait_dma2 semaphore(%arg11 : memref<!tpu.dma_semaphore, #tpu.memory_space<semaphore_mem>>) src(%dma_wait3A_168 : memref<128x32xf32, #tpu.memory_space<hbm>>) dst(%dma_wait3A_165 : memref<128x32xf32, #tpu.memory_space<vmem>>)
      %dma_wait3A_169 = arith.constant 1 : i32
      %dma_wait3A_170 = arith.constant 0 : i32
      %dma_wait3A_171 = arith.constant 0 : i32
      %dma_wait3A_172 = tpu.memref_slice %arg8[%dma_wait3A_169, %dma_wait3A_170, %dma_wait3A_171] : memref<16x128x32xf32, #tpu.memory_space<vmem>> -> memref<1x128x32xf32, #tpu.memory_space<vmem>>
      %dma_wait3A_173 = tpu.memref_squeeze %dma_wait3A_172 : memref<1x128x32xf32, #tpu.memory_space<vmem>> -> memref<128x32xf32, #tpu.memory_space<vmem>>
      %dma_wait3A_174 = arith.constant 0 : i32
      %dma_wait3A_175 = arith.constant 0 : i32
      %dma_wait3A_176 = tpu.memref_slice %arg2[%dma_wait3A_174, %dma_wait3A_175] : memref<10240x32xf32, #tpu.memory_space<hbm>> -> memref<128x32xf32, #tpu.memory_space<hbm>>
      %dma_wait3A_177 = arith.constant 0 : i32
      %dma_wait3A_178 = arith.constant 0 : i32
      %dma_wait3A_179 = tpu.memref_slice %arg8[%dma_wait3A_169, %dma_wait3A_177, %dma_wait3A_178] : memref<16x128x32xf32, #tpu.memory_space<vmem>> -> memref<1x128x32xf32, #tpu.memory_space<vmem>>
      %dma_wait3A_180 = tpu.memref_squeeze %dma_wait3A_179 : memref<1x128x32xf32, #tpu.memory_space<vmem>> -> memref<128x32xf32, #tpu.memory_space<vmem>>
      %dma_wait3A_181 = arith.constant 0 : i32
      %dma_wait3A_182 = arith.constant 0 : i32
      %dma_wait3A_183 = tpu.memref_slice %arg2[%dma_wait3A_181, %dma_wait3A_182] : memref<10240x32xf32, #tpu.memory_space<hbm>> -> memref<128x32xf32, #tpu.memory_space<hbm>>
      tpu.wait_dma2 semaphore(%arg11 : memref<!tpu.dma_semaphore, #tpu.memory_space<semaphore_mem>>) src(%dma_wait3A_183 : memref<128x32xf32, #tpu.memory_space<hbm>>) dst(%dma_wait3A_180 : memref<128x32xf32, #tpu.memory_space<vmem>>)
      %dma_wait3A_184 = arith.constant 2 : i32
      %dma_wait3A_185 = arith.constant 0 : i32
      %dma_wait3A_186 = arith.constant 0 : i32
      %dma_wait3A_187 = tpu.memref_slice %arg8[%dma_wait3A_184, %dma_wait3A_185, %dma_wait3A_186] : memref<16x128x32xf32, #tpu.memory_space<vmem>> -> memref<1x128x32xf32, #tpu.memory_space<vmem>>
      %dma_wait3A_188 = tpu.memref_squeeze %dma_wait3A_187 : memref<1x128x32xf32, #tpu.memory_space<vmem>> -> memref<128x32xf32, #tpu.memory_space<vmem>>
      %dma_wait3A_189 = arith.constant 0 : i32
      %dma_wait3A_190 = arith.constant 0 : i32
      %dma_wait3A_191 = tpu.memref_slice %arg2[%dma_wait3A_189, %dma_wait3A_190] : memref<10240x32xf32, #tpu.memory_space<hbm>> -> memref<128x32xf32, #tpu.memory_space<hbm>>
      %dma_wait3A_192 = arith.constant 0 : i32
      %dma_wait3A_193 = arith.constant 0 : i32
      %dma_wait3A_194 = tpu.memref_slice %arg8[%dma_wait3A_184, %dma_wait3A_192, %dma_wait3A_193] : memref<16x128x32xf32, #tpu.memory_space<vmem>> -> memref<1x128x32xf32, #tpu.memory_space<vmem>>
      %dma_wait3A_195 = tpu.memref_squeeze %dma_wait3A_194 : memref<1x128x32xf32, #tpu.memory_space<vmem>> -> memref<128x32xf32, #tpu.memory_space<vmem>>
      %dma_wait3A_196 = arith.constant 0 : i32
      %dma_wait3A_197 = arith.constant 0 : i32
      %dma_wait3A_198 = tpu.memref_slice %arg2[%dma_wait3A_196, %dma_wait3A_197] : memref<10240x32xf32, #tpu.memory_space<hbm>> -> memref<128x32xf32, #tpu.memory_space<hbm>>
      tpu.wait_dma2 semaphore(%arg11 : memref<!tpu.dma_semaphore, #tpu.memory_space<semaphore_mem>>) src(%dma_wait3A_198 : memref<128x32xf32, #tpu.memory_space<hbm>>) dst(%dma_wait3A_195 : memref<128x32xf32, #tpu.memory_space<vmem>>)
      %dma_wait3A_199 = arith.constant 3 : i32
      %dma_wait3A_200 = arith.constant 0 : i32
      %dma_wait3A_201 = arith.constant 0 : i32
      %dma_wait3A_202 = tpu.memref_slice %arg8[%dma_wait3A_199, %dma_wait3A_200, %dma_wait3A_201] : memref<16x128x32xf32, #tpu.memory_space<vmem>> -> memref<1x128x32xf32, #tpu.memory_space<vmem>>
      %dma_wait3A_203 = tpu.memref_squeeze %dma_wait3A_202 : memref<1x128x32xf32, #tpu.memory_space<vmem>> -> memref<128x32xf32, #tpu.memory_space<vmem>>
      %dma_wait3A_204 = arith.constant 0 : i32
      %dma_wait3A_205 = arith.constant 0 : i32
      %dma_wait3A_206 = tpu.memref_slice %arg2[%dma_wait3A_204, %dma_wait3A_205] : memref<10240x32xf32, #tpu.memory_space<hbm>> -> memref<128x32xf32, #tpu.memory_space<hbm>>
      %dma_wait3A_207 = arith.constant 0 : i32
      %dma_wait3A_208 = arith.constant 0 : i32
      %dma_wait3A_209 = tpu.memref_slice %arg8[%dma_wait3A_199, %dma_wait3A_207, %dma_wait3A_208] : memref<16x128x32xf32, #tpu.memory_space<vmem>> -> memref<1x128x32xf32, #tpu.memory_space<vmem>>
      %dma_wait3A_210 = tpu.memref_squeeze %dma_wait3A_209 : memref<1x128x32xf32, #tpu.memory_space<vmem>> -> memref<128x32xf32, #tpu.memory_space<vmem>>
      %dma_wait3A_211 = arith.constant 0 : i32
      %dma_wait3A_212 = arith.constant 0 : i32
      %dma_wait3A_213 = tpu.memref_slice %arg2[%dma_wait3A_211, %dma_wait3A_212] : memref<10240x32xf32, #tpu.memory_space<hbm>> -> memref<128x32xf32, #tpu.memory_space<hbm>>
      tpu.wait_dma2 semaphore(%arg11 : memref<!tpu.dma_semaphore, #tpu.memory_space<semaphore_mem>>) src(%dma_wait3A_213 : memref<128x32xf32, #tpu.memory_space<hbm>>) dst(%dma_wait3A_210 : memref<128x32xf32, #tpu.memory_space<vmem>>)
      %dma_wait3A_214 = arith.constant 4 : i32
      %dma_wait3A_215 = arith.constant 0 : i32
      %dma_wait3A_216 = arith.constant 0 : i32
      %dma_wait3A_217 = tpu.memref_slice %arg8[%dma_wait3A_214, %dma_wait3A_215, %dma_wait3A_216] : memref<16x128x32xf32, #tpu.memory_space<vmem>> -> memref<1x128x32xf32, #tpu.memory_space<vmem>>
      %dma_wait3A_218 = tpu.memref_squeeze %dma_wait3A_217 : memref<1x128x32xf32, #tpu.memory_space<vmem>> -> memref<128x32xf32, #tpu.memory_space<vmem>>
      %dma_wait3A_219 = arith.constant 0 : i32
      %dma_wait3A_220 = arith.constant 0 : i32
      %dma_wait3A_221 = tpu.memref_slice %arg2[%dma_wait3A_219, %dma_wait3A_220] : memref<10240x32xf32, #tpu.memory_space<hbm>> -> memref<128x32xf32, #tpu.memory_space<hbm>>
      %dma_wait3A_222 = arith.constant 0 : i32
      %dma_wait3A_223 = arith.constant 0 : i32
      %dma_wait3A_224 = tpu.memref_slice %arg8[%dma_wait3A_214, %dma_wait3A_222, %dma_wait3A_223] : memref<16x128x32xf32, #tpu.memory_space<vmem>> -> memref<1x128x32xf32, #tpu.memory_space<vmem>>
      %dma_wait3A_225 = tpu.memref_squeeze %dma_wait3A_224 : memref<1x128x32xf32, #tpu.memory_space<vmem>> -> memref<128x32xf32, #tpu.memory_space<vmem>>
      %dma_wait3A_226 = arith.constant 0 : i32
      %dma_wait3A_227 = arith.constant 0 : i32
      %dma_wait3A_228 = tpu.memref_slice %arg2[%dma_wait3A_226, %dma_wait3A_227] : memref<10240x32xf32, #tpu.memory_space<hbm>> -> memref<128x32xf32, #tpu.memory_space<hbm>>
      tpu.wait_dma2 semaphore(%arg11 : memref<!tpu.dma_semaphore, #tpu.memory_space<semaphore_mem>>) src(%dma_wait3A_228 : memref<128x32xf32, #tpu.memory_space<hbm>>) dst(%dma_wait3A_225 : memref<128x32xf32, #tpu.memory_space<vmem>>)
      %dma_wait3A_229 = arith.constant 5 : i32
      %dma_wait3A_230 = arith.constant 0 : i32
      %dma_wait3A_231 = arith.constant 0 : i32
      %dma_wait3A_232 = tpu.memref_slice %arg8[%dma_wait3A_229, %dma_wait3A_230, %dma_wait3A_231] : memref<16x128x32xf32, #tpu.memory_space<vmem>> -> memref<1x128x32xf32, #tpu.memory_space<vmem>>
      %dma_wait3A_233 = tpu.memref_squeeze %dma_wait3A_232 : memref<1x128x32xf32, #tpu.memory_space<vmem>> -> memref<128x32xf32, #tpu.memory_space<vmem>>
      %dma_wait3A_234 = arith.constant 0 : i32
      %dma_wait3A_235 = arith.constant 0 : i32
      %dma_wait3A_236 = tpu.memref_slice %arg2[%dma_wait3A_234, %dma_wait3A_235] : memref<10240x32xf32, #tpu.memory_space<hbm>> -> memref<128x32xf32, #tpu.memory_space<hbm>>
      %dma_wait3A_237 = arith.constant 0 : i32
      %dma_wait3A_238 = arith.constant 0 : i32
      %dma_wait3A_239 = tpu.memref_slice %arg8[%dma_wait3A_229, %dma_wait3A_237, %dma_wait3A_238] : memref<16x128x32xf32, #tpu.memory_space<vmem>> -> memref<1x128x32xf32, #tpu.memory_space<vmem>>
      %dma_wait3A_240 = tpu.memref_squeeze %dma_wait3A_239 : memref<1x128x32xf32, #tpu.memory_space<vmem>> -> memref<128x32xf32, #tpu.memory_space<vmem>>
      %dma_wait3A_241 = arith.constant 0 : i32
      %dma_wait3A_242 = arith.constant 0 : i32
      %dma_wait3A_243 = tpu.memref_slice %arg2[%dma_wait3A_241, %dma_wait3A_242] : memref<10240x32xf32, #tpu.memory_space<hbm>> -> memref<128x32xf32, #tpu.memory_space<hbm>>
      tpu.wait_dma2 semaphore(%arg11 : memref<!tpu.dma_semaphore, #tpu.memory_space<semaphore_mem>>) src(%dma_wait3A_243 : memref<128x32xf32, #tpu.memory_space<hbm>>) dst(%dma_wait3A_240 : memref<128x32xf32, #tpu.memory_space<vmem>>)
      %dma_wait3A_244 = arith.constant 6 : i32
      %dma_wait3A_245 = arith.constant 0 : i32
      %dma_wait3A_246 = arith.constant 0 : i32
      %dma_wait3A_247 = tpu.memref_slice %arg8[%dma_wait3A_244, %dma_wait3A_245, %dma_wait3A_246] : memref<16x128x32xf32, #tpu.memory_space<vmem>> -> memref<1x128x32xf32, #tpu.memory_space<vmem>>
      %dma_wait3A_248 = tpu.memref_squeeze %dma_wait3A_247 : memref<1x128x32xf32, #tpu.memory_space<vmem>> -> memref<128x32xf32, #tpu.memory_space<vmem>>
      %dma_wait3A_249 = arith.constant 0 : i32
      %dma_wait3A_250 = arith.constant 0 : i32
      %dma_wait3A_251 = tpu.memref_slice %arg2[%dma_wait3A_249, %dma_wait3A_250] : memref<10240x32xf32, #tpu.memory_space<hbm>> -> memref<128x32xf32, #tpu.memory_space<hbm>>
      %dma_wait3A_252 = arith.constant 0 : i32
      %dma_wait3A_253 = arith.constant 0 : i32
      %dma_wait3A_254 = tpu.memref_slice %arg8[%dma_wait3A_244, %dma_wait3A_252, %dma_wait3A_253] : memref<16x128x32xf32, #tpu.memory_space<vmem>> -> memref<1x128x32xf32, #tpu.memory_space<vmem>>
      %dma_wait3A_255 = tpu.memref_squeeze %dma_wait3A_254 : memref<1x128x32xf32, #tpu.memory_space<vmem>> -> memref<128x32xf32, #tpu.memory_space<vmem>>
      %dma_wait3A_256 = arith.constant 0 : i32
      %dma_wait3A_257 = arith.constant 0 : i32
      %dma_wait3A_258 = tpu.memref_slice %arg2[%dma_wait3A_256, %dma_wait3A_257] : memref<10240x32xf32, #tpu.memory_space<hbm>> -> memref<128x32xf32, #tpu.memory_space<hbm>>
      tpu.wait_dma2 semaphore(%arg11 : memref<!tpu.dma_semaphore, #tpu.memory_space<semaphore_mem>>) src(%dma_wait3A_258 : memref<128x32xf32, #tpu.memory_space<hbm>>) dst(%dma_wait3A_255 : memref<128x32xf32, #tpu.memory_space<vmem>>)
      %dma_wait3A_259 = arith.constant 7 : i32
      %dma_wait3A_260 = arith.constant 0 : i32
      %dma_wait3A_261 = arith.constant 0 : i32
      %dma_wait3A_262 = tpu.memref_slice %arg8[%dma_wait3A_259, %dma_wait3A_260, %dma_wait3A_261] : memref<16x128x32xf32, #tpu.memory_space<vmem>> -> memref<1x128x32xf32, #tpu.memory_space<vmem>>
      %dma_wait3A_263 = tpu.memref_squeeze %dma_wait3A_262 : memref<1x128x32xf32, #tpu.memory_space<vmem>> -> memref<128x32xf32, #tpu.memory_space<vmem>>
      %dma_wait3A_264 = arith.constant 0 : i32
      %dma_wait3A_265 = arith.constant 0 : i32
      %dma_wait3A_266 = tpu.memref_slice %arg2[%dma_wait3A_264, %dma_wait3A_265] : memref<10240x32xf32, #tpu.memory_space<hbm>> -> memref<128x32xf32, #tpu.memory_space<hbm>>
      %dma_wait3A_267 = arith.constant 0 : i32
      %dma_wait3A_268 = arith.constant 0 : i32
      %dma_wait3A_269 = tpu.memref_slice %arg8[%dma_wait3A_259, %dma_wait3A_267, %dma_wait3A_268] : memref<16x128x32xf32, #tpu.memory_space<vmem>> -> memref<1x128x32xf32, #tpu.memory_space<vmem>>
      %dma_wait3A_270 = tpu.memref_squeeze %dma_wait3A_269 : memref<1x128x32xf32, #tpu.memory_space<vmem>> -> memref<128x32xf32, #tpu.memory_space<vmem>>
      %dma_wait3A_271 = arith.constant 0 : i32
      %dma_wait3A_272 = arith.constant 0 : i32
      %dma_wait3A_273 = tpu.memref_slice %arg2[%dma_wait3A_271, %dma_wait3A_272] : memref<10240x32xf32, #tpu.memory_space<hbm>> -> memref<128x32xf32, #tpu.memory_space<hbm>>
      tpu.wait_dma2 semaphore(%arg11 : memref<!tpu.dma_semaphore, #tpu.memory_space<semaphore_mem>>) src(%dma_wait3A_273 : memref<128x32xf32, #tpu.memory_space<hbm>>) dst(%dma_wait3A_270 : memref<128x32xf32, #tpu.memory_space<vmem>>)
      %add3A_274 = arith.constant 0 : i32
      %add3A_275 = arith.addi %mul3A_153, %add3A_274 : i32
      %add3A_276 = arith.constant 0 : i32
      %add3A_277 = arith.addi %mul3A_142, %add3A_276 : i32
      %dma_start3A_278 = arith.constant 0 : i32
      %dma_start3A_279 = arith.constant 0 : i32
      %dma_start3A_280 = tpu.memref_slice %arg8[%add3A_275, %dma_start3A_278, %dma_start3A_279] : memref<16x128x32xf32, #tpu.memory_space<vmem>> -> memref<1x128x32xf32, #tpu.memory_space<vmem>>
      %dma_start3A_281 = tpu.memref_squeeze %dma_start3A_280 : memref<1x128x32xf32, #tpu.memory_space<vmem>> -> memref<128x32xf32, #tpu.memory_space<vmem>>
      %dma_start3A_282 = arith.constant 0 : i32
      %dma_start3A_283 = tpu.memref_slice %arg7[%add3A_277, %dma_start3A_282] : memref<80x128xi32, #tpu.memory_space<vmem>> -> memref<1x128xi32, #tpu.memory_space<vmem>>
      %dma_start3A_284 = tpu.memref_squeeze %dma_start3A_283 : memref<1x128xi32, #tpu.memory_space<vmem>> -> memref<128xi32, #tpu.memory_space<vmem>>
      %dma_start3A_285 = arith.constant 0 : i32
      %dma_start3A_286 = arith.constant 0 : i32
      %dma_start3A_287 = tpu.memref_slice %arg9[%dma_start3A_285, %dma_start3A_286] : memref<10240x32xf32, #tpu.memory_space<vmem_shared>> -> memref<10240x32xf32, #tpu.memory_space<vmem_shared>>
      tpu.enqueue_indirect_dma source(%dma_start3A_281 : memref<128x32xf32, #tpu.memory_space<vmem>>) target(%dma_start3A_287 : memref<10240x32xf32, #tpu.memory_space<vmem_shared>>) offsets(%dma_start3A_284 : memref<128xi32, #tpu.memory_space<vmem>>) semaphore(%arg12 : memref<!tpu.dma_semaphore, #tpu.memory_space<semaphore_mem>>) {add = true}
      %add3A_288 = arith.constant 1 : i32
      %add3A_289 = arith.addi %mul3A_153, %add3A_288 : i32
      %add3A_290 = arith.constant 1 : i32
      %add3A_291 = arith.addi %mul3A_142, %add3A_290 : i32
      %dma_start3A_292 = arith.constant 0 : i32
      %dma_start3A_293 = arith.constant 0 : i32
      %dma_start3A_294 = tpu.memref_slice %arg8[%add3A_289, %dma_start3A_292, %dma_start3A_293] : memref<16x128x32xf32, #tpu.memory_space<vmem>> -> memref<1x128x32xf32, #tpu.memory_space<vmem>>
      %dma_start3A_295 = tpu.memref_squeeze %dma_start3A_294 : memref<1x128x32xf32, #tpu.memory_space<vmem>> -> memref<128x32xf32, #tpu.memory_space<vmem>>
      %dma_start3A_296 = arith.constant 0 : i32
      %dma_start3A_297 = tpu.memref_slice %arg7[%add3A_291, %dma_start3A_296] : memref<80x128xi32, #tpu.memory_space<vmem>> -> memref<1x128xi32, #tpu.memory_space<vmem>>
      %dma_start3A_298 = tpu.memref_squeeze %dma_start3A_297 : memref<1x128xi32, #tpu.memory_space<vmem>> -> memref<128xi32, #tpu.memory_space<vmem>>
      %dma_start3A_299 = arith.constant 0 : i32
      %dma_start3A_300 = arith.constant 0 : i32
      %dma_start3A_301 = tpu.memref_slice %arg9[%dma_start3A_299, %dma_start3A_300] : memref<10240x32xf32, #tpu.memory_space<vmem_shared>> -> memref<10240x32xf32, #tpu.memory_space<vmem_shared>>
      tpu.enqueue_indirect_dma source(%dma_start3A_295 : memref<128x32xf32, #tpu.memory_space<vmem>>) target(%dma_start3A_301 : memref<10240x32xf32, #tpu.memory_space<vmem_shared>>) offsets(%dma_start3A_298 : memref<128xi32, #tpu.memory_space<vmem>>) semaphore(%arg12 : memref<!tpu.dma_semaphore, #tpu.memory_space<semaphore_mem>>) {add = true}
      %add3A_302 = arith.constant 2 : i32
      %add3A_303 = arith.addi %mul3A_153, %add3A_302 : i32
      %add3A_304 = arith.constant 2 : i32
      %add3A_305 = arith.addi %mul3A_142, %add3A_304 : i32
      %dma_start3A_306 = arith.constant 0 : i32
      %dma_start3A_307 = arith.constant 0 : i32
      %dma_start3A_308 = tpu.memref_slice %arg8[%add3A_303, %dma_start3A_306, %dma_start3A_307] : memref<16x128x32xf32, #tpu.memory_space<vmem>> -> memref<1x128x32xf32, #tpu.memory_space<vmem>>
      %dma_start3A_309 = tpu.memref_squeeze %dma_start3A_308 : memref<1x128x32xf32, #tpu.memory_space<vmem>> -> memref<128x32xf32, #tpu.memory_space<vmem>>
      %dma_start3A_310 = arith.constant 0 : i32
      %dma_start3A_311 = tpu.memref_slice %arg7[%add3A_305, %dma_start3A_310] : memref<80x128xi32, #tpu.memory_space<vmem>> -> memref<1x128xi32, #tpu.memory_space<vmem>>
      %dma_start3A_312 = tpu.memref_squeeze %dma_start3A_311 : memref<1x128xi32, #tpu.memory_space<vmem>> -> memref<128xi32, #tpu.memory_space<vmem>>
      %dma_start3A_313 = arith.constant 0 : i32
      %dma_start3A_314 = arith.constant 0 : i32
      %dma_start3A_315 = tpu.memref_slice %arg9[%dma_start3A_313, %dma_start3A_314] : memref<10240x32xf32, #tpu.memory_space<vmem_shared>> -> memref<10240x32xf32, #tpu.memory_space<vmem_shared>>
      tpu.enqueue_indirect_dma source(%dma_start3A_309 : memref<128x32xf32, #tpu.memory_space<vmem>>) target(%dma_start3A_315 : memref<10240x32xf32, #tpu.memory_space<vmem_shared>>) offsets(%dma_start3A_312 : memref<128xi32, #tpu.memory_space<vmem>>) semaphore(%arg12 : memref<!tpu.dma_semaphore, #tpu.memory_space<semaphore_mem>>) {add = true}
      %add3A_316 = arith.constant 3 : i32
      %add3A_317 = arith.addi %mul3A_153, %add3A_316 : i32
      %add3A_318 = arith.constant 3 : i32
      %add3A_319 = arith.addi %mul3A_142, %add3A_318 : i32
      %dma_start3A_320 = arith.constant 0 : i32
      %dma_start3A_321 = arith.constant 0 : i32
      %dma_start3A_322 = tpu.memref_slice %arg8[%add3A_317, %dma_start3A_320, %dma_start3A_321] : memref<16x128x32xf32, #tpu.memory_space<vmem>> -> memref<1x128x32xf32, #tpu.memory_space<vmem>>
      %dma_start3A_323 = tpu.memref_squeeze %dma_start3A_322 : memref<1x128x32xf32, #tpu.memory_space<vmem>> -> memref<128x32xf32, #tpu.memory_space<vmem>>
      %dma_start3A_324 = arith.constant 0 : i32
      %dma_start3A_325 = tpu.memref_slice %arg7[%add3A_319, %dma_start3A_324] : memref<80x128xi32, #tpu.memory_space<vmem>> -> memref<1x128xi32, #tpu.memory_space<vmem>>
      %dma_start3A_326 = tpu.memref_squeeze %dma_start3A_325 : memref<1x128xi32, #tpu.memory_space<vmem>> -> memref<128xi32, #tpu.memory_space<vmem>>
      %dma_start3A_327 = arith.constant 0 : i32
      %dma_start3A_328 = arith.constant 0 : i32
      %dma_start3A_329 = tpu.memref_slice %arg9[%dma_start3A_327, %dma_start3A_328] : memref<10240x32xf32, #tpu.memory_space<vmem_shared>> -> memref<10240x32xf32, #tpu.memory_space<vmem_shared>>
      tpu.enqueue_indirect_dma source(%dma_start3A_323 : memref<128x32xf32, #tpu.memory_space<vmem>>) target(%dma_start3A_329 : memref<10240x32xf32, #tpu.memory_space<vmem_shared>>) offsets(%dma_start3A_326 : memref<128xi32, #tpu.memory_space<vmem>>) semaphore(%arg12 : memref<!tpu.dma_semaphore, #tpu.memory_space<semaphore_mem>>) {add = true}
      %add3A_330 = arith.constant 4 : i32
      %add3A_331 = arith.addi %mul3A_153, %add3A_330 : i32
      %add3A_332 = arith.constant 4 : i32
      %add3A_333 = arith.addi %mul3A_142, %add3A_332 : i32
      %dma_start3A_334 = arith.constant 0 : i32
      %dma_start3A_335 = arith.constant 0 : i32
      %dma_start3A_336 = tpu.memref_slice %arg8[%add3A_331, %dma_start3A_334, %dma_start3A_335] : memref<16x128x32xf32, #tpu.memory_space<vmem>> -> memref<1x128x32xf32, #tpu.memory_space<vmem>>
      %dma_start3A_337 = tpu.memref_squeeze %dma_start3A_336 : memref<1x128x32xf32, #tpu.memory_space<vmem>> -> memref<128x32xf32, #tpu.memory_space<vmem>>
      %dma_start3A_338 = arith.constant 0 : i32
      %dma_start3A_339 = tpu.memref_slice %arg7[%add3A_333, %dma_start3A_338] : memref<80x128xi32, #tpu.memory_space<vmem>> -> memref<1x128xi32, #tpu.memory_space<vmem>>
      %dma_start3A_340 = tpu.memref_squeeze %dma_start3A_339 : memref<1x128xi32, #tpu.memory_space<vmem>> -> memref<128xi32, #tpu.memory_space<vmem>>
      %dma_start3A_341 = arith.constant 0 : i32
      %dma_start3A_342 = arith.constant 0 : i32
      %dma_start3A_343 = tpu.memref_slice %arg9[%dma_start3A_341, %dma_start3A_342] : memref<10240x32xf32, #tpu.memory_space<vmem_shared>> -> memref<10240x32xf32, #tpu.memory_space<vmem_shared>>
      tpu.enqueue_indirect_dma source(%dma_start3A_337 : memref<128x32xf32, #tpu.memory_space<vmem>>) target(%dma_start3A_343 : memref<10240x32xf32, #tpu.memory_space<vmem_shared>>) offsets(%dma_start3A_340 : memref<128xi32, #tpu.memory_space<vmem>>) semaphore(%arg12 : memref<!tpu.dma_semaphore, #tpu.memory_space<semaphore_mem>>) {add = true}
      %add3A_344 = arith.constant 5 : i32
      %add3A_345 = arith.addi %mul3A_153, %add3A_344 : i32
      %add3A_346 = arith.constant 5 : i32
      %add3A_347 = arith.addi %mul3A_142, %add3A_346 : i32
      %dma_start3A_348 = arith.constant 0 : i32
      %dma_start3A_349 = arith.constant 0 : i32
      %dma_start3A_350 = tpu.memref_slice %arg8[%add3A_345, %dma_start3A_348, %dma_start3A_349] : memref<16x128x32xf32, #tpu.memory_space<vmem>> -> memref<1x128x32xf32, #tpu.memory_space<vmem>>
      %dma_start3A_351 = tpu.memref_squeeze %dma_start3A_350 : memref<1x128x32xf32, #tpu.memory_space<vmem>> -> memref<128x32xf32, #tpu.memory_space<vmem>>
      %dma_start3A_352 = arith.constant 0 : i32
      %dma_start3A_353 = tpu.memref_slice %arg7[%add3A_347, %dma_start3A_352] : memref<80x128xi32, #tpu.memory_space<vmem>> -> memref<1x128xi32, #tpu.memory_space<vmem>>
      %dma_start3A_354 = tpu.memref_squeeze %dma_start3A_353 : memref<1x128xi32, #tpu.memory_space<vmem>> -> memref<128xi32, #tpu.memory_space<vmem>>
      %dma_start3A_355 = arith.constant 0 : i32
      %dma_start3A_356 = arith.constant 0 : i32
      %dma_start3A_357 = tpu.memref_slice %arg9[%dma_start3A_355, %dma_start3A_356] : memref<10240x32xf32, #tpu.memory_space<vmem_shared>> -> memref<10240x32xf32, #tpu.memory_space<vmem_shared>>
      tpu.enqueue_indirect_dma source(%dma_start3A_351 : memref<128x32xf32, #tpu.memory_space<vmem>>) target(%dma_start3A_357 : memref<10240x32xf32, #tpu.memory_space<vmem_shared>>) offsets(%dma_start3A_354 : memref<128xi32, #tpu.memory_space<vmem>>) semaphore(%arg12 : memref<!tpu.dma_semaphore, #tpu.memory_space<semaphore_mem>>) {add = true}
      %add3A_358 = arith.constant 6 : i32
      %add3A_359 = arith.addi %mul3A_153, %add3A_358 : i32
      %add3A_360 = arith.constant 6 : i32
      %add3A_361 = arith.addi %mul3A_142, %add3A_360 : i32
      %dma_start3A_362 = arith.constant 0 : i32
      %dma_start3A_363 = arith.constant 0 : i32
      %dma_start3A_364 = tpu.memref_slice %arg8[%add3A_359, %dma_start3A_362, %dma_start3A_363] : memref<16x128x32xf32, #tpu.memory_space<vmem>> -> memref<1x128x32xf32, #tpu.memory_space<vmem>>
      %dma_start3A_365 = tpu.memref_squeeze %dma_start3A_364 : memref<1x128x32xf32, #tpu.memory_space<vmem>> -> memref<128x32xf32, #tpu.memory_space<vmem>>
      %dma_start3A_366 = arith.constant 0 : i32
      %dma_start3A_367 = tpu.memref_slice %arg7[%add3A_361, %dma_start3A_366] : memref<80x128xi32, #tpu.memory_space<vmem>> -> memref<1x128xi32, #tpu.memory_space<vmem>>
      %dma_start3A_368 = tpu.memref_squeeze %dma_start3A_367 : memref<1x128xi32, #tpu.memory_space<vmem>> -> memref<128xi32, #tpu.memory_space<vmem>>
      %dma_start3A_369 = arith.constant 0 : i32
      %dma_start3A_370 = arith.constant 0 : i32
      %dma_start3A_371 = tpu.memref_slice %arg9[%dma_start3A_369, %dma_start3A_370] : memref<10240x32xf32, #tpu.memory_space<vmem_shared>> -> memref<10240x32xf32, #tpu.memory_space<vmem_shared>>
      tpu.enqueue_indirect_dma source(%dma_start3A_365 : memref<128x32xf32, #tpu.memory_space<vmem>>) target(%dma_start3A_371 : memref<10240x32xf32, #tpu.memory_space<vmem_shared>>) offsets(%dma_start3A_368 : memref<128xi32, #tpu.memory_space<vmem>>) semaphore(%arg12 : memref<!tpu.dma_semaphore, #tpu.memory_space<semaphore_mem>>) {add = true}
      %add3A_372 = arith.constant 7 : i32
      %add3A_373 = arith.addi %mul3A_153, %add3A_372 : i32
      %add3A_374 = arith.constant 7 : i32
      %add3A_375 = arith.addi %mul3A_142, %add3A_374 : i32
      %dma_start3A_376 = arith.constant 0 : i32
      %dma_start3A_377 = arith.constant 0 : i32
      %dma_start3A_378 = tpu.memref_slice %arg8[%add3A_373, %dma_start3A_376, %dma_start3A_377] : memref<16x128x32xf32, #tpu.memory_space<vmem>> -> memref<1x128x32xf32, #tpu.memory_space<vmem>>
      %dma_start3A_379 = tpu.memref_squeeze %dma_start3A_378 : memref<1x128x32xf32, #tpu.memory_space<vmem>> -> memref<128x32xf32, #tpu.memory_space<vmem>>
      %dma_start3A_380 = arith.constant 0 : i32
      %dma_start3A_381 = tpu.memref_slice %arg7[%add3A_375, %dma_start3A_380] : memref<80x128xi32, #tpu.memory_space<vmem>> -> memref<1x128xi32, #tpu.memory_space<vmem>>
      %dma_start3A_382 = tpu.memref_squeeze %dma_start3A_381 : memref<1x128xi32, #tpu.memory_space<vmem>> -> memref<128xi32, #tpu.memory_space<vmem>>
      %dma_start3A_383 = arith.constant 0 : i32
      %dma_start3A_384 = arith.constant 0 : i32
      %dma_start3A_385 = tpu.memref_slice %arg9[%dma_start3A_383, %dma_start3A_384] : memref<10240x32xf32, #tpu.memory_space<vmem_shared>> -> memref<10240x32xf32, #tpu.memory_space<vmem_shared>>
      tpu.enqueue_indirect_dma source(%dma_start3A_379 : memref<128x32xf32, #tpu.memory_space<vmem>>) target(%dma_start3A_385 : memref<10240x32xf32, #tpu.memory_space<vmem_shared>>) offsets(%dma_start3A_382 : memref<128xi32, #tpu.memory_space<vmem>>) semaphore(%arg12 : memref<!tpu.dma_semaphore, #tpu.memory_space<semaphore_mem>>) {add = true}
      %lt3A_386 = arith.constant 9 : i32
      %lt3A_387 = arith.cmpi slt, %scan3A_140, %lt3A_386 : i32
      %convert_element_type3A = arith.extui %lt3A_387 : i1 to i32
      %cond3A = arith.constant 0 : i32
      %cond3A_388 = arith.cmpi ne, %convert_element_type3A, %cond3A : i32
      scf.if %cond3A_388 {
        %add3A_509 = arith.constant 8 : i32
        %add3A_510 = arith.addi %mul3A_142, %add3A_509 : i32
        %add3A_511 = arith.constant 0 : i32
        %add3A_512 = arith.addi %add3A_510, %add3A_511 : i32
        %add3A_513 = arith.constant 0 : i32
        %add3A_514 = arith.addi %sub3A_154, %add3A_513 : i32
        %dma_start3A_515 = arith.constant 0 : i32
        %dma_start3A_516 = arith.constant 0 : i32
        %dma_start3A_517 = tpu.memref_slice %arg8[%add3A_514, %dma_start3A_515, %dma_start3A_516] : memref<16x128x32xf32, #tpu.memory_space<vmem>> -> memref<1x128x32xf32, #tpu.memory_space<vmem>>
        %dma_start3A_518 = tpu.memref_squeeze %dma_start3A_517 : memref<1x128x32xf32, #tpu.memory_space<vmem>> -> memref<128x32xf32, #tpu.memory_space<vmem>>
        %dma_start3A_519 = arith.constant 0 : i32
        %dma_start3A_520 = tpu.memref_slice %arg6[%add3A_512, %dma_start3A_519] : memref<80x128xi32, #tpu.memory_space<vmem>> -> memref<1x128xi32, #tpu.memory_space<vmem>>
        %dma_start3A_521 = tpu.memref_squeeze %dma_start3A_520 : memref<1x128xi32, #tpu.memory_space<vmem>> -> memref<128xi32, #tpu.memory_space<vmem>>
        %dma_start3A_522 = arith.constant 0 : i32
        %dma_start3A_523 = arith.constant 0 : i32
        %dma_start3A_524 = tpu.memref_slice %arg10[%dma_start3A_522, %dma_start3A_523] : memref<10240x32xf32, #tpu.memory_space<vmem_shared>> -> memref<10240x32xf32, #tpu.memory_space<vmem_shared>>
        tpu.enqueue_indirect_dma source(%dma_start3A_524 : memref<10240x32xf32, #tpu.memory_space<vmem_shared>>) target(%dma_start3A_518 : memref<128x32xf32, #tpu.memory_space<vmem>>) offsets(%dma_start3A_521 : memref<128xi32, #tpu.memory_space<vmem>>) semaphore(%arg11 : memref<!tpu.dma_semaphore, #tpu.memory_space<semaphore_mem>>)
        %add3A_525 = arith.constant 8 : i32
        %add3A_526 = arith.addi %mul3A_142, %add3A_525 : i32
        %add3A_527 = arith.constant 1 : i32
        %add3A_528 = arith.addi %add3A_526, %add3A_527 : i32
        %add3A_529 = arith.constant 1 : i32
        %add3A_530 = arith.addi %sub3A_154, %add3A_529 : i32
        %dma_start3A_531 = arith.constant 0 : i32
        %dma_start3A_532 = arith.constant 0 : i32
        %dma_start3A_533 = tpu.memref_slice %arg8[%add3A_530, %dma_start3A_531, %dma_start3A_532] : memref<16x128x32xf32, #tpu.memory_space<vmem>> -> memref<1x128x32xf32, #tpu.memory_space<vmem>>
        %dma_start3A_534 = tpu.memref_squeeze %dma_start3A_533 : memref<1x128x32xf32, #tpu.memory_space<vmem>> -> memref<128x32xf32, #tpu.memory_space<vmem>>
        %dma_start3A_535 = arith.constant 0 : i32
        %dma_start3A_536 = tpu.memref_slice %arg6[%add3A_528, %dma_start3A_535] : memref<80x128xi32, #tpu.memory_space<vmem>> -> memref<1x128xi32, #tpu.memory_space<vmem>>
        %dma_start3A_537 = tpu.memref_squeeze %dma_start3A_536 : memref<1x128xi32, #tpu.memory_space<vmem>> -> memref<128xi32, #tpu.memory_space<vmem>>
        %dma_start3A_538 = arith.constant 0 : i32
        %dma_start3A_539 = arith.constant 0 : i32
        %dma_start3A_540 = tpu.memref_slice %arg10[%dma_start3A_538, %dma_start3A_539] : memref<10240x32xf32, #tpu.memory_space<vmem_shared>> -> memref<10240x32xf32, #tpu.memory_space<vmem_shared>>
        tpu.enqueue_indirect_dma source(%dma_start3A_540 : memref<10240x32xf32, #tpu.memory_space<vmem_shared>>) target(%dma_start3A_534 : memref<128x32xf32, #tpu.memory_space<vmem>>) offsets(%dma_start3A_537 : memref<128xi32, #tpu.memory_space<vmem>>) semaphore(%arg11 : memref<!tpu.dma_semaphore, #tpu.memory_space<semaphore_mem>>)
        %add3A_541 = arith.constant 8 : i32
        %add3A_542 = arith.addi %mul3A_142, %add3A_541 : i32
        %add3A_543 = arith.constant 2 : i32
        %add3A_544 = arith.addi %add3A_542, %add3A_543 : i32
        %add3A_545 = arith.constant 2 : i32
        %add3A_546 = arith.addi %sub3A_154, %add3A_545 : i32
        %dma_start3A_547 = arith.constant 0 : i32
        %dma_start3A_548 = arith.constant 0 : i32
        %dma_start3A_549 = tpu.memref_slice %arg8[%add3A_546, %dma_start3A_547, %dma_start3A_548] : memref<16x128x32xf32, #tpu.memory_space<vmem>> -> memref<1x128x32xf32, #tpu.memory_space<vmem>>
        %dma_start3A_550 = tpu.memref_squeeze %dma_start3A_549 : memref<1x128x32xf32, #tpu.memory_space<vmem>> -> memref<128x32xf32, #tpu.memory_space<vmem>>
        %dma_start3A_551 = arith.constant 0 : i32
        %dma_start3A_552 = tpu.memref_slice %arg6[%add3A_544, %dma_start3A_551] : memref<80x128xi32, #tpu.memory_space<vmem>> -> memref<1x128xi32, #tpu.memory_space<vmem>>
        %dma_start3A_553 = tpu.memref_squeeze %dma_start3A_552 : memref<1x128xi32, #tpu.memory_space<vmem>> -> memref<128xi32, #tpu.memory_space<vmem>>
        %dma_start3A_554 = arith.constant 0 : i32
        %dma_start3A_555 = arith.constant 0 : i32
        %dma_start3A_556 = tpu.memref_slice %arg10[%dma_start3A_554, %dma_start3A_555] : memref<10240x32xf32, #tpu.memory_space<vmem_shared>> -> memref<10240x32xf32, #tpu.memory_space<vmem_shared>>
        tpu.enqueue_indirect_dma source(%dma_start3A_556 : memref<10240x32xf32, #tpu.memory_space<vmem_shared>>) target(%dma_start3A_550 : memref<128x32xf32, #tpu.memory_space<vmem>>) offsets(%dma_start3A_553 : memref<128xi32, #tpu.memory_space<vmem>>) semaphore(%arg11 : memref<!tpu.dma_semaphore, #tpu.memory_space<semaphore_mem>>)
        %add3A_557 = arith.constant 8 : i32
        %add3A_558 = arith.addi %mul3A_142, %add3A_557 : i32
        %add3A_559 = arith.constant 3 : i32
        %add3A_560 = arith.addi %add3A_558, %add3A_559 : i32
        %add3A_561 = arith.constant 3 : i32
        %add3A_562 = arith.addi %sub3A_154, %add3A_561 : i32
        %dma_start3A_563 = arith.constant 0 : i32
        %dma_start3A_564 = arith.constant 0 : i32
        %dma_start3A_565 = tpu.memref_slice %arg8[%add3A_562, %dma_start3A_563, %dma_start3A_564] : memref<16x128x32xf32, #tpu.memory_space<vmem>> -> memref<1x128x32xf32, #tpu.memory_space<vmem>>
        %dma_start3A_566 = tpu.memref_squeeze %dma_start3A_565 : memref<1x128x32xf32, #tpu.memory_space<vmem>> -> memref<128x32xf32, #tpu.memory_space<vmem>>
        %dma_start3A_567 = arith.constant 0 : i32
        %dma_start3A_568 = tpu.memref_slice %arg6[%add3A_560, %dma_start3A_567] : memref<80x128xi32, #tpu.memory_space<vmem>> -> memref<1x128xi32, #tpu.memory_space<vmem>>
        %dma_start3A_569 = tpu.memref_squeeze %dma_start3A_568 : memref<1x128xi32, #tpu.memory_space<vmem>> -> memref<128xi32, #tpu.memory_space<vmem>>
        %dma_start3A_570 = arith.constant 0 : i32
        %dma_start3A_571 = arith.constant 0 : i32
        %dma_start3A_572 = tpu.memref_slice %arg10[%dma_start3A_570, %dma_start3A_571] : memref<10240x32xf32, #tpu.memory_space<vmem_shared>> -> memref<10240x32xf32, #tpu.memory_space<vmem_shared>>
        tpu.enqueue_indirect_dma source(%dma_start3A_572 : memref<10240x32xf32, #tpu.memory_space<vmem_shared>>) target(%dma_start3A_566 : memref<128x32xf32, #tpu.memory_space<vmem>>) offsets(%dma_start3A_569 : memref<128xi32, #tpu.memory_space<vmem>>) semaphore(%arg11 : memref<!tpu.dma_semaphore, #tpu.memory_space<semaphore_mem>>)
        %add3A_573 = arith.constant 8 : i32
        %add3A_574 = arith.addi %mul3A_142, %add3A_573 : i32
        %add3A_575 = arith.constant 4 : i32
        %add3A_576 = arith.addi %add3A_574, %add3A_575 : i32
        %add3A_577 = arith.constant 4 : i32
        %add3A_578 = arith.addi %sub3A_154, %add3A_577 : i32
        %dma_start3A_579 = arith.constant 0 : i32
        %dma_start3A_580 = arith.constant 0 : i32
        %dma_start3A_581 = tpu.memref_slice %arg8[%add3A_578, %dma_start3A_579, %dma_start3A_580] : memref<16x128x32xf32, #tpu.memory_space<vmem>> -> memref<1x128x32xf32, #tpu.memory_space<vmem>>
        %dma_start3A_582 = tpu.memref_squeeze %dma_start3A_581 : memref<1x128x32xf32, #tpu.memory_space<vmem>> -> memref<128x32xf32, #tpu.memory_space<vmem>>
        %dma_start3A_583 = arith.constant 0 : i32
        %dma_start3A_584 = tpu.memref_slice %arg6[%add3A_576, %dma_start3A_583] : memref<80x128xi32, #tpu.memory_space<vmem>> -> memref<1x128xi32, #tpu.memory_space<vmem>>
        %dma_start3A_585 = tpu.memref_squeeze %dma_start3A_584 : memref<1x128xi32, #tpu.memory_space<vmem>> -> memref<128xi32, #tpu.memory_space<vmem>>
        %dma_start3A_586 = arith.constant 0 : i32
        %dma_start3A_587 = arith.constant 0 : i32
        %dma_start3A_588 = tpu.memref_slice %arg10[%dma_start3A_586, %dma_start3A_587] : memref<10240x32xf32, #tpu.memory_space<vmem_shared>> -> memref<10240x32xf32, #tpu.memory_space<vmem_shared>>
        tpu.enqueue_indirect_dma source(%dma_start3A_588 : memref<10240x32xf32, #tpu.memory_space<vmem_shared>>) target(%dma_start3A_582 : memref<128x32xf32, #tpu.memory_space<vmem>>) offsets(%dma_start3A_585 : memref<128xi32, #tpu.memory_space<vmem>>) semaphore(%arg11 : memref<!tpu.dma_semaphore, #tpu.memory_space<semaphore_mem>>)
        %add3A_589 = arith.constant 8 : i32
        %add3A_590 = arith.addi %mul3A_142, %add3A_589 : i32
        %add3A_591 = arith.constant 5 : i32
        %add3A_592 = arith.addi %add3A_590, %add3A_591 : i32
        %add3A_593 = arith.constant 5 : i32
        %add3A_594 = arith.addi %sub3A_154, %add3A_593 : i32
        %dma_start3A_595 = arith.constant 0 : i32
        %dma_start3A_596 = arith.constant 0 : i32
        %dma_start3A_597 = tpu.memref_slice %arg8[%add3A_594, %dma_start3A_595, %dma_start3A_596] : memref<16x128x32xf32, #tpu.memory_space<vmem>> -> memref<1x128x32xf32, #tpu.memory_space<vmem>>
        %dma_start3A_598 = tpu.memref_squeeze %dma_start3A_597 : memref<1x128x32xf32, #tpu.memory_space<vmem>> -> memref<128x32xf32, #tpu.memory_space<vmem>>
        %dma_start3A_599 = arith.constant 0 : i32
        %dma_start3A_600 = tpu.memref_slice %arg6[%add3A_592, %dma_start3A_599] : memref<80x128xi32, #tpu.memory_space<vmem>> -> memref<1x128xi32, #tpu.memory_space<vmem>>
        %dma_start3A_601 = tpu.memref_squeeze %dma_start3A_600 : memref<1x128xi32, #tpu.memory_space<vmem>> -> memref<128xi32, #tpu.memory_space<vmem>>
        %dma_start3A_602 = arith.constant 0 : i32
        %dma_start3A_603 = arith.constant 0 : i32
        %dma_start3A_604 = tpu.memref_slice %arg10[%dma_start3A_602, %dma_start3A_603] : memref<10240x32xf32, #tpu.memory_space<vmem_shared>> -> memref<10240x32xf32, #tpu.memory_space<vmem_shared>>
        tpu.enqueue_indirect_dma source(%dma_start3A_604 : memref<10240x32xf32, #tpu.memory_space<vmem_shared>>) target(%dma_start3A_598 : memref<128x32xf32, #tpu.memory_space<vmem>>) offsets(%dma_start3A_601 : memref<128xi32, #tpu.memory_space<vmem>>) semaphore(%arg11 : memref<!tpu.dma_semaphore, #tpu.memory_space<semaphore_mem>>)
        %add3A_605 = arith.constant 8 : i32
        %add3A_606 = arith.addi %mul3A_142, %add3A_605 : i32
        %add3A_607 = arith.constant 6 : i32
        %add3A_608 = arith.addi %add3A_606, %add3A_607 : i32
        %add3A_609 = arith.constant 6 : i32
        %add3A_610 = arith.addi %sub3A_154, %add3A_609 : i32
        %dma_start3A_611 = arith.constant 0 : i32
        %dma_start3A_612 = arith.constant 0 : i32
        %dma_start3A_613 = tpu.memref_slice %arg8[%add3A_610, %dma_start3A_611, %dma_start3A_612] : memref<16x128x32xf32, #tpu.memory_space<vmem>> -> memref<1x128x32xf32, #tpu.memory_space<vmem>>
        %dma_start3A_614 = tpu.memref_squeeze %dma_start3A_613 : memref<1x128x32xf32, #tpu.memory_space<vmem>> -> memref<128x32xf32, #tpu.memory_space<vmem>>
        %dma_start3A_615 = arith.constant 0 : i32
        %dma_start3A_616 = tpu.memref_slice %arg6[%add3A_608, %dma_start3A_615] : memref<80x128xi32, #tpu.memory_space<vmem>> -> memref<1x128xi32, #tpu.memory_space<vmem>>
        %dma_start3A_617 = tpu.memref_squeeze %dma_start3A_616 : memref<1x128xi32, #tpu.memory_space<vmem>> -> memref<128xi32, #tpu.memory_space<vmem>>
        %dma_start3A_618 = arith.constant 0 : i32
        %dma_start3A_619 = arith.constant 0 : i32
        %dma_start3A_620 = tpu.memref_slice %arg10[%dma_start3A_618, %dma_start3A_619] : memref<10240x32xf32, #tpu.memory_space<vmem_shared>> -> memref<10240x32xf32, #tpu.memory_space<vmem_shared>>
        tpu.enqueue_indirect_dma source(%dma_start3A_620 : memref<10240x32xf32, #tpu.memory_space<vmem_shared>>) target(%dma_start3A_614 : memref<128x32xf32, #tpu.memory_space<vmem>>) offsets(%dma_start3A_617 : memref<128xi32, #tpu.memory_space<vmem>>) semaphore(%arg11 : memref<!tpu.dma_semaphore, #tpu.memory_space<semaphore_mem>>)
        %add3A_621 = arith.constant 8 : i32
        %add3A_622 = arith.addi %mul3A_142, %add3A_621 : i32
        %add3A_623 = arith.constant 7 : i32
        %add3A_624 = arith.addi %add3A_622, %add3A_623 : i32
        %add3A_625 = arith.constant 7 : i32
        %add3A_626 = arith.addi %sub3A_154, %add3A_625 : i32
        %dma_start3A_627 = arith.constant 0 : i32
        %dma_start3A_628 = arith.constant 0 : i32
        %dma_start3A_629 = tpu.memref_slice %arg8[%add3A_626, %dma_start3A_627, %dma_start3A_628] : memref<16x128x32xf32, #tpu.memory_space<vmem>> -> memref<1x128x32xf32, #tpu.memory_space<vmem>>
        %dma_start3A_630 = tpu.memref_squeeze %dma_start3A_629 : memref<1x128x32xf32, #tpu.memory_space<vmem>> -> memref<128x32xf32, #tpu.memory_space<vmem>>
        %dma_start3A_631 = arith.constant 0 : i32
        %dma_start3A_632 = tpu.memref_slice %arg6[%add3A_624, %dma_start3A_631] : memref<80x128xi32, #tpu.memory_space<vmem>> -> memref<1x128xi32, #tpu.memory_space<vmem>>
        %dma_start3A_633 = tpu.memref_squeeze %dma_start3A_632 : memref<1x128xi32, #tpu.memory_space<vmem>> -> memref<128xi32, #tpu.memory_space<vmem>>
        %dma_start3A_634 = arith.constant 0 : i32
        %dma_start3A_635 = arith.constant 0 : i32
        %dma_start3A_636 = tpu.memref_slice %arg10[%dma_start3A_634, %dma_start3A_635] : memref<10240x32xf32, #tpu.memory_space<vmem_shared>> -> memref<10240x32xf32, #tpu.memory_space<vmem_shared>>
        tpu.enqueue_indirect_dma source(%dma_start3A_636 : memref<10240x32xf32, #tpu.memory_space<vmem_shared>>) target(%dma_start3A_630 : memref<128x32xf32, #tpu.memory_space<vmem>>) offsets(%dma_start3A_633 : memref<128xi32, #tpu.memory_space<vmem>>) semaphore(%arg11 : memref<!tpu.dma_semaphore, #tpu.memory_space<semaphore_mem>>)
      } else {
      }
      %dma_wait3A_389 = arith.constant 0 : i32
      %dma_wait3A_390 = arith.constant 0 : i32
      %dma_wait3A_391 = arith.constant 0 : i32
      %dma_wait3A_392 = tpu.memref_slice %arg8[%dma_wait3A_389, %dma_wait3A_390, %dma_wait3A_391] : memref<16x128x32xf32, #tpu.memory_space<vmem>> -> memref<1x128x32xf32, #tpu.memory_space<vmem>>
      %dma_wait3A_393 = tpu.memref_squeeze %dma_wait3A_392 : memref<1x128x32xf32, #tpu.memory_space<vmem>> -> memref<128x32xf32, #tpu.memory_space<vmem>>
      %dma_wait3A_394 = arith.constant 0 : i32
      %dma_wait3A_395 = arith.constant 0 : i32
      %dma_wait3A_396 = tpu.memref_slice %arg9[%dma_wait3A_394, %dma_wait3A_395] : memref<10240x32xf32, #tpu.memory_space<vmem_shared>> -> memref<128x32xf32, #tpu.memory_space<vmem_shared>>
      %dma_wait3A_397 = arith.constant 0 : i32
      %dma_wait3A_398 = arith.constant 0 : i32
      %dma_wait3A_399 = tpu.memref_slice %arg9[%dma_wait3A_397, %dma_wait3A_398] : memref<10240x32xf32, #tpu.memory_space<vmem_shared>> -> memref<128x32xf32, #tpu.memory_space<vmem_shared>>
      %dma_wait3A_400 = arith.constant 0 : i32
      %dma_wait3A_401 = arith.constant 0 : i32
      %dma_wait3A_402 = tpu.memref_slice %arg8[%dma_wait3A_389, %dma_wait3A_400, %dma_wait3A_401] : memref<16x128x32xf32, #tpu.memory_space<vmem>> -> memref<1x128x32xf32, #tpu.memory_space<vmem>>
      %dma_wait3A_403 = tpu.memref_squeeze %dma_wait3A_402 : memref<1x128x32xf32, #tpu.memory_space<vmem>> -> memref<128x32xf32, #tpu.memory_space<vmem>>
      tpu.wait_dma2 semaphore(%arg12 : memref<!tpu.dma_semaphore, #tpu.memory_space<semaphore_mem>>) src(%dma_wait3A_403 : memref<128x32xf32, #tpu.memory_space<vmem>>) dst(%dma_wait3A_399 : memref<128x32xf32, #tpu.memory_space<vmem_shared>>)
      %dma_wait3A_404 = arith.constant 1 : i32
      %dma_wait3A_405 = arith.constant 0 : i32
      %dma_wait3A_406 = arith.constant 0 : i32
      %dma_wait3A_407 = tpu.memref_slice %arg8[%dma_wait3A_404, %dma_wait3A_405, %dma_wait3A_406] : memref<16x128x32xf32, #tpu.memory_space<vmem>> -> memref<1x128x32xf32, #tpu.memory_space<vmem>>
      %dma_wait3A_408 = tpu.memref_squeeze %dma_wait3A_407 : memref<1x128x32xf32, #tpu.memory_space<vmem>> -> memref<128x32xf32, #tpu.memory_space<vmem>>
      %dma_wait3A_409 = arith.constant 0 : i32
      %dma_wait3A_410 = arith.constant 0 : i32
      %dma_wait3A_411 = tpu.memref_slice %arg9[%dma_wait3A_409, %dma_wait3A_410] : memref<10240x32xf32, #tpu.memory_space<vmem_shared>> -> memref<128x32xf32, #tpu.memory_space<vmem_shared>>
      %dma_wait3A_412 = arith.constant 0 : i32
      %dma_wait3A_413 = arith.constant 0 : i32
      %dma_wait3A_414 = tpu.memref_slice %arg9[%dma_wait3A_412, %dma_wait3A_413] : memref<10240x32xf32, #tpu.memory_space<vmem_shared>> -> memref<128x32xf32, #tpu.memory_space<vmem_shared>>
      %dma_wait3A_415 = arith.constant 0 : i32
      %dma_wait3A_416 = arith.constant 0 : i32
      %dma_wait3A_417 = tpu.memref_slice %arg8[%dma_wait3A_404, %dma_wait3A_415, %dma_wait3A_416] : memref<16x128x32xf32, #tpu.memory_space<vmem>> -> memref<1x128x32xf32, #tpu.memory_space<vmem>>
      %dma_wait3A_418 = tpu.memref_squeeze %dma_wait3A_417 : memref<1x128x32xf32, #tpu.memory_space<vmem>> -> memref<128x32xf32, #tpu.memory_space<vmem>>
      tpu.wait_dma2 semaphore(%arg12 : memref<!tpu.dma_semaphore, #tpu.memory_space<semaphore_mem>>) src(%dma_wait3A_418 : memref<128x32xf32, #tpu.memory_space<vmem>>) dst(%dma_wait3A_414 : memref<128x32xf32, #tpu.memory_space<vmem_shared>>)
      %dma_wait3A_419 = arith.constant 2 : i32
      %dma_wait3A_420 = arith.constant 0 : i32
      %dma_wait3A_421 = arith.constant 0 : i32
      %dma_wait3A_422 = tpu.memref_slice %arg8[%dma_wait3A_419, %dma_wait3A_420, %dma_wait3A_421] : memref<16x128x32xf32, #tpu.memory_space<vmem>> -> memref<1x128x32xf32, #tpu.memory_space<vmem>>
      %dma_wait3A_423 = tpu.memref_squeeze %dma_wait3A_422 : memref<1x128x32xf32, #tpu.memory_space<vmem>> -> memref<128x32xf32, #tpu.memory_space<vmem>>
      %dma_wait3A_424 = arith.constant 0 : i32
      %dma_wait3A_425 = arith.constant 0 : i32
      %dma_wait3A_426 = tpu.memref_slice %arg9[%dma_wait3A_424, %dma_wait3A_425] : memref<10240x32xf32, #tpu.memory_space<vmem_shared>> -> memref<128x32xf32, #tpu.memory_space<vmem_shared>>
      %dma_wait3A_427 = arith.constant 0 : i32
      %dma_wait3A_428 = arith.constant 0 : i32
      %dma_wait3A_429 = tpu.memref_slice %arg9[%dma_wait3A_427, %dma_wait3A_428] : memref<10240x32xf32, #tpu.memory_space<vmem_shared>> -> memref<128x32xf32, #tpu.memory_space<vmem_shared>>
      %dma_wait3A_430 = arith.constant 0 : i32
      %dma_wait3A_431 = arith.constant 0 : i32
      %dma_wait3A_432 = tpu.memref_slice %arg8[%dma_wait3A_419, %dma_wait3A_430, %dma_wait3A_431] : memref<16x128x32xf32, #tpu.memory_space<vmem>> -> memref<1x128x32xf32, #tpu.memory_space<vmem>>
      %dma_wait3A_433 = tpu.memref_squeeze %dma_wait3A_432 : memref<1x128x32xf32, #tpu.memory_space<vmem>> -> memref<128x32xf32, #tpu.memory_space<vmem>>
      tpu.wait_dma2 semaphore(%arg12 : memref<!tpu.dma_semaphore, #tpu.memory_space<semaphore_mem>>) src(%dma_wait3A_433 : memref<128x32xf32, #tpu.memory_space<vmem>>) dst(%dma_wait3A_429 : memref<128x32xf32, #tpu.memory_space<vmem_shared>>)
      %dma_wait3A_434 = arith.constant 3 : i32
      %dma_wait3A_435 = arith.constant 0 : i32
      %dma_wait3A_436 = arith.constant 0 : i32
      %dma_wait3A_437 = tpu.memref_slice %arg8[%dma_wait3A_434, %dma_wait3A_435, %dma_wait3A_436] : memref<16x128x32xf32, #tpu.memory_space<vmem>> -> memref<1x128x32xf32, #tpu.memory_space<vmem>>
      %dma_wait3A_438 = tpu.memref_squeeze %dma_wait3A_437 : memref<1x128x32xf32, #tpu.memory_space<vmem>> -> memref<128x32xf32, #tpu.memory_space<vmem>>
      %dma_wait3A_439 = arith.constant 0 : i32
      %dma_wait3A_440 = arith.constant 0 : i32
      %dma_wait3A_441 = tpu.memref_slice %arg9[%dma_wait3A_439, %dma_wait3A_440] : memref<10240x32xf32, #tpu.memory_space<vmem_shared>> -> memref<128x32xf32, #tpu.memory_space<vmem_shared>>
      %dma_wait3A_442 = arith.constant 0 : i32
      %dma_wait3A_443 = arith.constant 0 : i32
      %dma_wait3A_444 = tpu.memref_slice %arg9[%dma_wait3A_442, %dma_wait3A_443] : memref<10240x32xf32, #tpu.memory_space<vmem_shared>> -> memref<128x32xf32, #tpu.memory_space<vmem_shared>>
      %dma_wait3A_445 = arith.constant 0 : i32
      %dma_wait3A_446 = arith.constant 0 : i32
      %dma_wait3A_447 = tpu.memref_slice %arg8[%dma_wait3A_434, %dma_wait3A_445, %dma_wait3A_446] : memref<16x128x32xf32, #tpu.memory_space<vmem>> -> memref<1x128x32xf32, #tpu.memory_space<vmem>>
      %dma_wait3A_448 = tpu.memref_squeeze %dma_wait3A_447 : memref<1x128x32xf32, #tpu.memory_space<vmem>> -> memref<128x32xf32, #tpu.memory_space<vmem>>
      tpu.wait_dma2 semaphore(%arg12 : memref<!tpu.dma_semaphore, #tpu.memory_space<semaphore_mem>>) src(%dma_wait3A_448 : memref<128x32xf32, #tpu.memory_space<vmem>>) dst(%dma_wait3A_444 : memref<128x32xf32, #tpu.memory_space<vmem_shared>>)
      %dma_wait3A_449 = arith.constant 4 : i32
      %dma_wait3A_450 = arith.constant 0 : i32
      %dma_wait3A_451 = arith.constant 0 : i32
      %dma_wait3A_452 = tpu.memref_slice %arg8[%dma_wait3A_449, %dma_wait3A_450, %dma_wait3A_451] : memref<16x128x32xf32, #tpu.memory_space<vmem>> -> memref<1x128x32xf32, #tpu.memory_space<vmem>>
      %dma_wait3A_453 = tpu.memref_squeeze %dma_wait3A_452 : memref<1x128x32xf32, #tpu.memory_space<vmem>> -> memref<128x32xf32, #tpu.memory_space<vmem>>
      %dma_wait3A_454 = arith.constant 0 : i32
      %dma_wait3A_455 = arith.constant 0 : i32
      %dma_wait3A_456 = tpu.memref_slice %arg9[%dma_wait3A_454, %dma_wait3A_455] : memref<10240x32xf32, #tpu.memory_space<vmem_shared>> -> memref<128x32xf32, #tpu.memory_space<vmem_shared>>
      %dma_wait3A_457 = arith.constant 0 : i32
      %dma_wait3A_458 = arith.constant 0 : i32
      %dma_wait3A_459 = tpu.memref_slice %arg9[%dma_wait3A_457, %dma_wait3A_458] : memref<10240x32xf32, #tpu.memory_space<vmem_shared>> -> memref<128x32xf32, #tpu.memory_space<vmem_shared>>
      %dma_wait3A_460 = arith.constant 0 : i32
      %dma_wait3A_461 = arith.constant 0 : i32
      %dma_wait3A_462 = tpu.memref_slice %arg8[%dma_wait3A_449, %dma_wait3A_460, %dma_wait3A_461] : memref<16x128x32xf32, #tpu.memory_space<vmem>> -> memref<1x128x32xf32, #tpu.memory_space<vmem>>
      %dma_wait3A_463 = tpu.memref_squeeze %dma_wait3A_462 : memref<1x128x32xf32, #tpu.memory_space<vmem>> -> memref<128x32xf32, #tpu.memory_space<vmem>>
      tpu.wait_dma2 semaphore(%arg12 : memref<!tpu.dma_semaphore, #tpu.memory_space<semaphore_mem>>) src(%dma_wait3A_463 : memref<128x32xf32, #tpu.memory_space<vmem>>) dst(%dma_wait3A_459 : memref<128x32xf32, #tpu.memory_space<vmem_shared>>)
      %dma_wait3A_464 = arith.constant 5 : i32
      %dma_wait3A_465 = arith.constant 0 : i32
      %dma_wait3A_466 = arith.constant 0 : i32
      %dma_wait3A_467 = tpu.memref_slice %arg8[%dma_wait3A_464, %dma_wait3A_465, %dma_wait3A_466] : memref<16x128x32xf32, #tpu.memory_space<vmem>> -> memref<1x128x32xf32, #tpu.memory_space<vmem>>
      %dma_wait3A_468 = tpu.memref_squeeze %dma_wait3A_467 : memref<1x128x32xf32, #tpu.memory_space<vmem>> -> memref<128x32xf32, #tpu.memory_space<vmem>>
      %dma_wait3A_469 = arith.constant 0 : i32
      %dma_wait3A_470 = arith.constant 0 : i32
      %dma_wait3A_471 = tpu.memref_slice %arg9[%dma_wait3A_469, %dma_wait3A_470] : memref<10240x32xf32, #tpu.memory_space<vmem_shared>> -> memref<128x32xf32, #tpu.memory_space<vmem_shared>>
      %dma_wait3A_472 = arith.constant 0 : i32
      %dma_wait3A_473 = arith.constant 0 : i32
      %dma_wait3A_474 = tpu.memref_slice %arg9[%dma_wait3A_472, %dma_wait3A_473] : memref<10240x32xf32, #tpu.memory_space<vmem_shared>> -> memref<128x32xf32, #tpu.memory_space<vmem_shared>>
      %dma_wait3A_475 = arith.constant 0 : i32
      %dma_wait3A_476 = arith.constant 0 : i32
      %dma_wait3A_477 = tpu.memref_slice %arg8[%dma_wait3A_464, %dma_wait3A_475, %dma_wait3A_476] : memref<16x128x32xf32, #tpu.memory_space<vmem>> -> memref<1x128x32xf32, #tpu.memory_space<vmem>>
      %dma_wait3A_478 = tpu.memref_squeeze %dma_wait3A_477 : memref<1x128x32xf32, #tpu.memory_space<vmem>> -> memref<128x32xf32, #tpu.memory_space<vmem>>
      tpu.wait_dma2 semaphore(%arg12 : memref<!tpu.dma_semaphore, #tpu.memory_space<semaphore_mem>>) src(%dma_wait3A_478 : memref<128x32xf32, #tpu.memory_space<vmem>>) dst(%dma_wait3A_474 : memref<128x32xf32, #tpu.memory_space<vmem_shared>>)
      %dma_wait3A_479 = arith.constant 6 : i32
      %dma_wait3A_480 = arith.constant 0 : i32
      %dma_wait3A_481 = arith.constant 0 : i32
      %dma_wait3A_482 = tpu.memref_slice %arg8[%dma_wait3A_479, %dma_wait3A_480, %dma_wait3A_481] : memref<16x128x32xf32, #tpu.memory_space<vmem>> -> memref<1x128x32xf32, #tpu.memory_space<vmem>>
      %dma_wait3A_483 = tpu.memref_squeeze %dma_wait3A_482 : memref<1x128x32xf32, #tpu.memory_space<vmem>> -> memref<128x32xf32, #tpu.memory_space<vmem>>
      %dma_wait3A_484 = arith.constant 0 : i32
      %dma_wait3A_485 = arith.constant 0 : i32
      %dma_wait3A_486 = tpu.memref_slice %arg9[%dma_wait3A_484, %dma_wait3A_485] : memref<10240x32xf32, #tpu.memory_space<vmem_shared>> -> memref<128x32xf32, #tpu.memory_space<vmem_shared>>
      %dma_wait3A_487 = arith.constant 0 : i32
      %dma_wait3A_488 = arith.constant 0 : i32
      %dma_wait3A_489 = tpu.memref_slice %arg9[%dma_wait3A_487, %dma_wait3A_488] : memref<10240x32xf32, #tpu.memory_space<vmem_shared>> -> memref<128x32xf32, #tpu.memory_space<vmem_shared>>
      %dma_wait3A_490 = arith.constant 0 : i32
      %dma_wait3A_491 = arith.constant 0 : i32
      %dma_wait3A_492 = tpu.memref_slice %arg8[%dma_wait3A_479, %dma_wait3A_490, %dma_wait3A_491] : memref<16x128x32xf32, #tpu.memory_space<vmem>> -> memref<1x128x32xf32, #tpu.memory_space<vmem>>
      %dma_wait3A_493 = tpu.memref_squeeze %dma_wait3A_492 : memref<1x128x32xf32, #tpu.memory_space<vmem>> -> memref<128x32xf32, #tpu.memory_space<vmem>>
      tpu.wait_dma2 semaphore(%arg12 : memref<!tpu.dma_semaphore, #tpu.memory_space<semaphore_mem>>) src(%dma_wait3A_493 : memref<128x32xf32, #tpu.memory_space<vmem>>) dst(%dma_wait3A_489 : memref<128x32xf32, #tpu.memory_space<vmem_shared>>)
      %dma_wait3A_494 = arith.constant 7 : i32
      %dma_wait3A_495 = arith.constant 0 : i32
      %dma_wait3A_496 = arith.constant 0 : i32
      %dma_wait3A_497 = tpu.memref_slice %arg8[%dma_wait3A_494, %dma_wait3A_495, %dma_wait3A_496] : memref<16x128x32xf32, #tpu.memory_space<vmem>> -> memref<1x128x32xf32, #tpu.memory_space<vmem>>
      %dma_wait3A_498 = tpu.memref_squeeze %dma_wait3A_497 : memref<1x128x32xf32, #tpu.memory_space<vmem>> -> memref<128x32xf32, #tpu.memory_space<vmem>>
      %dma_wait3A_499 = arith.constant 0 : i32
      %dma_wait3A_500 = arith.constant 0 : i32
      %dma_wait3A_501 = tpu.memref_slice %arg9[%dma_wait3A_499, %dma_wait3A_500] : memref<10240x32xf32, #tpu.memory_space<vmem_shared>> -> memref<128x32xf32, #tpu.memory_space<vmem_shared>>
      %dma_wait3A_502 = arith.constant 0 : i32
      %dma_wait3A_503 = arith.constant 0 : i32
      %dma_wait3A_504 = tpu.memref_slice %arg9[%dma_wait3A_502, %dma_wait3A_503] : memref<10240x32xf32, #tpu.memory_space<vmem_shared>> -> memref<128x32xf32, #tpu.memory_space<vmem_shared>>
      %dma_wait3A_505 = arith.constant 0 : i32
      %dma_wait3A_506 = arith.constant 0 : i32
      %dma_wait3A_507 = tpu.memref_slice %arg8[%dma_wait3A_494, %dma_wait3A_505, %dma_wait3A_506] : memref<16x128x32xf32, #tpu.memory_space<vmem>> -> memref<1x128x32xf32, #tpu.memory_space<vmem>>
      %dma_wait3A_508 = tpu.memref_squeeze %dma_wait3A_507 : memref<1x128x32xf32, #tpu.memory_space<vmem>> -> memref<128x32xf32, #tpu.memory_space<vmem>>
      tpu.wait_dma2 semaphore(%arg12 : memref<!tpu.dma_semaphore, #tpu.memory_space<semaphore_mem>>) src(%dma_wait3A_508 : memref<128x32xf32, #tpu.memory_space<vmem>>) dst(%dma_wait3A_504 : memref<128x32xf32, #tpu.memory_space<vmem_shared>>)
    }
    %scan3A_134 = arith.constant 10 : i32
    %barrier3A_135 = arith.constant 0 : index
    tpu.barrier barrier_id(%barrier3A_135)
    %mul3A_136 = arith.constant 640 : i32
    %mul3A_137 = arith.muli %arg1, %mul3A_136 : i32
    %mul3A_138 = arith.constant 640 : i32
    %mul3A_139 = arith.muli %arg1, %mul3A_138 : i32
    "tpu.region"() ({
      %run_scoped3A_140 = tpu.sem_alloc : memref<!tpu.dma_semaphore, #tpu.memory_space<semaphore_mem>>
      %dma_start3A_141 = arith.constant 0 : i32
      %dma_start3A_142 = tpu.memref_slice %arg5[%arg0, %mul3A_139, %dma_start3A_141] : memref<2x10240x32xf32, #tpu.memory_space<hbm>> -> memref<1x640x32xf32, #tpu.memory_space<hbm>>
      %dma_start3A_143 = tpu.memref_squeeze %dma_start3A_142 : memref<1x640x32xf32, #tpu.memory_space<hbm>> -> memref<640x32xf32, #tpu.memory_space<hbm>>
      %dma_start3A_144 = arith.constant 0 : i32
      %dma_start3A_145 = tpu.memref_slice %arg9[%mul3A_137, %dma_start3A_144] : memref<10240x32xf32, #tpu.memory_space<vmem_shared>> -> memref<640x32xf32, #tpu.memory_space<vmem_shared>>
      tpu.enqueue_dma source(%dma_start3A_145 : memref<640x32xf32, #tpu.memory_space<vmem_shared>>) target(%dma_start3A_143 : memref<640x32xf32, #tpu.memory_space<hbm>>) target_semaphore(%run_scoped3A_140 : memref<!tpu.dma_semaphore, #tpu.memory_space<semaphore_mem>>)
      %dma_wait3A = arith.constant 0 : i32
      %dma_wait3A_146 = tpu.memref_slice %arg5[%arg0, %mul3A_139, %dma_wait3A] : memref<2x10240x32xf32, #tpu.memory_space<hbm>> -> memref<1x640x32xf32, #tpu.memory_space<hbm>>
      %dma_wait3A_147 = tpu.memref_squeeze %dma_wait3A_146 : memref<1x640x32xf32, #tpu.memory_space<hbm>> -> memref<640x32xf32, #tpu.memory_space<hbm>>
      %dma_wait3A_148 = arith.constant 0 : i32
      %dma_wait3A_149 = tpu.memref_slice %arg9[%mul3A_137, %dma_wait3A_148] : memref<10240x32xf32, #tpu.memory_space<vmem_shared>> -> memref<640x32xf32, #tpu.memory_space<vmem_shared>>
      tpu.wait_dma2 semaphore(%run_scoped3A_140 : memref<!tpu.dma_semaphore, #tpu.memory_space<semaphore_mem>>) src(%dma_wait3A_149 : memref<640x32xf32, #tpu.memory_space<vmem_shared>>) dst(%dma_wait3A_147 : memref<640x32xf32, #tpu.memory_space<hbm>>)
      tpu.yield
    }) : () -> ()
    return
  }
}

#map = affine_map<(d0, d1) -> (0, 0)>
#map1 = affine_map<(d0, d1) -> (0, 0, 0)>
module attributes {stable_mosaic.version = 14 : i64} {
  func.func @_agg_sc(%arg0: i32, %arg1: i32, %arg2: memref<10240x32xf32, #tpu.memory_space<hbm>>, %arg3: memref<32x80x128xi32, #tpu.memory_space<hbm>>, %arg4: memref<32x80x128xi32, #tpu.memory_space<hbm>>, %arg5: memref<2x10240x32xf32, #tpu.memory_space<hbm>>, %arg6: memref<80x128xi32, #tpu.memory_space<vmem>>, %arg7: memref<80x128xi32, #tpu.memory_space<vmem>>, %arg8: memref<16x128x32xf32, #tpu.memory_space<vmem>>, %arg9: memref<10240x32xf32, #tpu.memory_space<vmem_shared>>, %arg10: memref<10240x32xf32, #tpu.memory_space<vmem_shared>>, %arg11: memref<!tpu.dma_semaphore, #tpu.memory_space<semaphore_mem>>, %arg12: memref<!tpu.dma_semaphore, #tpu.memory_space<semaphore_mem>>) attributes {dimension_semantics = [#tpu.dimension_semantics<core_parallel>, #tpu.dimension_semantics<subcore_parallel>], iteration_bounds = array<i64: 2, 16>, scalar_prefetch = 0 : i64, scratch_operands = 7 : i64, tpu.core_type = #tpu.core_type<sc_vector_subcore>, window_params = [{transform_indices = #map}, {transform_indices = #map1}, {transform_indices = #map1}, {transform_indices = #map1}]} {
    %mul3A = arith.constant 2 : i32
    %mul3A_0 = arith.muli %arg1, %mul3A : i32
    %add3A = arith.addi %mul3A_0, %arg0 : i32
    "tpu.region"() ({
      %run_scoped3A_140 = tpu.sem_alloc : memref<!tpu.dma_semaphore, #tpu.memory_space<semaphore_mem>>
      %dma_start3A_141 = arith.constant 0 : i32
      %dma_start3A_142 = arith.constant 0 : i32
      %dma_start3A_143 = tpu.memref_slice %arg3[%add3A, %dma_start3A_141, %dma_start3A_142] : memref<32x80x128xi32, #tpu.memory_space<hbm>> -> memref<1x80x128xi32, #tpu.memory_space<hbm>>
      %dma_start3A_144 = tpu.memref_squeeze %dma_start3A_143 : memref<1x80x128xi32, #tpu.memory_space<hbm>> -> memref<80x128xi32, #tpu.memory_space<hbm>>
      %dma_start3A_145 = arith.constant 0 : i32
      %dma_start3A_146 = arith.constant 0 : i32
      %dma_start3A_147 = tpu.memref_slice %arg3[%add3A, %dma_start3A_145, %dma_start3A_146] : memref<32x80x128xi32, #tpu.memory_space<hbm>> -> memref<1x80x128xi32, #tpu.memory_space<hbm>>
      %dma_start3A_148 = tpu.memref_squeeze %dma_start3A_147 : memref<1x80x128xi32, #tpu.memory_space<hbm>> -> memref<80x128xi32, #tpu.memory_space<hbm>>
      tpu.enqueue_dma source(%dma_start3A_148 : memref<80x128xi32, #tpu.memory_space<hbm>>) target(%arg6 : memref<80x128xi32, #tpu.memory_space<vmem>>) target_semaphore(%run_scoped3A_140 : memref<!tpu.dma_semaphore, #tpu.memory_space<semaphore_mem>>)
      %dma_wait3A = arith.constant 0 : i32
      %dma_wait3A_149 = arith.constant 0 : i32
      %dma_wait3A_150 = tpu.memref_slice %arg3[%add3A, %dma_wait3A, %dma_wait3A_149] : memref<32x80x128xi32, #tpu.memory_space<hbm>> -> memref<1x80x128xi32, #tpu.memory_space<hbm>>
      %dma_wait3A_151 = tpu.memref_squeeze %dma_wait3A_150 : memref<1x80x128xi32, #tpu.memory_space<hbm>> -> memref<80x128xi32, #tpu.memory_space<hbm>>
      %dma_wait3A_152 = arith.constant 0 : i32
      %dma_wait3A_153 = arith.constant 0 : i32
      %dma_wait3A_154 = tpu.memref_slice %arg3[%add3A, %dma_wait3A_152, %dma_wait3A_153] : memref<32x80x128xi32, #tpu.memory_space<hbm>> -> memref<1x80x128xi32, #tpu.memory_space<hbm>>
      %dma_wait3A_155 = tpu.memref_squeeze %dma_wait3A_154 : memref<1x80x128xi32, #tpu.memory_space<hbm>> -> memref<80x128xi32, #tpu.memory_space<hbm>>
      tpu.wait_dma2 semaphore(%run_scoped3A_140 : memref<!tpu.dma_semaphore, #tpu.memory_space<semaphore_mem>>) src(%dma_wait3A_155 : memref<80x128xi32, #tpu.memory_space<hbm>>) dst(%arg6 : memref<80x128xi32, #tpu.memory_space<vmem>>)
      tpu.yield
    }) : () -> ()
    "tpu.region"() ({
      %run_scoped3A_140 = tpu.sem_alloc : memref<!tpu.dma_semaphore, #tpu.memory_space<semaphore_mem>>
      %dma_start3A_141 = arith.constant 0 : i32
      %dma_start3A_142 = arith.constant 0 : i32
      %dma_start3A_143 = tpu.memref_slice %arg4[%add3A, %dma_start3A_141, %dma_start3A_142] : memref<32x80x128xi32, #tpu.memory_space<hbm>> -> memref<1x80x128xi32, #tpu.memory_space<hbm>>
      %dma_start3A_144 = tpu.memref_squeeze %dma_start3A_143 : memref<1x80x128xi32, #tpu.memory_space<hbm>> -> memref<80x128xi32, #tpu.memory_space<hbm>>
      %dma_start3A_145 = arith.constant 0 : i32
      %dma_start3A_146 = arith.constant 0 : i32
      %dma_start3A_147 = tpu.memref_slice %arg4[%add3A, %dma_start3A_145, %dma_start3A_146] : memref<32x80x128xi32, #tpu.memory_space<hbm>> -> memref<1x80x128xi32, #tpu.memory_space<hbm>>
      %dma_start3A_148 = tpu.memref_squeeze %dma_start3A_147 : memref<1x80x128xi32, #tpu.memory_space<hbm>> -> memref<80x128xi32, #tpu.memory_space<hbm>>
      tpu.enqueue_dma source(%dma_start3A_148 : memref<80x128xi32, #tpu.memory_space<hbm>>) target(%arg7 : memref<80x128xi32, #tpu.memory_space<vmem>>) target_semaphore(%run_scoped3A_140 : memref<!tpu.dma_semaphore, #tpu.memory_space<semaphore_mem>>)
      %dma_wait3A = arith.constant 0 : i32
      %dma_wait3A_149 = arith.constant 0 : i32
      %dma_wait3A_150 = tpu.memref_slice %arg4[%add3A, %dma_wait3A, %dma_wait3A_149] : memref<32x80x128xi32, #tpu.memory_space<hbm>> -> memref<1x80x128xi32, #tpu.memory_space<hbm>>
      %dma_wait3A_151 = tpu.memref_squeeze %dma_wait3A_150 : memref<1x80x128xi32, #tpu.memory_space<hbm>> -> memref<80x128xi32, #tpu.memory_space<hbm>>
      %dma_wait3A_152 = arith.constant 0 : i32
      %dma_wait3A_153 = arith.constant 0 : i32
      %dma_wait3A_154 = tpu.memref_slice %arg4[%add3A, %dma_wait3A_152, %dma_wait3A_153] : memref<32x80x128xi32, #tpu.memory_space<hbm>> -> memref<1x80x128xi32, #tpu.memory_space<hbm>>
      %dma_wait3A_155 = tpu.memref_squeeze %dma_wait3A_154 : memref<1x80x128xi32, #tpu.memory_space<hbm>> -> memref<80x128xi32, #tpu.memory_space<hbm>>
      tpu.wait_dma2 semaphore(%run_scoped3A_140 : memref<!tpu.dma_semaphore, #tpu.memory_space<semaphore_mem>>) src(%dma_wait3A_155 : memref<80x128xi32, #tpu.memory_space<hbm>>) dst(%arg7 : memref<80x128xi32, #tpu.memory_space<vmem>>)
      tpu.yield
    }) : () -> ()
    %mul3A_1 = arith.constant 640 : i32
    %mul3A_2 = arith.muli %arg1, %mul3A_1 : i32
    %mul3A_3 = arith.constant 640 : i32
    %mul3A_4 = arith.muli %arg1, %mul3A_3 : i32
    "tpu.region"() ({
      %run_scoped3A_140 = tpu.sem_alloc : memref<!tpu.dma_semaphore, #tpu.memory_space<semaphore_mem>>
      %dma_start3A_141 = arith.constant 0 : i32
      %dma_start3A_142 = tpu.memref_slice %arg10[%mul3A_4, %dma_start3A_141] : memref<10240x32xf32, #tpu.memory_space<vmem_shared>> -> memref<640x32xf32, #tpu.memory_space<vmem_shared>>
      %dma_start3A_143 = arith.constant 0 : i32
      %dma_start3A_144 = tpu.memref_slice %arg2[%mul3A_2, %dma_start3A_143] : memref<10240x32xf32, #tpu.memory_space<hbm>> -> memref<640x32xf32, #tpu.memory_space<hbm>>
      tpu.enqueue_dma source(%dma_start3A_144 : memref<640x32xf32, #tpu.memory_space<hbm>>) target(%dma_start3A_142 : memref<640x32xf32, #tpu.memory_space<vmem_shared>>) target_semaphore(%run_scoped3A_140 : memref<!tpu.dma_semaphore, #tpu.memory_space<semaphore_mem>>)
      %dma_wait3A = arith.constant 0 : i32
      %dma_wait3A_145 = tpu.memref_slice %arg10[%mul3A_4, %dma_wait3A] : memref<10240x32xf32, #tpu.memory_space<vmem_shared>> -> memref<640x32xf32, #tpu.memory_space<vmem_shared>>
      %dma_wait3A_146 = arith.constant 0 : i32
      %dma_wait3A_147 = tpu.memref_slice %arg2[%mul3A_2, %dma_wait3A_146] : memref<10240x32xf32, #tpu.memory_space<hbm>> -> memref<640x32xf32, #tpu.memory_space<hbm>>
      tpu.wait_dma2 semaphore(%run_scoped3A_140 : memref<!tpu.dma_semaphore, #tpu.memory_space<semaphore_mem>>) src(%dma_wait3A_147 : memref<640x32xf32, #tpu.memory_space<hbm>>) dst(%dma_wait3A_145 : memref<640x32xf32, #tpu.memory_space<vmem_shared>>)
      tpu.yield
    }) : () -> ()
    %scan3A = arith.constant 0 : i32
    %scan3A_5 = arith.constant 0 : i32
    %scan3A_6 = arith.constant 128 : i32
    %scan3A_7 = arith.addi %scan3A_5, %scan3A_6 : i32
    %scan3A_8 = arith.constant 1 : i32
    scf.for %scan3A_140 = %scan3A_5 to %scan3A_7 step %scan3A_8  : i32 {
      %broadcast_in_dim3A = arith.constant 0.000000e+00 : f32
      %broadcast_in_dim3A_141 = vector.broadcast %broadcast_in_dim3A : f32 to vector<16xf32>
      %swap3A = arith.constant 0 : i32
      %swap3A_142 = arith.index_cast %swap3A : i32 to index
      %swap3A_143 = arith.index_cast %scan3A_140 : i32 to index
      %swap3A_144 = arith.constant 0 : index
      %swap3A_145 = tpu.vector_load %arg8[%swap3A_142, %swap3A_143, %swap3A_144] {strides = array<i32>} : memref<16x128x32xf32, #tpu.memory_space<vmem>>, vector<1x1x16xf32>,
      %swap3A_146 = vector.shape_cast %swap3A_145 : vector<1x1x16xf32> to vector<16xf32>
      %swap3A_147 = vector.shape_cast %broadcast_in_dim3A_141 : vector<16xf32> to vector<1x1x16xf32>
      tpu.vector_store %arg8[%swap3A_142, %swap3A_143, %swap3A_144], %swap3A_147 {strides = array<i32>} : memref<16x128x32xf32, #tpu.memory_space<vmem>>, vector<1x1x16xf32>,
      %broadcast_in_dim3A_148 = arith.constant 0.000000e+00 : f32
      %broadcast_in_dim3A_149 = vector.broadcast %broadcast_in_dim3A_148 : f32 to vector<16xf32>
      %swap3A_150 = arith.constant 0 : i32
      %swap3A_151 = arith.index_cast %swap3A_150 : i32 to index
      %swap3A_152 = arith.index_cast %scan3A_140 : i32 to index
      %swap3A_153 = arith.constant 16 : index
      %swap3A_154 = tpu.vector_load %arg8[%swap3A_151, %swap3A_152, %swap3A_153] {strides = array<i32>} : memref<16x128x32xf32, #tpu.memory_space<vmem>>, vector<1x1x16xf32>,
      %swap3A_155 = vector.shape_cast %swap3A_154 : vector<1x1x16xf32> to vector<16xf32>
      %swap3A_156 = vector.shape_cast %broadcast_in_dim3A_149 : vector<16xf32> to vector<1x1x16xf32>
      tpu.vector_store %arg8[%swap3A_151, %swap3A_152, %swap3A_153], %swap3A_156 {strides = array<i32>} : memref<16x128x32xf32, #tpu.memory_space<vmem>>, vector<1x1x16xf32>,
    }
    %scan3A_9 = arith.constant 128 : i32
    %mul3A_10 = arith.constant 640 : i32
    %mul3A_11 = arith.muli %arg1, %mul3A_10 : i32
    %add3A_12 = arith.constant 0 : i32
    %add3A_13 = arith.addi %mul3A_11, %add3A_12 : i32
    %run_scoped3A = arith.constant 0 : i32
    "tpu.region"() ({
      %run_scoped3A_140 = tpu.sem_alloc : memref<!tpu.dma_semaphore, #tpu.memory_space<semaphore_mem>>
      %dma_start3A_141 = arith.constant 0 : i32
      %dma_start3A_142 = arith.constant 0 : i32
      %dma_start3A_143 = tpu.memref_slice %arg8[%run_scoped3A, %dma_start3A_141, %dma_start3A_142] : memref<16x128x32xf32, #tpu.memory_space<vmem>> -> memref<1x128x32xf32, #tpu.memory_space<vmem>>
      %dma_start3A_144 = tpu.memref_squeeze %dma_start3A_143 : memref<1x128x32xf32, #tpu.memory_space<vmem>> -> memref<128x32xf32, #tpu.memory_space<vmem>>
      %dma_start3A_145 = arith.constant 0 : i32
      %dma_start3A_146 = tpu.memref_slice %arg9[%add3A_13, %dma_start3A_145] : memref<10240x32xf32, #tpu.memory_space<vmem_shared>> -> memref<128x32xf32, #tpu.memory_space<vmem_shared>>
      %dma_start3A_147 = arith.constant 0 : i32
      %dma_start3A_148 = tpu.memref_slice %arg9[%add3A_13, %dma_start3A_147] : memref<10240x32xf32, #tpu.memory_space<vmem_shared>> -> memref<128x32xf32, #tpu.memory_space<vmem_shared>>
      %dma_start3A_149 = arith.constant 0 : i32
      %dma_start3A_150 = arith.constant 0 : i32
      %dma_start3A_151 = tpu.memref_slice %arg8[%run_scoped3A, %dma_start3A_149, %dma_start3A_150] : memref<16x128x32xf32, #tpu.memory_space<vmem>> -> memref<1x128x32xf32, #tpu.memory_space<vmem>>
      %dma_start3A_152 = tpu.memref_squeeze %dma_start3A_151 : memref<1x128x32xf32, #tpu.memory_space<vmem>> -> memref<128x32xf32, #tpu.memory_space<vmem>>
      tpu.enqueue_dma source(%dma_start3A_152 : memref<128x32xf32, #tpu.memory_space<vmem>>) target(%dma_start3A_148 : memref<128x32xf32, #tpu.memory_space<vmem_shared>>) target_semaphore(%run_scoped3A_140 : memref<!tpu.dma_semaphore, #tpu.memory_space<semaphore_mem>>)
      %dma_wait3A = arith.constant 0 : i32
      %dma_wait3A_153 = arith.constant 0 : i32
      %dma_wait3A_154 = tpu.memref_slice %arg8[%run_scoped3A, %dma_wait3A, %dma_wait3A_153] : memref<16x128x32xf32, #tpu.memory_space<vmem>> -> memref<1x128x32xf32, #tpu.memory_space<vmem>>
      %dma_wait3A_155 = tpu.memref_squeeze %dma_wait3A_154 : memref<1x128x32xf32, #tpu.memory_space<vmem>> -> memref<128x32xf32, #tpu.memory_space<vmem>>
      %dma_wait3A_156 = arith.constant 0 : i32
      %dma_wait3A_157 = tpu.memref_slice %arg9[%add3A_13, %dma_wait3A_156] : memref<10240x32xf32, #tpu.memory_space<vmem_shared>> -> memref<128x32xf32, #tpu.memory_space<vmem_shared>>
      %dma_wait3A_158 = arith.constant 0 : i32
      %dma_wait3A_159 = tpu.memref_slice %arg9[%add3A_13, %dma_wait3A_158] : memref<10240x32xf32, #tpu.memory_space<vmem_shared>> -> memref<128x32xf32, #tpu.memory_space<vmem_shared>>
      %dma_wait3A_160 = arith.constant 0 : i32
      %dma_wait3A_161 = arith.constant 0 : i32
      %dma_wait3A_162 = tpu.memref_slice %arg8[%run_scoped3A, %dma_wait3A_160, %dma_wait3A_161] : memref<16x128x32xf32, #tpu.memory_space<vmem>> -> memref<1x128x32xf32, #tpu.memory_space<vmem>>
      %dma_wait3A_163 = tpu.memref_squeeze %dma_wait3A_162 : memref<1x128x32xf32, #tpu.memory_space<vmem>> -> memref<128x32xf32, #tpu.memory_space<vmem>>
      tpu.wait_dma2 semaphore(%run_scoped3A_140 : memref<!tpu.dma_semaphore, #tpu.memory_space<semaphore_mem>>) src(%dma_wait3A_163 : memref<128x32xf32, #tpu.memory_space<vmem>>) dst(%dma_wait3A_159 : memref<128x32xf32, #tpu.memory_space<vmem_shared>>)
      tpu.yield
    }) : () -> ()
    %mul3A_14 = arith.constant 640 : i32
    %mul3A_15 = arith.muli %arg1, %mul3A_14 : i32
    %add3A_16 = arith.constant 128 : i32
    %add3A_17 = arith.addi %mul3A_15, %add3A_16 : i32
    %run_scoped3A_18 = arith.constant 0 : i32
    "tpu.region"() ({
      %run_scoped3A_140 = tpu.sem_alloc : memref<!tpu.dma_semaphore, #tpu.memory_space<semaphore_mem>>
      %dma_start3A_141 = arith.constant 0 : i32
      %dma_start3A_142 = arith.constant 0 : i32
      %dma_start3A_143 = tpu.memref_slice %arg8[%run_scoped3A_18, %dma_start3A_141, %dma_start3A_142] : memref<16x128x32xf32, #tpu.memory_space<vmem>> -> memref<1x128x32xf32, #tpu.memory_space<vmem>>
      %dma_start3A_144 = tpu.memref_squeeze %dma_start3A_143 : memref<1x128x32xf32, #tpu.memory_space<vmem>> -> memref<128x32xf32, #tpu.memory_space<vmem>>
      %dma_start3A_145 = arith.constant 0 : i32
      %dma_start3A_146 = tpu.memref_slice %arg9[%add3A_17, %dma_start3A_145] : memref<10240x32xf32, #tpu.memory_space<vmem_shared>> -> memref<128x32xf32, #tpu.memory_space<vmem_shared>>
      %dma_start3A_147 = arith.constant 0 : i32
      %dma_start3A_148 = tpu.memref_slice %arg9[%add3A_17, %dma_start3A_147] : memref<10240x32xf32, #tpu.memory_space<vmem_shared>> -> memref<128x32xf32, #tpu.memory_space<vmem_shared>>
      %dma_start3A_149 = arith.constant 0 : i32
      %dma_start3A_150 = arith.constant 0 : i32
      %dma_start3A_151 = tpu.memref_slice %arg8[%run_scoped3A_18, %dma_start3A_149, %dma_start3A_150] : memref<16x128x32xf32, #tpu.memory_space<vmem>> -> memref<1x128x32xf32, #tpu.memory_space<vmem>>
      %dma_start3A_152 = tpu.memref_squeeze %dma_start3A_151 : memref<1x128x32xf32, #tpu.memory_space<vmem>> -> memref<128x32xf32, #tpu.memory_space<vmem>>
      tpu.enqueue_dma source(%dma_start3A_152 : memref<128x32xf32, #tpu.memory_space<vmem>>) target(%dma_start3A_148 : memref<128x32xf32, #tpu.memory_space<vmem_shared>>) target_semaphore(%run_scoped3A_140 : memref<!tpu.dma_semaphore, #tpu.memory_space<semaphore_mem>>)
      %dma_wait3A = arith.constant 0 : i32
      %dma_wait3A_153 = arith.constant 0 : i32
      %dma_wait3A_154 = tpu.memref_slice %arg8[%run_scoped3A_18, %dma_wait3A, %dma_wait3A_153] : memref<16x128x32xf32, #tpu.memory_space<vmem>> -> memref<1x128x32xf32, #tpu.memory_space<vmem>>
      %dma_wait3A_155 = tpu.memref_squeeze %dma_wait3A_154 : memref<1x128x32xf32, #tpu.memory_space<vmem>> -> memref<128x32xf32, #tpu.memory_space<vmem>>
      %dma_wait3A_156 = arith.constant 0 : i32
      %dma_wait3A_157 = tpu.memref_slice %arg9[%add3A_17, %dma_wait3A_156] : memref<10240x32xf32, #tpu.memory_space<vmem_shared>> -> memref<128x32xf32, #tpu.memory_space<vmem_shared>>
      %dma_wait3A_158 = arith.constant 0 : i32
      %dma_wait3A_159 = tpu.memref_slice %arg9[%add3A_17, %dma_wait3A_158] : memref<10240x32xf32, #tpu.memory_space<vmem_shared>> -> memref<128x32xf32, #tpu.memory_space<vmem_shared>>
      %dma_wait3A_160 = arith.constant 0 : i32
      %dma_wait3A_161 = arith.constant 0 : i32
      %dma_wait3A_162 = tpu.memref_slice %arg8[%run_scoped3A_18, %dma_wait3A_160, %dma_wait3A_161] : memref<16x128x32xf32, #tpu.memory_space<vmem>> -> memref<1x128x32xf32, #tpu.memory_space<vmem>>
      %dma_wait3A_163 = tpu.memref_squeeze %dma_wait3A_162 : memref<1x128x32xf32, #tpu.memory_space<vmem>> -> memref<128x32xf32, #tpu.memory_space<vmem>>
      tpu.wait_dma2 semaphore(%run_scoped3A_140 : memref<!tpu.dma_semaphore, #tpu.memory_space<semaphore_mem>>) src(%dma_wait3A_163 : memref<128x32xf32, #tpu.memory_space<vmem>>) dst(%dma_wait3A_159 : memref<128x32xf32, #tpu.memory_space<vmem_shared>>)
      tpu.yield
    }) : () -> ()
    %mul3A_19 = arith.constant 640 : i32
    %mul3A_20 = arith.muli %arg1, %mul3A_19 : i32
    %add3A_21 = arith.constant 256 : i32
    %add3A_22 = arith.addi %mul3A_20, %add3A_21 : i32
    %run_scoped3A_23 = arith.constant 0 : i32
    "tpu.region"() ({
      %run_scoped3A_140 = tpu.sem_alloc : memref<!tpu.dma_semaphore, #tpu.memory_space<semaphore_mem>>
      %dma_start3A_141 = arith.constant 0 : i32
      %dma_start3A_142 = arith.constant 0 : i32
      %dma_start3A_143 = tpu.memref_slice %arg8[%run_scoped3A_23, %dma_start3A_141, %dma_start3A_142] : memref<16x128x32xf32, #tpu.memory_space<vmem>> -> memref<1x128x32xf32, #tpu.memory_space<vmem>>
      %dma_start3A_144 = tpu.memref_squeeze %dma_start3A_143 : memref<1x128x32xf32, #tpu.memory_space<vmem>> -> memref<128x32xf32, #tpu.memory_space<vmem>>
      %dma_start3A_145 = arith.constant 0 : i32
      %dma_start3A_146 = tpu.memref_slice %arg9[%add3A_22, %dma_start3A_145] : memref<10240x32xf32, #tpu.memory_space<vmem_shared>> -> memref<128x32xf32, #tpu.memory_space<vmem_shared>>
      %dma_start3A_147 = arith.constant 0 : i32
      %dma_start3A_148 = tpu.memref_slice %arg9[%add3A_22, %dma_start3A_147] : memref<10240x32xf32, #tpu.memory_space<vmem_shared>> -> memref<128x32xf32, #tpu.memory_space<vmem_shared>>
      %dma_start3A_149 = arith.constant 0 : i32
      %dma_start3A_150 = arith.constant 0 : i32
      %dma_start3A_151 = tpu.memref_slice %arg8[%run_scoped3A_23, %dma_start3A_149, %dma_start3A_150] : memref<16x128x32xf32, #tpu.memory_space<vmem>> -> memref<1x128x32xf32, #tpu.memory_space<vmem>>
      %dma_start3A_152 = tpu.memref_squeeze %dma_start3A_151 : memref<1x128x32xf32, #tpu.memory_space<vmem>> -> memref<128x32xf32, #tpu.memory_space<vmem>>
      tpu.enqueue_dma source(%dma_start3A_152 : memref<128x32xf32, #tpu.memory_space<vmem>>) target(%dma_start3A_148 : memref<128x32xf32, #tpu.memory_space<vmem_shared>>) target_semaphore(%run_scoped3A_140 : memref<!tpu.dma_semaphore, #tpu.memory_space<semaphore_mem>>)
      %dma_wait3A = arith.constant 0 : i32
      %dma_wait3A_153 = arith.constant 0 : i32
      %dma_wait3A_154 = tpu.memref_slice %arg8[%run_scoped3A_23, %dma_wait3A, %dma_wait3A_153] : memref<16x128x32xf32, #tpu.memory_space<vmem>> -> memref<1x128x32xf32, #tpu.memory_space<vmem>>
      %dma_wait3A_155 = tpu.memref_squeeze %dma_wait3A_154 : memref<1x128x32xf32, #tpu.memory_space<vmem>> -> memref<128x32xf32, #tpu.memory_space<vmem>>
      %dma_wait3A_156 = arith.constant 0 : i32
      %dma_wait3A_157 = tpu.memref_slice %arg9[%add3A_22, %dma_wait3A_156] : memref<10240x32xf32, #tpu.memory_space<vmem_shared>> -> memref<128x32xf32, #tpu.memory_space<vmem_shared>>
      %dma_wait3A_158 = arith.constant 0 : i32
      %dma_wait3A_159 = tpu.memref_slice %arg9[%add3A_22, %dma_wait3A_158] : memref<10240x32xf32, #tpu.memory_space<vmem_shared>> -> memref<128x32xf32, #tpu.memory_space<vmem_shared>>
      %dma_wait3A_160 = arith.constant 0 : i32
      %dma_wait3A_161 = arith.constant 0 : i32
      %dma_wait3A_162 = tpu.memref_slice %arg8[%run_scoped3A_23, %dma_wait3A_160, %dma_wait3A_161] : memref<16x128x32xf32, #tpu.memory_space<vmem>> -> memref<1x128x32xf32, #tpu.memory_space<vmem>>
      %dma_wait3A_163 = tpu.memref_squeeze %dma_wait3A_162 : memref<1x128x32xf32, #tpu.memory_space<vmem>> -> memref<128x32xf32, #tpu.memory_space<vmem>>
      tpu.wait_dma2 semaphore(%run_scoped3A_140 : memref<!tpu.dma_semaphore, #tpu.memory_space<semaphore_mem>>) src(%dma_wait3A_163 : memref<128x32xf32, #tpu.memory_space<vmem>>) dst(%dma_wait3A_159 : memref<128x32xf32, #tpu.memory_space<vmem_shared>>)
      tpu.yield
    }) : () -> ()
    %mul3A_24 = arith.constant 640 : i32
    %mul3A_25 = arith.muli %arg1, %mul3A_24 : i32
    %add3A_26 = arith.constant 384 : i32
    %add3A_27 = arith.addi %mul3A_25, %add3A_26 : i32
    %run_scoped3A_28 = arith.constant 0 : i32
    "tpu.region"() ({
      %run_scoped3A_140 = tpu.sem_alloc : memref<!tpu.dma_semaphore, #tpu.memory_space<semaphore_mem>>
      %dma_start3A_141 = arith.constant 0 : i32
      %dma_start3A_142 = arith.constant 0 : i32
      %dma_start3A_143 = tpu.memref_slice %arg8[%run_scoped3A_28, %dma_start3A_141, %dma_start3A_142] : memref<16x128x32xf32, #tpu.memory_space<vmem>> -> memref<1x128x32xf32, #tpu.memory_space<vmem>>
      %dma_start3A_144 = tpu.memref_squeeze %dma_start3A_143 : memref<1x128x32xf32, #tpu.memory_space<vmem>> -> memref<128x32xf32, #tpu.memory_space<vmem>>
      %dma_start3A_145 = arith.constant 0 : i32
      %dma_start3A_146 = tpu.memref_slice %arg9[%add3A_27, %dma_start3A_145] : memref<10240x32xf32, #tpu.memory_space<vmem_shared>> -> memref<128x32xf32, #tpu.memory_space<vmem_shared>>
      %dma_start3A_147 = arith.constant 0 : i32
      %dma_start3A_148 = tpu.memref_slice %arg9[%add3A_27, %dma_start3A_147] : memref<10240x32xf32, #tpu.memory_space<vmem_shared>> -> memref<128x32xf32, #tpu.memory_space<vmem_shared>>
      %dma_start3A_149 = arith.constant 0 : i32
      %dma_start3A_150 = arith.constant 0 : i32
      %dma_start3A_151 = tpu.memref_slice %arg8[%run_scoped3A_28, %dma_start3A_149, %dma_start3A_150] : memref<16x128x32xf32, #tpu.memory_space<vmem>> -> memref<1x128x32xf32, #tpu.memory_space<vmem>>
      %dma_start3A_152 = tpu.memref_squeeze %dma_start3A_151 : memref<1x128x32xf32, #tpu.memory_space<vmem>> -> memref<128x32xf32, #tpu.memory_space<vmem>>
      tpu.enqueue_dma source(%dma_start3A_152 : memref<128x32xf32, #tpu.memory_space<vmem>>) target(%dma_start3A_148 : memref<128x32xf32, #tpu.memory_space<vmem_shared>>) target_semaphore(%run_scoped3A_140 : memref<!tpu.dma_semaphore, #tpu.memory_space<semaphore_mem>>)
      %dma_wait3A = arith.constant 0 : i32
      %dma_wait3A_153 = arith.constant 0 : i32
      %dma_wait3A_154 = tpu.memref_slice %arg8[%run_scoped3A_28, %dma_wait3A, %dma_wait3A_153] : memref<16x128x32xf32, #tpu.memory_space<vmem>> -> memref<1x128x32xf32, #tpu.memory_space<vmem>>
      %dma_wait3A_155 = tpu.memref_squeeze %dma_wait3A_154 : memref<1x128x32xf32, #tpu.memory_space<vmem>> -> memref<128x32xf32, #tpu.memory_space<vmem>>
      %dma_wait3A_156 = arith.constant 0 : i32
      %dma_wait3A_157 = tpu.memref_slice %arg9[%add3A_27, %dma_wait3A_156] : memref<10240x32xf32, #tpu.memory_space<vmem_shared>> -> memref<128x32xf32, #tpu.memory_space<vmem_shared>>
      %dma_wait3A_158 = arith.constant 0 : i32
      %dma_wait3A_159 = tpu.memref_slice %arg9[%add3A_27, %dma_wait3A_158] : memref<10240x32xf32, #tpu.memory_space<vmem_shared>> -> memref<128x32xf32, #tpu.memory_space<vmem_shared>>
      %dma_wait3A_160 = arith.constant 0 : i32
      %dma_wait3A_161 = arith.constant 0 : i32
      %dma_wait3A_162 = tpu.memref_slice %arg8[%run_scoped3A_28, %dma_wait3A_160, %dma_wait3A_161] : memref<16x128x32xf32, #tpu.memory_space<vmem>> -> memref<1x128x32xf32, #tpu.memory_space<vmem>>
      %dma_wait3A_163 = tpu.memref_squeeze %dma_wait3A_162 : memref<1x128x32xf32, #tpu.memory_space<vmem>> -> memref<128x32xf32, #tpu.memory_space<vmem>>
      tpu.wait_dma2 semaphore(%run_scoped3A_140 : memref<!tpu.dma_semaphore, #tpu.memory_space<semaphore_mem>>) src(%dma_wait3A_163 : memref<128x32xf32, #tpu.memory_space<vmem>>) dst(%dma_wait3A_159 : memref<128x32xf32, #tpu.memory_space<vmem_shared>>)
      tpu.yield
    }) : () -> ()
    %mul3A_29 = arith.constant 640 : i32
    %mul3A_30 = arith.muli %arg1, %mul3A_29 : i32
    %add3A_31 = arith.constant 512 : i32
    %add3A_32 = arith.addi %mul3A_30, %add3A_31 : i32
    %run_scoped3A_33 = arith.constant 0 : i32
    "tpu.region"() ({
      %run_scoped3A_140 = tpu.sem_alloc : memref<!tpu.dma_semaphore, #tpu.memory_space<semaphore_mem>>
      %dma_start3A_141 = arith.constant 0 : i32
      %dma_start3A_142 = arith.constant 0 : i32
      %dma_start3A_143 = tpu.memref_slice %arg8[%run_scoped3A_33, %dma_start3A_141, %dma_start3A_142] : memref<16x128x32xf32, #tpu.memory_space<vmem>> -> memref<1x128x32xf32, #tpu.memory_space<vmem>>
      %dma_start3A_144 = tpu.memref_squeeze %dma_start3A_143 : memref<1x128x32xf32, #tpu.memory_space<vmem>> -> memref<128x32xf32, #tpu.memory_space<vmem>>
      %dma_start3A_145 = arith.constant 0 : i32
      %dma_start3A_146 = tpu.memref_slice %arg9[%add3A_32, %dma_start3A_145] : memref<10240x32xf32, #tpu.memory_space<vmem_shared>> -> memref<128x32xf32, #tpu.memory_space<vmem_shared>>
      %dma_start3A_147 = arith.constant 0 : i32
      %dma_start3A_148 = tpu.memref_slice %arg9[%add3A_32, %dma_start3A_147] : memref<10240x32xf32, #tpu.memory_space<vmem_shared>> -> memref<128x32xf32, #tpu.memory_space<vmem_shared>>
      %dma_start3A_149 = arith.constant 0 : i32
      %dma_start3A_150 = arith.constant 0 : i32
      %dma_start3A_151 = tpu.memref_slice %arg8[%run_scoped3A_33, %dma_start3A_149, %dma_start3A_150] : memref<16x128x32xf32, #tpu.memory_space<vmem>> -> memref<1x128x32xf32, #tpu.memory_space<vmem>>
      %dma_start3A_152 = tpu.memref_squeeze %dma_start3A_151 : memref<1x128x32xf32, #tpu.memory_space<vmem>> -> memref<128x32xf32, #tpu.memory_space<vmem>>
      tpu.enqueue_dma source(%dma_start3A_152 : memref<128x32xf32, #tpu.memory_space<vmem>>) target(%dma_start3A_148 : memref<128x32xf32, #tpu.memory_space<vmem_shared>>) target_semaphore(%run_scoped3A_140 : memref<!tpu.dma_semaphore, #tpu.memory_space<semaphore_mem>>)
      %dma_wait3A = arith.constant 0 : i32
      %dma_wait3A_153 = arith.constant 0 : i32
      %dma_wait3A_154 = tpu.memref_slice %arg8[%run_scoped3A_33, %dma_wait3A, %dma_wait3A_153] : memref<16x128x32xf32, #tpu.memory_space<vmem>> -> memref<1x128x32xf32, #tpu.memory_space<vmem>>
      %dma_wait3A_155 = tpu.memref_squeeze %dma_wait3A_154 : memref<1x128x32xf32, #tpu.memory_space<vmem>> -> memref<128x32xf32, #tpu.memory_space<vmem>>
      %dma_wait3A_156 = arith.constant 0 : i32
      %dma_wait3A_157 = tpu.memref_slice %arg9[%add3A_32, %dma_wait3A_156] : memref<10240x32xf32, #tpu.memory_space<vmem_shared>> -> memref<128x32xf32, #tpu.memory_space<vmem_shared>>
      %dma_wait3A_158 = arith.constant 0 : i32
      %dma_wait3A_159 = tpu.memref_slice %arg9[%add3A_32, %dma_wait3A_158] : memref<10240x32xf32, #tpu.memory_space<vmem_shared>> -> memref<128x32xf32, #tpu.memory_space<vmem_shared>>
      %dma_wait3A_160 = arith.constant 0 : i32
      %dma_wait3A_161 = arith.constant 0 : i32
      %dma_wait3A_162 = tpu.memref_slice %arg8[%run_scoped3A_33, %dma_wait3A_160, %dma_wait3A_161] : memref<16x128x32xf32, #tpu.memory_space<vmem>> -> memref<1x128x32xf32, #tpu.memory_space<vmem>>
      %dma_wait3A_163 = tpu.memref_squeeze %dma_wait3A_162 : memref<1x128x32xf32, #tpu.memory_space<vmem>> -> memref<128x32xf32, #tpu.memory_space<vmem>>
      tpu.wait_dma2 semaphore(%run_scoped3A_140 : memref<!tpu.dma_semaphore, #tpu.memory_space<semaphore_mem>>) src(%dma_wait3A_163 : memref<128x32xf32, #tpu.memory_space<vmem>>) dst(%dma_wait3A_159 : memref<128x32xf32, #tpu.memory_space<vmem_shared>>)
      tpu.yield
    }) : () -> ()
    %barrier3A = arith.constant 0 : index
    tpu.barrier barrier_id(%barrier3A)
    %dma_start3A = arith.constant 0 : i32
    %dma_start3A_34 = arith.constant 0 : i32
    %dma_start3A_35 = arith.constant 0 : i32
    %dma_start3A_36 = arith.constant 0 : i32
    %dma_start3A_37 = tpu.memref_slice %arg8[%dma_start3A_34, %dma_start3A_35, %dma_start3A_36] : memref<16x128x32xf32, #tpu.memory_space<vmem>> -> memref<1x128x32xf32, #tpu.memory_space<vmem>>
    %dma_start3A_38 = tpu.memref_squeeze %dma_start3A_37 : memref<1x128x32xf32, #tpu.memory_space<vmem>> -> memref<128x32xf32, #tpu.memory_space<vmem>>
    %dma_start3A_39 = arith.constant 0 : i32
    %dma_start3A_40 = tpu.memref_slice %arg6[%dma_start3A, %dma_start3A_39] : memref<80x128xi32, #tpu.memory_space<vmem>> -> memref<1x128xi32, #tpu.memory_space<vmem>>
    %dma_start3A_41 = tpu.memref_squeeze %dma_start3A_40 : memref<1x128xi32, #tpu.memory_space<vmem>> -> memref<128xi32, #tpu.memory_space<vmem>>
    %dma_start3A_42 = arith.constant 0 : i32
    %dma_start3A_43 = arith.constant 0 : i32
    %dma_start3A_44 = tpu.memref_slice %arg10[%dma_start3A_42, %dma_start3A_43] : memref<10240x32xf32, #tpu.memory_space<vmem_shared>> -> memref<10240x32xf32, #tpu.memory_space<vmem_shared>>
    tpu.enqueue_indirect_dma source(%dma_start3A_44 : memref<10240x32xf32, #tpu.memory_space<vmem_shared>>) target(%dma_start3A_38 : memref<128x32xf32, #tpu.memory_space<vmem>>) offsets(%dma_start3A_41 : memref<128xi32, #tpu.memory_space<vmem>>) semaphore(%arg11 : memref<!tpu.dma_semaphore, #tpu.memory_space<semaphore_mem>>)
    %dma_start3A_45 = arith.constant 1 : i32
    %dma_start3A_46 = arith.constant 1 : i32
    %dma_start3A_47 = arith.constant 0 : i32
    %dma_start3A_48 = arith.constant 0 : i32
    %dma_start3A_49 = tpu.memref_slice %arg8[%dma_start3A_46, %dma_start3A_47, %dma_start3A_48] : memref<16x128x32xf32, #tpu.memory_space<vmem>> -> memref<1x128x32xf32, #tpu.memory_space<vmem>>
    %dma_start3A_50 = tpu.memref_squeeze %dma_start3A_49 : memref<1x128x32xf32, #tpu.memory_space<vmem>> -> memref<128x32xf32, #tpu.memory_space<vmem>>
    %dma_start3A_51 = arith.constant 0 : i32
    %dma_start3A_52 = tpu.memref_slice %arg6[%dma_start3A_45, %dma_start3A_51] : memref<80x128xi32, #tpu.memory_space<vmem>> -> memref<1x128xi32, #tpu.memory_space<vmem>>
    %dma_start3A_53 = tpu.memref_squeeze %dma_start3A_52 : memref<1x128xi32, #tpu.memory_space<vmem>> -> memref<128xi32, #tpu.memory_space<vmem>>
    %dma_start3A_54 = arith.constant 0 : i32
    %dma_start3A_55 = arith.constant 0 : i32
    %dma_start3A_56 = tpu.memref_slice %arg10[%dma_start3A_54, %dma_start3A_55] : memref<10240x32xf32, #tpu.memory_space<vmem_shared>> -> memref<10240x32xf32, #tpu.memory_space<vmem_shared>>
    tpu.enqueue_indirect_dma source(%dma_start3A_56 : memref<10240x32xf32, #tpu.memory_space<vmem_shared>>) target(%dma_start3A_50 : memref<128x32xf32, #tpu.memory_space<vmem>>) offsets(%dma_start3A_53 : memref<128xi32, #tpu.memory_space<vmem>>) semaphore(%arg11 : memref<!tpu.dma_semaphore, #tpu.memory_space<semaphore_mem>>)
    %dma_start3A_57 = arith.constant 2 : i32
    %dma_start3A_58 = arith.constant 2 : i32
    %dma_start3A_59 = arith.constant 0 : i32
    %dma_start3A_60 = arith.constant 0 : i32
    %dma_start3A_61 = tpu.memref_slice %arg8[%dma_start3A_58, %dma_start3A_59, %dma_start3A_60] : memref<16x128x32xf32, #tpu.memory_space<vmem>> -> memref<1x128x32xf32, #tpu.memory_space<vmem>>
    %dma_start3A_62 = tpu.memref_squeeze %dma_start3A_61 : memref<1x128x32xf32, #tpu.memory_space<vmem>> -> memref<128x32xf32, #tpu.memory_space<vmem>>
    %dma_start3A_63 = arith.constant 0 : i32
    %dma_start3A_64 = tpu.memref_slice %arg6[%dma_start3A_57, %dma_start3A_63] : memref<80x128xi32, #tpu.memory_space<vmem>> -> memref<1x128xi32, #tpu.memory_space<vmem>>
    %dma_start3A_65 = tpu.memref_squeeze %dma_start3A_64 : memref<1x128xi32, #tpu.memory_space<vmem>> -> memref<128xi32, #tpu.memory_space<vmem>>
    %dma_start3A_66 = arith.constant 0 : i32
    %dma_start3A_67 = arith.constant 0 : i32
    %dma_start3A_68 = tpu.memref_slice %arg10[%dma_start3A_66, %dma_start3A_67] : memref<10240x32xf32, #tpu.memory_space<vmem_shared>> -> memref<10240x32xf32, #tpu.memory_space<vmem_shared>>
    tpu.enqueue_indirect_dma source(%dma_start3A_68 : memref<10240x32xf32, #tpu.memory_space<vmem_shared>>) target(%dma_start3A_62 : memref<128x32xf32, #tpu.memory_space<vmem>>) offsets(%dma_start3A_65 : memref<128xi32, #tpu.memory_space<vmem>>) semaphore(%arg11 : memref<!tpu.dma_semaphore, #tpu.memory_space<semaphore_mem>>)
    %dma_start3A_69 = arith.constant 3 : i32
    %dma_start3A_70 = arith.constant 3 : i32
    %dma_start3A_71 = arith.constant 0 : i32
    %dma_start3A_72 = arith.constant 0 : i32
    %dma_start3A_73 = tpu.memref_slice %arg8[%dma_start3A_70, %dma_start3A_71, %dma_start3A_72] : memref<16x128x32xf32, #tpu.memory_space<vmem>> -> memref<1x128x32xf32, #tpu.memory_space<vmem>>
    %dma_start3A_74 = tpu.memref_squeeze %dma_start3A_73 : memref<1x128x32xf32, #tpu.memory_space<vmem>> -> memref<128x32xf32, #tpu.memory_space<vmem>>
    %dma_start3A_75 = arith.constant 0 : i32
    %dma_start3A_76 = tpu.memref_slice %arg6[%dma_start3A_69, %dma_start3A_75] : memref<80x128xi32, #tpu.memory_space<vmem>> -> memref<1x128xi32, #tpu.memory_space<vmem>>
    %dma_start3A_77 = tpu.memref_squeeze %dma_start3A_76 : memref<1x128xi32, #tpu.memory_space<vmem>> -> memref<128xi32, #tpu.memory_space<vmem>>
    %dma_start3A_78 = arith.constant 0 : i32
    %dma_start3A_79 = arith.constant 0 : i32
    %dma_start3A_80 = tpu.memref_slice %arg10[%dma_start3A_78, %dma_start3A_79] : memref<10240x32xf32, #tpu.memory_space<vmem_shared>> -> memref<10240x32xf32, #tpu.memory_space<vmem_shared>>
    tpu.enqueue_indirect_dma source(%dma_start3A_80 : memref<10240x32xf32, #tpu.memory_space<vmem_shared>>) target(%dma_start3A_74 : memref<128x32xf32, #tpu.memory_space<vmem>>) offsets(%dma_start3A_77 : memref<128xi32, #tpu.memory_space<vmem>>) semaphore(%arg11 : memref<!tpu.dma_semaphore, #tpu.memory_space<semaphore_mem>>)
    %dma_start3A_81 = arith.constant 4 : i32
    %dma_start3A_82 = arith.constant 4 : i32
    %dma_start3A_83 = arith.constant 0 : i32
    %dma_start3A_84 = arith.constant 0 : i32
    %dma_start3A_85 = tpu.memref_slice %arg8[%dma_start3A_82, %dma_start3A_83, %dma_start3A_84] : memref<16x128x32xf32, #tpu.memory_space<vmem>> -> memref<1x128x32xf32, #tpu.memory_space<vmem>>
    %dma_start3A_86 = tpu.memref_squeeze %dma_start3A_85 : memref<1x128x32xf32, #tpu.memory_space<vmem>> -> memref<128x32xf32, #tpu.memory_space<vmem>>
    %dma_start3A_87 = arith.constant 0 : i32
    %dma_start3A_88 = tpu.memref_slice %arg6[%dma_start3A_81, %dma_start3A_87] : memref<80x128xi32, #tpu.memory_space<vmem>> -> memref<1x128xi32, #tpu.memory_space<vmem>>
    %dma_start3A_89 = tpu.memref_squeeze %dma_start3A_88 : memref<1x128xi32, #tpu.memory_space<vmem>> -> memref<128xi32, #tpu.memory_space<vmem>>
    %dma_start3A_90 = arith.constant 0 : i32
    %dma_start3A_91 = arith.constant 0 : i32
    %dma_start3A_92 = tpu.memref_slice %arg10[%dma_start3A_90, %dma_start3A_91] : memref<10240x32xf32, #tpu.memory_space<vmem_shared>> -> memref<10240x32xf32, #tpu.memory_space<vmem_shared>>
    tpu.enqueue_indirect_dma source(%dma_start3A_92 : memref<10240x32xf32, #tpu.memory_space<vmem_shared>>) target(%dma_start3A_86 : memref<128x32xf32, #tpu.memory_space<vmem>>) offsets(%dma_start3A_89 : memref<128xi32, #tpu.memory_space<vmem>>) semaphore(%arg11 : memref<!tpu.dma_semaphore, #tpu.memory_space<semaphore_mem>>)
    %dma_start3A_93 = arith.constant 5 : i32
    %dma_start3A_94 = arith.constant 5 : i32
    %dma_start3A_95 = arith.constant 0 : i32
    %dma_start3A_96 = arith.constant 0 : i32
    %dma_start3A_97 = tpu.memref_slice %arg8[%dma_start3A_94, %dma_start3A_95, %dma_start3A_96] : memref<16x128x32xf32, #tpu.memory_space<vmem>> -> memref<1x128x32xf32, #tpu.memory_space<vmem>>
    %dma_start3A_98 = tpu.memref_squeeze %dma_start3A_97 : memref<1x128x32xf32, #tpu.memory_space<vmem>> -> memref<128x32xf32, #tpu.memory_space<vmem>>
    %dma_start3A_99 = arith.constant 0 : i32
    %dma_start3A_100 = tpu.memref_slice %arg6[%dma_start3A_93, %dma_start3A_99] : memref<80x128xi32, #tpu.memory_space<vmem>> -> memref<1x128xi32, #tpu.memory_space<vmem>>
    %dma_start3A_101 = tpu.memref_squeeze %dma_start3A_100 : memref<1x128xi32, #tpu.memory_space<vmem>> -> memref<128xi32, #tpu.memory_space<vmem>>
    %dma_start3A_102 = arith.constant 0 : i32
    %dma_start3A_103 = arith.constant 0 : i32
    %dma_start3A_104 = tpu.memref_slice %arg10[%dma_start3A_102, %dma_start3A_103] : memref<10240x32xf32, #tpu.memory_space<vmem_shared>> -> memref<10240x32xf32, #tpu.memory_space<vmem_shared>>
    tpu.enqueue_indirect_dma source(%dma_start3A_104 : memref<10240x32xf32, #tpu.memory_space<vmem_shared>>) target(%dma_start3A_98 : memref<128x32xf32, #tpu.memory_space<vmem>>) offsets(%dma_start3A_101 : memref<128xi32, #tpu.memory_space<vmem>>) semaphore(%arg11 : memref<!tpu.dma_semaphore, #tpu.memory_space<semaphore_mem>>)
    %dma_start3A_105 = arith.constant 6 : i32
    %dma_start3A_106 = arith.constant 6 : i32
    %dma_start3A_107 = arith.constant 0 : i32
    %dma_start3A_108 = arith.constant 0 : i32
    %dma_start3A_109 = tpu.memref_slice %arg8[%dma_start3A_106, %dma_start3A_107, %dma_start3A_108] : memref<16x128x32xf32, #tpu.memory_space<vmem>> -> memref<1x128x32xf32, #tpu.memory_space<vmem>>
    %dma_start3A_110 = tpu.memref_squeeze %dma_start3A_109 : memref<1x128x32xf32, #tpu.memory_space<vmem>> -> memref<128x32xf32, #tpu.memory_space<vmem>>
    %dma_start3A_111 = arith.constant 0 : i32
    %dma_start3A_112 = tpu.memref_slice %arg6[%dma_start3A_105, %dma_start3A_111] : memref<80x128xi32, #tpu.memory_space<vmem>> -> memref<1x128xi32, #tpu.memory_space<vmem>>
    %dma_start3A_113 = tpu.memref_squeeze %dma_start3A_112 : memref<1x128xi32, #tpu.memory_space<vmem>> -> memref<128xi32, #tpu.memory_space<vmem>>
    %dma_start3A_114 = arith.constant 0 : i32
    %dma_start3A_115 = arith.constant 0 : i32
    %dma_start3A_116 = tpu.memref_slice %arg10[%dma_start3A_114, %dma_start3A_115] : memref<10240x32xf32, #tpu.memory_space<vmem_shared>> -> memref<10240x32xf32, #tpu.memory_space<vmem_shared>>
    tpu.enqueue_indirect_dma source(%dma_start3A_116 : memref<10240x32xf32, #tpu.memory_space<vmem_shared>>) target(%dma_start3A_110 : memref<128x32xf32, #tpu.memory_space<vmem>>) offsets(%dma_start3A_113 : memref<128xi32, #tpu.memory_space<vmem>>) semaphore(%arg11 : memref<!tpu.dma_semaphore, #tpu.memory_space<semaphore_mem>>)
    %dma_start3A_117 = arith.constant 7 : i32
    %dma_start3A_118 = arith.constant 7 : i32
    %dma_start3A_119 = arith.constant 0 : i32
    %dma_start3A_120 = arith.constant 0 : i32
    %dma_start3A_121 = tpu.memref_slice %arg8[%dma_start3A_118, %dma_start3A_119, %dma_start3A_120] : memref<16x128x32xf32, #tpu.memory_space<vmem>> -> memref<1x128x32xf32, #tpu.memory_space<vmem>>
    %dma_start3A_122 = tpu.memref_squeeze %dma_start3A_121 : memref<1x128x32xf32, #tpu.memory_space<vmem>> -> memref<128x32xf32, #tpu.memory_space<vmem>>
    %dma_start3A_123 = arith.constant 0 : i32
    %dma_start3A_124 = tpu.memref_slice %arg6[%dma_start3A_117, %dma_start3A_123] : memref<80x128xi32, #tpu.memory_space<vmem>> -> memref<1x128xi32, #tpu.memory_space<vmem>>
    %dma_start3A_125 = tpu.memref_squeeze %dma_start3A_124 : memref<1x128xi32, #tpu.memory_space<vmem>> -> memref<128xi32, #tpu.memory_space<vmem>>
    %dma_start3A_126 = arith.constant 0 : i32
    %dma_start3A_127 = arith.constant 0 : i32
    %dma_start3A_128 = tpu.memref_slice %arg10[%dma_start3A_126, %dma_start3A_127] : memref<10240x32xf32, #tpu.memory_space<vmem_shared>> -> memref<10240x32xf32, #tpu.memory_space<vmem_shared>>
    tpu.enqueue_indirect_dma source(%dma_start3A_128 : memref<10240x32xf32, #tpu.memory_space<vmem_shared>>) target(%dma_start3A_122 : memref<128x32xf32, #tpu.memory_space<vmem>>) offsets(%dma_start3A_125 : memref<128xi32, #tpu.memory_space<vmem>>) semaphore(%arg11 : memref<!tpu.dma_semaphore, #tpu.memory_space<semaphore_mem>>)
    %scan3A_129 = arith.constant 0 : i32
    %scan3A_130 = arith.constant 0 : i32
    %scan3A_131 = arith.constant 10 : i32
    %scan3A_132 = arith.addi %scan3A_130, %scan3A_131 : i32
    %scan3A_133 = arith.constant 1 : i32
    scf.for %scan3A_140 = %scan3A_130 to %scan3A_132 step %scan3A_133  : i32 {
      %mul3A_141 = arith.constant 8 : i32
      %mul3A_142 = arith.muli %scan3A_140, %mul3A_141 : i32
      %jit3A = arith.constant 2 : i32
      %eq3A = arith.constant 0 : i32
      %eq3A_143 = arith.cmpi eq, %jit3A, %eq3A : i32
      %jit3A_144 = arith.constant 1 : i32
      %select_n3A = arith.select %eq3A_143, %jit3A_144, %jit3A : i32
      %rem3A = arith.remsi %scan3A_140, %select_n3A : i32
      %ne3A = arith.constant 0 : i32
      %ne3A_145 = arith.cmpi ne, %rem3A, %ne3A : i32
      %lt3A = arith.constant 0 : i32
      %lt3A_146 = arith.cmpi slt, %rem3A, %lt3A : i32
      %lt3A_147 = arith.constant 0 : i32
      %lt3A_148 = arith.cmpi slt, %select_n3A, %lt3A_147 : i32
      %ne3A_149 = arith.xori %lt3A_146, %lt3A_148 : i1
      %and3A = arith.andi %ne3A_149, %ne3A_145 : i1
      %add3A_150 = arith.addi %rem3A, %select_n3A : i32
      %select_n3A_151 = arith.select %and3A, %add3A_150, %rem3A : i32
      %mul3A_152 = arith.constant 8 : i32
      %mul3A_153 = arith.muli %select_n3A_151, %mul3A_152 : i32
      %sub3A = arith.constant 8 : i32
      %sub3A_154 = arith.subi %sub3A, %mul3A_153 : i32
      %dma_wait3A = arith.constant 0 : i32
      %dma_wait3A_155 = arith.constant 0 : i32
      %dma_wait3A_156 = arith.constant 0 : i32
      %dma_wait3A_157 = tpu.memref_slice %arg8[%dma_wait3A, %dma_wait3A_155, %dma_wait3A_156] : memref<16x128x32xf32, #tpu.memory_space<vmem>> -> memref<1x128x32xf32, #tpu.memory_space<vmem>>
      %dma_wait3A_158 = tpu.memref_squeeze %dma_wait3A_157 : memref<1x128x32xf32, #tpu.memory_space<vmem>> -> memref<128x32xf32, #tpu.memory_space<vmem>>
      %dma_wait3A_159 = arith.constant 0 : i32
      %dma_wait3A_160 = arith.constant 0 : i32
      %dma_wait3A_161 = tpu.memref_slice %arg2[%dma_wait3A_159, %dma_wait3A_160] : memref<10240x32xf32, #tpu.memory_space<hbm>> -> memref<128x32xf32, #tpu.memory_space<hbm>>
      %dma_wait3A_162 = arith.constant 0 : i32
      %dma_wait3A_163 = arith.constant 0 : i32
      %dma_wait3A_164 = tpu.memref_slice %arg8[%dma_wait3A, %dma_wait3A_162, %dma_wait3A_163] : memref<16x128x32xf32, #tpu.memory_space<vmem>> -> memref<1x128x32xf32, #tpu.memory_space<vmem>>
      %dma_wait3A_165 = tpu.memref_squeeze %dma_wait3A_164 : memref<1x128x32xf32, #tpu.memory_space<vmem>> -> memref<128x32xf32, #tpu.memory_space<vmem>>
      %dma_wait3A_166 = arith.constant 0 : i32
      %dma_wait3A_167 = arith.constant 0 : i32
      %dma_wait3A_168 = tpu.memref_slice %arg2[%dma_wait3A_166, %dma_wait3A_167] : memref<10240x32xf32, #tpu.memory_space<hbm>> -> memref<128x32xf32, #tpu.memory_space<hbm>>
      tpu.wait_dma2 semaphore(%arg11 : memref<!tpu.dma_semaphore, #tpu.memory_space<semaphore_mem>>) src(%dma_wait3A_168 : memref<128x32xf32, #tpu.memory_space<hbm>>) dst(%dma_wait3A_165 : memref<128x32xf32, #tpu.memory_space<vmem>>)
      %dma_wait3A_169 = arith.constant 1 : i32
      %dma_wait3A_170 = arith.constant 0 : i32
      %dma_wait3A_171 = arith.constant 0 : i32
      %dma_wait3A_172 = tpu.memref_slice %arg8[%dma_wait3A_169, %dma_wait3A_170, %dma_wait3A_171] : memref<16x128x32xf32, #tpu.memory_space<vmem>> -> memref<1x128x32xf32, #tpu.memory_space<vmem>>
      %dma_wait3A_173 = tpu.memref_squeeze %dma_wait3A_172 : memref<1x128x32xf32, #tpu.memory_space<vmem>> -> memref<128x32xf32, #tpu.memory_space<vmem>>
      %dma_wait3A_174 = arith.constant 0 : i32
      %dma_wait3A_175 = arith.constant 0 : i32
      %dma_wait3A_176 = tpu.memref_slice %arg2[%dma_wait3A_174, %dma_wait3A_175] : memref<10240x32xf32, #tpu.memory_space<hbm>> -> memref<128x32xf32, #tpu.memory_space<hbm>>
      %dma_wait3A_177 = arith.constant 0 : i32
      %dma_wait3A_178 = arith.constant 0 : i32
      %dma_wait3A_179 = tpu.memref_slice %arg8[%dma_wait3A_169, %dma_wait3A_177, %dma_wait3A_178] : memref<16x128x32xf32, #tpu.memory_space<vmem>> -> memref<1x128x32xf32, #tpu.memory_space<vmem>>
      %dma_wait3A_180 = tpu.memref_squeeze %dma_wait3A_179 : memref<1x128x32xf32, #tpu.memory_space<vmem>> -> memref<128x32xf32, #tpu.memory_space<vmem>>
      %dma_wait3A_181 = arith.constant 0 : i32
      %dma_wait3A_182 = arith.constant 0 : i32
      %dma_wait3A_183 = tpu.memref_slice %arg2[%dma_wait3A_181, %dma_wait3A_182] : memref<10240x32xf32, #tpu.memory_space<hbm>> -> memref<128x32xf32, #tpu.memory_space<hbm>>
      tpu.wait_dma2 semaphore(%arg11 : memref<!tpu.dma_semaphore, #tpu.memory_space<semaphore_mem>>) src(%dma_wait3A_183 : memref<128x32xf32, #tpu.memory_space<hbm>>) dst(%dma_wait3A_180 : memref<128x32xf32, #tpu.memory_space<vmem>>)
      %dma_wait3A_184 = arith.constant 2 : i32
      %dma_wait3A_185 = arith.constant 0 : i32
      %dma_wait3A_186 = arith.constant 0 : i32
      %dma_wait3A_187 = tpu.memref_slice %arg8[%dma_wait3A_184, %dma_wait3A_185, %dma_wait3A_186] : memref<16x128x32xf32, #tpu.memory_space<vmem>> -> memref<1x128x32xf32, #tpu.memory_space<vmem>>
      %dma_wait3A_188 = tpu.memref_squeeze %dma_wait3A_187 : memref<1x128x32xf32, #tpu.memory_space<vmem>> -> memref<128x32xf32, #tpu.memory_space<vmem>>
      %dma_wait3A_189 = arith.constant 0 : i32
      %dma_wait3A_190 = arith.constant 0 : i32
      %dma_wait3A_191 = tpu.memref_slice %arg2[%dma_wait3A_189, %dma_wait3A_190] : memref<10240x32xf32, #tpu.memory_space<hbm>> -> memref<128x32xf32, #tpu.memory_space<hbm>>
      %dma_wait3A_192 = arith.constant 0 : i32
      %dma_wait3A_193 = arith.constant 0 : i32
      %dma_wait3A_194 = tpu.memref_slice %arg8[%dma_wait3A_184, %dma_wait3A_192, %dma_wait3A_193] : memref<16x128x32xf32, #tpu.memory_space<vmem>> -> memref<1x128x32xf32, #tpu.memory_space<vmem>>
      %dma_wait3A_195 = tpu.memref_squeeze %dma_wait3A_194 : memref<1x128x32xf32, #tpu.memory_space<vmem>> -> memref<128x32xf32, #tpu.memory_space<vmem>>
      %dma_wait3A_196 = arith.constant 0 : i32
      %dma_wait3A_197 = arith.constant 0 : i32
      %dma_wait3A_198 = tpu.memref_slice %arg2[%dma_wait3A_196, %dma_wait3A_197] : memref<10240x32xf32, #tpu.memory_space<hbm>> -> memref<128x32xf32, #tpu.memory_space<hbm>>
      tpu.wait_dma2 semaphore(%arg11 : memref<!tpu.dma_semaphore, #tpu.memory_space<semaphore_mem>>) src(%dma_wait3A_198 : memref<128x32xf32, #tpu.memory_space<hbm>>) dst(%dma_wait3A_195 : memref<128x32xf32, #tpu.memory_space<vmem>>)
      %dma_wait3A_199 = arith.constant 3 : i32
      %dma_wait3A_200 = arith.constant 0 : i32
      %dma_wait3A_201 = arith.constant 0 : i32
      %dma_wait3A_202 = tpu.memref_slice %arg8[%dma_wait3A_199, %dma_wait3A_200, %dma_wait3A_201] : memref<16x128x32xf32, #tpu.memory_space<vmem>> -> memref<1x128x32xf32, #tpu.memory_space<vmem>>
      %dma_wait3A_203 = tpu.memref_squeeze %dma_wait3A_202 : memref<1x128x32xf32, #tpu.memory_space<vmem>> -> memref<128x32xf32, #tpu.memory_space<vmem>>
      %dma_wait3A_204 = arith.constant 0 : i32
      %dma_wait3A_205 = arith.constant 0 : i32
      %dma_wait3A_206 = tpu.memref_slice %arg2[%dma_wait3A_204, %dma_wait3A_205] : memref<10240x32xf32, #tpu.memory_space<hbm>> -> memref<128x32xf32, #tpu.memory_space<hbm>>
      %dma_wait3A_207 = arith.constant 0 : i32
      %dma_wait3A_208 = arith.constant 0 : i32
      %dma_wait3A_209 = tpu.memref_slice %arg8[%dma_wait3A_199, %dma_wait3A_207, %dma_wait3A_208] : memref<16x128x32xf32, #tpu.memory_space<vmem>> -> memref<1x128x32xf32, #tpu.memory_space<vmem>>
      %dma_wait3A_210 = tpu.memref_squeeze %dma_wait3A_209 : memref<1x128x32xf32, #tpu.memory_space<vmem>> -> memref<128x32xf32, #tpu.memory_space<vmem>>
      %dma_wait3A_211 = arith.constant 0 : i32
      %dma_wait3A_212 = arith.constant 0 : i32
      %dma_wait3A_213 = tpu.memref_slice %arg2[%dma_wait3A_211, %dma_wait3A_212] : memref<10240x32xf32, #tpu.memory_space<hbm>> -> memref<128x32xf32, #tpu.memory_space<hbm>>
      tpu.wait_dma2 semaphore(%arg11 : memref<!tpu.dma_semaphore, #tpu.memory_space<semaphore_mem>>) src(%dma_wait3A_213 : memref<128x32xf32, #tpu.memory_space<hbm>>) dst(%dma_wait3A_210 : memref<128x32xf32, #tpu.memory_space<vmem>>)
      %dma_wait3A_214 = arith.constant 4 : i32
      %dma_wait3A_215 = arith.constant 0 : i32
      %dma_wait3A_216 = arith.constant 0 : i32
      %dma_wait3A_217 = tpu.memref_slice %arg8[%dma_wait3A_214, %dma_wait3A_215, %dma_wait3A_216] : memref<16x128x32xf32, #tpu.memory_space<vmem>> -> memref<1x128x32xf32, #tpu.memory_space<vmem>>
      %dma_wait3A_218 = tpu.memref_squeeze %dma_wait3A_217 : memref<1x128x32xf32, #tpu.memory_space<vmem>> -> memref<128x32xf32, #tpu.memory_space<vmem>>
      %dma_wait3A_219 = arith.constant 0 : i32
      %dma_wait3A_220 = arith.constant 0 : i32
      %dma_wait3A_221 = tpu.memref_slice %arg2[%dma_wait3A_219, %dma_wait3A_220] : memref<10240x32xf32, #tpu.memory_space<hbm>> -> memref<128x32xf32, #tpu.memory_space<hbm>>
      %dma_wait3A_222 = arith.constant 0 : i32
      %dma_wait3A_223 = arith.constant 0 : i32
      %dma_wait3A_224 = tpu.memref_slice %arg8[%dma_wait3A_214, %dma_wait3A_222, %dma_wait3A_223] : memref<16x128x32xf32, #tpu.memory_space<vmem>> -> memref<1x128x32xf32, #tpu.memory_space<vmem>>
      %dma_wait3A_225 = tpu.memref_squeeze %dma_wait3A_224 : memref<1x128x32xf32, #tpu.memory_space<vmem>> -> memref<128x32xf32, #tpu.memory_space<vmem>>
      %dma_wait3A_226 = arith.constant 0 : i32
      %dma_wait3A_227 = arith.constant 0 : i32
      %dma_wait3A_228 = tpu.memref_slice %arg2[%dma_wait3A_226, %dma_wait3A_227] : memref<10240x32xf32, #tpu.memory_space<hbm>> -> memref<128x32xf32, #tpu.memory_space<hbm>>
      tpu.wait_dma2 semaphore(%arg11 : memref<!tpu.dma_semaphore, #tpu.memory_space<semaphore_mem>>) src(%dma_wait3A_228 : memref<128x32xf32, #tpu.memory_space<hbm>>) dst(%dma_wait3A_225 : memref<128x32xf32, #tpu.memory_space<vmem>>)
      %dma_wait3A_229 = arith.constant 5 : i32
      %dma_wait3A_230 = arith.constant 0 : i32
      %dma_wait3A_231 = arith.constant 0 : i32
      %dma_wait3A_232 = tpu.memref_slice %arg8[%dma_wait3A_229, %dma_wait3A_230, %dma_wait3A_231] : memref<16x128x32xf32, #tpu.memory_space<vmem>> -> memref<1x128x32xf32, #tpu.memory_space<vmem>>
      %dma_wait3A_233 = tpu.memref_squeeze %dma_wait3A_232 : memref<1x128x32xf32, #tpu.memory_space<vmem>> -> memref<128x32xf32, #tpu.memory_space<vmem>>
      %dma_wait3A_234 = arith.constant 0 : i32
      %dma_wait3A_235 = arith.constant 0 : i32
      %dma_wait3A_236 = tpu.memref_slice %arg2[%dma_wait3A_234, %dma_wait3A_235] : memref<10240x32xf32, #tpu.memory_space<hbm>> -> memref<128x32xf32, #tpu.memory_space<hbm>>
      %dma_wait3A_237 = arith.constant 0 : i32
      %dma_wait3A_238 = arith.constant 0 : i32
      %dma_wait3A_239 = tpu.memref_slice %arg8[%dma_wait3A_229, %dma_wait3A_237, %dma_wait3A_238] : memref<16x128x32xf32, #tpu.memory_space<vmem>> -> memref<1x128x32xf32, #tpu.memory_space<vmem>>
      %dma_wait3A_240 = tpu.memref_squeeze %dma_wait3A_239 : memref<1x128x32xf32, #tpu.memory_space<vmem>> -> memref<128x32xf32, #tpu.memory_space<vmem>>
      %dma_wait3A_241 = arith.constant 0 : i32
      %dma_wait3A_242 = arith.constant 0 : i32
      %dma_wait3A_243 = tpu.memref_slice %arg2[%dma_wait3A_241, %dma_wait3A_242] : memref<10240x32xf32, #tpu.memory_space<hbm>> -> memref<128x32xf32, #tpu.memory_space<hbm>>
      tpu.wait_dma2 semaphore(%arg11 : memref<!tpu.dma_semaphore, #tpu.memory_space<semaphore_mem>>) src(%dma_wait3A_243 : memref<128x32xf32, #tpu.memory_space<hbm>>) dst(%dma_wait3A_240 : memref<128x32xf32, #tpu.memory_space<vmem>>)
      %dma_wait3A_244 = arith.constant 6 : i32
      %dma_wait3A_245 = arith.constant 0 : i32
      %dma_wait3A_246 = arith.constant 0 : i32
      %dma_wait3A_247 = tpu.memref_slice %arg8[%dma_wait3A_244, %dma_wait3A_245, %dma_wait3A_246] : memref<16x128x32xf32, #tpu.memory_space<vmem>> -> memref<1x128x32xf32, #tpu.memory_space<vmem>>
      %dma_wait3A_248 = tpu.memref_squeeze %dma_wait3A_247 : memref<1x128x32xf32, #tpu.memory_space<vmem>> -> memref<128x32xf32, #tpu.memory_space<vmem>>
      %dma_wait3A_249 = arith.constant 0 : i32
      %dma_wait3A_250 = arith.constant 0 : i32
      %dma_wait3A_251 = tpu.memref_slice %arg2[%dma_wait3A_249, %dma_wait3A_250] : memref<10240x32xf32, #tpu.memory_space<hbm>> -> memref<128x32xf32, #tpu.memory_space<hbm>>
      %dma_wait3A_252 = arith.constant 0 : i32
      %dma_wait3A_253 = arith.constant 0 : i32
      %dma_wait3A_254 = tpu.memref_slice %arg8[%dma_wait3A_244, %dma_wait3A_252, %dma_wait3A_253] : memref<16x128x32xf32, #tpu.memory_space<vmem>> -> memref<1x128x32xf32, #tpu.memory_space<vmem>>
      %dma_wait3A_255 = tpu.memref_squeeze %dma_wait3A_254 : memref<1x128x32xf32, #tpu.memory_space<vmem>> -> memref<128x32xf32, #tpu.memory_space<vmem>>
      %dma_wait3A_256 = arith.constant 0 : i32
      %dma_wait3A_257 = arith.constant 0 : i32
      %dma_wait3A_258 = tpu.memref_slice %arg2[%dma_wait3A_256, %dma_wait3A_257] : memref<10240x32xf32, #tpu.memory_space<hbm>> -> memref<128x32xf32, #tpu.memory_space<hbm>>
      tpu.wait_dma2 semaphore(%arg11 : memref<!tpu.dma_semaphore, #tpu.memory_space<semaphore_mem>>) src(%dma_wait3A_258 : memref<128x32xf32, #tpu.memory_space<hbm>>) dst(%dma_wait3A_255 : memref<128x32xf32, #tpu.memory_space<vmem>>)
      %dma_wait3A_259 = arith.constant 7 : i32
      %dma_wait3A_260 = arith.constant 0 : i32
      %dma_wait3A_261 = arith.constant 0 : i32
      %dma_wait3A_262 = tpu.memref_slice %arg8[%dma_wait3A_259, %dma_wait3A_260, %dma_wait3A_261] : memref<16x128x32xf32, #tpu.memory_space<vmem>> -> memref<1x128x32xf32, #tpu.memory_space<vmem>>
      %dma_wait3A_263 = tpu.memref_squeeze %dma_wait3A_262 : memref<1x128x32xf32, #tpu.memory_space<vmem>> -> memref<128x32xf32, #tpu.memory_space<vmem>>
      %dma_wait3A_264 = arith.constant 0 : i32
      %dma_wait3A_265 = arith.constant 0 : i32
      %dma_wait3A_266 = tpu.memref_slice %arg2[%dma_wait3A_264, %dma_wait3A_265] : memref<10240x32xf32, #tpu.memory_space<hbm>> -> memref<128x32xf32, #tpu.memory_space<hbm>>
      %dma_wait3A_267 = arith.constant 0 : i32
      %dma_wait3A_268 = arith.constant 0 : i32
      %dma_wait3A_269 = tpu.memref_slice %arg8[%dma_wait3A_259, %dma_wait3A_267, %dma_wait3A_268] : memref<16x128x32xf32, #tpu.memory_space<vmem>> -> memref<1x128x32xf32, #tpu.memory_space<vmem>>
      %dma_wait3A_270 = tpu.memref_squeeze %dma_wait3A_269 : memref<1x128x32xf32, #tpu.memory_space<vmem>> -> memref<128x32xf32, #tpu.memory_space<vmem>>
      %dma_wait3A_271 = arith.constant 0 : i32
      %dma_wait3A_272 = arith.constant 0 : i32
      %dma_wait3A_273 = tpu.memref_slice %arg2[%dma_wait3A_271, %dma_wait3A_272] : memref<10240x32xf32, #tpu.memory_space<hbm>> -> memref<128x32xf32, #tpu.memory_space<hbm>>
      tpu.wait_dma2 semaphore(%arg11 : memref<!tpu.dma_semaphore, #tpu.memory_space<semaphore_mem>>) src(%dma_wait3A_273 : memref<128x32xf32, #tpu.memory_space<hbm>>) dst(%dma_wait3A_270 : memref<128x32xf32, #tpu.memory_space<vmem>>)
      %add3A_274 = arith.constant 0 : i32
      %add3A_275 = arith.addi %mul3A_153, %add3A_274 : i32
      %add3A_276 = arith.constant 0 : i32
      %add3A_277 = arith.addi %mul3A_142, %add3A_276 : i32
      %dma_start3A_278 = arith.constant 0 : i32
      %dma_start3A_279 = arith.constant 0 : i32
      %dma_start3A_280 = tpu.memref_slice %arg8[%add3A_275, %dma_start3A_278, %dma_start3A_279] : memref<16x128x32xf32, #tpu.memory_space<vmem>> -> memref<1x128x32xf32, #tpu.memory_space<vmem>>
      %dma_start3A_281 = tpu.memref_squeeze %dma_start3A_280 : memref<1x128x32xf32, #tpu.memory_space<vmem>> -> memref<128x32xf32, #tpu.memory_space<vmem>>
      %dma_start3A_282 = arith.constant 0 : i32
      %dma_start3A_283 = tpu.memref_slice %arg7[%add3A_277, %dma_start3A_282] : memref<80x128xi32, #tpu.memory_space<vmem>> -> memref<1x128xi32, #tpu.memory_space<vmem>>
      %dma_start3A_284 = tpu.memref_squeeze %dma_start3A_283 : memref<1x128xi32, #tpu.memory_space<vmem>> -> memref<128xi32, #tpu.memory_space<vmem>>
      %dma_start3A_285 = arith.constant 0 : i32
      %dma_start3A_286 = arith.constant 0 : i32
      %dma_start3A_287 = tpu.memref_slice %arg9[%dma_start3A_285, %dma_start3A_286] : memref<10240x32xf32, #tpu.memory_space<vmem_shared>> -> memref<10240x32xf32, #tpu.memory_space<vmem_shared>>
      tpu.enqueue_indirect_dma source(%dma_start3A_281 : memref<128x32xf32, #tpu.memory_space<vmem>>) target(%dma_start3A_287 : memref<10240x32xf32, #tpu.memory_space<vmem_shared>>) offsets(%dma_start3A_284 : memref<128xi32, #tpu.memory_space<vmem>>) semaphore(%arg12 : memref<!tpu.dma_semaphore, #tpu.memory_space<semaphore_mem>>) {add = true}
      %add3A_288 = arith.constant 1 : i32
      %add3A_289 = arith.addi %mul3A_153, %add3A_288 : i32
      %add3A_290 = arith.constant 1 : i32
      %add3A_291 = arith.addi %mul3A_142, %add3A_290 : i32
      %dma_start3A_292 = arith.constant 0 : i32
      %dma_start3A_293 = arith.constant 0 : i32
      %dma_start3A_294 = tpu.memref_slice %arg8[%add3A_289, %dma_start3A_292, %dma_start3A_293] : memref<16x128x32xf32, #tpu.memory_space<vmem>> -> memref<1x128x32xf32, #tpu.memory_space<vmem>>
      %dma_start3A_295 = tpu.memref_squeeze %dma_start3A_294 : memref<1x128x32xf32, #tpu.memory_space<vmem>> -> memref<128x32xf32, #tpu.memory_space<vmem>>
      %dma_start3A_296 = arith.constant 0 : i32
      %dma_start3A_297 = tpu.memref_slice %arg7[%add3A_291, %dma_start3A_296] : memref<80x128xi32, #tpu.memory_space<vmem>> -> memref<1x128xi32, #tpu.memory_space<vmem>>
      %dma_start3A_298 = tpu.memref_squeeze %dma_start3A_297 : memref<1x128xi32, #tpu.memory_space<vmem>> -> memref<128xi32, #tpu.memory_space<vmem>>
      %dma_start3A_299 = arith.constant 0 : i32
      %dma_start3A_300 = arith.constant 0 : i32
      %dma_start3A_301 = tpu.memref_slice %arg9[%dma_start3A_299, %dma_start3A_300] : memref<10240x32xf32, #tpu.memory_space<vmem_shared>> -> memref<10240x32xf32, #tpu.memory_space<vmem_shared>>
      tpu.enqueue_indirect_dma source(%dma_start3A_295 : memref<128x32xf32, #tpu.memory_space<vmem>>) target(%dma_start3A_301 : memref<10240x32xf32, #tpu.memory_space<vmem_shared>>) offsets(%dma_start3A_298 : memref<128xi32, #tpu.memory_space<vmem>>) semaphore(%arg12 : memref<!tpu.dma_semaphore, #tpu.memory_space<semaphore_mem>>) {add = true}
      %add3A_302 = arith.constant 2 : i32
      %add3A_303 = arith.addi %mul3A_153, %add3A_302 : i32
      %add3A_304 = arith.constant 2 : i32
      %add3A_305 = arith.addi %mul3A_142, %add3A_304 : i32
      %dma_start3A_306 = arith.constant 0 : i32
      %dma_start3A_307 = arith.constant 0 : i32
      %dma_start3A_308 = tpu.memref_slice %arg8[%add3A_303, %dma_start3A_306, %dma_start3A_307] : memref<16x128x32xf32, #tpu.memory_space<vmem>> -> memref<1x128x32xf32, #tpu.memory_space<vmem>>
      %dma_start3A_309 = tpu.memref_squeeze %dma_start3A_308 : memref<1x128x32xf32, #tpu.memory_space<vmem>> -> memref<128x32xf32, #tpu.memory_space<vmem>>
      %dma_start3A_310 = arith.constant 0 : i32
      %dma_start3A_311 = tpu.memref_slice %arg7[%add3A_305, %dma_start3A_310] : memref<80x128xi32, #tpu.memory_space<vmem>> -> memref<1x128xi32, #tpu.memory_space<vmem>>
      %dma_start3A_312 = tpu.memref_squeeze %dma_start3A_311 : memref<1x128xi32, #tpu.memory_space<vmem>> -> memref<128xi32, #tpu.memory_space<vmem>>
      %dma_start3A_313 = arith.constant 0 : i32
      %dma_start3A_314 = arith.constant 0 : i32
      %dma_start3A_315 = tpu.memref_slice %arg9[%dma_start3A_313, %dma_start3A_314] : memref<10240x32xf32, #tpu.memory_space<vmem_shared>> -> memref<10240x32xf32, #tpu.memory_space<vmem_shared>>
      tpu.enqueue_indirect_dma source(%dma_start3A_309 : memref<128x32xf32, #tpu.memory_space<vmem>>) target(%dma_start3A_315 : memref<10240x32xf32, #tpu.memory_space<vmem_shared>>) offsets(%dma_start3A_312 : memref<128xi32, #tpu.memory_space<vmem>>) semaphore(%arg12 : memref<!tpu.dma_semaphore, #tpu.memory_space<semaphore_mem>>) {add = true}
      %add3A_316 = arith.constant 3 : i32
      %add3A_317 = arith.addi %mul3A_153, %add3A_316 : i32
      %add3A_318 = arith.constant 3 : i32
      %add3A_319 = arith.addi %mul3A_142, %add3A_318 : i32
      %dma_start3A_320 = arith.constant 0 : i32
      %dma_start3A_321 = arith.constant 0 : i32
      %dma_start3A_322 = tpu.memref_slice %arg8[%add3A_317, %dma_start3A_320, %dma_start3A_321] : memref<16x128x32xf32, #tpu.memory_space<vmem>> -> memref<1x128x32xf32, #tpu.memory_space<vmem>>
      %dma_start3A_323 = tpu.memref_squeeze %dma_start3A_322 : memref<1x128x32xf32, #tpu.memory_space<vmem>> -> memref<128x32xf32, #tpu.memory_space<vmem>>
      %dma_start3A_324 = arith.constant 0 : i32
      %dma_start3A_325 = tpu.memref_slice %arg7[%add3A_319, %dma_start3A_324] : memref<80x128xi32, #tpu.memory_space<vmem>> -> memref<1x128xi32, #tpu.memory_space<vmem>>
      %dma_start3A_326 = tpu.memref_squeeze %dma_start3A_325 : memref<1x128xi32, #tpu.memory_space<vmem>> -> memref<128xi32, #tpu.memory_space<vmem>>
      %dma_start3A_327 = arith.constant 0 : i32
      %dma_start3A_328 = arith.constant 0 : i32
      %dma_start3A_329 = tpu.memref_slice %arg9[%dma_start3A_327, %dma_start3A_328] : memref<10240x32xf32, #tpu.memory_space<vmem_shared>> -> memref<10240x32xf32, #tpu.memory_space<vmem_shared>>
      tpu.enqueue_indirect_dma source(%dma_start3A_323 : memref<128x32xf32, #tpu.memory_space<vmem>>) target(%dma_start3A_329 : memref<10240x32xf32, #tpu.memory_space<vmem_shared>>) offsets(%dma_start3A_326 : memref<128xi32, #tpu.memory_space<vmem>>) semaphore(%arg12 : memref<!tpu.dma_semaphore, #tpu.memory_space<semaphore_mem>>) {add = true}
      %add3A_330 = arith.constant 4 : i32
      %add3A_331 = arith.addi %mul3A_153, %add3A_330 : i32
      %add3A_332 = arith.constant 4 : i32
      %add3A_333 = arith.addi %mul3A_142, %add3A_332 : i32
      %dma_start3A_334 = arith.constant 0 : i32
      %dma_start3A_335 = arith.constant 0 : i32
      %dma_start3A_336 = tpu.memref_slice %arg8[%add3A_331, %dma_start3A_334, %dma_start3A_335] : memref<16x128x32xf32, #tpu.memory_space<vmem>> -> memref<1x128x32xf32, #tpu.memory_space<vmem>>
      %dma_start3A_337 = tpu.memref_squeeze %dma_start3A_336 : memref<1x128x32xf32, #tpu.memory_space<vmem>> -> memref<128x32xf32, #tpu.memory_space<vmem>>
      %dma_start3A_338 = arith.constant 0 : i32
      %dma_start3A_339 = tpu.memref_slice %arg7[%add3A_333, %dma_start3A_338] : memref<80x128xi32, #tpu.memory_space<vmem>> -> memref<1x128xi32, #tpu.memory_space<vmem>>
      %dma_start3A_340 = tpu.memref_squeeze %dma_start3A_339 : memref<1x128xi32, #tpu.memory_space<vmem>> -> memref<128xi32, #tpu.memory_space<vmem>>
      %dma_start3A_341 = arith.constant 0 : i32
      %dma_start3A_342 = arith.constant 0 : i32
      %dma_start3A_343 = tpu.memref_slice %arg9[%dma_start3A_341, %dma_start3A_342] : memref<10240x32xf32, #tpu.memory_space<vmem_shared>> -> memref<10240x32xf32, #tpu.memory_space<vmem_shared>>
      tpu.enqueue_indirect_dma source(%dma_start3A_337 : memref<128x32xf32, #tpu.memory_space<vmem>>) target(%dma_start3A_343 : memref<10240x32xf32, #tpu.memory_space<vmem_shared>>) offsets(%dma_start3A_340 : memref<128xi32, #tpu.memory_space<vmem>>) semaphore(%arg12 : memref<!tpu.dma_semaphore, #tpu.memory_space<semaphore_mem>>) {add = true}
      %add3A_344 = arith.constant 5 : i32
      %add3A_345 = arith.addi %mul3A_153, %add3A_344 : i32
      %add3A_346 = arith.constant 5 : i32
      %add3A_347 = arith.addi %mul3A_142, %add3A_346 : i32
      %dma_start3A_348 = arith.constant 0 : i32
      %dma_start3A_349 = arith.constant 0 : i32
      %dma_start3A_350 = tpu.memref_slice %arg8[%add3A_345, %dma_start3A_348, %dma_start3A_349] : memref<16x128x32xf32, #tpu.memory_space<vmem>> -> memref<1x128x32xf32, #tpu.memory_space<vmem>>
      %dma_start3A_351 = tpu.memref_squeeze %dma_start3A_350 : memref<1x128x32xf32, #tpu.memory_space<vmem>> -> memref<128x32xf32, #tpu.memory_space<vmem>>
      %dma_start3A_352 = arith.constant 0 : i32
      %dma_start3A_353 = tpu.memref_slice %arg7[%add3A_347, %dma_start3A_352] : memref<80x128xi32, #tpu.memory_space<vmem>> -> memref<1x128xi32, #tpu.memory_space<vmem>>
      %dma_start3A_354 = tpu.memref_squeeze %dma_start3A_353 : memref<1x128xi32, #tpu.memory_space<vmem>> -> memref<128xi32, #tpu.memory_space<vmem>>
      %dma_start3A_355 = arith.constant 0 : i32
      %dma_start3A_356 = arith.constant 0 : i32
      %dma_start3A_357 = tpu.memref_slice %arg9[%dma_start3A_355, %dma_start3A_356] : memref<10240x32xf32, #tpu.memory_space<vmem_shared>> -> memref<10240x32xf32, #tpu.memory_space<vmem_shared>>
      tpu.enqueue_indirect_dma source(%dma_start3A_351 : memref<128x32xf32, #tpu.memory_space<vmem>>) target(%dma_start3A_357 : memref<10240x32xf32, #tpu.memory_space<vmem_shared>>) offsets(%dma_start3A_354 : memref<128xi32, #tpu.memory_space<vmem>>) semaphore(%arg12 : memref<!tpu.dma_semaphore, #tpu.memory_space<semaphore_mem>>) {add = true}
      %add3A_358 = arith.constant 6 : i32
      %add3A_359 = arith.addi %mul3A_153, %add3A_358 : i32
      %add3A_360 = arith.constant 6 : i32
      %add3A_361 = arith.addi %mul3A_142, %add3A_360 : i32
      %dma_start3A_362 = arith.constant 0 : i32
      %dma_start3A_363 = arith.constant 0 : i32
      %dma_start3A_364 = tpu.memref_slice %arg8[%add3A_359, %dma_start3A_362, %dma_start3A_363] : memref<16x128x32xf32, #tpu.memory_space<vmem>> -> memref<1x128x32xf32, #tpu.memory_space<vmem>>
      %dma_start3A_365 = tpu.memref_squeeze %dma_start3A_364 : memref<1x128x32xf32, #tpu.memory_space<vmem>> -> memref<128x32xf32, #tpu.memory_space<vmem>>
      %dma_start3A_366 = arith.constant 0 : i32
      %dma_start3A_367 = tpu.memref_slice %arg7[%add3A_361, %dma_start3A_366] : memref<80x128xi32, #tpu.memory_space<vmem>> -> memref<1x128xi32, #tpu.memory_space<vmem>>
      %dma_start3A_368 = tpu.memref_squeeze %dma_start3A_367 : memref<1x128xi32, #tpu.memory_space<vmem>> -> memref<128xi32, #tpu.memory_space<vmem>>
      %dma_start3A_369 = arith.constant 0 : i32
      %dma_start3A_370 = arith.constant 0 : i32
      %dma_start3A_371 = tpu.memref_slice %arg9[%dma_start3A_369, %dma_start3A_370] : memref<10240x32xf32, #tpu.memory_space<vmem_shared>> -> memref<10240x32xf32, #tpu.memory_space<vmem_shared>>
      tpu.enqueue_indirect_dma source(%dma_start3A_365 : memref<128x32xf32, #tpu.memory_space<vmem>>) target(%dma_start3A_371 : memref<10240x32xf32, #tpu.memory_space<vmem_shared>>) offsets(%dma_start3A_368 : memref<128xi32, #tpu.memory_space<vmem>>) semaphore(%arg12 : memref<!tpu.dma_semaphore, #tpu.memory_space<semaphore_mem>>) {add = true}
      %add3A_372 = arith.constant 7 : i32
      %add3A_373 = arith.addi %mul3A_153, %add3A_372 : i32
      %add3A_374 = arith.constant 7 : i32
      %add3A_375 = arith.addi %mul3A_142, %add3A_374 : i32
      %dma_start3A_376 = arith.constant 0 : i32
      %dma_start3A_377 = arith.constant 0 : i32
      %dma_start3A_378 = tpu.memref_slice %arg8[%add3A_373, %dma_start3A_376, %dma_start3A_377] : memref<16x128x32xf32, #tpu.memory_space<vmem>> -> memref<1x128x32xf32, #tpu.memory_space<vmem>>
      %dma_start3A_379 = tpu.memref_squeeze %dma_start3A_378 : memref<1x128x32xf32, #tpu.memory_space<vmem>> -> memref<128x32xf32, #tpu.memory_space<vmem>>
      %dma_start3A_380 = arith.constant 0 : i32
      %dma_start3A_381 = tpu.memref_slice %arg7[%add3A_375, %dma_start3A_380] : memref<80x128xi32, #tpu.memory_space<vmem>> -> memref<1x128xi32, #tpu.memory_space<vmem>>
      %dma_start3A_382 = tpu.memref_squeeze %dma_start3A_381 : memref<1x128xi32, #tpu.memory_space<vmem>> -> memref<128xi32, #tpu.memory_space<vmem>>
      %dma_start3A_383 = arith.constant 0 : i32
      %dma_start3A_384 = arith.constant 0 : i32
      %dma_start3A_385 = tpu.memref_slice %arg9[%dma_start3A_383, %dma_start3A_384] : memref<10240x32xf32, #tpu.memory_space<vmem_shared>> -> memref<10240x32xf32, #tpu.memory_space<vmem_shared>>
      tpu.enqueue_indirect_dma source(%dma_start3A_379 : memref<128x32xf32, #tpu.memory_space<vmem>>) target(%dma_start3A_385 : memref<10240x32xf32, #tpu.memory_space<vmem_shared>>) offsets(%dma_start3A_382 : memref<128xi32, #tpu.memory_space<vmem>>) semaphore(%arg12 : memref<!tpu.dma_semaphore, #tpu.memory_space<semaphore_mem>>) {add = true}
      %lt3A_386 = arith.constant 9 : i32
      %lt3A_387 = arith.cmpi slt, %scan3A_140, %lt3A_386 : i32
      %convert_element_type3A = arith.extui %lt3A_387 : i1 to i32
      %cond3A = arith.constant 0 : i32
      %cond3A_388 = arith.cmpi ne, %convert_element_type3A, %cond3A : i32
      scf.if %cond3A_388 {
        %add3A_509 = arith.constant 8 : i32
        %add3A_510 = arith.addi %mul3A_142, %add3A_509 : i32
        %add3A_511 = arith.constant 0 : i32
        %add3A_512 = arith.addi %add3A_510, %add3A_511 : i32
        %add3A_513 = arith.constant 0 : i32
        %add3A_514 = arith.addi %sub3A_154, %add3A_513 : i32
        %dma_start3A_515 = arith.constant 0 : i32
        %dma_start3A_516 = arith.constant 0 : i32
        %dma_start3A_517 = tpu.memref_slice %arg8[%add3A_514, %dma_start3A_515, %dma_start3A_516] : memref<16x128x32xf32, #tpu.memory_space<vmem>> -> memref<1x128x32xf32, #tpu.memory_space<vmem>>
        %dma_start3A_518 = tpu.memref_squeeze %dma_start3A_517 : memref<1x128x32xf32, #tpu.memory_space<vmem>> -> memref<128x32xf32, #tpu.memory_space<vmem>>
        %dma_start3A_519 = arith.constant 0 : i32
        %dma_start3A_520 = tpu.memref_slice %arg6[%add3A_512, %dma_start3A_519] : memref<80x128xi32, #tpu.memory_space<vmem>> -> memref<1x128xi32, #tpu.memory_space<vmem>>
        %dma_start3A_521 = tpu.memref_squeeze %dma_start3A_520 : memref<1x128xi32, #tpu.memory_space<vmem>> -> memref<128xi32, #tpu.memory_space<vmem>>
        %dma_start3A_522 = arith.constant 0 : i32
        %dma_start3A_523 = arith.constant 0 : i32
        %dma_start3A_524 = tpu.memref_slice %arg10[%dma_start3A_522, %dma_start3A_523] : memref<10240x32xf32, #tpu.memory_space<vmem_shared>> -> memref<10240x32xf32, #tpu.memory_space<vmem_shared>>
        tpu.enqueue_indirect_dma source(%dma_start3A_524 : memref<10240x32xf32, #tpu.memory_space<vmem_shared>>) target(%dma_start3A_518 : memref<128x32xf32, #tpu.memory_space<vmem>>) offsets(%dma_start3A_521 : memref<128xi32, #tpu.memory_space<vmem>>) semaphore(%arg11 : memref<!tpu.dma_semaphore, #tpu.memory_space<semaphore_mem>>)
        %add3A_525 = arith.constant 8 : i32
        %add3A_526 = arith.addi %mul3A_142, %add3A_525 : i32
        %add3A_527 = arith.constant 1 : i32
        %add3A_528 = arith.addi %add3A_526, %add3A_527 : i32
        %add3A_529 = arith.constant 1 : i32
        %add3A_530 = arith.addi %sub3A_154, %add3A_529 : i32
        %dma_start3A_531 = arith.constant 0 : i32
        %dma_start3A_532 = arith.constant 0 : i32
        %dma_start3A_533 = tpu.memref_slice %arg8[%add3A_530, %dma_start3A_531, %dma_start3A_532] : memref<16x128x32xf32, #tpu.memory_space<vmem>> -> memref<1x128x32xf32, #tpu.memory_space<vmem>>
        %dma_start3A_534 = tpu.memref_squeeze %dma_start3A_533 : memref<1x128x32xf32, #tpu.memory_space<vmem>> -> memref<128x32xf32, #tpu.memory_space<vmem>>
        %dma_start3A_535 = arith.constant 0 : i32
        %dma_start3A_536 = tpu.memref_slice %arg6[%add3A_528, %dma_start3A_535] : memref<80x128xi32, #tpu.memory_space<vmem>> -> memref<1x128xi32, #tpu.memory_space<vmem>>
        %dma_start3A_537 = tpu.memref_squeeze %dma_start3A_536 : memref<1x128xi32, #tpu.memory_space<vmem>> -> memref<128xi32, #tpu.memory_space<vmem>>
        %dma_start3A_538 = arith.constant 0 : i32
        %dma_start3A_539 = arith.constant 0 : i32
        %dma_start3A_540 = tpu.memref_slice %arg10[%dma_start3A_538, %dma_start3A_539] : memref<10240x32xf32, #tpu.memory_space<vmem_shared>> -> memref<10240x32xf32, #tpu.memory_space<vmem_shared>>
        tpu.enqueue_indirect_dma source(%dma_start3A_540 : memref<10240x32xf32, #tpu.memory_space<vmem_shared>>) target(%dma_start3A_534 : memref<128x32xf32, #tpu.memory_space<vmem>>) offsets(%dma_start3A_537 : memref<128xi32, #tpu.memory_space<vmem>>) semaphore(%arg11 : memref<!tpu.dma_semaphore, #tpu.memory_space<semaphore_mem>>)
        %add3A_541 = arith.constant 8 : i32
        %add3A_542 = arith.addi %mul3A_142, %add3A_541 : i32
        %add3A_543 = arith.constant 2 : i32
        %add3A_544 = arith.addi %add3A_542, %add3A_543 : i32
        %add3A_545 = arith.constant 2 : i32
        %add3A_546 = arith.addi %sub3A_154, %add3A_545 : i32
        %dma_start3A_547 = arith.constant 0 : i32
        %dma_start3A_548 = arith.constant 0 : i32
        %dma_start3A_549 = tpu.memref_slice %arg8[%add3A_546, %dma_start3A_547, %dma_start3A_548] : memref<16x128x32xf32, #tpu.memory_space<vmem>> -> memref<1x128x32xf32, #tpu.memory_space<vmem>>
        %dma_start3A_550 = tpu.memref_squeeze %dma_start3A_549 : memref<1x128x32xf32, #tpu.memory_space<vmem>> -> memref<128x32xf32, #tpu.memory_space<vmem>>
        %dma_start3A_551 = arith.constant 0 : i32
        %dma_start3A_552 = tpu.memref_slice %arg6[%add3A_544, %dma_start3A_551] : memref<80x128xi32, #tpu.memory_space<vmem>> -> memref<1x128xi32, #tpu.memory_space<vmem>>
        %dma_start3A_553 = tpu.memref_squeeze %dma_start3A_552 : memref<1x128xi32, #tpu.memory_space<vmem>> -> memref<128xi32, #tpu.memory_space<vmem>>
        %dma_start3A_554 = arith.constant 0 : i32
        %dma_start3A_555 = arith.constant 0 : i32
        %dma_start3A_556 = tpu.memref_slice %arg10[%dma_start3A_554, %dma_start3A_555] : memref<10240x32xf32, #tpu.memory_space<vmem_shared>> -> memref<10240x32xf32, #tpu.memory_space<vmem_shared>>
        tpu.enqueue_indirect_dma source(%dma_start3A_556 : memref<10240x32xf32, #tpu.memory_space<vmem_shared>>) target(%dma_start3A_550 : memref<128x32xf32, #tpu.memory_space<vmem>>) offsets(%dma_start3A_553 : memref<128xi32, #tpu.memory_space<vmem>>) semaphore(%arg11 : memref<!tpu.dma_semaphore, #tpu.memory_space<semaphore_mem>>)
        %add3A_557 = arith.constant 8 : i32
        %add3A_558 = arith.addi %mul3A_142, %add3A_557 : i32
        %add3A_559 = arith.constant 3 : i32
        %add3A_560 = arith.addi %add3A_558, %add3A_559 : i32
        %add3A_561 = arith.constant 3 : i32
        %add3A_562 = arith.addi %sub3A_154, %add3A_561 : i32
        %dma_start3A_563 = arith.constant 0 : i32
        %dma_start3A_564 = arith.constant 0 : i32
        %dma_start3A_565 = tpu.memref_slice %arg8[%add3A_562, %dma_start3A_563, %dma_start3A_564] : memref<16x128x32xf32, #tpu.memory_space<vmem>> -> memref<1x128x32xf32, #tpu.memory_space<vmem>>
        %dma_start3A_566 = tpu.memref_squeeze %dma_start3A_565 : memref<1x128x32xf32, #tpu.memory_space<vmem>> -> memref<128x32xf32, #tpu.memory_space<vmem>>
        %dma_start3A_567 = arith.constant 0 : i32
        %dma_start3A_568 = tpu.memref_slice %arg6[%add3A_560, %dma_start3A_567] : memref<80x128xi32, #tpu.memory_space<vmem>> -> memref<1x128xi32, #tpu.memory_space<vmem>>
        %dma_start3A_569 = tpu.memref_squeeze %dma_start3A_568 : memref<1x128xi32, #tpu.memory_space<vmem>> -> memref<128xi32, #tpu.memory_space<vmem>>
        %dma_start3A_570 = arith.constant 0 : i32
        %dma_start3A_571 = arith.constant 0 : i32
        %dma_start3A_572 = tpu.memref_slice %arg10[%dma_start3A_570, %dma_start3A_571] : memref<10240x32xf32, #tpu.memory_space<vmem_shared>> -> memref<10240x32xf32, #tpu.memory_space<vmem_shared>>
        tpu.enqueue_indirect_dma source(%dma_start3A_572 : memref<10240x32xf32, #tpu.memory_space<vmem_shared>>) target(%dma_start3A_566 : memref<128x32xf32, #tpu.memory_space<vmem>>) offsets(%dma_start3A_569 : memref<128xi32, #tpu.memory_space<vmem>>) semaphore(%arg11 : memref<!tpu.dma_semaphore, #tpu.memory_space<semaphore_mem>>)
        %add3A_573 = arith.constant 8 : i32
        %add3A_574 = arith.addi %mul3A_142, %add3A_573 : i32
        %add3A_575 = arith.constant 4 : i32
        %add3A_576 = arith.addi %add3A_574, %add3A_575 : i32
        %add3A_577 = arith.constant 4 : i32
        %add3A_578 = arith.addi %sub3A_154, %add3A_577 : i32
        %dma_start3A_579 = arith.constant 0 : i32
        %dma_start3A_580 = arith.constant 0 : i32
        %dma_start3A_581 = tpu.memref_slice %arg8[%add3A_578, %dma_start3A_579, %dma_start3A_580] : memref<16x128x32xf32, #tpu.memory_space<vmem>> -> memref<1x128x32xf32, #tpu.memory_space<vmem>>
        %dma_start3A_582 = tpu.memref_squeeze %dma_start3A_581 : memref<1x128x32xf32, #tpu.memory_space<vmem>> -> memref<128x32xf32, #tpu.memory_space<vmem>>
        %dma_start3A_583 = arith.constant 0 : i32
        %dma_start3A_584 = tpu.memref_slice %arg6[%add3A_576, %dma_start3A_583] : memref<80x128xi32, #tpu.memory_space<vmem>> -> memref<1x128xi32, #tpu.memory_space<vmem>>
        %dma_start3A_585 = tpu.memref_squeeze %dma_start3A_584 : memref<1x128xi32, #tpu.memory_space<vmem>> -> memref<128xi32, #tpu.memory_space<vmem>>
        %dma_start3A_586 = arith.constant 0 : i32
        %dma_start3A_587 = arith.constant 0 : i32
        %dma_start3A_588 = tpu.memref_slice %arg10[%dma_start3A_586, %dma_start3A_587] : memref<10240x32xf32, #tpu.memory_space<vmem_shared>> -> memref<10240x32xf32, #tpu.memory_space<vmem_shared>>
        tpu.enqueue_indirect_dma source(%dma_start3A_588 : memref<10240x32xf32, #tpu.memory_space<vmem_shared>>) target(%dma_start3A_582 : memref<128x32xf32, #tpu.memory_space<vmem>>) offsets(%dma_start3A_585 : memref<128xi32, #tpu.memory_space<vmem>>) semaphore(%arg11 : memref<!tpu.dma_semaphore, #tpu.memory_space<semaphore_mem>>)
        %add3A_589 = arith.constant 8 : i32
        %add3A_590 = arith.addi %mul3A_142, %add3A_589 : i32
        %add3A_591 = arith.constant 5 : i32
        %add3A_592 = arith.addi %add3A_590, %add3A_591 : i32
        %add3A_593 = arith.constant 5 : i32
        %add3A_594 = arith.addi %sub3A_154, %add3A_593 : i32
        %dma_start3A_595 = arith.constant 0 : i32
        %dma_start3A_596 = arith.constant 0 : i32
        %dma_start3A_597 = tpu.memref_slice %arg8[%add3A_594, %dma_start3A_595, %dma_start3A_596] : memref<16x128x32xf32, #tpu.memory_space<vmem>> -> memref<1x128x32xf32, #tpu.memory_space<vmem>>
        %dma_start3A_598 = tpu.memref_squeeze %dma_start3A_597 : memref<1x128x32xf32, #tpu.memory_space<vmem>> -> memref<128x32xf32, #tpu.memory_space<vmem>>
        %dma_start3A_599 = arith.constant 0 : i32
        %dma_start3A_600 = tpu.memref_slice %arg6[%add3A_592, %dma_start3A_599] : memref<80x128xi32, #tpu.memory_space<vmem>> -> memref<1x128xi32, #tpu.memory_space<vmem>>
        %dma_start3A_601 = tpu.memref_squeeze %dma_start3A_600 : memref<1x128xi32, #tpu.memory_space<vmem>> -> memref<128xi32, #tpu.memory_space<vmem>>
        %dma_start3A_602 = arith.constant 0 : i32
        %dma_start3A_603 = arith.constant 0 : i32
        %dma_start3A_604 = tpu.memref_slice %arg10[%dma_start3A_602, %dma_start3A_603] : memref<10240x32xf32, #tpu.memory_space<vmem_shared>> -> memref<10240x32xf32, #tpu.memory_space<vmem_shared>>
        tpu.enqueue_indirect_dma source(%dma_start3A_604 : memref<10240x32xf32, #tpu.memory_space<vmem_shared>>) target(%dma_start3A_598 : memref<128x32xf32, #tpu.memory_space<vmem>>) offsets(%dma_start3A_601 : memref<128xi32, #tpu.memory_space<vmem>>) semaphore(%arg11 : memref<!tpu.dma_semaphore, #tpu.memory_space<semaphore_mem>>)
        %add3A_605 = arith.constant 8 : i32
        %add3A_606 = arith.addi %mul3A_142, %add3A_605 : i32
        %add3A_607 = arith.constant 6 : i32
        %add3A_608 = arith.addi %add3A_606, %add3A_607 : i32
        %add3A_609 = arith.constant 6 : i32
        %add3A_610 = arith.addi %sub3A_154, %add3A_609 : i32
        %dma_start3A_611 = arith.constant 0 : i32
        %dma_start3A_612 = arith.constant 0 : i32
        %dma_start3A_613 = tpu.memref_slice %arg8[%add3A_610, %dma_start3A_611, %dma_start3A_612] : memref<16x128x32xf32, #tpu.memory_space<vmem>> -> memref<1x128x32xf32, #tpu.memory_space<vmem>>
        %dma_start3A_614 = tpu.memref_squeeze %dma_start3A_613 : memref<1x128x32xf32, #tpu.memory_space<vmem>> -> memref<128x32xf32, #tpu.memory_space<vmem>>
        %dma_start3A_615 = arith.constant 0 : i32
        %dma_start3A_616 = tpu.memref_slice %arg6[%add3A_608, %dma_start3A_615] : memref<80x128xi32, #tpu.memory_space<vmem>> -> memref<1x128xi32, #tpu.memory_space<vmem>>
        %dma_start3A_617 = tpu.memref_squeeze %dma_start3A_616 : memref<1x128xi32, #tpu.memory_space<vmem>> -> memref<128xi32, #tpu.memory_space<vmem>>
        %dma_start3A_618 = arith.constant 0 : i32
        %dma_start3A_619 = arith.constant 0 : i32
        %dma_start3A_620 = tpu.memref_slice %arg10[%dma_start3A_618, %dma_start3A_619] : memref<10240x32xf32, #tpu.memory_space<vmem_shared>> -> memref<10240x32xf32, #tpu.memory_space<vmem_shared>>
        tpu.enqueue_indirect_dma source(%dma_start3A_620 : memref<10240x32xf32, #tpu.memory_space<vmem_shared>>) target(%dma_start3A_614 : memref<128x32xf32, #tpu.memory_space<vmem>>) offsets(%dma_start3A_617 : memref<128xi32, #tpu.memory_space<vmem>>) semaphore(%arg11 : memref<!tpu.dma_semaphore, #tpu.memory_space<semaphore_mem>>)
        %add3A_621 = arith.constant 8 : i32
        %add3A_622 = arith.addi %mul3A_142, %add3A_621 : i32
        %add3A_623 = arith.constant 7 : i32
        %add3A_624 = arith.addi %add3A_622, %add3A_623 : i32
        %add3A_625 = arith.constant 7 : i32
        %add3A_626 = arith.addi %sub3A_154, %add3A_625 : i32
        %dma_start3A_627 = arith.constant 0 : i32
        %dma_start3A_628 = arith.constant 0 : i32
        %dma_start3A_629 = tpu.memref_slice %arg8[%add3A_626, %dma_start3A_627, %dma_start3A_628] : memref<16x128x32xf32, #tpu.memory_space<vmem>> -> memref<1x128x32xf32, #tpu.memory_space<vmem>>
        %dma_start3A_630 = tpu.memref_squeeze %dma_start3A_629 : memref<1x128x32xf32, #tpu.memory_space<vmem>> -> memref<128x32xf32, #tpu.memory_space<vmem>>
        %dma_start3A_631 = arith.constant 0 : i32
        %dma_start3A_632 = tpu.memref_slice %arg6[%add3A_624, %dma_start3A_631] : memref<80x128xi32, #tpu.memory_space<vmem>> -> memref<1x128xi32, #tpu.memory_space<vmem>>
        %dma_start3A_633 = tpu.memref_squeeze %dma_start3A_632 : memref<1x128xi32, #tpu.memory_space<vmem>> -> memref<128xi32, #tpu.memory_space<vmem>>
        %dma_start3A_634 = arith.constant 0 : i32
        %dma_start3A_635 = arith.constant 0 : i32
        %dma_start3A_636 = tpu.memref_slice %arg10[%dma_start3A_634, %dma_start3A_635] : memref<10240x32xf32, #tpu.memory_space<vmem_shared>> -> memref<10240x32xf32, #tpu.memory_space<vmem_shared>>
        tpu.enqueue_indirect_dma source(%dma_start3A_636 : memref<10240x32xf32, #tpu.memory_space<vmem_shared>>) target(%dma_start3A_630 : memref<128x32xf32, #tpu.memory_space<vmem>>) offsets(%dma_start3A_633 : memref<128xi32, #tpu.memory_space<vmem>>) semaphore(%arg11 : memref<!tpu.dma_semaphore, #tpu.memory_space<semaphore_mem>>)
      } else {
      }
      %dma_wait3A_389 = arith.constant 0 : i32
      %dma_wait3A_390 = arith.constant 0 : i32
      %dma_wait3A_391 = arith.constant 0 : i32
      %dma_wait3A_392 = tpu.memref_slice %arg8[%dma_wait3A_389, %dma_wait3A_390, %dma_wait3A_391] : memref<16x128x32xf32, #tpu.memory_space<vmem>> -> memref<1x128x32xf32, #tpu.memory_space<vmem>>
      %dma_wait3A_393 = tpu.memref_squeeze %dma_wait3A_392 : memref<1x128x32xf32, #tpu.memory_space<vmem>> -> memref<128x32xf32, #tpu.memory_space<vmem>>
      %dma_wait3A_394 = arith.constant 0 : i32
      %dma_wait3A_395 = arith.constant 0 : i32
      %dma_wait3A_396 = tpu.memref_slice %arg9[%dma_wait3A_394, %dma_wait3A_395] : memref<10240x32xf32, #tpu.memory_space<vmem_shared>> -> memref<128x32xf32, #tpu.memory_space<vmem_shared>>
      %dma_wait3A_397 = arith.constant 0 : i32
      %dma_wait3A_398 = arith.constant 0 : i32
      %dma_wait3A_399 = tpu.memref_slice %arg9[%dma_wait3A_397, %dma_wait3A_398] : memref<10240x32xf32, #tpu.memory_space<vmem_shared>> -> memref<128x32xf32, #tpu.memory_space<vmem_shared>>
      %dma_wait3A_400 = arith.constant 0 : i32
      %dma_wait3A_401 = arith.constant 0 : i32
      %dma_wait3A_402 = tpu.memref_slice %arg8[%dma_wait3A_389, %dma_wait3A_400, %dma_wait3A_401] : memref<16x128x32xf32, #tpu.memory_space<vmem>> -> memref<1x128x32xf32, #tpu.memory_space<vmem>>
      %dma_wait3A_403 = tpu.memref_squeeze %dma_wait3A_402 : memref<1x128x32xf32, #tpu.memory_space<vmem>> -> memref<128x32xf32, #tpu.memory_space<vmem>>
      tpu.wait_dma2 semaphore(%arg12 : memref<!tpu.dma_semaphore, #tpu.memory_space<semaphore_mem>>) src(%dma_wait3A_403 : memref<128x32xf32, #tpu.memory_space<vmem>>) dst(%dma_wait3A_399 : memref<128x32xf32, #tpu.memory_space<vmem_shared>>)
      %dma_wait3A_404 = arith.constant 1 : i32
      %dma_wait3A_405 = arith.constant 0 : i32
      %dma_wait3A_406 = arith.constant 0 : i32
      %dma_wait3A_407 = tpu.memref_slice %arg8[%dma_wait3A_404, %dma_wait3A_405, %dma_wait3A_406] : memref<16x128x32xf32, #tpu.memory_space<vmem>> -> memref<1x128x32xf32, #tpu.memory_space<vmem>>
      %dma_wait3A_408 = tpu.memref_squeeze %dma_wait3A_407 : memref<1x128x32xf32, #tpu.memory_space<vmem>> -> memref<128x32xf32, #tpu.memory_space<vmem>>
      %dma_wait3A_409 = arith.constant 0 : i32
      %dma_wait3A_410 = arith.constant 0 : i32
      %dma_wait3A_411 = tpu.memref_slice %arg9[%dma_wait3A_409, %dma_wait3A_410] : memref<10240x32xf32, #tpu.memory_space<vmem_shared>> -> memref<128x32xf32, #tpu.memory_space<vmem_shared>>
      %dma_wait3A_412 = arith.constant 0 : i32
      %dma_wait3A_413 = arith.constant 0 : i32
      %dma_wait3A_414 = tpu.memref_slice %arg9[%dma_wait3A_412, %dma_wait3A_413] : memref<10240x32xf32, #tpu.memory_space<vmem_shared>> -> memref<128x32xf32, #tpu.memory_space<vmem_shared>>
      %dma_wait3A_415 = arith.constant 0 : i32
      %dma_wait3A_416 = arith.constant 0 : i32
      %dma_wait3A_417 = tpu.memref_slice %arg8[%dma_wait3A_404, %dma_wait3A_415, %dma_wait3A_416] : memref<16x128x32xf32, #tpu.memory_space<vmem>> -> memref<1x128x32xf32, #tpu.memory_space<vmem>>
      %dma_wait3A_418 = tpu.memref_squeeze %dma_wait3A_417 : memref<1x128x32xf32, #tpu.memory_space<vmem>> -> memref<128x32xf32, #tpu.memory_space<vmem>>
      tpu.wait_dma2 semaphore(%arg12 : memref<!tpu.dma_semaphore, #tpu.memory_space<semaphore_mem>>) src(%dma_wait3A_418 : memref<128x32xf32, #tpu.memory_space<vmem>>) dst(%dma_wait3A_414 : memref<128x32xf32, #tpu.memory_space<vmem_shared>>)
      %dma_wait3A_419 = arith.constant 2 : i32
      %dma_wait3A_420 = arith.constant 0 : i32
      %dma_wait3A_421 = arith.constant 0 : i32
      %dma_wait3A_422 = tpu.memref_slice %arg8[%dma_wait3A_419, %dma_wait3A_420, %dma_wait3A_421] : memref<16x128x32xf32, #tpu.memory_space<vmem>> -> memref<1x128x32xf32, #tpu.memory_space<vmem>>
      %dma_wait3A_423 = tpu.memref_squeeze %dma_wait3A_422 : memref<1x128x32xf32, #tpu.memory_space<vmem>> -> memref<128x32xf32, #tpu.memory_space<vmem>>
      %dma_wait3A_424 = arith.constant 0 : i32
      %dma_wait3A_425 = arith.constant 0 : i32
      %dma_wait3A_426 = tpu.memref_slice %arg9[%dma_wait3A_424, %dma_wait3A_425] : memref<10240x32xf32, #tpu.memory_space<vmem_shared>> -> memref<128x32xf32, #tpu.memory_space<vmem_shared>>
      %dma_wait3A_427 = arith.constant 0 : i32
      %dma_wait3A_428 = arith.constant 0 : i32
      %dma_wait3A_429 = tpu.memref_slice %arg9[%dma_wait3A_427, %dma_wait3A_428] : memref<10240x32xf32, #tpu.memory_space<vmem_shared>> -> memref<128x32xf32, #tpu.memory_space<vmem_shared>>
      %dma_wait3A_430 = arith.constant 0 : i32
      %dma_wait3A_431 = arith.constant 0 : i32
      %dma_wait3A_432 = tpu.memref_slice %arg8[%dma_wait3A_419, %dma_wait3A_430, %dma_wait3A_431] : memref<16x128x32xf32, #tpu.memory_space<vmem>> -> memref<1x128x32xf32, #tpu.memory_space<vmem>>
      %dma_wait3A_433 = tpu.memref_squeeze %dma_wait3A_432 : memref<1x128x32xf32, #tpu.memory_space<vmem>> -> memref<128x32xf32, #tpu.memory_space<vmem>>
      tpu.wait_dma2 semaphore(%arg12 : memref<!tpu.dma_semaphore, #tpu.memory_space<semaphore_mem>>) src(%dma_wait3A_433 : memref<128x32xf32, #tpu.memory_space<vmem>>) dst(%dma_wait3A_429 : memref<128x32xf32, #tpu.memory_space<vmem_shared>>)
      %dma_wait3A_434 = arith.constant 3 : i32
      %dma_wait3A_435 = arith.constant 0 : i32
      %dma_wait3A_436 = arith.constant 0 : i32
      %dma_wait3A_437 = tpu.memref_slice %arg8[%dma_wait3A_434, %dma_wait3A_435, %dma_wait3A_436] : memref<16x128x32xf32, #tpu.memory_space<vmem>> -> memref<1x128x32xf32, #tpu.memory_space<vmem>>
      %dma_wait3A_438 = tpu.memref_squeeze %dma_wait3A_437 : memref<1x128x32xf32, #tpu.memory_space<vmem>> -> memref<128x32xf32, #tpu.memory_space<vmem>>
      %dma_wait3A_439 = arith.constant 0 : i32
      %dma_wait3A_440 = arith.constant 0 : i32
      %dma_wait3A_441 = tpu.memref_slice %arg9[%dma_wait3A_439, %dma_wait3A_440] : memref<10240x32xf32, #tpu.memory_space<vmem_shared>> -> memref<128x32xf32, #tpu.memory_space<vmem_shared>>
      %dma_wait3A_442 = arith.constant 0 : i32
      %dma_wait3A_443 = arith.constant 0 : i32
      %dma_wait3A_444 = tpu.memref_slice %arg9[%dma_wait3A_442, %dma_wait3A_443] : memref<10240x32xf32, #tpu.memory_space<vmem_shared>> -> memref<128x32xf32, #tpu.memory_space<vmem_shared>>
      %dma_wait3A_445 = arith.constant 0 : i32
      %dma_wait3A_446 = arith.constant 0 : i32
      %dma_wait3A_447 = tpu.memref_slice %arg8[%dma_wait3A_434, %dma_wait3A_445, %dma_wait3A_446] : memref<16x128x32xf32, #tpu.memory_space<vmem>> -> memref<1x128x32xf32, #tpu.memory_space<vmem>>
      %dma_wait3A_448 = tpu.memref_squeeze %dma_wait3A_447 : memref<1x128x32xf32, #tpu.memory_space<vmem>> -> memref<128x32xf32, #tpu.memory_space<vmem>>
      tpu.wait_dma2 semaphore(%arg12 : memref<!tpu.dma_semaphore, #tpu.memory_space<semaphore_mem>>) src(%dma_wait3A_448 : memref<128x32xf32, #tpu.memory_space<vmem>>) dst(%dma_wait3A_444 : memref<128x32xf32, #tpu.memory_space<vmem_shared>>)
      %dma_wait3A_449 = arith.constant 4 : i32
      %dma_wait3A_450 = arith.constant 0 : i32
      %dma_wait3A_451 = arith.constant 0 : i32
      %dma_wait3A_452 = tpu.memref_slice %arg8[%dma_wait3A_449, %dma_wait3A_450, %dma_wait3A_451] : memref<16x128x32xf32, #tpu.memory_space<vmem>> -> memref<1x128x32xf32, #tpu.memory_space<vmem>>
      %dma_wait3A_453 = tpu.memref_squeeze %dma_wait3A_452 : memref<1x128x32xf32, #tpu.memory_space<vmem>> -> memref<128x32xf32, #tpu.memory_space<vmem>>
      %dma_wait3A_454 = arith.constant 0 : i32
      %dma_wait3A_455 = arith.constant 0 : i32
      %dma_wait3A_456 = tpu.memref_slice %arg9[%dma_wait3A_454, %dma_wait3A_455] : memref<10240x32xf32, #tpu.memory_space<vmem_shared>> -> memref<128x32xf32, #tpu.memory_space<vmem_shared>>
      %dma_wait3A_457 = arith.constant 0 : i32
      %dma_wait3A_458 = arith.constant 0 : i32
      %dma_wait3A_459 = tpu.memref_slice %arg9[%dma_wait3A_457, %dma_wait3A_458] : memref<10240x32xf32, #tpu.memory_space<vmem_shared>> -> memref<128x32xf32, #tpu.memory_space<vmem_shared>>
      %dma_wait3A_460 = arith.constant 0 : i32
      %dma_wait3A_461 = arith.constant 0 : i32
      %dma_wait3A_462 = tpu.memref_slice %arg8[%dma_wait3A_449, %dma_wait3A_460, %dma_wait3A_461] : memref<16x128x32xf32, #tpu.memory_space<vmem>> -> memref<1x128x32xf32, #tpu.memory_space<vmem>>
      %dma_wait3A_463 = tpu.memref_squeeze %dma_wait3A_462 : memref<1x128x32xf32, #tpu.memory_space<vmem>> -> memref<128x32xf32, #tpu.memory_space<vmem>>
      tpu.wait_dma2 semaphore(%arg12 : memref<!tpu.dma_semaphore, #tpu.memory_space<semaphore_mem>>) src(%dma_wait3A_463 : memref<128x32xf32, #tpu.memory_space<vmem>>) dst(%dma_wait3A_459 : memref<128x32xf32, #tpu.memory_space<vmem_shared>>)
      %dma_wait3A_464 = arith.constant 5 : i32
      %dma_wait3A_465 = arith.constant 0 : i32
      %dma_wait3A_466 = arith.constant 0 : i32
      %dma_wait3A_467 = tpu.memref_slice %arg8[%dma_wait3A_464, %dma_wait3A_465, %dma_wait3A_466] : memref<16x128x32xf32, #tpu.memory_space<vmem>> -> memref<1x128x32xf32, #tpu.memory_space<vmem>>
      %dma_wait3A_468 = tpu.memref_squeeze %dma_wait3A_467 : memref<1x128x32xf32, #tpu.memory_space<vmem>> -> memref<128x32xf32, #tpu.memory_space<vmem>>
      %dma_wait3A_469 = arith.constant 0 : i32
      %dma_wait3A_470 = arith.constant 0 : i32
      %dma_wait3A_471 = tpu.memref_slice %arg9[%dma_wait3A_469, %dma_wait3A_470] : memref<10240x32xf32, #tpu.memory_space<vmem_shared>> -> memref<128x32xf32, #tpu.memory_space<vmem_shared>>
      %dma_wait3A_472 = arith.constant 0 : i32
      %dma_wait3A_473 = arith.constant 0 : i32
      %dma_wait3A_474 = tpu.memref_slice %arg9[%dma_wait3A_472, %dma_wait3A_473] : memref<10240x32xf32, #tpu.memory_space<vmem_shared>> -> memref<128x32xf32, #tpu.memory_space<vmem_shared>>
      %dma_wait3A_475 = arith.constant 0 : i32
      %dma_wait3A_476 = arith.constant 0 : i32
      %dma_wait3A_477 = tpu.memref_slice %arg8[%dma_wait3A_464, %dma_wait3A_475, %dma_wait3A_476] : memref<16x128x32xf32, #tpu.memory_space<vmem>> -> memref<1x128x32xf32, #tpu.memory_space<vmem>>
      %dma_wait3A_478 = tpu.memref_squeeze %dma_wait3A_477 : memref<1x128x32xf32, #tpu.memory_space<vmem>> -> memref<128x32xf32, #tpu.memory_space<vmem>>
      tpu.wait_dma2 semaphore(%arg12 : memref<!tpu.dma_semaphore, #tpu.memory_space<semaphore_mem>>) src(%dma_wait3A_478 : memref<128x32xf32, #tpu.memory_space<vmem>>) dst(%dma_wait3A_474 : memref<128x32xf32, #tpu.memory_space<vmem_shared>>)
      %dma_wait3A_479 = arith.constant 6 : i32
      %dma_wait3A_480 = arith.constant 0 : i32
      %dma_wait3A_481 = arith.constant 0 : i32
      %dma_wait3A_482 = tpu.memref_slice %arg8[%dma_wait3A_479, %dma_wait3A_480, %dma_wait3A_481] : memref<16x128x32xf32, #tpu.memory_space<vmem>> -> memref<1x128x32xf32, #tpu.memory_space<vmem>>
      %dma_wait3A_483 = tpu.memref_squeeze %dma_wait3A_482 : memref<1x128x32xf32, #tpu.memory_space<vmem>> -> memref<128x32xf32, #tpu.memory_space<vmem>>
      %dma_wait3A_484 = arith.constant 0 : i32
      %dma_wait3A_485 = arith.constant 0 : i32
      %dma_wait3A_486 = tpu.memref_slice %arg9[%dma_wait3A_484, %dma_wait3A_485] : memref<10240x32xf32, #tpu.memory_space<vmem_shared>> -> memref<128x32xf32, #tpu.memory_space<vmem_shared>>
      %dma_wait3A_487 = arith.constant 0 : i32
      %dma_wait3A_488 = arith.constant 0 : i32
      %dma_wait3A_489 = tpu.memref_slice %arg9[%dma_wait3A_487, %dma_wait3A_488] : memref<10240x32xf32, #tpu.memory_space<vmem_shared>> -> memref<128x32xf32, #tpu.memory_space<vmem_shared>>
      %dma_wait3A_490 = arith.constant 0 : i32
      %dma_wait3A_491 = arith.constant 0 : i32
      %dma_wait3A_492 = tpu.memref_slice %arg8[%dma_wait3A_479, %dma_wait3A_490, %dma_wait3A_491] : memref<16x128x32xf32, #tpu.memory_space<vmem>> -> memref<1x128x32xf32, #tpu.memory_space<vmem>>
      %dma_wait3A_493 = tpu.memref_squeeze %dma_wait3A_492 : memref<1x128x32xf32, #tpu.memory_space<vmem>> -> memref<128x32xf32, #tpu.memory_space<vmem>>
      tpu.wait_dma2 semaphore(%arg12 : memref<!tpu.dma_semaphore, #tpu.memory_space<semaphore_mem>>) src(%dma_wait3A_493 : memref<128x32xf32, #tpu.memory_space<vmem>>) dst(%dma_wait3A_489 : memref<128x32xf32, #tpu.memory_space<vmem_shared>>)
      %dma_wait3A_494 = arith.constant 7 : i32
      %dma_wait3A_495 = arith.constant 0 : i32
      %dma_wait3A_496 = arith.constant 0 : i32
      %dma_wait3A_497 = tpu.memref_slice %arg8[%dma_wait3A_494, %dma_wait3A_495, %dma_wait3A_496] : memref<16x128x32xf32, #tpu.memory_space<vmem>> -> memref<1x128x32xf32, #tpu.memory_space<vmem>>
      %dma_wait3A_498 = tpu.memref_squeeze %dma_wait3A_497 : memref<1x128x32xf32, #tpu.memory_space<vmem>> -> memref<128x32xf32, #tpu.memory_space<vmem>>
      %dma_wait3A_499 = arith.constant 0 : i32
      %dma_wait3A_500 = arith.constant 0 : i32
      %dma_wait3A_501 = tpu.memref_slice %arg9[%dma_wait3A_499, %dma_wait3A_500] : memref<10240x32xf32, #tpu.memory_space<vmem_shared>> -> memref<128x32xf32, #tpu.memory_space<vmem_shared>>
      %dma_wait3A_502 = arith.constant 0 : i32
      %dma_wait3A_503 = arith.constant 0 : i32
      %dma_wait3A_504 = tpu.memref_slice %arg9[%dma_wait3A_502, %dma_wait3A_503] : memref<10240x32xf32, #tpu.memory_space<vmem_shared>> -> memref<128x32xf32, #tpu.memory_space<vmem_shared>>
      %dma_wait3A_505 = arith.constant 0 : i32
      %dma_wait3A_506 = arith.constant 0 : i32
      %dma_wait3A_507 = tpu.memref_slice %arg8[%dma_wait3A_494, %dma_wait3A_505, %dma_wait3A_506] : memref<16x128x32xf32, #tpu.memory_space<vmem>> -> memref<1x128x32xf32, #tpu.memory_space<vmem>>
      %dma_wait3A_508 = tpu.memref_squeeze %dma_wait3A_507 : memref<1x128x32xf32, #tpu.memory_space<vmem>> -> memref<128x32xf32, #tpu.memory_space<vmem>>
      tpu.wait_dma2 semaphore(%arg12 : memref<!tpu.dma_semaphore, #tpu.memory_space<semaphore_mem>>) src(%dma_wait3A_508 : memref<128x32xf32, #tpu.memory_space<vmem>>) dst(%dma_wait3A_504 : memref<128x32xf32, #tpu.memory_space<vmem_shared>>)
    }
    %scan3A_134 = arith.constant 10 : i32
    %barrier3A_135 = arith.constant 0 : index
    tpu.barrier barrier_id(%barrier3A_135)
    %mul3A_136 = arith.constant 640 : i32
    %mul3A_137 = arith.muli %arg1, %mul3A_136 : i32
    %mul3A_138 = arith.constant 640 : i32
    %mul3A_139 = arith.muli %arg1, %mul3A_138 : i32
    "tpu.region"() ({
      %run_scoped3A_140 = tpu.sem_alloc : memref<!tpu.dma_semaphore, #tpu.memory_space<semaphore_mem>>
      %dma_start3A_141 = arith.constant 0 : i32
      %dma_start3A_142 = tpu.memref_slice %arg5[%arg0, %mul3A_139, %dma_start3A_141] : memref<2x10240x32xf32, #tpu.memory_space<hbm>> -> memref<1x640x32xf32, #tpu.memory_space<hbm>>
      %dma_start3A_143 = tpu.memref_squeeze %dma_start3A_142 : memref<1x640x32xf32, #tpu.memory_space<hbm>> -> memref<640x32xf32, #tpu.memory_space<hbm>>
      %dma_start3A_144 = arith.constant 0 : i32
      %dma_start3A_145 = tpu.memref_slice %arg9[%mul3A_137, %dma_start3A_144] : memref<10240x32xf32, #tpu.memory_space<vmem_shared>> -> memref<640x32xf32, #tpu.memory_space<vmem_shared>>
      tpu.enqueue_dma source(%dma_start3A_145 : memref<640x32xf32, #tpu.memory_space<vmem_shared>>) target(%dma_start3A_143 : memref<640x32xf32, #tpu.memory_space<hbm>>) target_semaphore(%run_scoped3A_140 : memref<!tpu.dma_semaphore, #tpu.memory_space<semaphore_mem>>)
      %dma_wait3A = arith.constant 0 : i32
      %dma_wait3A_146 = tpu.memref_slice %arg5[%arg0, %mul3A_139, %dma_wait3A] : memref<2x10240x32xf32, #tpu.memory_space<hbm>> -> memref<1x640x32xf32, #tpu.memory_space<hbm>>
      %dma_wait3A_147 = tpu.memref_squeeze %dma_wait3A_146 : memref<1x640x32xf32, #tpu.memory_space<hbm>> -> memref<640x32xf32, #tpu.memory_space<hbm>>
      %dma_wait3A_148 = arith.constant 0 : i32
      %dma_wait3A_149 = tpu.memref_slice %arg9[%mul3A_137, %dma_wait3A_148] : memref<10240x32xf32, #tpu.memory_space<vmem_shared>> -> memref<640x32xf32, #tpu.memory_space<vmem_shared>>
      tpu.wait_dma2 semaphore(%run_scoped3A_140 : memref<!tpu.dma_semaphore, #tpu.memory_space<semaphore_mem>>) src(%dma_wait3A_149 : memref<640x32xf32, #tpu.memory_space<vmem_shared>>) dst(%dma_wait3A_147 : memref<640x32xf32, #tpu.memory_space<hbm>>)
      tpu.yield
    }) : () -> ()
    return
  }
}

module attributes {stable_mosaic.version = 14 : i64} {
  func.func @_mm1_body(%arg0: i32, %arg1: memref<512x512xf32, #tpu.memory_space<vmem>>, %arg2: memref<512x128xf32, #tpu.memory_space<vmem>>, %arg3: memref<512x128xf32, #tpu.memory_space<vmem>>) attributes {dimension_semantics = [#tpu.dimension_semantics<arbitrary>], iteration_bounds = array<i64: 5>, scalar_prefetch = 0 : i64, scratch_operands = 0 : i64, tpu.core_type = #tpu.core_type<tc>, window_params = [{transform_indices = @transform_0, window_bounds = array<i64: 512, 512>}, {pipeline_mode = #tpu.pipeline_mode<synchronous>, transform_indices = @transform_1, window_bounds = array<i64: 512, 128>}, {transform_indices = @transform_2, window_bounds = array<i64: 512, 128>}]} {
    %get3A = arith.constant 0 : index
    %get3A_0 = arith.constant 0 : index
    %get3A_1 = vector.load %arg1[%get3A, %get3A_0] : memref<512x512xf32, #tpu.memory_space<vmem>>, vector<512x512xf32>
    %get3A_2 = arith.constant 0 : index
    %get3A_3 = arith.constant 0 : index
    %get3A_4 = vector.load %arg2[%get3A_2, %get3A_3] : memref<512x128xf32, #tpu.memory_space<vmem>>, vector<512x128xf32>
    %dot_general3A = arith.constant dense<0.000000e+00> : vector<512x128xf32>
    %dot_general3A_5 = tpu.matmul %get3A_1, %get3A_4, %dot_general3A {dimension_numbers = #tpu.dot_dimension_numbers<[1], [0], [0], [1], [0, 0, 1, 1], [], []>, transpose_lhs_hint = false} : vector<512x512xf32>, vector<512x128xf32>, vector<512x128xf32> -> vector<512x128xf32>
    %swap3A = arith.constant 0 : index
    %swap3A_6 = arith.constant 0 : index
    %swap3A_7 = vector.load %arg3[%swap3A, %swap3A_6] : memref<512x128xf32, #tpu.memory_space<vmem>>, vector<512x128xf32>
    tpu.vector_store %arg3[%swap3A, %swap3A_6], %dot_general3A_5 {strides = array<i32>} : memref<512x128xf32, #tpu.memory_space<vmem>>, vector<512x128xf32>,
    return
  }
  func.func @transform_0(%arg0: i32) -> (i32, i32) {
    %c0_i32 = arith.constant 0 : i32
    %c0_i32_0 = arith.constant 0 : i32
    return %arg0, %c0_i32 : i32, i32
  }
  func.func @transform_1(%arg0: i32) -> (i32, i32) {
    %c0_i32 = arith.constant 0 : i32
    %c0_i32_0 = arith.constant 0 : i32
    %c0_i32_1 = arith.constant 0 : i32
    return %c0_i32, %c0_i32_0 : i32, i32
  }
  func.func @transform_2(%arg0: i32) -> (i32, i32) {
    %c0_i32 = arith.constant 0 : i32
    %c0_i32_0 = arith.constant 0 : i32
    return %arg0, %c0_i32 : i32, i32
  }
}

module attributes {stable_mosaic.version = 14 : i64} {
  func.func @_scale_body(%arg0: i32, %arg1: memref<512x128xf32, #tpu.memory_space<vmem>>, %arg2: memref<512x128xf32, #tpu.memory_space<vmem>>, %arg3: memref<512x128xf32, #tpu.memory_space<vmem>>) attributes {dimension_semantics = [#tpu.dimension_semantics<arbitrary>], iteration_bounds = array<i64: 5>, scalar_prefetch = 0 : i64, scratch_operands = 0 : i64, tpu.core_type = #tpu.core_type<tc>, window_params = [{transform_indices = @transform_0, window_bounds = array<i64: 512, 128>}, {transform_indices = @transform_1, window_bounds = array<i64: 512, 128>}, {transform_indices = @transform_2, window_bounds = array<i64: 512, 128>}]} {
    %get3A = arith.constant 0 : index
    %get3A_0 = arith.constant 0 : index
    %get3A_1 = vector.load %arg1[%get3A, %get3A_0] : memref<512x128xf32, #tpu.memory_space<vmem>>, vector<512x128xf32>
    %get3A_2 = arith.constant 0 : index
    %get3A_3 = arith.constant 0 : index
    %get3A_4 = vector.load %arg2[%get3A_2, %get3A_3] : memref<512x128xf32, #tpu.memory_space<vmem>>, vector<512x128xf32>
    %mul3A = arith.mulf %get3A_1, %get3A_4 : vector<512x128xf32>
    %swap3A = arith.constant 0 : index
    %swap3A_5 = arith.constant 0 : index
    %swap3A_6 = vector.load %arg3[%swap3A, %swap3A_5] : memref<512x128xf32, #tpu.memory_space<vmem>>, vector<512x128xf32>
    tpu.vector_store %arg3[%swap3A, %swap3A_5], %mul3A {strides = array<i32>} : memref<512x128xf32, #tpu.memory_space<vmem>>, vector<512x128xf32>,
    return
  }
  func.func @transform_0(%arg0: i32) -> (i32, i32) {
    %c0_i32 = arith.constant 0 : i32
    %c0_i32_0 = arith.constant 0 : i32
    return %arg0, %c0_i32 : i32, i32
  }
  func.func @transform_1(%arg0: i32) -> (i32, i32) {
    %c0_i32 = arith.constant 0 : i32
    %c0_i32_0 = arith.constant 0 : i32
    return %arg0, %c0_i32 : i32, i32
  }
  func.func @transform_2(%arg0: i32) -> (i32, i32) {
    %c0_i32 = arith.constant 0 : i32
    %c0_i32_0 = arith.constant 0 : i32
    return %arg0, %c0_i32 : i32, i32
  }
}

module attributes {stable_mosaic.version = 14 : i64} {
  func.func @_mid_body(%arg0: memref<2x2560x128xf32, #tpu.memory_space<vmem>>, %arg1: memref<2560x128xf32, #tpu.memory_space<vmem>>, %arg2: memref<2560x128xf32, #tpu.memory_space<vmem>>, %arg3: memref<1x128xf32, #tpu.memory_space<vmem>>, %arg4: memref<1x128xf32, #tpu.memory_space<vmem>>, %arg5: memref<1x128xf32, #tpu.memory_space<vmem>>, %arg6: memref<128x128xf32, #tpu.memory_space<vmem>>, %arg7: memref<2560x128xf32, #tpu.memory_space<vmem>>) attributes {dimension_semantics = [], scalar_prefetch = 0 : i64, scratch_operands = 0 : i64, tpu.core_type = #tpu.core_type<tc>} {
    %get3A = arith.constant 0 : index
    %get3A_0 = arith.constant 0 : index
    %get3A_1 = vector.load %arg2[%get3A, %get3A_0] : memref<2560x128xf32, #tpu.memory_space<vmem>>, vector<2560x128xf32>
    %get3A_2 = arith.constant 0 : index
    %get3A_3 = arith.constant 0 : index
    %get3A_4 = arith.constant 0 : index
    %get3A_5 = vector.load %arg0[%get3A_2, %get3A_3, %get3A_4] : memref<2x2560x128xf32, #tpu.memory_space<vmem>>, vector<1x2560x128xf32>
    %get3A_6 = vector.shape_cast %get3A_5 : vector<1x2560x128xf32> to vector<2560x128xf32>
    %get3A_7 = arith.constant 1 : index
    %get3A_8 = arith.constant 0 : index
    %get3A_9 = arith.constant 0 : index
    %get3A_10 = vector.load %arg0[%get3A_7, %get3A_8, %get3A_9] : memref<2x2560x128xf32, #tpu.memory_space<vmem>>, vector<1x2560x128xf32>
    %get3A_11 = vector.shape_cast %get3A_10 : vector<1x2560x128xf32> to vector<2560x128xf32>
    %add3A = arith.addf %get3A_6, %get3A_11 : vector<2560x128xf32>
    %get3A_12 = arith.constant 0 : index
    %get3A_13 = arith.constant 0 : index
    %get3A_14 = vector.load %arg1[%get3A_12, %get3A_13] : memref<2560x128xf32, #tpu.memory_space<vmem>>, vector<2560x128xf32>
    %add3A_15 = arith.addf %add3A, %get3A_14 : vector<2560x128xf32>
    %mul3A = arith.mulf %get3A_1, %add3A_15 : vector<2560x128xf32>
    %get3A_16 = arith.constant 0 : index
    %get3A_17 = arith.constant 0 : index
    %get3A_18 = vector.load %arg3[%get3A_16, %get3A_17] : memref<1x128xf32, #tpu.memory_space<vmem>>, vector<1x128xf32>
    %add3A_19 = vector.broadcast %get3A_18 : vector<1x128xf32> to vector<2560x128xf32>
    %add3A_20 = arith.addf %mul3A, %add3A_19 : vector<2560x128xf32>
    %tanh3A = math.tanh %add3A_20 : vector<2560x128xf32>
    %iota3A = tpu.iota {dimensions = array<i32: 0>} : vector<2560x1xi32>
    %lt3A = arith.constant 2500 : i32
    %lt3A_21 = vector.broadcast %lt3A : i32 to vector<2560x1xi32>
    %lt3A_22 = arith.cmpi slt, %iota3A, %lt3A_21 : vector<2560x1xi32>
    %convert_element_type3A = arith.extui %lt3A_22 : vector<2560x1xi1> to vector<2560x1xi32>
    %convert_element_type3A_23 = arith.sitofp %convert_element_type3A : vector<2560x1xi32> to vector<2560x1xf32>
    %mul3A_24 = vector.broadcast %convert_element_type3A_23 : vector<2560x1xf32> to vector<2560x128xf32>
    %mul3A_25 = arith.mulf %tanh3A, %mul3A_24 : vector<2560x128xf32>
    %reduce_sum3A = arith.constant dense<0.000000e+00> : vector<128xf32>
    %reduce_sum3A_26 = vector.multi_reduction <add>, %mul3A_25, %reduce_sum3A [0] : vector<2560x128xf32> to vector<128xf32>
    %broadcast_in_dim3A = vector.shape_cast %reduce_sum3A_26 : vector<128xf32> to vector<1x128xf32>
    %slice3A = vector.extract_strided_slice %broadcast_in_dim3A {offsets = [0, 0], sizes = [1, 32], strides = [1, 1]} : vector<1x128xf32> to vector<1x32xf32>
    %slice3A_27 = vector.extract_strided_slice %broadcast_in_dim3A {offsets = [0, 32], sizes = [1, 32], strides = [1, 1]} : vector<1x128xf32> to vector<1x32xf32>
    %add3A_28 = arith.addf %slice3A, %slice3A_27 : vector<1x32xf32>
    %slice3A_29 = vector.extract_strided_slice %broadcast_in_dim3A {offsets = [0, 64], sizes = [1, 32], strides = [1, 1]} : vector<1x128xf32> to vector<1x32xf32>
    %add3A_30 = arith.addf %add3A_28, %slice3A_29 : vector<1x32xf32>
    %slice3A_31 = vector.extract_strided_slice %broadcast_in_dim3A {offsets = [0, 96], sizes = [1, 32], strides = [1, 1]} : vector<1x128xf32> to vector<1x32xf32>
    %add3A_32 = arith.addf %add3A_30, %slice3A_31 : vector<1x32xf32>
    %mul3A_33 = arith.constant 9.99999974E-5 : f32
    %mul3A_34 = vector.broadcast %mul3A_33 : f32 to vector<1x32xf32>
    %mul3A_35 = arith.mulf %add3A_32, %mul3A_34 : vector<1x32xf32>
    %mul3A_36 = arith.mulf %mul3A_25, %mul3A_25 : vector<2560x128xf32>
    %reduce_sum3A_37 = arith.constant dense<0.000000e+00> : vector<128xf32>
    %reduce_sum3A_38 = vector.multi_reduction <add>, %mul3A_36, %reduce_sum3A_37 [0] : vector<2560x128xf32> to vector<128xf32>
    %broadcast_in_dim3A_39 = vector.shape_cast %reduce_sum3A_38 : vector<128xf32> to vector<1x128xf32>
    %slice3A_40 = vector.extract_strided_slice %broadcast_in_dim3A_39 {offsets = [0, 0], sizes = [1, 32], strides = [1, 1]} : vector<1x128xf32> to vector<1x32xf32>
    %slice3A_41 = vector.extract_strided_slice %broadcast_in_dim3A_39 {offsets = [0, 32], sizes = [1, 32], strides = [1, 1]} : vector<1x128xf32> to vector<1x32xf32>
    %add3A_42 = arith.addf %slice3A_40, %slice3A_41 : vector<1x32xf32>
    %slice3A_43 = vector.extract_strided_slice %broadcast_in_dim3A_39 {offsets = [0, 64], sizes = [1, 32], strides = [1, 1]} : vector<1x128xf32> to vector<1x32xf32>
    %add3A_44 = arith.addf %add3A_42, %slice3A_43 : vector<1x32xf32>
    %slice3A_45 = vector.extract_strided_slice %broadcast_in_dim3A_39 {offsets = [0, 96], sizes = [1, 32], strides = [1, 1]} : vector<1x128xf32> to vector<1x32xf32>
    %add3A_46 = arith.addf %add3A_44, %slice3A_45 : vector<1x32xf32>
    %mul3A_47 = arith.constant 9.99999974E-5 : f32
    %mul3A_48 = vector.broadcast %mul3A_47 : f32 to vector<1x32xf32>
    %mul3A_49 = arith.mulf %add3A_46, %mul3A_48 : vector<1x32xf32>
    %mul3A_50 = arith.mulf %mul3A_35, %mul3A_35 : vector<1x32xf32>
    %sub3A = arith.subf %mul3A_49, %mul3A_50 : vector<1x32xf32>
    %add3A_51 = arith.constant 9.99999974E-6 : f32
    %add3A_52 = vector.broadcast %add3A_51 : f32 to vector<1x32xf32>
    %add3A_53 = arith.addf %sub3A, %add3A_52 : vector<1x32xf32>
    %rsqrt3A = math.rsqrt %add3A_53 : vector<1x32xf32>
    %concatenate3A = tpu.concatenate %mul3A_35, %mul3A_35, %mul3A_35, %mul3A_35 in 1 : vector<1x32xf32>, vector<1x32xf32>, vector<1x32xf32>, vector<1x32xf32> -> vector<1x128xf32>
    %concatenate3A_54 = tpu.concatenate %rsqrt3A, %rsqrt3A, %rsqrt3A, %rsqrt3A in 1 : vector<1x32xf32>, vector<1x32xf32>, vector<1x32xf32>, vector<1x32xf32> -> vector<1x128xf32>
    %get3A_55 = arith.constant 0 : index
    %get3A_56 = arith.constant 0 : index
    %get3A_57 = vector.load %arg4[%get3A_55, %get3A_56] : memref<1x128xf32, #tpu.memory_space<vmem>>, vector<1x128xf32>
    %mul3A_58 = arith.mulf %get3A_57, %concatenate3A_54 : vector<1x128xf32>
    %get3A_59 = arith.constant 0 : index
    %get3A_60 = arith.constant 0 : index
    %get3A_61 = vector.load %arg5[%get3A_59, %get3A_60] : memref<1x128xf32, #tpu.memory_space<vmem>>, vector<1x128xf32>
    %mul3A_62 = arith.mulf %concatenate3A, %mul3A_58 : vector<1x128xf32>
    %sub3A_63 = arith.subf %get3A_61, %mul3A_62 : vector<1x128xf32>
    %get3A_64 = arith.constant 0 : index
    %get3A_65 = arith.constant 0 : index
    %get3A_66 = vector.load %arg6[%get3A_64, %get3A_65] : memref<128x128xf32, #tpu.memory_space<vmem>>, vector<128x128xf32>
    %dot_general3A = arith.constant dense<0.000000e+00> : vector<1x128xf32>
    %dot_general3A_67 = tpu.matmul %sub3A_63, %get3A_66, %dot_general3A {dimension_numbers = #tpu.dot_dimension_numbers<[1], [0], [0], [1], [0, 0, 1, 1], [], []>, transpose_lhs_hint = false} : vector<1x128xf32>, vector<128x128xf32>, vector<1x128xf32> -> vector<1x128xf32>
    %mul3A_68 = vector.broadcast %mul3A_58 : vector<1x128xf32> to vector<2560x128xf32>
    %mul3A_69 = arith.mulf %tanh3A, %mul3A_68 : vector<2560x128xf32>
    %get3A_70 = arith.constant 0 : index
    %get3A_71 = arith.constant 0 : index
    %get3A_72 = vector.load %arg6[%get3A_70, %get3A_71] : memref<128x128xf32, #tpu.memory_space<vmem>>, vector<128x128xf32>
    %dot_general3A_73 = arith.constant dense<0.000000e+00> : vector<2560x128xf32>
    %dot_general3A_74 = tpu.matmul %mul3A_69, %get3A_72, %dot_general3A_73 {dimension_numbers = #tpu.dot_dimension_numbers<[1], [0], [0], [1], [0, 0, 1, 1], [], []>, transpose_lhs_hint = false} : vector<2560x128xf32>, vector<128x128xf32>, vector<2560x128xf32> -> vector<2560x128xf32>
    %add3A_75 = vector.broadcast %dot_general3A_67 : vector<1x128xf32> to vector<2560x128xf32>
    %add3A_76 = arith.addf %dot_general3A_74, %add3A_75 : vector<2560x128xf32>
    %mul3A_77 = arith.mulf %add3A_76, %get3A_1 : vector<2560x128xf32>
    %mul3A_78 = vector.broadcast %convert_element_type3A_23 : vector<2560x1xf32> to vector<2560x128xf32>
    %mul3A_79 = arith.mulf %mul3A_77, %mul3A_78 : vector<2560x128xf32>
    %swap3A = arith.constant 0 : index
    %swap3A_80 = arith.constant 0 : index
    %swap3A_81 = vector.load %arg7[%swap3A, %swap3A_80] : memref<2560x128xf32, #tpu.memory_space<vmem>>, vector<2560x128xf32>
    tpu.vector_store %arg7[%swap3A, %swap3A_80], %mul3A_79 {strides = array<i32>} : memref<2560x128xf32, #tpu.memory_space<vmem>>, vector<2560x128xf32>,
    return
  }
}

module attributes {stable_mosaic.version = 14 : i64} {
  func.func @_final_body(%arg0: memref<2x2560x128xf32, #tpu.memory_space<vmem>>, %arg1: memref<2560x128xf32, #tpu.memory_space<vmem>>, %arg2: memref<2560x128xf32, #tpu.memory_space<vmem>>, %arg3: memref<1x128xf32, #tpu.memory_space<vmem>>, %arg4: memref<2560x4xi32, #tpu.memory_space<vmem>>, %arg5: memref<32x1xf32, #tpu.memory_space<vmem>>, %arg6: memref<1x1xf32, #tpu.memory_space<vmem>>, %arg7: memref<64x1xf32, #tpu.memory_space<vmem>>) attributes {dimension_semantics = [], scalar_prefetch = 0 : i64, scratch_operands = 0 : i64, tpu.core_type = #tpu.core_type<tc>} {
    %get3A = arith.constant 0 : index
    %get3A_0 = arith.constant 0 : index
    %get3A_1 = vector.load %arg2[%get3A, %get3A_0] : memref<2560x128xf32, #tpu.memory_space<vmem>>, vector<2560x128xf32>
    %get3A_2 = arith.constant 0 : index
    %get3A_3 = arith.constant 0 : index
    %get3A_4 = arith.constant 0 : index
    %get3A_5 = vector.load %arg0[%get3A_2, %get3A_3, %get3A_4] : memref<2x2560x128xf32, #tpu.memory_space<vmem>>, vector<1x2560x128xf32>
    %get3A_6 = vector.shape_cast %get3A_5 : vector<1x2560x128xf32> to vector<2560x128xf32>
    %get3A_7 = arith.constant 1 : index
    %get3A_8 = arith.constant 0 : index
    %get3A_9 = arith.constant 0 : index
    %get3A_10 = vector.load %arg0[%get3A_7, %get3A_8, %get3A_9] : memref<2x2560x128xf32, #tpu.memory_space<vmem>>, vector<1x2560x128xf32>
    %get3A_11 = vector.shape_cast %get3A_10 : vector<1x2560x128xf32> to vector<2560x128xf32>
    %add3A = arith.addf %get3A_6, %get3A_11 : vector<2560x128xf32>
    %get3A_12 = arith.constant 0 : index
    %get3A_13 = arith.constant 0 : index
    %get3A_14 = vector.load %arg1[%get3A_12, %get3A_13] : memref<2560x128xf32, #tpu.memory_space<vmem>>, vector<2560x128xf32>
    %add3A_15 = arith.addf %add3A, %get3A_14 : vector<2560x128xf32>
    %mul3A = arith.mulf %get3A_1, %add3A_15 : vector<2560x128xf32>
    %get3A_16 = arith.constant 0 : index
    %get3A_17 = arith.constant 0 : index
    %get3A_18 = vector.load %arg3[%get3A_16, %get3A_17] : memref<1x128xf32, #tpu.memory_space<vmem>>, vector<1x128xf32>
    %add3A_19 = vector.broadcast %get3A_18 : vector<1x128xf32> to vector<2560x128xf32>
    %add3A_20 = arith.addf %mul3A, %add3A_19 : vector<2560x128xf32>
    %tanh3A = math.tanh %add3A_20 : vector<2560x128xf32>
    %iota3A = tpu.iota {dimensions = array<i32: 1>} : vector<1x64xi32>
    %broadcast_in_dim3A = arith.constant 1.000000e+00 : f32
    %broadcast_in_dim3A_21 = vector.broadcast %broadcast_in_dim3A : f32 to vector<2560x1xf32>
    %broadcast_in_dim3A_22 = arith.constant 0.000000e+00 : f32
    %broadcast_in_dim3A_23 = vector.broadcast %broadcast_in_dim3A_22 : f32 to vector<64x32xf32>
    %broadcast_in_dim3A_24 = arith.constant 0.000000e+00 : f32
    %broadcast_in_dim3A_25 = vector.broadcast %broadcast_in_dim3A_24 : f32 to vector<64x1xf32>
    %get3A_26 = arith.constant 0 : index
    %get3A_27 = arith.constant 0 : index
    %get3A_28 = vector.load %arg4[%get3A_26, %get3A_27] : memref<2560x4xi32, #tpu.memory_space<vmem>>, vector<2560x1xi32>
    %eq3A = vector.broadcast %get3A_28 : vector<2560x1xi32> to vector<2560x64xi32>
    %eq3A_29 = vector.broadcast %iota3A : vector<1x64xi32> to vector<2560x64xi32>
    %eq3A_30 = arith.cmpi eq, %eq3A, %eq3A_29 : vector<2560x64xi32>
    %convert_element_type3A = arith.extui %eq3A_30 : vector<2560x64xi1> to vector<2560x64xi32>
    %convert_element_type3A_31 = arith.sitofp %convert_element_type3A : vector<2560x64xi32> to vector<2560x64xf32>
    %slice3A = vector.extract_strided_slice %tanh3A {offsets = [0, 0], sizes = [2560, 32], strides = [1, 1]} : vector<2560x128xf32> to vector<2560x32xf32>
    %dot_general3A = arith.constant dense<0.000000e+00> : vector<64x32xf32>
    %dot_general3A_32 = tpu.matmul %convert_element_type3A_31, %slice3A, %dot_general3A {dimension_numbers = #tpu.dot_dimension_numbers<[0], [0], [1], [1], [0, 1, 1, 1], [], []>, transpose_lhs_hint = false} : vector<2560x64xf32>, vector<2560x32xf32>, vector<64x32xf32> -> vector<64x32xf32>
    %add3A_33 = arith.addf %broadcast_in_dim3A_23, %dot_general3A_32 : vector<64x32xf32>
    %dot_general3A_34 = arith.constant dense<0.000000e+00> : vector<64x1xf32>
    %dot_general3A_35 = tpu.matmul %convert_element_type3A_31, %broadcast_in_dim3A_21, %dot_general3A_34 {dimension_numbers = #tpu.dot_dimension_numbers<[0], [0], [1], [1], [0, 1, 1, 1], [], []>, transpose_lhs_hint = false} : vector<2560x64xf32>, vector<2560x1xf32>, vector<64x1xf32> -> vector<64x1xf32>
    %add3A_36 = arith.addf %broadcast_in_dim3A_25, %dot_general3A_35 : vector<64x1xf32>
    %get3A_37 = arith.constant 0 : index
    %get3A_38 = arith.constant 1 : index
    %get3A_39 = vector.load %arg4[%get3A_37, %get3A_38] : memref<2560x4xi32, #tpu.memory_space<vmem>>, vector<2560x1xi32>
    %eq3A_40 = vector.broadcast %get3A_39 : vector<2560x1xi32> to vector<2560x64xi32>
    %eq3A_41 = vector.broadcast %iota3A : vector<1x64xi32> to vector<2560x64xi32>
    %eq3A_42 = arith.cmpi eq, %eq3A_40, %eq3A_41 : vector<2560x64xi32>
    %convert_element_type3A_43 = arith.extui %eq3A_42 : vector<2560x64xi1> to vector<2560x64xi32>
    %convert_element_type3A_44 = arith.sitofp %convert_element_type3A_43 : vector<2560x64xi32> to vector<2560x64xf32>
    %slice3A_45 = vector.extract_strided_slice %tanh3A {offsets = [0, 32], sizes = [2560, 32], strides = [1, 1]} : vector<2560x128xf32> to vector<2560x32xf32>
    %dot_general3A_46 = arith.constant dense<0.000000e+00> : vector<64x32xf32>
    %dot_general3A_47 = tpu.matmul %convert_element_type3A_44, %slice3A_45, %dot_general3A_46 {dimension_numbers = #tpu.dot_dimension_numbers<[0], [0], [1], [1], [0, 1, 1, 1], [], []>, transpose_lhs_hint = false} : vector<2560x64xf32>, vector<2560x32xf32>, vector<64x32xf32> -> vector<64x32xf32>
    %add3A_48 = arith.addf %add3A_33, %dot_general3A_47 : vector<64x32xf32>
    %dot_general3A_49 = arith.constant dense<0.000000e+00> : vector<64x1xf32>
    %dot_general3A_50 = tpu.matmul %convert_element_type3A_44, %broadcast_in_dim3A_21, %dot_general3A_49 {dimension_numbers = #tpu.dot_dimension_numbers<[0], [0], [1], [1], [0, 1, 1, 1], [], []>, transpose_lhs_hint = false} : vector<2560x64xf32>, vector<2560x1xf32>, vector<64x1xf32> -> vector<64x1xf32>
    %add3A_51 = arith.addf %add3A_36, %dot_general3A_50 : vector<64x1xf32>
    %get3A_52 = arith.constant 0 : index
    %get3A_53 = arith.constant 2 : index
    %get3A_54 = vector.load %arg4[%get3A_52, %get3A_53] : memref<2560x4xi32, #tpu.memory_space<vmem>>, vector<2560x1xi32>
    %eq3A_55 = vector.broadcast %get3A_54 : vector<2560x1xi32> to vector<2560x64xi32>
    %eq3A_56 = vector.broadcast %iota3A : vector<1x64xi32> to vector<2560x64xi32>
    %eq3A_57 = arith.cmpi eq, %eq3A_55, %eq3A_56 : vector<2560x64xi32>
    %convert_element_type3A_58 = arith.extui %eq3A_57 : vector<2560x64xi1> to vector<2560x64xi32>
    %convert_element_type3A_59 = arith.sitofp %convert_element_type3A_58 : vector<2560x64xi32> to vector<2560x64xf32>
    %slice3A_60 = vector.extract_strided_slice %tanh3A {offsets = [0, 64], sizes = [2560, 32], strides = [1, 1]} : vector<2560x128xf32> to vector<2560x32xf32>
    %dot_general3A_61 = arith.constant dense<0.000000e+00> : vector<64x32xf32>
    %dot_general3A_62 = tpu.matmul %convert_element_type3A_59, %slice3A_60, %dot_general3A_61 {dimension_numbers = #tpu.dot_dimension_numbers<[0], [0], [1], [1], [0, 1, 1, 1], [], []>, transpose_lhs_hint = false} : vector<2560x64xf32>, vector<2560x32xf32>, vector<64x32xf32> -> vector<64x32xf32>
    %add3A_63 = arith.addf %add3A_48, %dot_general3A_62 : vector<64x32xf32>
    %dot_general3A_64 = arith.constant dense<0.000000e+00> : vector<64x1xf32>
    %dot_general3A_65 = tpu.matmul %convert_element_type3A_59, %broadcast_in_dim3A_21, %dot_general3A_64 {dimension_numbers = #tpu.dot_dimension_numbers<[0], [0], [1], [1], [0, 1, 1, 1], [], []>, transpose_lhs_hint = false} : vector<2560x64xf32>, vector<2560x1xf32>, vector<64x1xf32> -> vector<64x1xf32>
    %add3A_66 = arith.addf %add3A_51, %dot_general3A_65 : vector<64x1xf32>
    %get3A_67 = arith.constant 0 : index
    %get3A_68 = arith.constant 3 : index
    %get3A_69 = vector.load %arg4[%get3A_67, %get3A_68] : memref<2560x4xi32, #tpu.memory_space<vmem>>, vector<2560x1xi32>
    %eq3A_70 = vector.broadcast %get3A_69 : vector<2560x1xi32> to vector<2560x64xi32>
    %eq3A_71 = vector.broadcast %iota3A : vector<1x64xi32> to vector<2560x64xi32>
    %eq3A_72 = arith.cmpi eq, %eq3A_70, %eq3A_71 : vector<2560x64xi32>
    %convert_element_type3A_73 = arith.extui %eq3A_72 : vector<2560x64xi1> to vector<2560x64xi32>
    %convert_element_type3A_74 = arith.sitofp %convert_element_type3A_73 : vector<2560x64xi32> to vector<2560x64xf32>
    %slice3A_75 = vector.extract_strided_slice %tanh3A {offsets = [0, 96], sizes = [2560, 32], strides = [1, 1]} : vector<2560x128xf32> to vector<2560x32xf32>
    %dot_general3A_76 = arith.constant dense<0.000000e+00> : vector<64x32xf32>
    %dot_general3A_77 = tpu.matmul %convert_element_type3A_74, %slice3A_75, %dot_general3A_76 {dimension_numbers = #tpu.dot_dimension_numbers<[0], [0], [1], [1], [0, 1, 1, 1], [], []>, transpose_lhs_hint = false} : vector<2560x64xf32>, vector<2560x32xf32>, vector<64x32xf32> -> vector<64x32xf32>
    %add3A_78 = arith.addf %add3A_63, %dot_general3A_77 : vector<64x32xf32>
    %dot_general3A_79 = arith.constant dense<0.000000e+00> : vector<64x1xf32>
    %dot_general3A_80 = tpu.matmul %convert_element_type3A_74, %broadcast_in_dim3A_21, %dot_general3A_79 {dimension_numbers = #tpu.dot_dimension_numbers<[0], [0], [1], [1], [0, 1, 1, 1], [], []>, transpose_lhs_hint = false} : vector<2560x64xf32>, vector<2560x1xf32>, vector<64x1xf32> -> vector<64x1xf32>
    %add3A_81 = arith.addf %add3A_66, %dot_general3A_80 : vector<64x1xf32>
    %max3A = arith.constant 1.000000e+00 : f32
    %max3A_82 = vector.broadcast %max3A : f32 to vector<64x1xf32>
    %max3A_83 = arith.maximumf %add3A_81, %max3A_82 : vector<64x1xf32>
    %div3A = vector.broadcast %max3A_83 : vector<64x1xf32> to vector<64x32xf32>
    %div3A_84 = arith.divf %add3A_78, %div3A : vector<64x32xf32>
    %get3A_85 = arith.constant 0 : index
    %get3A_86 = arith.constant 0 : index
    %get3A_87 = vector.load %arg5[%get3A_85, %get3A_86] : memref<32x1xf32, #tpu.memory_space<vmem>>, vector<32x1xf32>
    %dot_general3A_88 = arith.constant dense<0.000000e+00> : vector<64x1xf32>
    %dot_general3A_89 = tpu.matmul %div3A_84, %get3A_87, %dot_general3A_88 {dimension_numbers = #tpu.dot_dimension_numbers<[1], [0], [0], [1], [0, 0, 1, 1], [], []>, transpose_lhs_hint = false} : vector<64x32xf32>, vector<32x1xf32>, vector<64x1xf32> -> vector<64x1xf32>
    %get3A_90 = arith.constant 0 : index
    %get3A_91 = arith.constant 0 : index
    %get3A_92 = vector.load %arg6[%get3A_90, %get3A_91] : memref<1x1xf32, #tpu.memory_space<vmem>>, vector<1x1xf32>
    %add3A_93 = vector.broadcast %get3A_92 : vector<1x1xf32> to vector<64x1xf32>
    %add3A_94 = arith.addf %dot_general3A_89, %add3A_93 : vector<64x1xf32>
    %swap3A = arith.constant 0 : index
    %swap3A_95 = arith.constant 0 : index
    %swap3A_96 = vector.load %arg7[%swap3A, %swap3A_95] : memref<64x1xf32, #tpu.memory_space<vmem>>, vector<64x1xf32>
    tpu.vector_store %arg7[%swap3A, %swap3A_95], %add3A_94 {strides = array<i32>} : memref<64x1xf32, #tpu.memory_space<vmem>>, vector<64x1xf32>,
    return
  }
}

</mosaic_0001>

<sc_bundles>
// kernel: kernel.11.cloned.1.call-start
scs
__scs_entry_jumppad:
0x0: {  	(pc) =	sbr.rel $0x88, $3  }
0x1: {  	(tag) =	ssettag $0x0;
	lr =	simm.s32 $0x1  }
0x2: {  	[smem:$0x3F92] =	sst lr;
	_ =	strace $0xD0000000  }
0x3: {  	_ = 	snop  }
0x4: {  	_ = 	snop  }
0x5: {  	_ = 	snop  }
0x6: {  	_ = 	snop  }
0x7: {  	_ = 	snop  }
__scs_overlays_trampoline_lowered:
0x8: {  	[smem:$0x3FA1] =	sst s0  }
0x9: {  	[smem:$0x3FA2] =	sst s1  }
0xa: {  	[smem:$0x3FA3] =	sst s2  }
0xb: {  	[smem:$0x3FA4] =	sst s3  }
0xc: {  	[smem:$0x3FA5] =	sst s4  }
0xd: {  	[smem:$0x3FA6] =	sst s5  }
0xe: {  	[smem:$0x3FA7] =	sst s6  }
0xf: {  	[smem:$0x3FA8] =	sst s7  }
0x10: {  	[smem:$0x3FA9] =	sst s8  }
0x11: {  	[smem:$0x3FAA] =	sst s9;
	s0 =	simm.s32 @!p0 $0x0  }
0x12: {  	s1 =	sld [smem:$0x3F90];
	s0 =	simm.s32 @p0 $0x1  }
0x13: {  	[smem:$0x3FAB] =	sst s0;
	s0 =	simm.s32 @!p1 $0x0  }
0x14: {  	s2 =	sld [smem:$0x3F8F];
	s0 =	simm.s32 @p1 $0x1  }
0x15: {  	[smem:$0x3FAC] =	sst s0;
	s0 =	simm.s32 @!p2 $0x0  }
0x16: {  	s3 =	sld [smem:$0x3FDB];
	s0 =	simm.s32 @p2 $0x1  }
0x17: {  	s4 =	simm.s32 $0x1BF5;
	[smem:$0x3FAE] =	sst s0  }
0x18: {  	s0 =	sld [smem:$0x3F91];
	_ =	swait.ge [sflag:s4], $0x0  }
0x19: {  	s7 =	sld [smem:$0x3F92]  }
0x1a: {  	s8 =	sadd.s32 $0xFFFFE003, lr  }
0x1b: {  	s9 =	sadd.s32 $0xFFFFFEF7, lr;
	s5 =	simm.s32 $0xFFFFFFFF;
	p2 =	slt.u32 s8, $0xFFFFF086  }
0x1c: {  	p1 =	slt.u32 s9, $0xF7A;
	s5 =	simm.s32 @!p2 $0x0  }
0x1d: {  	s5 =	simm.s32 @p1 $0x1;
	p0 =	seq.s32 s7, s2  }
0x1e: {  	s7 =	smul.u32 @!p0 $0xF7A, s2;
	p2 =	seq.s32 @!p0 s5, $0x0  }
0x1f: {  	s9 =	smul.u32 $0xF7A, s1;
	s8 =	simm.s32 @!p0 $0x1BF5;
	p2 =	por !p2, p0  }
0x20: {  	[sflag:s8] =	ssyncset.s32 @!p0 $0xFFFFF086;
	s6 =	sadd.s32 @!p0 s3, s7;
	s7 =	simm.s32 @!p0 $0x108  }
0x21: {  	s3 =	sadd.s32 s3, s9;
	s6 =	sadd.s32 @!p0 $0x88, s6;
	s7 =	simm.s32 @p2 $0x1082  }
0x22: {  	[simem:s7], [sflag:s8] =	dma.local @!p0 [hbm:s6], $0xF7A  }
0x23: {  	s9 =	sor.u32 $0xD0000000, s2;
	s6 =	simm.s32 $0x108;
	_ =	swait.ge @!p0 [sflag:s8], $0x0  }
0x24: {  	s3 =	sadd.s32 $0x88, s3;
	s6 =	simm.s32 @!p1 $0x1082;
	[sflag:s4] =	ssyncset.s32 $0xFFFFF086  }
0x25: {  	[simem:s6], [sflag:s4] =	dma.local [hbm:s3], $0xF7A  }
0x26: {  	[smem:$0x3F92] =	sst s1;
	(tag) =	ssettag s2;
	_ =	strace s9  }
0x27: {  	s1 =	sld [smem:$0x3FA2]  }
0x28: {  	s2 =	sld [smem:$0x3FA3]  }
0x29: {  	s4 =	sld [smem:$0x3FA5]  }
0x2a: {  	p0 =	seq.s32 s5, $0x0;
	s5 =	sld [smem:$0x3FA6]  }
0x2b: {  	s6 =	sld [smem:$0x3FA7]  }
0x2c: {  	s7 =	sld [smem:$0x3FA8]  }
0x2d: {  	s3 =	simm.s32 $0x108;
	s8 =	sld [smem:$0x3FA9]  }
0x2e: {  	s3 =	simm.s32 @!p0 $0x1082;
	s9 =	sld [smem:$0x3FAA]  }
0x2f: {  	lr =	sadd.s32 s0, s3;
	s0 =	sld [smem:$0x3FA1]  }
0x30: {  	s3 =	sld [smem:$0x3FA4]  }
0x31: {  	[smem:$0x3FAD] =	sst s10  }
0x32: {  	s10 =	sld [smem:$0x3FAB];
	_ =	sdelay $0x3  }
0x33: {  	p0 =	seq.s32 s10, $0x1;
	s10 =	sld [smem:$0x3FAD];
	_ =	sdelay $0x3  }
0x34: {  	[smem:$0x3FAD] =	sst s10  }
0x35: {  	s10 =	sld [smem:$0x3FAC];
	_ =	sdelay $0x3  }
0x36: {  	p1 =	seq.s32 s10, $0x1;
	s10 =	sld [smem:$0x3FAD];
	_ =	sdelay $0x3  }
0x37: {  	[smem:$0x3FAD] =	sst s10  }
0x38: {  	s10 =	sld [smem:$0x3FAE]  }
0x39: {  	_ = 	snop;
	(pc) =	sbr.ind lr, $3  }
0x3a: {  	_ = 	snop  }
0x3b: {  	_ = 	snop  }
0x3c: {  	p2 =	seq.s32 s10, $0x1;
	s10 =	sld [smem:$0x3FAD]  }
0x3d: {  	_ =	shalt  }
0x3e: {  	_ =	shalt  }
0x3f: {  	_ =	shalt  }
0x40: {  	_ =	shalt  }
0x41: {  	_ =	shalt  }
0x42: {  	_ =	shalt  }
0x43: {  	_ =	shalt  }
0x44: {  	_ =	shalt  }
0x45: {  	_ =	shalt  }
0x46: {  	_ =	shalt  }
0x47: {  	_ =	shalt  }
0x48: {  	_ =	shalt  }
0x49: {  	_ =	shalt  }
0x4a: {  	_ =	shalt  }
0x4b: {  	_ =	shalt  }
0x4c: {  	_ =	shalt  }
0x4d: {  	_ =	shalt  }
0x4e: {  	_ =	shalt  }
0x4f: {  	_ =	shalt  }
0x50: {  	_ =	shalt  }
0x51: {  	_ =	shalt  }
0x52: {  	_ =	shalt  }
0x53: {  	_ =	shalt  }
0x54: {  	_ =	shalt  }
0x55: {  	_ =	shalt  }
0x56: {  	_ =	shalt  }
0x57: {  	_ =	shalt  }
0x58: {  	_ =	shalt  }
0x59: {  	_ =	shalt  }
0x5a: {  	_ =	shalt  }
0x5b: {  	_ =	shalt  }
0x5c: {  	_ =	shalt  }
0x5d: {  	_ =	shalt  }
0x5e: {  	_ =	shalt  }
0x5f: {  	_ =	shalt  }
0x60: {  	_ =	shalt  }
0x61: {  	_ =	shalt  }
0x62: {  	_ =	shalt  }
0x63: {  	_ =	shalt  }
0x64: {  	_ =	shalt  }
0x65: {  	_ =	shalt  }
0x66: {  	_ =	shalt  }
0x67: {  	_ =	shalt  }
0x68: {  	_ =	shalt  }
0x69: {  	_ =	shalt  }
0x6a: {  	_ =	shalt  }
0x6b: {  	_ =	shalt  }
0x6c: {  	_ =	shalt  }
0x6d: {  	_ =	shalt  }
0x6e: {  	_ =	shalt  }
0x6f: {  	_ =	shalt  }
0x70: {  	_ =	shalt  }
0x71: {  	_ =	shalt  }
0x72: {  	_ =	shalt  }
0x73: {  	_ =	shalt  }
0x74: {  	_ =	shalt  }
0x75: {  	_ =	shalt  }
0x76: {  	_ =	shalt  }
0x77: {  	_ =	shalt  }
0x78: {  	_ =	shalt  }
0x79: {  	_ =	shalt  }
0x7a: {  	_ =	shalt  }
0x7b: {  	_ =	shalt  }
0x7c: {  	_ =	shalt  }
0x7d: {  	_ =	shalt  }
0x7e: {  	_ =	shalt  }
0x7f: {  	_ =	shalt  }
0x80: {  	_ =	shalt  }
0x81: {  	_ =	shalt  }
0x82: {  	_ =	shalt  }
0x83: {  	_ =	shalt  }
0x84: {  	_ =	shalt  }
0x85: {  	_ =	shalt  }
0x86: {  	_ =	shalt  }
0x87: {  	_ =	shalt  }
.Lfunc_end0:
.L_simem_size_0:
called_computation_lowered:
.L_overlay_start_0:
0x88: {  	s2 =	sld [smem:$0x3FD9]  }
0x89: {  	s3 =	sld [smem:$0x3FFE];
	_ =	sdelay $0x1  }
0x8a: {  	s1 =	srdreg.scid  }
0x8b: {  	s0 =	sand.u32 $0x1, s1  }
0x8c: {  	s16 =	sshll.u32 s0, $0xA;
	s2 =	sadd.s32 s3, s2  }
0x8d: {  	s2 =	sadd.s32 s2, s16  }
0x8e: {  	[smem:$0x3FB9] =	sst s2  }
0x8f: {  	_ = 	snop  }
0x90: {  	(tm) =	ssettm $0x1  }
0x91: {  	s17 =	sld [smem:$0x3FFB];
	_ =	sdelay $0x3  }
0x92: {  	_ =	strace s17  }
0x93: {  	s2 =	sld [smem:$0x3FFC];
	_ =	sdelay $0x3  }
0x94: {  	_ =	strace s2  }
0x95: {  	s2 =	sld [smem:$0x3FFD];
	_ =	sdelay $0x3  }
0x96: {  	_ =	strace s2  }
0x97: {  	_ =	strace $0x8FFFFFFF  }
0x98: {  	s18 =	sld [smem:$0x3FDB];
	_ =	sdelay $0x1  }
0x99: {  	s19 =	simm.s32 $_scs_section_size  }
0x9a: {  	s4 =	simm.s32 $_size__tile_overlayer_lowered;
	s5 =	simm.s32 $_tile_overlayer_lowered  }
0x9b: {  	s22 =	simm.s32 $0x1BFF;
	s21 =	sshll.u32 s5, $0x1;
	s2 =	sadd.s32 s19, s18  }
0x9c: {  	s6 =	simm.s32 $0x0;
	s20 =	sshll.u32 s4, $0x1;
	s4 =	sadd.s32 s21, s2  }
0x9d: {  	[timem:s6], [sflag:s22] =	dma.local [hbm:s4], s20  }
0x9e: {  	_ =	swait.ge [sflag:s22], s20  }
0x9f: {  	s3 =	ssub.s32 $0x0, s20;
	[sflag:s22] =	ssyncset.done $0x0  }
0xa0: {  	[sflag:s22] =	ssyncadd.s32 s3;
	_ =	sdelay $0x1  }
0xa1: {  	s23 =	simm.s32 $0x1B8B  }
0xa2: {  	_ =	swait.ge [sflag:s23], $0x1  }
0xa3: {  	[sflag:s23] =	ssyncset.done $0x0  }
0xa4: {  	s25 =	simm.s32 $0x1B8E;
	s24 =	sld [smem:$0x3FFE];
	[sflag:s23] =	ssyncadd.s32 $0xFFFFFFFF  }
0xa5: {  	s26 =	simm.s32 $execute0_lowered;
	[smem:$0x3FD2] =	sst s25  }
0xa6: {  	s4 =	sshll.u32 s26, $0x1;
	_ =	strace $0x80000046;
	[dreg:$0x1] =	wrdreg $0xFFFFFFFF  }
0xa7: {  	s28 =	simm.s32 $_size_execute0_lowered;
	s2 =	sadd.s32 s2, s4;
	[dreg:$0x0] =	wrdreg $0x0  }
0xa8: {  	s4 =	sshll.u32 s28, $0x1;
	[dreg:$0x2] =	wrdreg s2  }
0xa9: {  	[dreg:$0x3] =	wrdreg s4  }
0xaa: {  	[dreg:$0x4] =	wrdreg $0xC0  }
0xab: {  	_ =	task [dreg:s6], $0x5FFFF  }
0xac: {  	[dreg:$0x1] =	wrdreg $0xFFFFFFFF  }
0xad: {  	[dreg:$0x0] =	wrdreg $0x60  }
0xae: {  	[dreg:$0x2] =	wrdreg s24  }
0xaf: {  	[dreg:$0x3] =	wrdreg $0xAA800  }
0xb0: {  	[dreg:$0x4] =	wrdreg $0x9  }
0xb1: {  	_ =	task.clear_ibuf [dreg:s6], $0x5FFFF;
	_ =	strace $0x90000046  }
0xb2: {  	s29 =	simm.s32 $0x9;
	_ =	strace $0x80000048  }
0xb3: {  	_ =	swait.ge [sflag:s29], $0x1  }
0xb4: {  	[sflag:s29] =	ssyncadd.s32 $0xFFFFFFFF  }
0xb5: {  	_ =	strace $0x90000048  }
0xb6: {  	_ =	sfence  }
0xb7: {  	s30 =	sld [smem:$0x0];
	_ =	sdelay $0x2  }
0xb8: {  	s31 =	sshll.u32 s1, $0xD;
	s1 =	sshrl.u32 s1, $0x2  }
0xb9: {  	s3 =	sand.u32 $0x4000, s31;
	s1 =	sadd.s32 s1, s30  }
0xba: {  	s0 =	sor.u32 s3, s0;
	s1 =	sshll.u32 s1, $0x11  }
0xbb: {  	s0 =	sor.u32 s1, s0  }
0xbc: {  	s0 =	sadd.s32 $0x8F2B, s0  }
0xbd: {  	[sflag:s0] =	ssyncadd.remote.s32 $0x1  }
0xbe: {  	_ =	sfence.sel $0xFFFF  }
0xbf: {  	[dreg:$0x0] =	wrdreg $0xFFFFFFFF;
	(pc) =	sbr.abs _section_cstart, $3  }
0xc0: {  	[dreg:$0x1] =	wrdreg $0xFFFFFFFF  }
0xc1: {  	_ =	task.clear_ibuf [dreg:s6], $0x2FFFF;
	_ =	strace $0x9FFFFFFF  }
0xc2: {  	(tm) =	ssettm $0x7FFFFFFF  }
0xc3: {  	_ =	shalt  }
tec
execute0_lowered:
.L_overlay_start_1:
0x0: {  	(tag) =	ssettag $0x1  }
0x1: {  	s4 =	rddreg [dreg:$0x0]  }
0x2: {  	s2 =	rddreg [dreg:$0x1]  }
0x3: {  	s0 =	rddreg [dreg:$0x2]  }
0x4: {  	s3 =	simm.s32 $0x0;
	s1 =	stileid.u32;
	s5 =	srdreg.scid  }
0x5: {  	s14 =	simm.s32 $0x2;
	s15 =	simm.s32 $0x80;
	s16 =	simm.s32 $0x1  }
0x6: {  	s17 =	simm.s32 $0x3000;
	s18 =	simm.s32 $0x5800;
	s6 =	smul.u32 $0xA000, s1  }
0x7: {  	[smem:$0x7FF] =	sst s3;
	s9 =	sadd.s32 $0x3E00, s4;
	s10 =	smul.u32 $0xA00, s1  }
0x8: {  	s19 =	sand.u32 $0x1, s5;
	s7 =	smul.u32 $0x5000, s1;
	_ =	strace $0x80000047  }
0x9: {  	s5 =	ssub.s32 $0x2, s19;
	p0 =	sne.s32 s19, $0x0;
	s6 =	sshrl.u32 s6, $0x2  }
0xa: {  	s11 =	sadd.s32 s10, s4;
	s8 =	sshrl.u32 s5, $0x1;
	s31 =	sshrl.u32 s7, $0x3  }
0xb: {  	s4 =	sadd.s32 s6, s2;
	s12 =	ssub.s32 s5, s8;
	s13 =	sadd.s32 s9, s31  }
0xc: {  	s9 =	sadd.s32 s9, s10;
	s11 =	sadd.s32 $0xDE00, s11;
	s5 =	sadd.s32 $0x800, s4  }
0xd: {  	v2 =	vlaneseq.u32;
	s6 =	sadd.s32 $0x1000, s4;
	s7 =	sadd.s32 $0x1800, s4;
	s8 =	sadd.s32 $0x2000, s4  }
0xe: {  	v0 =	vimm.f32 $0.0e+00;
	v1 =	vimm.f32 $1.000000000e+00;
	v2 =	vmul.u32 $0x10, v2;
	s10 =	sadd.s32 $0x500, s13;
	s12 =	smax.u32 s12, $0x1;
	s13 =	simm.s32 $0x2800  }
.LBB2_1:
0xf: {  	s19 =	simm.s32 $0x40;
	s20 =	simm.s32 $0x0  }
.LBB2_2:
0x10: {  	p1 =	sne.s32 s19, $0x1FC0;
	[tilespmem:s20+$0x2800] =	vst v0;
	s20 =	smov.u32 s19;
	s19 =	sadd.s32 $0x40, s19  }
.Ltmp0:
0x11: {  	(pc) =	sbr.rel @p1 .LBB2_2-.Ltmp0, $2  }
0x12: {  	_ =	sdelay $0x2  }
0x13: {  	s20 =	sshra.s32 s20, $0x2  }
0x14: {  	[tilespmem:s20+$0x2800] =	vst v0  }
0x15: {  	[spmem:s4] =	stream.linear.scatter [tilespmem:s13], [sflag:$0x2], $0x800, $0x38;
	[tilespmem:$0xD280] =	vst v63  }
0x16: {  	_ =	swait.ge [sflag:s14], $0x800  }
0x17: {  	[sflag:s14] =	ssyncset.done $0x0  }
0x18: {  	[sflag:s14] =	ssyncadd.s32 $0xFFFFF800  }
0x19: {  	[spmem:s5] =	stream.linear.scatter [tilespmem:s13], [sflag:$0x2], $0x800, $0x38;
	[tilespmem:$0xD280] =	vst v63  }
0x1a: {  	_ =	swait.ge [sflag:s14], $0x800  }
0x1b: {  	[sflag:s14] =	ssyncset.done $0x0  }
0x1c: {  	[sflag:s14] =	ssyncadd.s32 $0xFFFFF800  }
0x1d: {  	[spmem:s6] =	stream.linear.scatter [tilespmem:s13], [sflag:$0x2], $0x800, $0x38;
	[tilespmem:$0xD280] =	vst v63  }
0x1e: {  	_ =	swait.ge [sflag:s14], $0x800  }
0x1f: {  	[sflag:s14] =	ssyncset.done $0x0  }
0x20: {  	[sflag:s14] =	ssyncadd.s32 $0xFFFFF800  }
0x21: {  	[spmem:s7] =	stream.linear.scatter [tilespmem:s13], [sflag:$0x2], $0x800, $0x38;
	[tilespmem:$0xD280] =	vst v63  }
0x22: {  	_ =	swait.ge [sflag:s14], $0x800  }
0x23: {  	[sflag:s14] =	ssyncset.done $0x0  }
0x24: {  	[sflag:s14] =	ssyncadd.s32 $0xFFFFF800  }
0x25: {  	[spmem:s8] =	stream.linear.scatter [tilespmem:s13], [sflag:$0x2], $0x800, $0x38;
	[tilespmem:$0xD280] =	vst v63  }
0x26: {  	_ =	swait.ge [sflag:s14], $0x800  }
0x27: {  	[sflag:s14] =	ssyncset.done $0x0  }
0x28: {  	s19 =	simm.s32 $0x40;
	s20 =	simm.s32 $0x0;
	[sflag:s14] =	ssyncadd.s32 $0xFFFFF800  }
.LBB2_4:
0x29: {  	p1 =	sne.s32 s19, $0x1FC0;
	[tilespmem:s20+$0x2800] =	vst v1;
	s20 =	smov.u32 s19;
	s19 =	sadd.s32 $0x40, s19  }
.Ltmp1:
0x2a: {  	(pc) =	sbr.rel @p1 .LBB2_4-.Ltmp1, $2  }
0x2b: {  	_ =	sdelay $0x2  }
0x2c: {  	s20 =	sshra.s32 s20, $0x2  }
0x2d: {  	[tilespmem:s20+$0x2800] =	vst v1  }
0x2e: {  	s19 =	simm.s32 $0x0;
	[bflag:$0x0] =	sbarrier.arrive $0xFFFF  }
0x2f: {  	[tilespmem:s19], [sflag:$0x2] =	stream.linear.gather [hbm4b:s9+s19], $0x2800, $0x38;
	[tilespmem:$0xD280] =	vst v63  }
0x30: {  	_ =	swait.ge [sflag:s14], $0x2800  }
0x31: {  	[sflag:s14] =	ssyncset.done $0x0  }
0x32: {  	s23 =	simm.s32 $0x0;
	[sflag:s14] =	ssyncadd.s32 $0xFFFFD800  }
0x33: {  	[spmem:s2] =	stream.indirect.scatter.add.f32 [tilespmem:s13], [sflag:$0x1], $0x10, s23, s15, $0xb8;
	[tilespmem:$0xD280] =	vst v63  }
0x34: {  	s24 =	simm.s32 $0x80  }
0x35: {  	[spmem:s2] =	stream.indirect.scatter.add.f32 [tilespmem:s13], [sflag:$0x1], $0x10, s24, s15, $0xb8;
	[tilespmem:$0xD280] =	vst v63  }
0x36: {  	s25 =	simm.s32 $0x100  }
0x37: {  	[spmem:s2] =	stream.indirect.scatter.add.f32 [tilespmem:s13], [sflag:$0x1], $0x10, s25, s15, $0xb8;
	[tilespmem:$0xD280] =	vst v63  }
0x38: {  	s26 =	simm.s32 $0x180  }
0x39: {  	[spmem:s2] =	stream.indirect.scatter.add.f32 [tilespmem:s13], [sflag:$0x1], $0x10, s26, s15, $0xb8;
	[tilespmem:$0xD280] =	vst v63  }
0x3a: {  	s28 =	simm.s32 $0x200  }
0x3b: {  	[spmem:s2] =	stream.indirect.scatter.add.f32 [tilespmem:s13], [sflag:$0x1], $0x10, s28, s15, $0xb8;
	[tilespmem:$0xD280] =	vst v63  }
0x3c: {  	s29 =	simm.s32 $0x280  }
0x3d: {  	[spmem:s2] =	stream.indirect.scatter.add.f32 [tilespmem:s13], [sflag:$0x1], $0x10, s29, s15, $0xb8;
	[tilespmem:$0xD280] =	vst v63  }
0x3e: {  	s30 =	simm.s32 $0x300  }
0x3f: {  	[spmem:s2] =	stream.indirect.scatter.add.f32 [tilespmem:s13], [sflag:$0x1], $0x10, s30, s15, $0xb8;
	[tilespmem:$0xD280] =	vst v63  }
0x40: {  	s31 =	simm.s32 $0x380  }
0x41: {  	[spmem:s2] =	stream.indirect.scatter.add.f32 [tilespmem:s13], [sflag:$0x1], $0x10, s31, s15, $0xb8;
	[tilespmem:$0xD280] =	vst v63  }
0x42: {  	_ =	swait.ge [sflag:s16], $0x800  }
0x43: {  	[sflag:s16] =	ssyncset.done $0x0  }
0x44: {  	[sflag:s16] =	ssyncadd.s32 $0xFFFFF800  }
0x45: {  	_ =	swait.ge [sflag:s16], $0x800  }
0x46: {  	[sflag:s16] =	ssyncset.done $0x0  }
0x47: {  	[sflag:s16] =	ssyncadd.s32 $0xFFFFF800  }
0x48: {  	_ =	swait.ge [sflag:s16], $0x800  }
0x49: {  	[sflag:s16] =	ssyncset.done $0x0  }
0x4a: {  	[sflag:s16] =	ssyncadd.s32 $0xFFFFF800  }
0x4b: {  	_ =	swait.ge [sflag:s16], $0x800  }
0x4c: {  	[sflag:s16] =	ssyncset.done $0x0  }
0x4d: {  	[sflag:s16] =	ssyncadd.s32 $0xFFFFF800  }
0x4e: {  	_ =	swait.ge [sflag:s16], $0x800  }
0x4f: {  	[sflag:s16] =	ssyncset.done $0x0  }
0x50: {  	[sflag:s16] =	ssyncadd.s32 $0xFFFFF800  }
0x51: {  	_ =	swait.ge [sflag:s16], $0x800  }
0x52: {  	[sflag:s16] =	ssyncset.done $0x0  }
0x53: {  	[sflag:s16] =	ssyncadd.s32 $0xFFFFF800  }
0x54: {  	_ =	swait.ge [sflag:s16], $0x800  }
0x55: {  	[sflag:s16] =	ssyncset.done $0x0  }
0x56: {  	[sflag:s16] =	ssyncadd.s32 $0xFFFFF800  }
0x57: {  	_ =	swait.ge [sflag:s16], $0x800  }
0x58: {  	s21 =	simm.s32 $0x2000;
	s19 =	simm.s32 $0x1000;
	[sflag:s16] =	ssyncset.done $0x0  }
.LBB2_6:
0x59: {  	s22 =	sshra.s32 s19, $0x2  }
0x5a: {  	[sflag:s16] =	ssyncadd.s32 $0xFFFFF800;
	s19 =	smov.u32 s21;
	s20 =	sadd.s32 $0x1000, s21  }
0x5b: {  	[spmem:s2] =	stream.indirect.scatter.add.f32 [tilespmem:s13], [sflag:$0x1], $0x10, s22, s15, $0xb8;
	[tilespmem:$0xD280] =	vst v63  }
0x5c: {  	p1 =	sne.s32 s21, $0x9000;
	s21 =	sadd.s32 $0x80, s22  }
0x5d: {  	[spmem:s2] =	stream.indirect.scatter.add.f32 [tilespmem:s13], [sflag:$0x1], $0x10, s21, s15, $0xb8;
	[tilespmem:$0xD280] =	vst v63  }
0x5e: {  	s21 =	sadd.s32 $0x100, s22  }
0x5f: {  	[spmem:s2] =	stream.indirect.scatter.add.f32 [tilespmem:s13], [sflag:$0x1], $0x10, s21, s15, $0xb8;
	[tilespmem:$0xD280] =	vst v63  }
0x60: {  	s21 =	sadd.s32 $0x180, s22  }
0x61: {  	[spmem:s2] =	stream.indirect.scatter.add.f32 [tilespmem:s13], [sflag:$0x1], $0x10, s21, s15, $0xb8;
	[tilespmem:$0xD280] =	vst v63  }
0x62: {  	s21 =	sadd.s32 $0x200, s22  }
0x63: {  	[spmem:s2] =	stream.indirect.scatter.add.f32 [tilespmem:s13], [sflag:$0x1], $0x10, s21, s15, $0xb8;
	[tilespmem:$0xD280] =	vst v63  }
0x64: {  	s21 =	sadd.s32 $0x280, s22  }
0x65: {  	[spmem:s2] =	stream.indirect.scatter.add.f32 [tilespmem:s13], [sflag:$0x1], $0x10, s21, s15, $0xb8;
	[tilespmem:$0xD280] =	vst v63  }
0x66: {  	s21 =	sadd.s32 $0x300, s22  }
0x67: {  	[spmem:s2] =	stream.indirect.scatter.add.f32 [tilespmem:s13], [sflag:$0x1], $0x10, s21, s15, $0xb8;
	[tilespmem:$0xD280] =	vst v63  }
0x68: {  	s21 =	sadd.s32 $0x380, s22  }
0x69: {  	[spmem:s2] =	stream.indirect.scatter.add.f32 [tilespmem:s13], [sflag:$0x1], $0x10, s21, s15, $0xb8;
	[tilespmem:$0xD280] =	vst v63  }
0x6a: {  	_ =	swait.ge [sflag:s16], $0x800  }
0x6b: {  	[sflag:s16] =	ssyncset.done $0x0  }
0x6c: {  	[sflag:s16] =	ssyncadd.s32 $0xFFFFF800  }
0x6d: {  	_ =	swait.ge [sflag:s16], $0x800  }
0x6e: {  	[sflag:s16] =	ssyncset.done $0x0  }
0x6f: {  	[sflag:s16] =	ssyncadd.s32 $0xFFFFF800  }
0x70: {  	_ =	swait.ge [sflag:s16], $0x800  }
0x71: {  	[sflag:s16] =	ssyncset.done $0x0  }
0x72: {  	[sflag:s16] =	ssyncadd.s32 $0xFFFFF800  }
0x73: {  	_ =	swait.ge [sflag:s16], $0x800  }
0x74: {  	[sflag:s16] =	ssyncset.done $0x0  }
0x75: {  	[sflag:s16] =	ssyncadd.s32 $0xFFFFF800  }
0x76: {  	_ =	swait.ge [sflag:s16], $0x800  }
0x77: {  	[sflag:s16] =	ssyncset.done $0x0  }
0x78: {  	[sflag:s16] =	ssyncadd.s32 $0xFFFFF800  }
0x79: {  	_ =	swait.ge [sflag:s16], $0x800  }
0x7a: {  	[sflag:s16] =	ssyncset.done $0x0  }
0x7b: {  	[sflag:s16] =	ssyncadd.s32 $0xFFFFF800  }
.Ltmp2:
0x7c: {  	_ =	swait.ge [sflag:s16], $0x800;
	(pc) =	sbr.rel @p1 .LBB2_6-.Ltmp2, $4  }
0x7d: {  	[sflag:s16] =	ssyncset.done $0x0  }
0x7e: {  	[sflag:s16] =	ssyncadd.s32 $0xFFFFF800  }
0x7f: {  	_ =	swait.ge [sflag:s16], $0x800  }
0x80: {  	s21 =	smov.u32 s20;
	[sflag:s16] =	ssyncset.done $0x0  }
0x81: {  	s19 =	sshra.s32 s19, $0x2;
	[sflag:s16] =	ssyncadd.s32 $0xFFFFF800  }
0x82: {  	[spmem:s2] =	stream.indirect.scatter.add.f32 [tilespmem:s13], [sflag:$0x1], $0x10, s19, s15, $0xb8;
	[tilespmem:$0xD280] =	vst v63  }
0x83: {  	s20 =	sadd.s32 $0x80, s19  }
0x84: {  	[spmem:s2] =	stream.indirect.scatter.add.f32 [tilespmem:s13], [sflag:$0x1], $0x10, s20, s15, $0xb8;
	[tilespmem:$0xD280] =	vst v63  }
0x85: {  	s28 =	sadd.s32 $0x100, s19  }
0x86: {  	[spmem:s2] =	stream.indirect.scatter.add.f32 [tilespmem:s13], [sflag:$0x1], $0x10, s28, s15, $0xb8;
	[tilespmem:$0xD280] =	vst v63  }
0x87: {  	s29 =	sadd.s32 $0x180, s19  }
0x88: {  	[spmem:s2] =	stream.indirect.scatter.add.f32 [tilespmem:s13], [sflag:$0x1], $0x10, s29, s15, $0xb8;
	[tilespmem:$0xD280] =	vst v63  }
0x89: {  	s30 =	sadd.s32 $0x200, s19  }
0x8a: {  	[spmem:s2] =	stream.indirect.scatter.add.f32 [tilespmem:s13], [sflag:$0x1], $0x10, s30, s15, $0xb8;
	[tilespmem:$0xD280] =	vst v63  }
0x8b: {  	s31 =	sadd.s32 $0x280, s19  }
0x8c: {  	[spmem:s2] =	stream.indirect.scatter.add.f32 [tilespmem:s13], [sflag:$0x1], $0x10, s31, s15, $0xb8;
	[tilespmem:$0xD280] =	vst v63  }
0x8d: {  	s21 =	sadd.s32 $0x300, s19  }
0x8e: {  	[spmem:s2] =	stream.indirect.scatter.add.f32 [tilespmem:s13], [sflag:$0x1], $0x10, s21, s15, $0xb8;
	[tilespmem:$0xD280] =	vst v63  }
0x8f: {  	s19 =	sadd.s32 $0x380, s19  }
0x90: {  	[spmem:s2] =	stream.indirect.scatter.add.f32 [tilespmem:s13], [sflag:$0x1], $0x10, s19, s15, $0xb8;
	[tilespmem:$0xD280] =	vst v63  }
0x91: {  	_ =	swait.ge [sflag:s16], $0x800  }
0x92: {  	[sflag:s16] =	ssyncset.done $0x0  }
0x93: {  	[sflag:s16] =	ssyncadd.s32 $0xFFFFF800  }
0x94: {  	_ =	swait.ge [sflag:s16], $0x800  }
0x95: {  	[sflag:s16] =	ssyncset.done $0x0  }
0x96: {  	[sflag:s16] =	ssyncadd.s32 $0xFFFFF800  }
0x97: {  	_ =	swait.ge [sflag:s16], $0x800  }
0x98: {  	[sflag:s16] =	ssyncset.done $0x0  }
0x99: {  	[sflag:s16] =	ssyncadd.s32 $0xFFFFF800  }
0x9a: {  	_ =	swait.ge [sflag:s16], $0x800  }
0x9b: {  	[sflag:s16] =	ssyncset.done $0x0  }
0x9c: {  	[sflag:s16] =	ssyncadd.s32 $0xFFFFF800  }
0x9d: {  	_ =	swait.ge [sflag:s16], $0x800  }
0x9e: {  	[sflag:s16] =	ssyncset.done $0x0  }
0x9f: {  	[sflag:s16] =	ssyncadd.s32 $0xFFFFF800  }
0xa0: {  	_ =	swait.ge [sflag:s16], $0x800  }
0xa1: {  	[sflag:s16] =	ssyncset.done $0x0  }
0xa2: {  	[sflag:s16] =	ssyncadd.s32 $0xFFFFF800  }
0xa3: {  	_ =	swait.ge [sflag:s16], $0x800  }
0xa4: {  	[sflag:s16] =	ssyncset.done $0x0  }
0xa5: {  	[sflag:s16] =	ssyncadd.s32 $0xFFFFF800  }
0xa6: {  	_ =	swait.ge [sflag:s16], $0x800  }
0xa7: {  	[sflag:s16] =	ssyncset.done $0x0  }
0xa8: {  	s22 =	simm.s32 $0x0;
	[sflag:s16] =	ssyncadd.s32 $0xFFFFF800  }
0xa9: {  	[tilespmem:s22], [sflag:$0x2] =	stream.linear.gather [hbm4b:s10+s22], $0x2800, $0x38;
	[tilespmem:$0xD280] =	vst v63  }
0xaa: {  	_ =	swait.ge [sflag:s14], $0x2800  }
0xab: {  	[sflag:s14] =	ssyncset.done $0x0  }
0xac: {  	s23 =	simm.s32 $0x0;
	[sflag:s14] =	ssyncadd.s32 $0xFFFFD800  }
0xad: {  	[spmem:s2] =	stream.indirect.scatter.add.f32 [tilespmem:s13], [sflag:$0x1], $0x10, s23, s15, $0xb8;
	[tilespmem:$0xD280] =	vst v63  }
0xae: {  	s24 =	simm.s32 $0x80  }
0xaf: {  	[spmem:s2] =	stream.indirect.scatter.add.f32 [tilespmem:s13], [sflag:$0x1], $0x10, s24, s15, $0xb8;
	[tilespmem:$0xD280] =	vst v63  }
0xb0: {  	s25 =	simm.s32 $0x100  }
0xb1: {  	[spmem:s2] =	stream.indirect.scatter.add.f32 [tilespmem:s13], [sflag:$0x1], $0x10, s25, s15, $0xb8;
	[tilespmem:$0xD280] =	vst v63  }
0xb2: {  	s26 =	simm.s32 $0x180  }
0xb3: {  	[spmem:s2] =	stream.indirect.scatter.add.f32 [tilespmem:s13], [sflag:$0x1], $0x10, s26, s15, $0xb8;
	[tilespmem:$0xD280] =	vst v63  }
0xb4: {  	s28 =	simm.s32 $0x200  }
0xb5: {  	[spmem:s2] =	stream.indirect.scatter.add.f32 [tilespmem:s13], [sflag:$0x1], $0x10, s28, s15, $0xb8;
	[tilespmem:$0xD280] =	vst v63  }
0xb6: {  	s29 =	simm.s32 $0x280  }
0xb7: {  	[spmem:s2] =	stream.indirect.scatter.add.f32 [tilespmem:s13], [sflag:$0x1], $0x10, s29, s15, $0xb8;
	[tilespmem:$0xD280] =	vst v63  }
0xb8: {  	s30 =	simm.s32 $0x300  }
0xb9: {  	[spmem:s2] =	stream.indirect.scatter.add.f32 [tilespmem:s13], [sflag:$0x1], $0x10, s30, s15, $0xb8;
	[tilespmem:$0xD280] =	vst v63  }
0xba: {  	s31 =	simm.s32 $0x380  }
0xbb: {  	[spmem:s2] =	stream.indirect.scatter.add.f32 [tilespmem:s13], [sflag:$0x1], $0x10, s31, s15, $0xb8;
	[tilespmem:$0xD280] =	vst v63  }
0xbc: {  	_ =	swait.ge [sflag:s16], $0x800  }
0xbd: {  	[sflag:s16] =	ssyncset.done $0x0  }
0xbe: {  	[sflag:s16] =	ssyncadd.s32 $0xFFFFF800  }
0xbf: {  	_ =	swait.ge [sflag:s16], $0x800  }
0xc0: {  	[sflag:s16] =	ssyncset.done $0x0  }
0xc1: {  	[sflag:s16] =	ssyncadd.s32 $0xFFFFF800  }
0xc2: {  	_ =	swait.ge [sflag:s16], $0x800  }
0xc3: {  	[sflag:s16] =	ssyncset.done $0x0  }
0xc4: {  	[sflag:s16] =	ssyncadd.s32 $0xFFFFF800  }
0xc5: {  	_ =	swait.ge [sflag:s16], $0x800  }
0xc6: {  	[sflag:s16] =	ssyncset.done $0x0  }
0xc7: {  	[sflag:s16] =	ssyncadd.s32 $0xFFFFF800  }
0xc8: {  	_ =	swait.ge [sflag:s16], $0x800  }
0xc9: {  	[sflag:s16] =	ssyncset.done $0x0  }
0xca: {  	[sflag:s16] =	ssyncadd.s32 $0xFFFFF800  }
0xcb: {  	_ =	swait.ge [sflag:s16], $0x800  }
0xcc: {  	[sflag:s16] =	ssyncset.done $0x0  }
0xcd: {  	[sflag:s16] =	ssyncadd.s32 $0xFFFFF800  }
0xce: {  	_ =	swait.ge [sflag:s16], $0x800  }
0xcf: {  	[sflag:s16] =	ssyncset.done $0x0  }
0xd0: {  	[sflag:s16] =	ssyncadd.s32 $0xFFFFF800  }
0xd1: {  	_ =	swait.ge [sflag:s16], $0x800  }
0xd2: {  	s21 =	simm.s32 $0x2000;
	s19 =	simm.s32 $0x1000;
	[sflag:s16] =	ssyncset.done $0x0  }
.LBB2_8:
0xd3: {  	s22 =	sshra.s32 s19, $0x2  }
0xd4: {  	[sflag:s16] =	ssyncadd.s32 $0xFFFFF800;
	s19 =	smov.u32 s21;
	s20 =	sadd.s32 $0x1000, s21  }
0xd5: {  	[spmem:s2] =	stream.indirect.scatter.add.f32 [tilespmem:s13], [sflag:$0x1], $0x10, s22, s15, $0xb8;
	[tilespmem:$0xD280] =	vst v63  }
0xd6: {  	p1 =	sne.s32 s21, $0x9000;
	s21 =	sadd.s32 $0x80, s22  }
0xd7: {  	[spmem:s2] =	stream.indirect.scatter.add.f32 [tilespmem:s13], [sflag:$0x1], $0x10, s21, s15, $0xb8;
	[tilespmem:$0xD280] =	vst v63  }
0xd8: {  	s21 =	sadd.s32 $0x100, s22  }
0xd9: {  	[spmem:s2] =	stream.indirect.scatter.add.f32 [tilespmem:s13], [sflag:$0x1], $0x10, s21, s15, $0xb8;
	[tilespmem:$0xD280] =	vst v63  }
0xda: {  	s21 =	sadd.s32 $0x180, s22  }
0xdb: {  	[spmem:s2] =	stream.indirect.scatter.add.f32 [tilespmem:s13], [sflag:$0x1], $0x10, s21, s15, $0xb8;
	[tilespmem:$0xD280] =	vst v63  }
0xdc: {  	s21 =	sadd.s32 $0x200, s22  }
0xdd: {  	[spmem:s2] =	stream.indirect.scatter.add.f32 [tilespmem:s13], [sflag:$0x1], $0x10, s21, s15, $0xb8;
	[tilespmem:$0xD280] =	vst v63  }
0xde: {  	s21 =	sadd.s32 $0x280, s22  }
0xdf: {  	[spmem:s2] =	stream.indirect.scatter.add.f32 [tilespmem:s13], [sflag:$0x1], $0x10, s21, s15, $0xb8;
	[tilespmem:$0xD280] =	vst v63  }
0xe0: {  	s21 =	sadd.s32 $0x300, s22  }
0xe1: {  	[spmem:s2] =	stream.indirect.scatter.add.f32 [tilespmem:s13], [sflag:$0x1], $0x10, s21, s15, $0xb8;
	[tilespmem:$0xD280] =	vst v63  }
0xe2: {  	s21 =	sadd.s32 $0x380, s22  }
0xe3: {  	[spmem:s2] =	stream.indirect.scatter.add.f32 [tilespmem:s13], [sflag:$0x1], $0x10, s21, s15, $0xb8;
	[tilespmem:$0xD280] =	vst v63  }
0xe4: {  	_ =	swait.ge [sflag:s16], $0x800  }
0xe5: {  	[sflag:s16] =	ssyncset.done $0x0  }
0xe6: {  	[sflag:s16] =	ssyncadd.s32 $0xFFFFF800  }
0xe7: {  	_ =	swait.ge [sflag:s16], $0x800  }
0xe8: {  	[sflag:s16] =	ssyncset.done $0x0  }
0xe9: {  	[sflag:s16] =	ssyncadd.s32 $0xFFFFF800  }
0xea: {  	_ =	swait.ge [sflag:s16], $0x800  }
0xeb: {  	[sflag:s16] =	ssyncset.done $0x0  }
0xec: {  	[sflag:s16] =	ssyncadd.s32 $0xFFFFF800  }
0xed: {  	_ =	swait.ge [sflag:s16], $0x800  }
0xee: {  	[sflag:s16] =	ssyncset.done $0x0  }
0xef: {  	[sflag:s16] =	ssyncadd.s32 $0xFFFFF800  }
0xf0: {  	_ =	swait.ge [sflag:s16], $0x800  }
0xf1: {  	[sflag:s16] =	ssyncset.done $0x0  }
0xf2: {  	[sflag:s16] =	ssyncadd.s32 $0xFFFFF800  }
0xf3: {  	_ =	swait.ge [sflag:s16], $0x800  }
0xf4: {  	[sflag:s16] =	ssyncset.done $0x0  }
0xf5: {  	[sflag:s16] =	ssyncadd.s32 $0xFFFFF800  }
.Ltmp3:
0xf6: {  	_ =	swait.ge [sflag:s16], $0x800;
	(pc) =	sbr.rel @p1 .LBB2_8-.Ltmp3, $4  }
0xf7: {  	[sflag:s16] =	ssyncset.done $0x0  }
0xf8: {  	[sflag:s16] =	ssyncadd.s32 $0xFFFFF800  }
0xf9: {  	_ =	swait.ge [sflag:s16], $0x800  }
0xfa: {  	s21 =	smov.u32 s20;
	[sflag:s16] =	ssyncset.done $0x0  }
0xfb: {  	s19 =	sshra.s32 s19, $0x2;
	[sflag:s16] =	ssyncadd.s32 $0xFFFFF800  }
0xfc: {  	[spmem:s2] =	stream.indirect.scatter.add.f32 [tilespmem:s13], [sflag:$0x1], $0x10, s19, s15, $0xb8;
	[tilespmem:$0xD280] =	vst v63  }
0xfd: {  	s20 =	sadd.s32 $0x80, s19  }
0xfe: {  	[spmem:s2] =	stream.indirect.scatter.add.f32 [tilespmem:s13], [sflag:$0x1], $0x10, s20, s15, $0xb8;
	[tilespmem:$0xD280] =	vst v63  }
0xff: {  	s23 =	sadd.s32 $0x100, s19  }
0x100: {  	[spmem:s2] =	stream.indirect.scatter.add.f32 [tilespmem:s13], [sflag:$0x1], $0x10, s23, s15, $0xb8;
	[tilespmem:$0xD280] =	vst v63  }
0x101: {  	s24 =	sadd.s32 $0x180, s19  }
0x102: {  	[spmem:s2] =	stream.indirect.scatter.add.f32 [tilespmem:s13], [sflag:$0x1], $0x10, s24, s15, $0xb8;
	[tilespmem:$0xD280] =	vst v63  }
0x103: {  	s25 =	sadd.s32 $0x200, s19  }
0x104: {  	[spmem:s2] =	stream.indirect.scatter.add.f32 [tilespmem:s13], [sflag:$0x1], $0x10, s25, s15, $0xb8;
	[tilespmem:$0xD280] =	vst v63  }
0x105: {  	s26 =	sadd.s32 $0x280, s19  }
0x106: {  	[spmem:s2] =	stream.indirect.scatter.add.f32 [tilespmem:s13], [sflag:$0x1], $0x10, s26, s15, $0xb8;
	[tilespmem:$0xD280] =	vst v63  }
0x107: {  	s28 =	sadd.s32 $0x300, s19  }
0x108: {  	[spmem:s2] =	stream.indirect.scatter.add.f32 [tilespmem:s13], [sflag:$0x1], $0x10, s28, s15, $0xb8;
	[tilespmem:$0xD280] =	vst v63  }
0x109: {  	s19 =	sadd.s32 $0x380, s19  }
0x10a: {  	[spmem:s2] =	stream.indirect.scatter.add.f32 [tilespmem:s13], [sflag:$0x1], $0x10, s19, s15, $0xb8;
	[tilespmem:$0xD280] =	vst v63  }
0x10b: {  	_ =	swait.ge [sflag:s16], $0x800  }
0x10c: {  	[sflag:s16] =	ssyncset.done $0x0  }
0x10d: {  	[sflag:s16] =	ssyncadd.s32 $0xFFFFF800  }
0x10e: {  	_ =	swait.ge [sflag:s16], $0x800  }
0x10f: {  	[sflag:s16] =	ssyncset.done $0x0  }
0x110: {  	[sflag:s16] =	ssyncadd.s32 $0xFFFFF800  }
0x111: {  	_ =	swait.ge [sflag:s16], $0x800  }
0x112: {  	[sflag:s16] =	ssyncset.done $0x0  }
0x113: {  	[sflag:s16] =	ssyncadd.s32 $0xFFFFF800  }
0x114: {  	_ =	swait.ge [sflag:s16], $0x800  }
0x115: {  	[sflag:s16] =	ssyncset.done $0x0  }
0x116: {  	[sflag:s16] =	ssyncadd.s32 $0xFFFFF800  }
0x117: {  	_ =	swait.ge [sflag:s16], $0x800  }
0x118: {  	[sflag:s16] =	ssyncset.done $0x0  }
0x119: {  	[sflag:s16] =	ssyncadd.s32 $0xFFFFF800  }
0x11a: {  	_ =	swait.ge [sflag:s16], $0x800  }
0x11b: {  	[sflag:s16] =	ssyncset.done $0x0  }
0x11c: {  	[sflag:s16] =	ssyncadd.s32 $0xFFFFF800  }
0x11d: {  	_ =	swait.ge [sflag:s16], $0x800  }
0x11e: {  	[sflag:s16] =	ssyncset.done $0x0  }
0x11f: {  	[sflag:s16] =	ssyncadd.s32 $0xFFFFF800  }
0x120: {  	s29 =	simm.s32 $0x0;
	_ =	swait.ge [sflag:s16], $0x800  }
0x121: {  	v3 =	vmov s29;
	[sflag:s16] =	ssyncset.done $0x0  }
0x122: {  	v4 =	vshll.u32 v3, $0x4;
	[sflag:s16] =	ssyncadd.s32 $0xFFFFF800  }
0x123: {  	v4 =	vor.u32 v2, v4;
	[bflag:$0x0] =	sbarrier.arrive $0xFFFF  }
0x124: {  	[tilespmem:s17], [sflag:$0x2] =	stream.linear.gather [spmem:s4], $0x2800, $0x38;
	[tilespmem:$0xD280] =	vst v63  }
0x125: {  	_ =	swait.ge [sflag:s14], $0x2800  }
0x126: {  	[sflag:s14] =	ssyncset.done $0x0  }
0x127: {  	[sflag:s14] =	ssyncadd.s32 $0xFFFFD800  }
0x128: {  	v4 =	vld.idx.msk [tilespmem:v4+s17+$0x0], $0xffff;
	_ =	sdelay $0x4  }
0x129: {  	v4 =	vadd.f32 $1.000000000e+00, v4;
	_ =	sdelay $0x1  }
0x12a: {  	v5 =	vshrl.u32 v4, $0x1;
	v4 =	vmul.f32 $5.000000000e-01, v4  }
0x12b: {  	v5 =	vsub.s32 $0x5F3759DF, v5  }
0x12c: {  	v6 =	vmul.f32 v5, v4;
	_ =	sdelay $0x1  }
0x12d: {  	v6 =	vmul.f32 v5, v6;
	_ =	sdelay $0x1  }
0x12e: {  	v6 =	vsub.f32 $1.500000000e+00, v6;
	_ =	sdelay $0x1  }
0x12f: {  	v5 =	vmul.f32 v5, v6;
	_ =	sdelay $0x1  }
0x130: {  	v6 =	vmul.f32 v5, v4;
	_ =	sdelay $0x1  }
0x131: {  	v6 =	vmul.f32 v6, v5;
	_ =	sdelay $0x1  }
0x132: {  	v6 =	vsub.f32 $1.500000000e+00, v6;
	_ =	sdelay $0x1  }
0x133: {  	v5 =	vmul.f32 v6, v5;
	_ =	sdelay $0x1  }
0x134: {  	v4 =	vmul.f32 v5, v4  }
0x135: {  	s30 =	simm.s32 $0x10  }
0x136: {  	v6 =	vmov s30;
	v4 =	vmul.f32 v4, v5  }
0x137: {  	v6 =	vshll.u32 v6, $0x4  }
0x138: {  	v6 =	vor.u32 v2, v6;
	v4 =	vsub.f32 $1.500000000e+00, v4;
	_ =	sdelay $0x1  }
0x139: {  	v4 =	vmul.f32 v4, v5  }
0x13a: {  	s19 =	simm.s32 $0x5800  }
0x13b: {  	[tilespmem:s19+$0x0] =	vst v4  }
0x13c: {  	v4 =	vld.idx.msk [tilespmem:v6+s17+$0x0], $0xffff;
	_ =	sdelay $0x4  }
0x13d: {  	v4 =	vadd.f32 $1.000000000e+00, v4;
	_ =	sdelay $0x1  }
0x13e: {  	v5 =	vshrl.u32 v4, $0x1;
	v6 =	vmul.f32 $5.000000000e-01, v4  }
0x13f: {  	v4 =	vsub.s32 $0x5F3759DF, v5  }
0x140: {  	v5 =	vmul.f32 v4, v6;
	_ =	sdelay $0x1  }
0x141: {  	v5 =	vmul.f32 v4, v5;
	_ =	sdelay $0x1  }
0x142: {  	v5 =	vsub.f32 $1.500000000e+00, v5;
	_ =	sdelay $0x1  }
0x143: {  	v4 =	vmul.f32 v4, v5;
	_ =	sdelay $0x1  }
0x144: {  	v5 =	vmul.f32 v4, v6;
	_ =	sdelay $0x1  }
0x145: {  	v5 =	vmul.f32 v5, v4;
	_ =	sdelay $0x1  }
0x146: {  	v5 =	vsub.f32 $1.500000000e+00, v5;
	_ =	sdelay $0x1  }
0x147: {  	v4 =	vmul.f32 v5, v4;
	_ =	sdelay $0x1  }
0x148: {  	v5 =	vmul.f32 v4, v6  }
0x149: {  	s31 =	simm.s32 $0x20  }
0x14a: {  	s20 =	simm.s32 $0x30;
	v6 =	vmov s31;
	v5 =	vmul.f32 v5, v4  }
.LBB2_10:
0x14b: {  	p1 =	sne.s32 s20, $0x270;
	v6 =	vshll.u32 v6, $0x4  }
0x14c: {  	v6 =	vor.u32 v2, v6;
	v5 =	vsub.f32 $1.500000000e+00, v5;
	_ =	sdelay $0x1  }
0x14d: {  	v4 =	vmul.f32 v5, v4  }
0x14e: {  	s19 =	sadd.s32 $0x10, s19  }
0x14f: {  	[tilespmem:s19+$0x0] =	vst v4  }
0x150: {  	v4 =	vld.idx.msk [tilespmem:v6+s17+$0x0], $0xffff;
	_ =	sdelay $0x5  }
0x151: {  	v4 =	vadd.f32 $1.000000000e+00, v4;
	_ =	sdelay $0x1  }
0x152: {  	v5 =	vshrl.u32 v4, $0x1;
	v6 =	vmul.f32 $5.000000000e-01, v4  }
0x153: {  	v4 =	vsub.s32 $0x5F3759DF, v5  }
0x154: {  	v5 =	vmul.f32 v4, v6;
	_ =	sdelay $0x1  }
0x155: {  	v5 =	vmul.f32 v4, v5;
	_ =	sdelay $0x1  }
0x156: {  	v5 =	vsub.f32 $1.500000000e+00, v5;
	_ =	sdelay $0x1  }
0x157: {  	v4 =	vmul.f32 v4, v5;
	_ =	sdelay $0x1  }
0x158: {  	v5 =	vmul.f32 v4, v6;
	_ =	sdelay $0x1  }
0x159: {  	v5 =	vmul.f32 v5, v4;
	_ =	sdelay $0x1  }
0x15a: {  	v5 =	vsub.f32 $1.500000000e+00, v5;
	_ =	sdelay $0x1  }
.Ltmp4:
0x15b: {  	v4 =	vmul.f32 v5, v4;
	(pc) =	sbr.rel @p1 .LBB2_10-.Ltmp4, $3  }
0x15c: {  	_ = 	snop  }
0x15d: {  	v5 =	vmul.f32 v4, v6;
	_ =	sdelay $0x1  }
0x15e: {  	v6 =	vmov s20;
	s20 =	sadd.s32 $0x10, s20;
	v5 =	vmul.f32 v5, v4  }
0x15f: {  	v6 =	vshll.u32 v6, $0x4  }
0x160: {  	v6 =	vor.u32 v2, v6;
	v5 =	vsub.f32 $1.500000000e+00, v5;
	_ =	sdelay $0x1  }
0x161: {  	v4 =	vmul.f32 v5, v4  }
0x162: {  	s19 =	sadd.s32 $0x10, s19  }
0x163: {  	[tilespmem:s19+$0x0] =	vst v4  }
0x164: {  	v4 =	vld.idx.msk [tilespmem:v6+s17+$0x0], $0xffff;
	_ =	sdelay $0x4  }
0x165: {  	v4 =	vadd.f32 $1.000000000e+00, v4;
	_ =	sdelay $0x1  }
0x166: {  	v5 =	vshrl.u32 v4, $0x1;
	v4 =	vmul.f32 $5.000000000e-01, v4  }
0x167: {  	v5 =	vsub.s32 $0x5F3759DF, v5  }
0x168: {  	v6 =	vmul.f32 v5, v4;
	_ =	sdelay $0x1  }
0x169: {  	v6 =	vmul.f32 v5, v6;
	_ =	sdelay $0x1  }
0x16a: {  	v6 =	vsub.f32 $1.500000000e+00, v6;
	_ =	sdelay $0x1  }
0x16b: {  	v5 =	vmul.f32 v5, v6;
	_ =	sdelay $0x1  }
0x16c: {  	v6 =	vmul.f32 v5, v4;
	_ =	sdelay $0x1  }
0x16d: {  	v6 =	vmul.f32 v6, v5;
	_ =	sdelay $0x1  }
0x16e: {  	v6 =	vsub.f32 $1.500000000e+00, v6;
	_ =	sdelay $0x1  }
0x16f: {  	v5 =	vmul.f32 v6, v5;
	_ =	sdelay $0x1  }
0x170: {  	v4 =	vmul.f32 v5, v4;
	_ =	sdelay $0x1  }
0x171: {  	v4 =	vmul.f32 v4, v5;
	_ =	sdelay $0x1  }
0x172: {  	v4 =	vsub.f32 $1.500000000e+00, v4;
	_ =	sdelay $0x1  }
0x173: {  	v4 =	vmul.f32 v4, v5  }
0x174: {  	s19 =	sadd.s32 $0x10, s19  }
0x175: {  	[tilespmem:s19+$0x0] =	vst v4  }
0x176: {  	v3 =	vld.idx.msk [tilespmem:v3+s18+$0x0], $0xffff  }
0x177: {  	s31 =	simm.s32 $0x1  }
0x178: {  	v4 =	vmov s31;
	_ =	sdelay $0x1  }
0x179: {  	s19 =	simm.s32 $0x5A90  }
0x17a: {  	[tilespmem:s19+$0xFFFFFFF0] =	vst v3  }
0x17b: {  	[tilespmem:s19+$0x0] =	vst v3  }
0x17c: {  	v3 =	vld.idx.msk [tilespmem:v4+s18+$0x0], $0xffff  }
0x17d: {  	s20 =	simm.s32 $0x2  }
0x17e: {  	v4 =	vmov s20;
	s20 =	simm.s32 $0x3  }
.LBB2_12:
0x17f: {  	p1 =	sne.s32 s20, $0x27F  }
0x180: {  	s19 =	sadd.s32 $0x20, s19  }
0x181: {  	[tilespmem:s19+$0xFFFFFFF0] =	vst v3  }
.Ltmp5:
0x182: {  	[tilespmem:s19+$0x0] =	vst v3;
	(pc) =	sbr.rel @p1 .LBB2_12-.Ltmp5, $2  }
0x183: {  	v3 =	vld.idx.msk [tilespmem:v4+s18+$0x0], $0xffff;
	_ =	sdelay $0x2  }
0x184: {  	v4 =	vmov s20;
	s20 =	sadd.s32 $0x1, s20  }
0x185: {  	_ = 	snop  }
0x186: {  	s19 =	sadd.s32 $0x20, s19  }
0x187: {  	[tilespmem:s19+$0xFFFFFFF0] =	vst v3  }
0x188: {  	[tilespmem:s19+$0x0] =	vst v3  }
0x189: {  	v3 =	vld.idx.msk [tilespmem:v4+s18+$0x0], $0xffff;
	_ =	sdelay $0x3  }
0x18a: {  	s19 =	sadd.s32 $0x20, s19  }
0x18b: {  	s3 =	sadd.s32 $0x1, s3;
	[tilespmem:s19+$0xFFFFFFF0] =	vst v3  }
0x18c: {  	s20 =	simm.s32 @!p0 $0x5A80;
	p1 =	sne.s32 s3, s12;
	[tilespmem:s19+$0x0] =	vst v3;
	s19 =	simm.s32 @!p0 $0x0  }
0x18d: {  	[hbm4b:s11+s19] =	stream.linear.scatter @!p0 [tilespmem:s20], [sflag:$0x2], $0x5000, $0x38;
	[tilespmem:$0xD280] =	vst v63  }
.Ltmp6:
0x18e: {  	_ = 	snop;
	(pc) =	sbr.rel @p1 .LBB2_1-.Ltmp6, $4  }
0x18f: {  	s19 =	simm.s32 @!p0 $0x2  }
0x190: {  	_ =	swait.ge @!p0 [sflag:s19], $0x5000  }
0x191: {  	[sflag:s19] =	ssyncset.done @!p0 $0x0  }
0x192: {  	[sflag:s19] =	ssyncadd.s32 @!p0 $0xFFFFB000  }
0x193: {  	_ =	sfence.sel $0x180000  }
0x194: {  	[bflag:$0x0] =	sbarrier.arrive $0xFFFF  }
0x195: {  	p0 =	sne.s32 s1, $0x0;
	_ =	strace $0x90000047  }
0x196: {  	s0 =	sadd.s32 @!p0 $0x100000, s0;
	[bflag:$0x2] =	sbarrier.arrive $0xFFFF  }
0x197: {  	[sflag:s0] =	ssyncadd.tile.s32 @!p0 $0x1;
	_ =	shalt  }
.Lfunc_end2:
_tile_overlayer_lowered:
.L_overlay_start_2:
0x198: {  	(tag) =	ssettag $0x2  }
0x199: {  	s0 =	rddreg [dreg:$0x0];
	s2 =	stileid.u32  }
0x19a: {  	s1 =	rddreg [dreg:$0x1];
	p0 =	sne.s32 s2, $0x0  }
0x19b: {  	s3 =	rddreg [dreg:$0x2];
	[bflag:$0x3] =	sbarrier.arrive $0xFFFF;
	s2 =	simm.s32 @!p0 $0x1C02  }
0x19c: {  	[timem:s3], [sflag:s2] =	dma.local @!p0 [hbm:s0], s1  }
0x19d: {  	s0 =	simm.s32 @!p0 $0x2  }
0x19e: {  	_ =	swait.ge @!p0 [sflag:s0], s1  }
0x19f: {  	s1 =	ssub.s32 @!p0 $0x0, s1;
	[sflag:s0] =	ssyncset.done @!p0 $0x0  }
0x1a0: {  	[sflag:s0] =	ssyncadd.s32 @!p0 s1  }
0x1a1: {  	[bflag:$0x3] =	sbarrier.arrive $0xFFFF  }
0x1a2: {  	_ =	shalt  }

// kernel: kernel.14.cloned.1.call-start
scs
__scs_entry_jumppad:
0x0: {  	(pc) =	sbr.rel $0x88, $3  }
0x1: {  	(tag) =	ssettag $0x0;
	lr =	simm.s32 $0x1  }
0x2: {  	[smem:$0x3F92] =	sst lr;
	_ =	strace $0xD0000000  }
0x3: {  	_ = 	snop  }
0x4: {  	_ = 	snop  }
0x5: {  	_ = 	snop  }
0x6: {  	_ = 	snop  }
0x7: {  	_ = 	snop  }
__scs_overlays_trampoline_lowered:
0x8: {  	[smem:$0x3FA1] =	sst s0  }
0x9: {  	[smem:$0x3FA2] =	sst s1  }
0xa: {  	[smem:$0x3FA3] =	sst s2  }
0xb: {  	[smem:$0x3FA4] =	sst s3  }
0xc: {  	[smem:$0x3FA5] =	sst s4  }
0xd: {  	[smem:$0x3FA6] =	sst s5  }
0xe: {  	[smem:$0x3FA7] =	sst s6  }
0xf: {  	[smem:$0x3FA8] =	sst s7  }
0x10: {  	[smem:$0x3FA9] =	sst s8  }
0x11: {  	[smem:$0x3FAA] =	sst s9;
	s0 =	simm.s32 @!p0 $0x0  }
0x12: {  	s1 =	sld [smem:$0x3F90];
	s0 =	simm.s32 @p0 $0x1  }
0x13: {  	[smem:$0x3FAB] =	sst s0;
	s0 =	simm.s32 @!p1 $0x0  }
0x14: {  	s2 =	sld [smem:$0x3F8F];
	s0 =	simm.s32 @p1 $0x1  }
0x15: {  	[smem:$0x3FAC] =	sst s0;
	s0 =	simm.s32 @!p2 $0x0  }
0x16: {  	s3 =	sld [smem:$0x3FDB];
	s0 =	simm.s32 @p2 $0x1  }
0x17: {  	s4 =	simm.s32 $0x1BF5;
	[smem:$0x3FAE] =	sst s0  }
0x18: {  	s0 =	sld [smem:$0x3F91];
	_ =	swait.ge [sflag:s4], $0x0  }
0x19: {  	s7 =	sld [smem:$0x3F92]  }
0x1a: {  	s8 =	sadd.s32 $0xFFFFE003, lr  }
0x1b: {  	s9 =	sadd.s32 $0xFFFFFEF7, lr;
	s5 =	simm.s32 $0xFFFFFFFF;
	p2 =	slt.u32 s8, $0xFFFFF086  }
0x1c: {  	p1 =	slt.u32 s9, $0xF7A;
	s5 =	simm.s32 @!p2 $0x0  }
0x1d: {  	s5 =	simm.s32 @p1 $0x1;
	p0 =	seq.s32 s7, s2  }
0x1e: {  	s7 =	smul.u32 @!p0 $0xF7A, s2;
	p2 =	seq.s32 @!p0 s5, $0x0  }
0x1f: {  	s9 =	smul.u32 $0xF7A, s1;
	s8 =	simm.s32 @!p0 $0x1BF5;
	p2 =	por !p2, p0  }
0x20: {  	[sflag:s8] =	ssyncset.s32 @!p0 $0xFFFFF086;
	s6 =	sadd.s32 @!p0 s3, s7;
	s7 =	simm.s32 @!p0 $0x108  }
0x21: {  	s3 =	sadd.s32 s3, s9;
	s6 =	sadd.s32 @!p0 $0x88, s6;
	s7 =	simm.s32 @p2 $0x1082  }
0x22: {  	[simem:s7], [sflag:s8] =	dma.local @!p0 [hbm:s6], $0xF7A  }
0x23: {  	s9 =	sor.u32 $0xD0000000, s2;
	s6 =	simm.s32 $0x108;
	_ =	swait.ge @!p0 [sflag:s8], $0x0  }
0x24: {  	s3 =	sadd.s32 $0x88, s3;
	s6 =	simm.s32 @!p1 $0x1082;
	[sflag:s4] =	ssyncset.s32 $0xFFFFF086  }
0x25: {  	[simem:s6], [sflag:s4] =	dma.local [hbm:s3], $0xF7A  }
0x26: {  	[smem:$0x3F92] =	sst s1;
	(tag) =	ssettag s2;
	_ =	strace s9  }
0x27: {  	s1 =	sld [smem:$0x3FA2]  }
0x28: {  	s2 =	sld [smem:$0x3FA3]  }
0x29: {  	s4 =	sld [smem:$0x3FA5]  }
0x2a: {  	p0 =	seq.s32 s5, $0x0;
	s5 =	sld [smem:$0x3FA6]  }
0x2b: {  	s6 =	sld [smem:$0x3FA7]  }
0x2c: {  	s7 =	sld [smem:$0x3FA8]  }
0x2d: {  	s3 =	simm.s32 $0x108;
	s8 =	sld [smem:$0x3FA9]  }
0x2e: {  	s3 =	simm.s32 @!p0 $0x1082;
	s9 =	sld [smem:$0x3FAA]  }
0x2f: {  	lr =	sadd.s32 s0, s3;
	s0 =	sld [smem:$0x3FA1]  }
0x30: {  	s3 =	sld [smem:$0x3FA4]  }
0x31: {  	[smem:$0x3FAD] =	sst s10  }
0x32: {  	s10 =	sld [smem:$0x3FAB];
	_ =	sdelay $0x3  }
0x33: {  	p0 =	seq.s32 s10, $0x1;
	s10 =	sld [smem:$0x3FAD];
	_ =	sdelay $0x3  }
0x34: {  	[smem:$0x3FAD] =	sst s10  }
0x35: {  	s10 =	sld [smem:$0x3FAC];
	_ =	sdelay $0x3  }
0x36: {  	p1 =	seq.s32 s10, $0x1;
	s10 =	sld [smem:$0x3FAD];
	_ =	sdelay $0x3  }
0x37: {  	[smem:$0x3FAD] =	sst s10  }
0x38: {  	s10 =	sld [smem:$0x3FAE]  }
0x39: {  	_ = 	snop;
	(pc) =	sbr.ind lr, $3  }
0x3a: {  	_ = 	snop  }
0x3b: {  	_ = 	snop  }
0x3c: {  	p2 =	seq.s32 s10, $0x1;
	s10 =	sld [smem:$0x3FAD]  }
0x3d: {  	_ =	shalt  }
0x3e: {  	_ =	shalt  }
0x3f: {  	_ =	shalt  }
0x40: {  	_ =	shalt  }
0x41: {  	_ =	shalt  }
0x42: {  	_ =	shalt  }
0x43: {  	_ =	shalt  }
0x44: {  	_ =	shalt  }
0x45: {  	_ =	shalt  }
0x46: {  	_ =	shalt  }
0x47: {  	_ =	shalt  }
0x48: {  	_ =	shalt  }
0x49: {  	_ =	shalt  }
0x4a: {  	_ =	shalt  }
0x4b: {  	_ =	shalt  }
0x4c: {  	_ =	shalt  }
0x4d: {  	_ =	shalt  }
0x4e: {  	_ =	shalt  }
0x4f: {  	_ =	shalt  }
0x50: {  	_ =	shalt  }
0x51: {  	_ =	shalt  }
0x52: {  	_ =	shalt  }
0x53: {  	_ =	shalt  }
0x54: {  	_ =	shalt  }
0x55: {  	_ =	shalt  }
0x56: {  	_ =	shalt  }
0x57: {  	_ =	shalt  }
0x58: {  	_ =	shalt  }
0x59: {  	_ =	shalt  }
0x5a: {  	_ =	shalt  }
0x5b: {  	_ =	shalt  }
0x5c: {  	_ =	shalt  }
0x5d: {  	_ =	shalt  }
0x5e: {  	_ =	shalt  }
0x5f: {  	_ =	shalt  }
0x60: {  	_ =	shalt  }
0x61: {  	_ =	shalt  }
0x62: {  	_ =	shalt  }
0x63: {  	_ =	shalt  }
0x64: {  	_ =	shalt  }
0x65: {  	_ =	shalt  }
0x66: {  	_ =	shalt  }
0x67: {  	_ =	shalt  }
0x68: {  	_ =	shalt  }
0x69: {  	_ =	shalt  }
0x6a: {  	_ =	shalt  }
0x6b: {  	_ =	shalt  }
0x6c: {  	_ =	shalt  }
0x6d: {  	_ =	shalt  }
0x6e: {  	_ =	shalt  }
0x6f: {  	_ =	shalt  }
0x70: {  	_ =	shalt  }
0x71: {  	_ =	shalt  }
0x72: {  	_ =	shalt  }
0x73: {  	_ =	shalt  }
0x74: {  	_ =	shalt  }
0x75: {  	_ =	shalt  }
0x76: {  	_ =	shalt  }
0x77: {  	_ =	shalt  }
0x78: {  	_ =	shalt  }
0x79: {  	_ =	shalt  }
0x7a: {  	_ =	shalt  }
0x7b: {  	_ =	shalt  }
0x7c: {  	_ =	shalt  }
0x7d: {  	_ =	shalt  }
0x7e: {  	_ =	shalt  }
0x7f: {  	_ =	shalt  }
0x80: {  	_ =	shalt  }
0x81: {  	_ =	shalt  }
0x82: {  	_ =	shalt  }
0x83: {  	_ =	shalt  }
0x84: {  	_ =	shalt  }
0x85: {  	_ =	shalt  }
0x86: {  	_ =	shalt  }
0x87: {  	_ =	shalt  }
.Lfunc_end0:
.L_simem_size_0:
called_computation.1_lowered:
.L_overlay_start_0:
0x88: {  	s2 =	sld [smem:$0x3FD9]  }
0x89: {  	s3 =	sld [smem:$0x3FFE];
	_ =	sdelay $0x1  }
0x8a: {  	s1 =	srdreg.scid  }
0x8b: {  	s0 =	sand.u32 $0x1, s1  }
0x8c: {  	s16 =	sshll.u32 s0, $0xA;
	s2 =	sadd.s32 s3, s2  }
0x8d: {  	s2 =	sadd.s32 s2, s16  }
0x8e: {  	[smem:$0x3FB9] =	sst s2  }
0x8f: {  	_ = 	snop  }
0x90: {  	(tm) =	ssettm $0x1  }
0x91: {  	s17 =	sld [smem:$0x3FFB];
	_ =	sdelay $0x3  }
0x92: {  	_ =	strace s17  }
0x93: {  	s2 =	sld [smem:$0x3FFC];
	_ =	sdelay $0x3  }
0x94: {  	_ =	strace s2  }
0x95: {  	s2 =	sld [smem:$0x3FFD];
	_ =	sdelay $0x3  }
0x96: {  	_ =	strace s2  }
0x97: {  	_ =	strace $0x8FFFFFFF  }
0x98: {  	s18 =	sld [smem:$0x3FDB];
	_ =	sdelay $0x1  }
0x99: {  	s19 =	simm.s32 $_scs_section_size  }
0x9a: {  	s4 =	simm.s32 $_size__tile_overlayer_lowered;
	s5 =	simm.s32 $_tile_overlayer_lowered  }
0x9b: {  	s22 =	simm.s32 $0x1BFF;
	s21 =	sshll.u32 s5, $0x1;
	s2 =	sadd.s32 s19, s18  }
0x9c: {  	s6 =	simm.s32 $0x0;
	s20 =	sshll.u32 s4, $0x1;
	s4 =	sadd.s32 s21, s2  }
0x9d: {  	[timem:s6], [sflag:s22] =	dma.local [hbm:s4], s20  }
0x9e: {  	_ =	swait.ge [sflag:s22], s20  }
0x9f: {  	s3 =	ssub.s32 $0x0, s20;
	[sflag:s22] =	ssyncset.done $0x0  }
0xa0: {  	[sflag:s22] =	ssyncadd.s32 s3;
	_ =	sdelay $0x1  }
0xa1: {  	s23 =	simm.s32 $0x1B8B  }
0xa2: {  	_ =	swait.ge [sflag:s23], $0x1  }
0xa3: {  	[sflag:s23] =	ssyncset.done $0x0  }
0xa4: {  	s25 =	simm.s32 $0x1B8E;
	s24 =	sld [smem:$0x3FFE];
	[sflag:s23] =	ssyncadd.s32 $0xFFFFFFFF  }
0xa5: {  	s26 =	simm.s32 $execute0_lowered;
	[smem:$0x3FD2] =	sst s25  }
0xa6: {  	s4 =	sshll.u32 s26, $0x1;
	_ =	strace $0x80000049;
	[dreg:$0x1] =	wrdreg $0xFFFFFFFF  }
0xa7: {  	s28 =	simm.s32 $_size_execute0_lowered;
	s2 =	sadd.s32 s2, s4;
	[dreg:$0x0] =	wrdreg $0x0  }
0xa8: {  	s4 =	sshll.u32 s28, $0x1;
	[dreg:$0x2] =	wrdreg s2  }
0xa9: {  	[dreg:$0x3] =	wrdreg s4  }
0xaa: {  	[dreg:$0x4] =	wrdreg $0xC0  }
0xab: {  	_ =	task [dreg:s6], $0x5FFFF  }
0xac: {  	[dreg:$0x1] =	wrdreg $0xFFFFFFFF  }
0xad: {  	[dreg:$0x0] =	wrdreg $0x60  }
0xae: {  	[dreg:$0x2] =	wrdreg s24  }
0xaf: {  	[dreg:$0x3] =	wrdreg $0x1A0000  }
0xb0: {  	[dreg:$0x4] =	wrdreg $0x150000  }
0xb1: {  	[dreg:$0x5] =	wrdreg $0x9  }
0xb2: {  	_ =	task.clear_ibuf [dreg:s6], $0x6FFFF;
	_ =	strace $0x90000049  }
0xb3: {  	s29 =	simm.s32 $0x9;
	_ =	strace $0x8000004B  }
0xb4: {  	_ =	swait.ge [sflag:s29], $0x1  }
0xb5: {  	[sflag:s29] =	ssyncadd.s32 $0xFFFFFFFF  }
0xb6: {  	_ =	strace $0x9000004B  }
0xb7: {  	_ =	sfence  }
0xb8: {  	s30 =	sld [smem:$0x0];
	_ =	sdelay $0x2  }
0xb9: {  	s31 =	sshll.u32 s1, $0xD;
	s1 =	sshrl.u32 s1, $0x2  }
0xba: {  	s3 =	sand.u32 $0x4000, s31;
	s1 =	sadd.s32 s1, s30  }
0xbb: {  	s0 =	sor.u32 s3, s0;
	s1 =	sshll.u32 s1, $0x11  }
0xbc: {  	s0 =	sor.u32 s1, s0  }
0xbd: {  	s0 =	sadd.s32 $0x8F2B, s0  }
0xbe: {  	[sflag:s0] =	ssyncadd.remote.s32 $0x1  }
0xbf: {  	_ =	sfence.sel $0xFFFF  }
0xc0: {  	[dreg:$0x0] =	wrdreg $0xFFFFFFFF;
	(pc) =	sbr.abs _section_cstart, $3  }
0xc1: {  	[dreg:$0x1] =	wrdreg $0xFFFFFFFF  }
0xc2: {  	_ =	task.clear_ibuf [dreg:s6], $0x2FFFF;
	_ =	strace $0x9FFFFFFF  }
0xc3: {  	(tm) =	ssettm $0x7FFFFFFF  }
tec
execute0_lowered:
.L_overlay_start_1:
0x0: {  	(tag) =	ssettag $0x1  }
0x1: {  	s0 =	rddreg [dreg:$0x0]  }
0x2: {  	s2 =	rddreg [dreg:$0x1]  }
0x3: {  	s3 =	rddreg [dreg:$0x2]  }
0x4: {  	s4 =	stileid.u32;
	s6 =	simm.s32 $0x0;
	s5 =	srdreg.scid  }
0x5: {  	s15 =	simm.s32 $0x3;
	s19 =	simm.s32 $0x5000;
	s20 =	simm.s32 $0x80  }
0x6: {  	s21 =	simm.s32 $0x1;
	s22 =	simm.s32 $0x2;
	s1 =	smul.u32 $0x5000, s4  }
0x7: {  	[smem:$0x7FF] =	sst s6;
	s5 =	sand.u32 $0x1, s5;
	s10 =	smul.u32 $0x14000, s4  }
0x8: {  	s7 =	sshll.u32 s4, $0x1;
	s31 =	sshll.u32 s4, $0x6;
	s8 =	smul.u32 $0x50000, s5  }
0x9: {  	_ =	strace $0x8000004A;
	s24 =	sor.u32 s5, s7;
	s5 =	ssub.s32 $0x2, s5  }
0xa: {  	s17 =	sor.u32 $0x1C03, s31;
	s23 =	sshrl.u32 s1, $0x3;
	s6 =	smul.u32 $0x500, s24  }
0xb: {  	s26 =	sshrl.u32 s5, $0x1;
	s30 =	sshrl.u32 s10, $0x2;
	s16 =	sadd.s32 s1, s2  }
0xc: {  	s9 =	sadd.s32 s23, s0;
	s25 =	sadd.s32 s1, s8;
	s14 =	ssub.s32 s5, s26  }
0xd: {  	s12 =	sadd.s32 s30, s3;
	s8 =	sadd.s32 s1, s3;
	s18 =	sshrl.u32 s16, $0x3  }
0xe: {  	s23 =	simm.s32 $0x0;
	s7 =	sshrl.u32 s25, $0x3;
	s6 =	sadd.s32 s6, s0  }
0xf: {  	s10 =	sadd.s32 $0x2000, s12;
	s11 =	sadd.s32 $0x3000, s12;
	s14 =	smax.u32 s14, $0x1  }
0x10: {  	s0 =	sadd.s32 s7, s0;
	s28 =	sadd.s32 $0x17E00, s6;
	s29 =	sadd.s32 $0x3E00, s6  }
0x11: {  	s7 =	sadd.s32 $0xDE00, s9;
	s9 =	sadd.s32 $0x1000, s12;
	[dreg:$0x4] =	wrdreg s28  }
0x12: {  	v0 =	vimm.f32 $0.0e+00;
	s12 =	sadd.s32 $0x4000, s12;
	[dreg:$0x5] =	wrdreg s29;
	s13 =	sadd.s32 $0x21E00, s0  }
.LBB2_1:
0x13: {  	s0 =	simm.s32 $0x0;
	s1 =	rddreg [dreg:$0x4]  }
0x14: {  	[tilespmem:s0], [sflag:$0x3] =	stream.linear.gather [hbm4b:s1+s0], $0x2800, $0x38;
	[tilespmem:$0x1F000] =	vst v63  }
0x15: {  	_ =	swait.ge [sflag:s15], $0x2800  }
0x16: {  	[sflag:s15] =	ssyncset.done $0x0  }
0x17: {  	s4 =	simm.s32 $0x2800;
	s31 =	rddreg [dreg:$0x5];
	[sflag:s15] =	ssyncadd.s32 $0xFFFFD800  }
0x18: {  	[tilespmem:s4], [sflag:$0x3] =	stream.linear.gather [hbm4b:s31+s0], $0x2800, $0x38;
	[tilespmem:$0x1F000] =	vst v63  }
0x19: {  	_ =	swait.ge [sflag:s15], $0x2800  }
0x1a: {  	[sflag:s15] =	ssyncset.done $0x0  }
0x1b: {  	[sflag:s15] =	ssyncadd.s32 $0xFFFFD800  }
0x1c: {  	[spmem:s18], [sflag:s17] =	dma.local [hbm:s7], $0xA00  }
0x1d: {  	_ =	swait.ge [sflag:s15], $0xA00  }
0x1e: {  	[sflag:s15] =	ssyncset.done $0x0  }
0x1f: {  	s24 =	simm.s32 $0x80;
	s25 =	simm.s32 $0x0;
	[sflag:s15] =	ssyncadd.s32 $0xFFFFF600  }
.LBB2_2:
0x20: {  	p0 =	sne.s32 s24, $0x3F80;
	[tilespmem:s25+$0x5000] =	vst v0;
	s26 =	smov.u32 s24;
	s24 =	sadd.s32 $0x80, s24  }
.Ltmp0:
0x21: {  	[tilespmem:s25+$0x5010] =	vst v0;
	(pc) =	sbr.rel @p0 .LBB2_2-.Ltmp0, $2  }
0x22: {  	_ =	sdelay $0x2  }
0x23: {  	s25 =	sshra.s32 s26, $0x2  }
0x24: {  	[tilespmem:s25+$0x5000] =	vst v0  }
0x25: {  	[tilespmem:s25+$0x5010] =	vst v0  }
0x26: {  	[spmem:s8] =	stream.linear.scatter [tilespmem:s19], [sflag:$0x3], $0x1000, $0x38;
	[tilespmem:$0x1F000] =	vst v63  }
0x27: {  	_ =	swait.ge [sflag:s15], $0x1000  }
0x28: {  	[sflag:s15] =	ssyncset.done $0x0  }
0x29: {  	[sflag:s15] =	ssyncadd.s32 $0xFFFFF000  }
0x2a: {  	[spmem:s9] =	stream.linear.scatter [tilespmem:s19], [sflag:$0x3], $0x1000, $0x38;
	[tilespmem:$0x1F000] =	vst v63  }
0x2b: {  	_ =	swait.ge [sflag:s15], $0x1000  }
0x2c: {  	[sflag:s15] =	ssyncset.done $0x0  }
0x2d: {  	[sflag:s15] =	ssyncadd.s32 $0xFFFFF000  }
0x2e: {  	[spmem:s10] =	stream.linear.scatter [tilespmem:s19], [sflag:$0x3], $0x1000, $0x38;
	[tilespmem:$0x1F000] =	vst v63  }
0x2f: {  	_ =	swait.ge [sflag:s15], $0x1000  }
0x30: {  	[sflag:s15] =	ssyncset.done $0x0  }
0x31: {  	[sflag:s15] =	ssyncadd.s32 $0xFFFFF000  }
0x32: {  	[spmem:s11] =	stream.linear.scatter [tilespmem:s19], [sflag:$0x3], $0x1000, $0x38;
	[tilespmem:$0x1F000] =	vst v63  }
0x33: {  	_ =	swait.ge [sflag:s15], $0x1000  }
0x34: {  	[sflag:s15] =	ssyncset.done $0x0  }
0x35: {  	[sflag:s15] =	ssyncadd.s32 $0xFFFFF000  }
0x36: {  	[spmem:s12] =	stream.linear.scatter [tilespmem:s19], [sflag:$0x3], $0x1000, $0x38;
	[tilespmem:$0x1F000] =	vst v63  }
0x37: {  	_ =	swait.ge [sflag:s15], $0x1000  }
0x38: {  	[sflag:s15] =	ssyncset.done $0x0  }
0x39: {  	[sflag:s15] =	ssyncadd.s32 $0xFFFFF000  }
0x3a: {  	s24 =	simm.s32 $0x0;
	[bflag:$0x0] =	sbarrier.arrive $0xFFFF  }
0x3b: {  	[tilespmem:s19], [sflag:$0x1] =	stream.indirect.gather [spmem:s2], $0x20, s24, s20, $0xb8;
	[tilespmem:$0x1F000] =	vst v63  }
0x3c: {  	s0 =	simm.s32 $0x6000  }
0x3d: {  	[tilespmem:s0], [sflag:$0x1] =	stream.indirect.gather [spmem:s2], $0x20, s20, s20, $0xb8;
	[tilespmem:$0x1F000] =	vst v63  }
0x3e: {  	s5 =	simm.s32 $0x100;
	s1 =	simm.s32 $0x7000  }
0x3f: {  	[tilespmem:s1], [sflag:$0x1] =	stream.indirect.gather [spmem:s2], $0x20, s5, s20, $0xb8;
	[tilespmem:$0x1F000] =	vst v63  }
0x40: {  	s6 =	simm.s32 $0x180;
	s16 =	simm.s32 $0x8000  }
0x41: {  	[tilespmem:s16], [sflag:$0x1] =	stream.indirect.gather [spmem:s2], $0x20, s6, s20, $0xb8;
	[tilespmem:$0x1F000] =	vst v63  }
0x42: {  	s25 =	simm.s32 $0x200;
	s26 =	simm.s32 $0x9000  }
0x43: {  	[tilespmem:s26], [sflag:$0x1] =	stream.indirect.gather [spmem:s2], $0x20, s25, s20, $0xb8;
	[tilespmem:$0x1F000] =	vst v63  }
0x44: {  	s28 =	simm.s32 $0x280;
	s29 =	simm.s32 $0xA000  }
0x45: {  	[tilespmem:s29], [sflag:$0x1] =	stream.indirect.gather [spmem:s2], $0x20, s28, s20, $0xb8;
	[tilespmem:$0x1F000] =	vst v63  }
0x46: {  	s30 =	simm.s32 $0x300;
	s31 =	simm.s32 $0xB000  }
0x47: {  	[tilespmem:s31], [sflag:$0x1] =	stream.indirect.gather [spmem:s2], $0x20, s30, s20, $0xb8;
	[tilespmem:$0x1F000] =	vst v63  }
0x48: {  	s4 =	simm.s32 $0xC000;
	s1 =	simm.s32 $0x380  }
0x49: {  	[tilespmem:s4], [sflag:$0x1] =	stream.indirect.gather [spmem:s2], $0x20, s1, s20, $0xb8;
	[tilespmem:$0x1F000] =	vst v63  }
0x4a: {  	_ =	swait.ge [sflag:s21], $0x1000  }
0x4b: {  	[sflag:s21] =	ssyncset.done $0x0  }
0x4c: {  	[sflag:s21] =	ssyncadd.s32 $0xFFFFF000  }
0x4d: {  	_ =	swait.ge [sflag:s21], $0x1000  }
0x4e: {  	[sflag:s21] =	ssyncset.done $0x0  }
0x4f: {  	[sflag:s21] =	ssyncadd.s32 $0xFFFFF000  }
0x50: {  	_ =	swait.ge [sflag:s21], $0x1000  }
0x51: {  	[sflag:s21] =	ssyncset.done $0x0  }
0x52: {  	[sflag:s21] =	ssyncadd.s32 $0xFFFFF000  }
0x53: {  	_ =	swait.ge [sflag:s21], $0x1000  }
0x54: {  	[sflag:s21] =	ssyncset.done $0x0  }
0x55: {  	[sflag:s21] =	ssyncadd.s32 $0xFFFFF000  }
0x56: {  	_ =	swait.ge [sflag:s21], $0x1000  }
0x57: {  	[sflag:s21] =	ssyncset.done $0x0  }
0x58: {  	[sflag:s21] =	ssyncadd.s32 $0xFFFFF000  }
0x59: {  	_ =	swait.ge [sflag:s21], $0x1000  }
0x5a: {  	[sflag:s21] =	ssyncset.done $0x0  }
0x5b: {  	[sflag:s21] =	ssyncadd.s32 $0xFFFFF000  }
0x5c: {  	_ =	swait.ge [sflag:s21], $0x1000  }
0x5d: {  	[sflag:s21] =	ssyncset.done $0x0  }
0x5e: {  	[sflag:s21] =	ssyncadd.s32 $0xFFFFF000  }
0x5f: {  	s25 =	sand.u32 $0x8, s24;
	_ =	swait.ge [sflag:s21], $0x1000  }
0x60: {  	s26 =	sshll.u32 s25, $0xC;
	[sflag:s21] =	ssyncset.done $0x0  }
0x61: {  	s28 =	sor.u32 $0x5000, s26;
	s29 =	simm.s32 $0x2800;
	[sflag:s21] =	ssyncadd.s32 $0xFFFFF000  }
0x62: {  	[spmem:s3] =	stream.indirect.scatter.add.f32 [tilespmem:s28], [sflag:$0x2], $0x20, s29, s20, $0xb8;
	[tilespmem:$0x1F000] =	vst v63  }
0x63: {  	s6 =	simm.s32 $0x2880;
	s5 =	sor.u32 $0x6000, s26  }
0x64: {  	[spmem:s3] =	stream.indirect.scatter.add.f32 [tilespmem:s5], [sflag:$0x2], $0x20, s6, s20, $0xb8;
	[tilespmem:$0x1F000] =	vst v63  }
0x65: {  	s16 =	sor.u32 $0x7000, s26;
	s30 =	simm.s32 $0x2900  }
0x66: {  	[spmem:s3] =	stream.indirect.scatter.add.f32 [tilespmem:s16], [sflag:$0x2], $0x20, s30, s20, $0xb8;
	[tilespmem:$0x1F000] =	vst v63  }
0x67: {  	s0 =	simm.s32 $0x2980;
	s31 =	sadd.s32 $0x8000, s26  }
0x68: {  	[spmem:s3] =	stream.indirect.scatter.add.f32 [tilespmem:s31], [sflag:$0x2], $0x20, s0, s20, $0xb8;
	[tilespmem:$0x1F000] =	vst v63  }
0x69: {  	s1 =	sadd.s32 $0x9000, s26;
	s4 =	simm.s32 $0x2A00  }
0x6a: {  	[spmem:s3] =	stream.indirect.scatter.add.f32 [tilespmem:s1], [sflag:$0x2], $0x20, s4, s20, $0xb8;
	[tilespmem:$0x1F000] =	vst v63  }
0x6b: {  	s5 =	sadd.s32 $0xA000, s26;
	s6 =	simm.s32 $0x2A80  }
0x6c: {  	[spmem:s3] =	stream.indirect.scatter.add.f32 [tilespmem:s5], [sflag:$0x2], $0x20, s6, s20, $0xb8;
	[tilespmem:$0x1F000] =	vst v63  }
0x6d: {  	p0 =	por $0x0, $0x0;
	s16 =	sadd.s32 $0xB000, s26;
	s30 =	simm.s32 $0x2B00  }
0x6e: {  	[spmem:s3] =	stream.indirect.scatter.add.f32 [tilespmem:s16], [sflag:$0x2], $0x20, s30, s20, $0xb8;
	[tilespmem:$0x1F000] =	vst v63  }
0x6f: {  	s25 =	sshll.u32 @!p0 s25, $0xC;
	s26 =	sadd.s32 $0xC000, s26;
	s31 =	simm.s32 $0x2B80  }
0x70: {  	[spmem:s3] =	stream.indirect.scatter.add.f32 [tilespmem:s26], [sflag:$0x2], $0x20, s31, s20, $0xb8;
	[tilespmem:$0x1F000] =	vst v63  }
0x71: {  	s28 =	simm.s32 @!p0 $0x80;
	s29 =	ssub.s32 @!p0 $0xD000, s25;
	s26 =	simm.s32 @!p0 $0x400  }
0x72: {  	[tilespmem:s29], [sflag:$0x1] =	stream.indirect.gather @!p0 [spmem:s2], $0x20, s26, s28, $0xb8;
	[tilespmem:$0x1F000] =	vst v63  }
0x73: {  	s26 =	simm.s32 @!p0 $0x480;
	s29 =	ssub.s32 @!p0 $0xE000, s25  }
0x74: {  	[tilespmem:s29], [sflag:$0x1] =	stream.indirect.gather @!p0 [spmem:s2], $0x20, s26, s28, $0xb8;
	[tilespmem:$0x1F000] =	vst v63  }
0x75: {  	s26 =	simm.s32 @!p0 $0x500;
	s29 =	sxor.u32 @!p0 $0xF000, s25  }
0x76: {  	[tilespmem:s29], [sflag:$0x1] =	stream.indirect.gather @!p0 [spmem:s2], $0x20, s26, s28, $0xb8;
	[tilespmem:$0x1F000] =	vst v63  }
0x77: {  	s30 =	ssub.s32 @!p0 $0x10000, s25;
	s26 =	simm.s32 @!p0 $0x580  }
0x78: {  	[tilespmem:s30], [sflag:$0x1] =	stream.indirect.gather @!p0 [spmem:s2], $0x20, s26, s28, $0xb8;
	[tilespmem:$0x1F000] =	vst v63  }
0x79: {  	s26 =	ssub.s32 @!p0 $0x11000, s25;
	s30 =	simm.s32 @!p0 $0x600  }
0x7a: {  	[tilespmem:s26], [sflag:$0x1] =	stream.indirect.gather @!p0 [spmem:s2], $0x20, s30, s28, $0xb8;
	[tilespmem:$0x1F000] =	vst v63  }
0x7b: {  	s26 =	ssub.s32 @!p0 $0x12000, s25;
	s30 =	simm.s32 @!p0 $0x680  }
0x7c: {  	[tilespmem:s26], [sflag:$0x1] =	stream.indirect.gather @!p0 [spmem:s2], $0x20, s30, s28, $0xb8;
	[tilespmem:$0x1F000] =	vst v63  }
0x7d: {  	s25 =	ssub.s32 @!p0 $0x13000, s25;
	s26 =	simm.s32 @!p0 $0x700  }
0x7e: {  	[tilespmem:s25], [sflag:$0x1] =	stream.indirect.gather @!p0 [spmem:s2], $0x20, s26, s28, $0xb8;
	[tilespmem:$0x1F000] =	vst v63  }
0x7f: {  	s25 =	sadd.s32 @!p0 $0x5000, s29;
	s26 =	simm.s32 @!p0 $0x780  }
0x80: {  	[tilespmem:s25], [sflag:$0x1] =	stream.indirect.gather @!p0 [spmem:s2], $0x20, s26, s28, $0xb8;
	[tilespmem:$0x1F000] =	vst v63  }
0x81: {  	_ =	swait.ge [sflag:s22], $0x1000  }
0x82: {  	[sflag:s22] =	ssyncset.done $0x0  }
0x83: {  	[sflag:s22] =	ssyncadd.s32 $0xFFFFF000  }
0x84: {  	_ =	swait.ge [sflag:s22], $0x1000  }
0x85: {  	[sflag:s22] =	ssyncset.done $0x0  }
0x86: {  	[sflag:s22] =	ssyncadd.s32 $0xFFFFF000  }
0x87: {  	_ =	swait.ge [sflag:s22], $0x1000  }
0x88: {  	[sflag:s22] =	ssyncset.done $0x0  }
0x89: {  	[sflag:s22] =	ssyncadd.s32 $0xFFFFF000  }
0x8a: {  	_ =	swait.ge [sflag:s22], $0x1000  }
0x8b: {  	[sflag:s22] =	ssyncset.done $0x0  }
0x8c: {  	[sflag:s22] =	ssyncadd.s32 $0xFFFFF000  }
0x8d: {  	_ =	swait.ge [sflag:s22], $0x1000  }
0x8e: {  	[sflag:s22] =	ssyncset.done $0x0  }
0x8f: {  	[sflag:s22] =	ssyncadd.s32 $0xFFFFF000  }
0x90: {  	_ =	swait.ge [sflag:s22], $0x1000  }
0x91: {  	[sflag:s22] =	ssyncset.done $0x0  }
0x92: {  	[sflag:s22] =	ssyncadd.s32 $0xFFFFF000  }
0x93: {  	_ =	swait.ge [sflag:s22], $0x1000  }
0x94: {  	s25 =	simm.s32 $0x1000;
	[sflag:s22] =	ssyncset.done $0x0  }
.LBB2_4:
0x95: {  	[sflag:s22] =	ssyncadd.s32 $0xFFFFF000  }
0x96: {  	s24 =	sadd.s32 $0x8, s24;
	s26 =	smov.u32 s25;
	s25 =	sadd.s32 $0x1000, s25  }
0x97: {  	p0 =	sne.s32 s25, $0xA000;
	_ =	swait.ge [sflag:s22], $0x1000  }
0x98: {  	[sflag:s22] =	ssyncset.done $0x0  }
0x99: {  	[sflag:s22] =	ssyncadd.s32 $0xFFFFF000  }
0x9a: {  	_ =	swait.ge [sflag:s21], $0x1000  }
0x9b: {  	[sflag:s21] =	ssyncset.done $0x0  }
0x9c: {  	[sflag:s21] =	ssyncadd.s32 $0xFFFFF000  }
0x9d: {  	_ =	swait.ge [sflag:s21], $0x1000  }
0x9e: {  	[sflag:s21] =	ssyncset.done $0x0  }
0x9f: {  	[sflag:s21] =	ssyncadd.s32 $0xFFFFF000  }
0xa0: {  	_ =	swait.ge [sflag:s21], $0x1000  }
0xa1: {  	[sflag:s21] =	ssyncset.done $0x0  }
0xa2: {  	[sflag:s21] =	ssyncadd.s32 $0xFFFFF000  }
0xa3: {  	_ =	swait.ge [sflag:s21], $0x1000  }
0xa4: {  	[sflag:s21] =	ssyncset.done $0x0  }
0xa5: {  	[sflag:s21] =	ssyncadd.s32 $0xFFFFF000  }
0xa6: {  	_ =	swait.ge [sflag:s21], $0x1000  }
0xa7: {  	[sflag:s21] =	ssyncset.done $0x0  }
0xa8: {  	[sflag:s21] =	ssyncadd.s32 $0xFFFFF000  }
0xa9: {  	_ =	swait.ge [sflag:s21], $0x1000  }
0xaa: {  	[sflag:s21] =	ssyncset.done $0x0  }
0xab: {  	[sflag:s21] =	ssyncadd.s32 $0xFFFFF000  }
0xac: {  	s28 =	sand.u32 $0x8, s24;
	p1 =	seq.s32 s26, $0x9000;
	_ =	swait.ge [sflag:s21], $0x1000  }
0xad: {  	s1 =	sshra.s32 s26, $0x2;
	s0 =	sshll.u32 s28, $0xC;
	[sflag:s21] =	ssyncset.done $0x0  }
0xae: {  	s4 =	sadd.s32 $0x2800, s1;
	s16 =	sor.u32 $0x5000, s0;
	[sflag:s21] =	ssyncadd.s32 $0xFFFFF000  }
0xaf: {  	s31 =	sshll.u32 @!p1 s28, $0xC;
	_ =	swait.ge [sflag:s21], $0x1000  }
0xb0: {  	s30 =	ssub.s32 @!p1 $0x11000, s31;
	s29 =	ssub.s32 @!p1 $0x12000, s31;
	[sflag:s21] =	ssyncset.done $0x0  }
0xb1: {  	s28 =	ssub.s32 @!p1 $0x13000, s31;
	[sflag:s21] =	ssyncadd.s32 $0xFFFFF000  }
0xb2: {  	[spmem:s3] =	stream.indirect.scatter.add.f32 [tilespmem:s16], [sflag:$0x2], $0x20, s4, s20, $0xb8;
	[tilespmem:$0x1F000] =	vst v63  }
0xb3: {  	s4 =	sor.u32 $0x6000, s0;
	s16 =	sadd.s32 $0x2880, s1  }
0xb4: {  	[spmem:s3] =	stream.indirect.scatter.add.f32 [tilespmem:s4], [sflag:$0x2], $0x20, s16, s20, $0xb8;
	[tilespmem:$0x1F000] =	vst v63  }
0xb5: {  	s4 =	sor.u32 $0x7000, s0;
	s16 =	sadd.s32 $0x2900, s1  }
0xb6: {  	[spmem:s3] =	stream.indirect.scatter.add.f32 [tilespmem:s4], [sflag:$0x2], $0x20, s16, s20, $0xb8;
	[tilespmem:$0x1F000] =	vst v63  }
0xb7: {  	s4 =	sadd.s32 $0x8000, s0;
	s16 =	sadd.s32 $0x2980, s1  }
0xb8: {  	[spmem:s3] =	stream.indirect.scatter.add.f32 [tilespmem:s4], [sflag:$0x2], $0x20, s16, s20, $0xb8;
	[tilespmem:$0x1F000] =	vst v63  }
0xb9: {  	s5 =	sadd.s32 $0x2B80, s1;
	s4 =	sadd.s32 $0x9000, s0;
	s16 =	sadd.s32 $0x2A00, s1  }
0xba: {  	[spmem:s3] =	stream.indirect.scatter.add.f32 [tilespmem:s4], [sflag:$0x2], $0x20, s16, s20, $0xb8;
	[tilespmem:$0x1F000] =	vst v63  }
0xbb: {  	s6 =	sadd.s32 $0xC000, s0;
	s4 =	sadd.s32 $0xA000, s0;
	s16 =	sadd.s32 $0x2A80, s1  }
0xbc: {  	[spmem:s3] =	stream.indirect.scatter.add.f32 [tilespmem:s4], [sflag:$0x2], $0x20, s16, s20, $0xb8;
	[tilespmem:$0x1F000] =	vst v63  }
0xbd: {  	s0 =	sadd.s32 $0xB000, s0;
	s1 =	sadd.s32 $0x2B00, s1;
	s4 =	sshra.s32 @!p1 s26, $0x2  }
0xbe: {  	[spmem:s3] =	stream.indirect.scatter.add.f32 [tilespmem:s0], [sflag:$0x2], $0x20, s1, s20, $0xb8;
	[tilespmem:$0x1F000] =	vst v63  }
0xbf: {  	s0 =	sadd.s32 @!p1 $0x400, s4;
	s1 =	simm.s32 @!p1 $0x80  }
0xc0: {  	[spmem:s3] =	stream.indirect.scatter.add.f32 [tilespmem:s6], [sflag:$0x2], $0x20, s5, s20, $0xb8;
	[tilespmem:$0x1F000] =	vst v63  }
0xc1: {  	s5 =	ssub.s32 @!p1 $0xD000, s31;
	s6 =	sadd.s32 @!p1 $0x480, s4  }
0xc2: {  	[tilespmem:s5], [sflag:$0x1] =	stream.indirect.gather @!p1 [spmem:s2], $0x20, s0, s1, $0xb8;
	[tilespmem:$0x1F000] =	vst v63  }
0xc3: {  	s0 =	ssub.s32 @!p1 $0xE000, s31;
	s5 =	sadd.s32 @!p1 $0x500, s4  }
0xc4: {  	[tilespmem:s0], [sflag:$0x1] =	stream.indirect.gather @!p1 [spmem:s2], $0x20, s6, s1, $0xb8;
	[tilespmem:$0x1F000] =	vst v63  }
0xc5: {  	s0 =	sxor.u32 @!p1 $0xF000, s31;
	s6 =	sadd.s32 @!p1 $0x580, s4  }
0xc6: {  	[tilespmem:s0], [sflag:$0x1] =	stream.indirect.gather @!p1 [spmem:s2], $0x20, s5, s1, $0xb8;
	[tilespmem:$0x1F000] =	vst v63  }
0xc7: {  	s16 =	sadd.s32 @!p1 $0x600, s4;
	s5 =	ssub.s32 @!p1 $0x10000, s31;
	s0 =	sadd.s32 @!p1 $0x5000, s0  }
0xc8: {  	[tilespmem:s5], [sflag:$0x1] =	stream.indirect.gather @!p1 [spmem:s2], $0x20, s6, s1, $0xb8;
	[tilespmem:$0x1F000] =	vst v63  }
0xc9: {  	s5 =	sadd.s32 @!p1 $0x680, s4  }
0xca: {  	[tilespmem:s30], [sflag:$0x1] =	stream.indirect.gather @!p1 [spmem:s2], $0x20, s16, s1, $0xb8;
	[tilespmem:$0x1F000] =	vst v63  }
0xcb: {  	s6 =	sadd.s32 @!p1 $0x700, s4  }
0xcc: {  	[tilespmem:s29], [sflag:$0x1] =	stream.indirect.gather @!p1 [spmem:s2], $0x20, s5, s1, $0xb8;
	[tilespmem:$0x1F000] =	vst v63  }
0xcd: {  	s4 =	sadd.s32 @!p1 $0x780, s4  }
0xce: {  	[tilespmem:s28], [sflag:$0x1] =	stream.indirect.gather @!p1 [spmem:s2], $0x20, s6, s1, $0xb8;
	[tilespmem:$0x1F000] =	vst v63  }
0xcf: {  	_ = 	snop  }
0xd0: {  	[tilespmem:s0], [sflag:$0x1] =	stream.indirect.gather @!p1 [spmem:s2], $0x20, s4, s1, $0xb8;
	[tilespmem:$0x1F000] =	vst v63  }
0xd1: {  	_ =	swait.ge [sflag:s22], $0x1000  }
0xd2: {  	[sflag:s22] =	ssyncset.done $0x0  }
0xd3: {  	[sflag:s22] =	ssyncadd.s32 $0xFFFFF000  }
0xd4: {  	_ =	swait.ge [sflag:s22], $0x1000  }
0xd5: {  	[sflag:s22] =	ssyncset.done $0x0  }
0xd6: {  	[sflag:s22] =	ssyncadd.s32 $0xFFFFF000  }
0xd7: {  	_ =	swait.ge [sflag:s22], $0x1000  }
0xd8: {  	[sflag:s22] =	ssyncset.done $0x0  }
0xd9: {  	[sflag:s22] =	ssyncadd.s32 $0xFFFFF000  }
0xda: {  	_ =	swait.ge [sflag:s22], $0x1000  }
0xdb: {  	[sflag:s22] =	ssyncset.done $0x0  }
0xdc: {  	[sflag:s22] =	ssyncadd.s32 $0xFFFFF000  }
0xdd: {  	_ =	swait.ge [sflag:s22], $0x1000  }
0xde: {  	[sflag:s22] =	ssyncset.done $0x0  }
0xdf: {  	[sflag:s22] =	ssyncadd.s32 $0xFFFFF000  }
.Ltmp1:
0xe0: {  	_ =	swait.ge [sflag:s22], $0x1000;
	(pc) =	sbr.rel @p0 .LBB2_4-.Ltmp1, $4  }
0xe1: {  	[sflag:s22] =	ssyncset.done $0x0  }
0xe2: {  	[sflag:s22] =	ssyncadd.s32 $0xFFFFF000  }
0xe3: {  	_ =	swait.ge [sflag:s22], $0x1000  }
0xe4: {  	[sflag:s22] =	ssyncset.done $0x0  }
0xe5: {  	[sflag:s22] =	ssyncadd.s32 $0xFFFFF000  }
0xe6: {  	_ =	swait.ge [sflag:s22], $0x1000  }
0xe7: {  	s23 =	sadd.s32 $0x1, s23;
	[sflag:s22] =	ssyncset.done $0x0  }
0xe8: {  	p0 =	sne.s32 s23, s14;
	[sflag:s22] =	ssyncadd.s32 $0xFFFFF000  }
.Ltmp2:
0xe9: {  	s0 =	sshrl.u32 s8, $0x3;
	[bflag:$0x0] =	sbarrier.arrive $0xFFFF;
	(pc) =	sbr.rel @p0 .LBB2_1-.Ltmp2, $4  }
0xea: {  	[hbm:s13], [sflag:s17] =	dma.local [spmem:s0], $0xA00  }
0xeb: {  	_ =	swait.ge [sflag:s15], $0xA00  }
0xec: {  	[sflag:s15] =	ssyncset.done $0x0  }
0xed: {  	[sflag:s15] =	ssyncadd.s32 $0xFFFFF600  }
0xee: {  	_ =	sfence.sel $0x180000  }
0xef: {  	[bflag:$0x0] =	sbarrier.arrive $0xFFFF  }
0xf0: {  	_ =	strace $0x9000004A  }
0xf1: {  	s0 =	stileid.u32;
	[bflag:$0x2] =	sbarrier.arrive $0xFFFF  }
0xf2: {  	p0 =	sne.s32 s0, $0x0;
	s0 =	rddreg [dreg:$0x3]  }
0xf3: {  	s0 =	sadd.s32 @!p0 $0x100000, s0  }
0xf4: {  	[sflag:s0] =	ssyncadd.tile.s32 @!p0 $0x1;
	_ =	shalt  }
.Lfunc_end2:
_tile_overlayer_lowered:
.L_overlay_start_2:
0xf5: {  	(tag) =	ssettag $0x2  }
0xf6: {  	s0 =	rddreg [dreg:$0x0];
	s2 =	stileid.u32  }
0xf7: {  	s1 =	rddreg [dreg:$0x1];
	p0 =	sne.s32 s2, $0x0  }
0xf8: {  	s3 =	rddreg [dreg:$0x2];
	[bflag:$0x3] =	sbarrier.arrive $0xFFFF;
	s2 =	simm.s32 @!p0 $0x1C03  }
0xf9: {  	[timem:s3], [sflag:s2] =	dma.local @!p0 [hbm:s0], s1  }
0xfa: {  	s0 =	simm.s32 @!p0 $0x3  }
0xfb: {  	_ =	swait.ge @!p0 [sflag:s0], s1  }
0xfc: {  	s1 =	ssub.s32 @!p0 $0x0, s1;
	[sflag:s0] =	ssyncset.done @!p0 $0x0  }
0xfd: {  	[sflag:s0] =	ssyncadd.s32 @!p0 s1  }
0xfe: {  	[bflag:$0x3] =	sbarrier.arrive $0xFFFF  }
0xff: {  	_ =	shalt  }

// kernel: kernel.17.cloned.1.call-start
scs
__scs_entry_jumppad:
0x0: {  	(pc) =	sbr.rel $0x88, $3  }
0x1: {  	(tag) =	ssettag $0x0;
	lr =	simm.s32 $0x1  }
0x2: {  	[smem:$0x3F92] =	sst lr;
	_ =	strace $0xD0000000  }
0x3: {  	_ = 	snop  }
0x4: {  	_ = 	snop  }
0x5: {  	_ = 	snop  }
0x6: {  	_ = 	snop  }
0x7: {  	_ = 	snop  }
__scs_overlays_trampoline_lowered:
0x8: {  	[smem:$0x3FA1] =	sst s0  }
0x9: {  	[smem:$0x3FA2] =	sst s1  }
0xa: {  	[smem:$0x3FA3] =	sst s2  }
0xb: {  	[smem:$0x3FA4] =	sst s3  }
0xc: {  	[smem:$0x3FA5] =	sst s4  }
0xd: {  	[smem:$0x3FA6] =	sst s5  }
0xe: {  	[smem:$0x3FA7] =	sst s6  }
0xf: {  	[smem:$0x3FA8] =	sst s7  }
0x10: {  	[smem:$0x3FA9] =	sst s8  }
0x11: {  	[smem:$0x3FAA] =	sst s9;
	s0 =	simm.s32 @!p0 $0x0  }
0x12: {  	s1 =	sld [smem:$0x3F90];
	s0 =	simm.s32 @p0 $0x1  }
0x13: {  	[smem:$0x3FAB] =	sst s0;
	s0 =	simm.s32 @!p1 $0x0  }
0x14: {  	s2 =	sld [smem:$0x3F8F];
	s0 =	simm.s32 @p1 $0x1  }
0x15: {  	[smem:$0x3FAC] =	sst s0;
	s0 =	simm.s32 @!p2 $0x0  }
0x16: {  	s3 =	sld [smem:$0x3FDB];
	s0 =	simm.s32 @p2 $0x1  }
0x17: {  	s4 =	simm.s32 $0x1BF5;
	[smem:$0x3FAE] =	sst s0  }
0x18: {  	s0 =	sld [smem:$0x3F91];
	_ =	swait.ge [sflag:s4], $0x0  }
0x19: {  	s7 =	sld [smem:$0x3F92]  }
0x1a: {  	s8 =	sadd.s32 $0xFFFFE003, lr  }
0x1b: {  	s9 =	sadd.s32 $0xFFFFFEF7, lr;
	s5 =	simm.s32 $0xFFFFFFFF;
	p2 =	slt.u32 s8, $0xFFFFF086  }
0x1c: {  	p1 =	slt.u32 s9, $0xF7A;
	s5 =	simm.s32 @!p2 $0x0  }
0x1d: {  	s5 =	simm.s32 @p1 $0x1;
	p0 =	seq.s32 s7, s2  }
0x1e: {  	s7 =	smul.u32 @!p0 $0xF7A, s2;
	p2 =	seq.s32 @!p0 s5, $0x0  }
0x1f: {  	s9 =	smul.u32 $0xF7A, s1;
	s8 =	simm.s32 @!p0 $0x1BF5;
	p2 =	por !p2, p0  }
0x20: {  	[sflag:s8] =	ssyncset.s32 @!p0 $0xFFFFF086;
	s6 =	sadd.s32 @!p0 s3, s7;
	s7 =	simm.s32 @!p0 $0x108  }
0x21: {  	s3 =	sadd.s32 s3, s9;
	s6 =	sadd.s32 @!p0 $0x88, s6;
	s7 =	simm.s32 @p2 $0x1082  }
0x22: {  	[simem:s7], [sflag:s8] =	dma.local @!p0 [hbm:s6], $0xF7A  }
0x23: {  	s9 =	sor.u32 $0xD0000000, s2;
	s6 =	simm.s32 $0x108;
	_ =	swait.ge @!p0 [sflag:s8], $0x0  }
0x24: {  	s3 =	sadd.s32 $0x88, s3;
	s6 =	simm.s32 @!p1 $0x1082;
	[sflag:s4] =	ssyncset.s32 $0xFFFFF086  }
0x25: {  	[simem:s6], [sflag:s4] =	dma.local [hbm:s3], $0xF7A  }
0x26: {  	[smem:$0x3F92] =	sst s1;
	(tag) =	ssettag s2;
	_ =	strace s9  }
0x27: {  	s1 =	sld [smem:$0x3FA2]  }
0x28: {  	s2 =	sld [smem:$0x3FA3]  }
0x29: {  	s4 =	sld [smem:$0x3FA5]  }
0x2a: {  	p0 =	seq.s32 s5, $0x0;
	s5 =	sld [smem:$0x3FA6]  }
0x2b: {  	s6 =	sld [smem:$0x3FA7]  }
0x2c: {  	s7 =	sld [smem:$0x3FA8]  }
0x2d: {  	s3 =	simm.s32 $0x108;
	s8 =	sld [smem:$0x3FA9]  }
0x2e: {  	s3 =	simm.s32 @!p0 $0x1082;
	s9 =	sld [smem:$0x3FAA]  }
0x2f: {  	lr =	sadd.s32 s0, s3;
	s0 =	sld [smem:$0x3FA1]  }
0x30: {  	s3 =	sld [smem:$0x3FA4]  }
0x31: {  	[smem:$0x3FAD] =	sst s10  }
0x32: {  	s10 =	sld [smem:$0x3FAB];
	_ =	sdelay $0x3  }
0x33: {  	p0 =	seq.s32 s10, $0x1;
	s10 =	sld [smem:$0x3FAD];
	_ =	sdelay $0x3  }
0x34: {  	[smem:$0x3FAD] =	sst s10  }
0x35: {  	s10 =	sld [smem:$0x3FAC];
	_ =	sdelay $0x3  }
0x36: {  	p1 =	seq.s32 s10, $0x1;
	s10 =	sld [smem:$0x3FAD];
	_ =	sdelay $0x3  }
0x37: {  	[smem:$0x3FAD] =	sst s10  }
0x38: {  	s10 =	sld [smem:$0x3FAE]  }
0x39: {  	_ = 	snop;
	(pc) =	sbr.ind lr, $3  }
0x3a: {  	_ = 	snop  }
0x3b: {  	_ = 	snop  }
0x3c: {  	p2 =	seq.s32 s10, $0x1;
	s10 =	sld [smem:$0x3FAD]  }
0x3d: {  	_ =	shalt  }
0x3e: {  	_ =	shalt  }
0x3f: {  	_ =	shalt  }
0x40: {  	_ =	shalt  }
0x41: {  	_ =	shalt  }
0x42: {  	_ =	shalt  }
0x43: {  	_ =	shalt  }
0x44: {  	_ =	shalt  }
0x45: {  	_ =	shalt  }
0x46: {  	_ =	shalt  }
0x47: {  	_ =	shalt  }
0x48: {  	_ =	shalt  }
0x49: {  	_ =	shalt  }
0x4a: {  	_ =	shalt  }
0x4b: {  	_ =	shalt  }
0x4c: {  	_ =	shalt  }
0x4d: {  	_ =	shalt  }
0x4e: {  	_ =	shalt  }
0x4f: {  	_ =	shalt  }
0x50: {  	_ =	shalt  }
0x51: {  	_ =	shalt  }
0x52: {  	_ =	shalt  }
0x53: {  	_ =	shalt  }
0x54: {  	_ =	shalt  }
0x55: {  	_ =	shalt  }
0x56: {  	_ =	shalt  }
0x57: {  	_ =	shalt  }
0x58: {  	_ =	shalt  }
0x59: {  	_ =	shalt  }
0x5a: {  	_ =	shalt  }
0x5b: {  	_ =	shalt  }
0x5c: {  	_ =	shalt  }
0x5d: {  	_ =	shalt  }
0x5e: {  	_ =	shalt  }
0x5f: {  	_ =	shalt  }
0x60: {  	_ =	shalt  }
0x61: {  	_ =	shalt  }
0x62: {  	_ =	shalt  }
0x63: {  	_ =	shalt  }
0x64: {  	_ =	shalt  }
0x65: {  	_ =	shalt  }
0x66: {  	_ =	shalt  }
0x67: {  	_ =	shalt  }
0x68: {  	_ =	shalt  }
0x69: {  	_ =	shalt  }
0x6a: {  	_ =	shalt  }
0x6b: {  	_ =	shalt  }
0x6c: {  	_ =	shalt  }
0x6d: {  	_ =	shalt  }
0x6e: {  	_ =	shalt  }
0x6f: {  	_ =	shalt  }
0x70: {  	_ =	shalt  }
0x71: {  	_ =	shalt  }
0x72: {  	_ =	shalt  }
0x73: {  	_ =	shalt  }
0x74: {  	_ =	shalt  }
0x75: {  	_ =	shalt  }
0x76: {  	_ =	shalt  }
0x77: {  	_ =	shalt  }
0x78: {  	_ =	shalt  }
0x79: {  	_ =	shalt  }
0x7a: {  	_ =	shalt  }
0x7b: {  	_ =	shalt  }
0x7c: {  	_ =	shalt  }
0x7d: {  	_ =	shalt  }
0x7e: {  	_ =	shalt  }
0x7f: {  	_ =	shalt  }
0x80: {  	_ =	shalt  }
0x81: {  	_ =	shalt  }
0x82: {  	_ =	shalt  }
0x83: {  	_ =	shalt  }
0x84: {  	_ =	shalt  }
0x85: {  	_ =	shalt  }
0x86: {  	_ =	shalt  }
0x87: {  	_ =	shalt  }
.Lfunc_end0:
.L_simem_size_0:
called_computation.2_lowered:
.L_overlay_start_0:
0x88: {  	s2 =	sld [smem:$0x3FD9]  }
0x89: {  	s3 =	sld [smem:$0x3FFE];
	_ =	sdelay $0x1  }
0x8a: {  	s1 =	srdreg.scid  }
0x8b: {  	s0 =	sand.u32 $0x1, s1  }
0x8c: {  	s16 =	sshll.u32 s0, $0xA;
	s2 =	sadd.s32 s3, s2  }
0x8d: {  	s2 =	sadd.s32 s2, s16  }
0x8e: {  	[smem:$0x3FB9] =	sst s2  }
0x8f: {  	_ = 	snop  }
0x90: {  	(tm) =	ssettm $0x1  }
0x91: {  	s17 =	sld [smem:$0x3FFB];
	_ =	sdelay $0x3  }
0x92: {  	_ =	strace s17  }
0x93: {  	s2 =	sld [smem:$0x3FFC];
	_ =	sdelay $0x3  }
0x94: {  	_ =	strace s2  }
0x95: {  	s2 =	sld [smem:$0x3FFD];
	_ =	sdelay $0x3  }
0x96: {  	_ =	strace s2  }
0x97: {  	_ =	strace $0x8FFFFFFF  }
0x98: {  	s18 =	sld [smem:$0x3FDB];
	_ =	sdelay $0x1  }
0x99: {  	s19 =	simm.s32 $_scs_section_size  }
0x9a: {  	s4 =	simm.s32 $_size__tile_overlayer_lowered;
	s5 =	simm.s32 $_tile_overlayer_lowered  }
0x9b: {  	s22 =	simm.s32 $0x1BFF;
	s21 =	sshll.u32 s5, $0x1;
	s2 =	sadd.s32 s19, s18  }
0x9c: {  	s6 =	simm.s32 $0x0;
	s20 =	sshll.u32 s4, $0x1;
	s4 =	sadd.s32 s21, s2  }
0x9d: {  	[timem:s6], [sflag:s22] =	dma.local [hbm:s4], s20  }
0x9e: {  	_ =	swait.ge [sflag:s22], s20  }
0x9f: {  	s3 =	ssub.s32 $0x0, s20;
	[sflag:s22] =	ssyncset.done $0x0  }
0xa0: {  	[sflag:s22] =	ssyncadd.s32 s3;
	_ =	sdelay $0x1  }
0xa1: {  	s23 =	simm.s32 $0x1B8B  }
0xa2: {  	_ =	swait.ge [sflag:s23], $0x1  }
0xa3: {  	[sflag:s23] =	ssyncset.done $0x0  }
0xa4: {  	s25 =	simm.s32 $0x1B8E;
	s24 =	sld [smem:$0x3FFE];
	[sflag:s23] =	ssyncadd.s32 $0xFFFFFFFF  }
0xa5: {  	s26 =	simm.s32 $execute0_lowered;
	[smem:$0x3FD2] =	sst s25  }
0xa6: {  	s4 =	sshll.u32 s26, $0x1;
	_ =	strace $0x8000004C;
	[dreg:$0x1] =	wrdreg $0xFFFFFFFF  }
0xa7: {  	s28 =	simm.s32 $_size_execute0_lowered;
	s2 =	sadd.s32 s2, s4;
	[dreg:$0x0] =	wrdreg $0x0  }
0xa8: {  	s4 =	sshll.u32 s28, $0x1;
	[dreg:$0x2] =	wrdreg s2  }
0xa9: {  	[dreg:$0x3] =	wrdreg s4  }
0xaa: {  	[dreg:$0x4] =	wrdreg $0xC0  }
0xab: {  	_ =	task [dreg:s6], $0x5FFFF  }
0xac: {  	[dreg:$0x1] =	wrdreg $0xFFFFFFFF  }
0xad: {  	[dreg:$0x0] =	wrdreg $0x60  }
0xae: {  	[dreg:$0x2] =	wrdreg s24  }
0xaf: {  	[dreg:$0x3] =	wrdreg $0x1A0000  }
0xb0: {  	[dreg:$0x4] =	wrdreg $0x150000  }
0xb1: {  	[dreg:$0x5] =	wrdreg $0x9  }
0xb2: {  	_ =	task.clear_ibuf [dreg:s6], $0x6FFFF;
	_ =	strace $0x9000004C  }
0xb3: {  	s29 =	simm.s32 $0x9;
	_ =	strace $0x8000004E  }
0xb4: {  	_ =	swait.ge [sflag:s29], $0x1  }
0xb5: {  	[sflag:s29] =	ssyncadd.s32 $0xFFFFFFFF  }
0xb6: {  	_ =	strace $0x9000004E  }
0xb7: {  	_ =	sfence  }
0xb8: {  	s30 =	sld [smem:$0x0];
	_ =	sdelay $0x2  }
0xb9: {  	s31 =	sshll.u32 s1, $0xD;
	s1 =	sshrl.u32 s1, $0x2  }
0xba: {  	s3 =	sand.u32 $0x4000, s31;
	s1 =	sadd.s32 s1, s30  }
0xbb: {  	s0 =	sor.u32 s3, s0;
	s1 =	sshll.u32 s1, $0x11  }
0xbc: {  	s0 =	sor.u32 s1, s0  }
0xbd: {  	s0 =	sadd.s32 $0x8F2B, s0  }
0xbe: {  	[sflag:s0] =	ssyncadd.remote.s32 $0x1  }
0xbf: {  	_ =	sfence.sel $0xFFFF  }
0xc0: {  	[dreg:$0x0] =	wrdreg $0xFFFFFFFF;
	(pc) =	sbr.abs _section_cstart, $3  }
0xc1: {  	[dreg:$0x1] =	wrdreg $0xFFFFFFFF  }
0xc2: {  	_ =	task.clear_ibuf [dreg:s6], $0x2FFFF;
	_ =	strace $0x9FFFFFFF  }
0xc3: {  	(tm) =	ssettm $0x7FFFFFFF  }
tec
execute0_lowered:
.L_overlay_start_1:
0x0: {  	(tag) =	ssettag $0x1  }
0x1: {  	s0 =	rddreg [dreg:$0x0]  }
0x2: {  	s2 =	rddreg [dreg:$0x1]  }
0x3: {  	s3 =	rddreg [dreg:$0x2]  }
0x4: {  	s4 =	stileid.u32;
	s6 =	simm.s32 $0x0;
	s5 =	srdreg.scid  }
0x5: {  	s15 =	simm.s32 $0x3;
	s19 =	simm.s32 $0x5000;
	s20 =	simm.s32 $0x80  }
0x6: {  	s21 =	simm.s32 $0x1;
	s22 =	simm.s32 $0x2;
	s1 =	smul.u32 $0x5000, s4  }
0x7: {  	[smem:$0x7FF] =	sst s6;
	s5 =	sand.u32 $0x1, s5;
	s10 =	smul.u32 $0x14000, s4  }
0x8: {  	s7 =	sshll.u32 s4, $0x1;
	s31 =	sshll.u32 s4, $0x6;
	s8 =	smul.u32 $0x50000, s5  }
0x9: {  	_ =	strace $0x8000004D;
	s24 =	sor.u32 s5, s7;
	s5 =	ssub.s32 $0x2, s5  }
0xa: {  	s17 =	sor.u32 $0x1C03, s31;
	s23 =	sshrl.u32 s1, $0x3;
	s6 =	smul.u32 $0x500, s24  }
0xb: {  	s26 =	sshrl.u32 s5, $0x1;
	s30 =	sshrl.u32 s10, $0x2;
	s16 =	sadd.s32 s1, s2  }
0xc: {  	s9 =	sadd.s32 s23, s0;
	s25 =	sadd.s32 s1, s8;
	s14 =	ssub.s32 s5, s26  }
0xd: {  	s12 =	sadd.s32 s30, s3;
	s8 =	sadd.s32 s1, s3;
	s18 =	sshrl.u32 s16, $0x3  }
0xe: {  	s23 =	simm.s32 $0x0;
	s7 =	sshrl.u32 s25, $0x3;
	s6 =	sadd.s32 s6, s0  }
0xf: {  	s10 =	sadd.s32 $0x2000, s12;
	s11 =	sadd.s32 $0x3000, s12;
	s14 =	smax.u32 s14, $0x1  }
0x10: {  	s0 =	sadd.s32 s7, s0;
	s28 =	sadd.s32 $0x17E00, s6;
	s29 =	sadd.s32 $0x3E00, s6  }
0x11: {  	s7 =	sadd.s32 $0xDE00, s9;
	s9 =	sadd.s32 $0x1000, s12;
	[dreg:$0x4] =	wrdreg s28  }
0x12: {  	v0 =	vimm.f32 $0.0e+00;
	s12 =	sadd.s32 $0x4000, s12;
	[dreg:$0x5] =	wrdreg s29;
	s13 =	sadd.s32 $0x21E00, s0  }
.LBB2_1:
0x13: {  	s0 =	simm.s32 $0x0;
	s1 =	rddreg [dreg:$0x4]  }
0x14: {  	[tilespmem:s0], [sflag:$0x3] =	stream.linear.gather [hbm4b:s1+s0], $0x2800, $0x38;
	[tilespmem:$0x1F000] =	vst v63  }
0x15: {  	_ =	swait.ge [sflag:s15], $0x2800  }
0x16: {  	[sflag:s15] =	ssyncset.done $0x0  }
0x17: {  	s4 =	simm.s32 $0x2800;
	s31 =	rddreg [dreg:$0x5];
	[sflag:s15] =	ssyncadd.s32 $0xFFFFD800  }
0x18: {  	[tilespmem:s4], [sflag:$0x3] =	stream.linear.gather [hbm4b:s31+s0], $0x2800, $0x38;
	[tilespmem:$0x1F000] =	vst v63  }
0x19: {  	_ =	swait.ge [sflag:s15], $0x2800  }
0x1a: {  	[sflag:s15] =	ssyncset.done $0x0  }
0x1b: {  	[sflag:s15] =	ssyncadd.s32 $0xFFFFD800  }
0x1c: {  	[spmem:s18], [sflag:s17] =	dma.local [hbm:s7], $0xA00  }
0x1d: {  	_ =	swait.ge [sflag:s15], $0xA00  }
0x1e: {  	[sflag:s15] =	ssyncset.done $0x0  }
0x1f: {  	s24 =	simm.s32 $0x80;
	s25 =	simm.s32 $0x0;
	[sflag:s15] =	ssyncadd.s32 $0xFFFFF600  }
.LBB2_2:
0x20: {  	p0 =	sne.s32 s24, $0x3F80;
	[tilespmem:s25+$0x5000] =	vst v0;
	s26 =	smov.u32 s24;
	s24 =	sadd.s32 $0x80, s24  }
.Ltmp0:
0x21: {  	[tilespmem:s25+$0x5010] =	vst v0;
	(pc) =	sbr.rel @p0 .LBB2_2-.Ltmp0, $2  }
0x22: {  	_ =	sdelay $0x2  }
0x23: {  	s25 =	sshra.s32 s26, $0x2  }
0x24: {  	[tilespmem:s25+$0x5000] =	vst v0  }
0x25: {  	[tilespmem:s25+$0x5010] =	vst v0  }
0x26: {  	[spmem:s8] =	stream.linear.scatter [tilespmem:s19], [sflag:$0x3], $0x1000, $0x38;
	[tilespmem:$0x1F000] =	vst v63  }
0x27: {  	_ =	swait.ge [sflag:s15], $0x1000  }
0x28: {  	[sflag:s15] =	ssyncset.done $0x0  }
0x29: {  	[sflag:s15] =	ssyncadd.s32 $0xFFFFF000  }
0x2a: {  	[spmem:s9] =	stream.linear.scatter [tilespmem:s19], [sflag:$0x3], $0x1000, $0x38;
	[tilespmem:$0x1F000] =	vst v63  }
0x2b: {  	_ =	swait.ge [sflag:s15], $0x1000  }
0x2c: {  	[sflag:s15] =	ssyncset.done $0x0  }
0x2d: {  	[sflag:s15] =	ssyncadd.s32 $0xFFFFF000  }
0x2e: {  	[spmem:s10] =	stream.linear.scatter [tilespmem:s19], [sflag:$0x3], $0x1000, $0x38;
	[tilespmem:$0x1F000] =	vst v63  }
0x2f: {  	_ =	swait.ge [sflag:s15], $0x1000  }
0x30: {  	[sflag:s15] =	ssyncset.done $0x0  }
0x31: {  	[sflag:s15] =	ssyncadd.s32 $0xFFFFF000  }
0x32: {  	[spmem:s11] =	stream.linear.scatter [tilespmem:s19], [sflag:$0x3], $0x1000, $0x38;
	[tilespmem:$0x1F000] =	vst v63  }
0x33: {  	_ =	swait.ge [sflag:s15], $0x1000  }
0x34: {  	[sflag:s15] =	ssyncset.done $0x0  }
0x35: {  	[sflag:s15] =	ssyncadd.s32 $0xFFFFF000  }
0x36: {  	[spmem:s12] =	stream.linear.scatter [tilespmem:s19], [sflag:$0x3], $0x1000, $0x38;
	[tilespmem:$0x1F000] =	vst v63  }
0x37: {  	_ =	swait.ge [sflag:s15], $0x1000  }
0x38: {  	[sflag:s15] =	ssyncset.done $0x0  }
0x39: {  	[sflag:s15] =	ssyncadd.s32 $0xFFFFF000  }
0x3a: {  	s24 =	simm.s32 $0x0;
	[bflag:$0x0] =	sbarrier.arrive $0xFFFF  }
0x3b: {  	[tilespmem:s19], [sflag:$0x1] =	stream.indirect.gather [spmem:s2], $0x20, s24, s20, $0xb8;
	[tilespmem:$0x1F000] =	vst v63  }
0x3c: {  	s0 =	simm.s32 $0x6000  }
0x3d: {  	[tilespmem:s0], [sflag:$0x1] =	stream.indirect.gather [spmem:s2], $0x20, s20, s20, $0xb8;
	[tilespmem:$0x1F000] =	vst v63  }
0x3e: {  	s5 =	simm.s32 $0x100;
	s1 =	simm.s32 $0x7000  }
0x3f: {  	[tilespmem:s1], [sflag:$0x1] =	stream.indirect.gather [spmem:s2], $0x20, s5, s20, $0xb8;
	[tilespmem:$0x1F000] =	vst v63  }
0x40: {  	s6 =	simm.s32 $0x180;
	s16 =	simm.s32 $0x8000  }
0x41: {  	[tilespmem:s16], [sflag:$0x1] =	stream.indirect.gather [spmem:s2], $0x20, s6, s20, $0xb8;
	[tilespmem:$0x1F000] =	vst v63  }
0x42: {  	s25 =	simm.s32 $0x200;
	s26 =	simm.s32 $0x9000  }
0x43: {  	[tilespmem:s26], [sflag:$0x1] =	stream.indirect.gather [spmem:s2], $0x20, s25, s20, $0xb8;
	[tilespmem:$0x1F000] =	vst v63  }
0x44: {  	s28 =	simm.s32 $0x280;
	s29 =	simm.s32 $0xA000  }
0x45: {  	[tilespmem:s29], [sflag:$0x1] =	stream.indirect.gather [spmem:s2], $0x20, s28, s20, $0xb8;
	[tilespmem:$0x1F000] =	vst v63  }
0x46: {  	s30 =	simm.s32 $0x300;
	s31 =	simm.s32 $0xB000  }
0x47: {  	[tilespmem:s31], [sflag:$0x1] =	stream.indirect.gather [spmem:s2], $0x20, s30, s20, $0xb8;
	[tilespmem:$0x1F000] =	vst v63  }
0x48: {  	s4 =	simm.s32 $0xC000;
	s1 =	simm.s32 $0x380  }
0x49: {  	[tilespmem:s4], [sflag:$0x1] =	stream.indirect.gather [spmem:s2], $0x20, s1, s20, $0xb8;
	[tilespmem:$0x1F000] =	vst v63  }
0x4a: {  	_ =	swait.ge [sflag:s21], $0x1000  }
0x4b: {  	[sflag:s21] =	ssyncset.done $0x0  }
0x4c: {  	[sflag:s21] =	ssyncadd.s32 $0xFFFFF000  }
0x4d: {  	_ =	swait.ge [sflag:s21], $0x1000  }
0x4e: {  	[sflag:s21] =	ssyncset.done $0x0  }
0x4f: {  	[sflag:s21] =	ssyncadd.s32 $0xFFFFF000  }
0x50: {  	_ =	swait.ge [sflag:s21], $0x1000  }
0x51: {  	[sflag:s21] =	ssyncset.done $0x0  }
0x52: {  	[sflag:s21] =	ssyncadd.s32 $0xFFFFF000  }
0x53: {  	_ =	swait.ge [sflag:s21], $0x1000  }
0x54: {  	[sflag:s21] =	ssyncset.done $0x0  }
0x55: {  	[sflag:s21] =	ssyncadd.s32 $0xFFFFF000  }
0x56: {  	_ =	swait.ge [sflag:s21], $0x1000  }
0x57: {  	[sflag:s21] =	ssyncset.done $0x0  }
0x58: {  	[sflag:s21] =	ssyncadd.s32 $0xFFFFF000  }
0x59: {  	_ =	swait.ge [sflag:s21], $0x1000  }
0x5a: {  	[sflag:s21] =	ssyncset.done $0x0  }
0x5b: {  	[sflag:s21] =	ssyncadd.s32 $0xFFFFF000  }
0x5c: {  	_ =	swait.ge [sflag:s21], $0x1000  }
0x5d: {  	[sflag:s21] =	ssyncset.done $0x0  }
0x5e: {  	[sflag:s21] =	ssyncadd.s32 $0xFFFFF000  }
0x5f: {  	s25 =	sand.u32 $0x8, s24;
	_ =	swait.ge [sflag:s21], $0x1000  }
0x60: {  	s26 =	sshll.u32 s25, $0xC;
	[sflag:s21] =	ssyncset.done $0x0  }
0x61: {  	s28 =	sor.u32 $0x5000, s26;
	s29 =	simm.s32 $0x2800;
	[sflag:s21] =	ssyncadd.s32 $0xFFFFF000  }
0x62: {  	[spmem:s3] =	stream.indirect.scatter.add.f32 [tilespmem:s28], [sflag:$0x2], $0x20, s29, s20, $0xb8;
	[tilespmem:$0x1F000] =	vst v63  }
0x63: {  	s6 =	simm.s32 $0x2880;
	s5 =	sor.u32 $0x6000, s26  }
0x64: {  	[spmem:s3] =	stream.indirect.scatter.add.f32 [tilespmem:s5], [sflag:$0x2], $0x20, s6, s20, $0xb8;
	[tilespmem:$0x1F000] =	vst v63  }
0x65: {  	s16 =	sor.u32 $0x7000, s26;
	s30 =	simm.s32 $0x2900  }
0x66: {  	[spmem:s3] =	stream.indirect.scatter.add.f32 [tilespmem:s16], [sflag:$0x2], $0x20, s30, s20, $0xb8;
	[tilespmem:$0x1F000] =	vst v63  }
0x67: {  	s0 =	simm.s32 $0x2980;
	s31 =	sadd.s32 $0x8000, s26  }
0x68: {  	[spmem:s3] =	stream.indirect.scatter.add.f32 [tilespmem:s31], [sflag:$0x2], $0x20, s0, s20, $0xb8;
	[tilespmem:$0x1F000] =	vst v63  }
0x69: {  	s1 =	sadd.s32 $0x9000, s26;
	s4 =	simm.s32 $0x2A00  }
0x6a: {  	[spmem:s3] =	stream.indirect.scatter.add.f32 [tilespmem:s1], [sflag:$0x2], $0x20, s4, s20, $0xb8;
	[tilespmem:$0x1F000] =	vst v63  }
0x6b: {  	s5 =	sadd.s32 $0xA000, s26;
	s6 =	simm.s32 $0x2A80  }
0x6c: {  	[spmem:s3] =	stream.indirect.scatter.add.f32 [tilespmem:s5], [sflag:$0x2], $0x20, s6, s20, $0xb8;
	[tilespmem:$0x1F000] =	vst v63  }
0x6d: {  	p0 =	por $0x0, $0x0;
	s16 =	sadd.s32 $0xB000, s26;
	s30 =	simm.s32 $0x2B00  }
0x6e: {  	[spmem:s3] =	stream.indirect.scatter.add.f32 [tilespmem:s16], [sflag:$0x2], $0x20, s30, s20, $0xb8;
	[tilespmem:$0x1F000] =	vst v63  }
0x6f: {  	s25 =	sshll.u32 @!p0 s25, $0xC;
	s26 =	sadd.s32 $0xC000, s26;
	s31 =	simm.s32 $0x2B80  }
0x70: {  	[spmem:s3] =	stream.indirect.scatter.add.f32 [tilespmem:s26], [sflag:$0x2], $0x20, s31, s20, $0xb8;
	[tilespmem:$0x1F000] =	vst v63  }
0x71: {  	s28 =	simm.s32 @!p0 $0x80;
	s29 =	ssub.s32 @!p0 $0xD000, s25;
	s26 =	simm.s32 @!p0 $0x400  }
0x72: {  	[tilespmem:s29], [sflag:$0x1] =	stream.indirect.gather @!p0 [spmem:s2], $0x20, s26, s28, $0xb8;
	[tilespmem:$0x1F000] =	vst v63  }
0x73: {  	s26 =	simm.s32 @!p0 $0x480;
	s29 =	ssub.s32 @!p0 $0xE000, s25  }
0x74: {  	[tilespmem:s29], [sflag:$0x1] =	stream.indirect.gather @!p0 [spmem:s2], $0x20, s26, s28, $0xb8;
	[tilespmem:$0x1F000] =	vst v63  }
0x75: {  	s26 =	simm.s32 @!p0 $0x500;
	s29 =	sxor.u32 @!p0 $0xF000, s25  }
0x76: {  	[tilespmem:s29], [sflag:$0x1] =	stream.indirect.gather @!p0 [spmem:s2], $0x20, s26, s28, $0xb8;
	[tilespmem:$0x1F000] =	vst v63  }
0x77: {  	s30 =	ssub.s32 @!p0 $0x10000, s25;
	s26 =	simm.s32 @!p0 $0x580  }
0x78: {  	[tilespmem:s30], [sflag:$0x1] =	stream.indirect.gather @!p0 [spmem:s2], $0x20, s26, s28, $0xb8;
	[tilespmem:$0x1F000] =	vst v63  }
0x79: {  	s26 =	ssub.s32 @!p0 $0x11000, s25;
	s30 =	simm.s32 @!p0 $0x600  }
0x7a: {  	[tilespmem:s26], [sflag:$0x1] =	stream.indirect.gather @!p0 [spmem:s2], $0x20, s30, s28, $0xb8;
	[tilespmem:$0x1F000] =	vst v63  }
0x7b: {  	s26 =	ssub.s32 @!p0 $0x12000, s25;
	s30 =	simm.s32 @!p0 $0x680  }
0x7c: {  	[tilespmem:s26], [sflag:$0x1] =	stream.indirect.gather @!p0 [spmem:s2], $0x20, s30, s28, $0xb8;
	[tilespmem:$0x1F000] =	vst v63  }
0x7d: {  	s25 =	ssub.s32 @!p0 $0x13000, s25;
	s26 =	simm.s32 @!p0 $0x700  }
0x7e: {  	[tilespmem:s25], [sflag:$0x1] =	stream.indirect.gather @!p0 [spmem:s2], $0x20, s26, s28, $0xb8;
	[tilespmem:$0x1F000] =	vst v63  }
0x7f: {  	s25 =	sadd.s32 @!p0 $0x5000, s29;
	s26 =	simm.s32 @!p0 $0x780  }
0x80: {  	[tilespmem:s25], [sflag:$0x1] =	stream.indirect.gather @!p0 [spmem:s2], $0x20, s26, s28, $0xb8;
	[tilespmem:$0x1F000] =	vst v63  }
0x81: {  	_ =	swait.ge [sflag:s22], $0x1000  }
0x82: {  	[sflag:s22] =	ssyncset.done $0x0  }
0x83: {  	[sflag:s22] =	ssyncadd.s32 $0xFFFFF000  }
0x84: {  	_ =	swait.ge [sflag:s22], $0x1000  }
0x85: {  	[sflag:s22] =	ssyncset.done $0x0  }
0x86: {  	[sflag:s22] =	ssyncadd.s32 $0xFFFFF000  }
0x87: {  	_ =	swait.ge [sflag:s22], $0x1000  }
0x88: {  	[sflag:s22] =	ssyncset.done $0x0  }
0x89: {  	[sflag:s22] =	ssyncadd.s32 $0xFFFFF000  }
0x8a: {  	_ =	swait.ge [sflag:s22], $0x1000  }
0x8b: {  	[sflag:s22] =	ssyncset.done $0x0  }
0x8c: {  	[sflag:s22] =	ssyncadd.s32 $0xFFFFF000  }
0x8d: {  	_ =	swait.ge [sflag:s22], $0x1000  }
0x8e: {  	[sflag:s22] =	ssyncset.done $0x0  }
0x8f: {  	[sflag:s22] =	ssyncadd.s32 $0xFFFFF000  }
0x90: {  	_ =	swait.ge [sflag:s22], $0x1000  }
0x91: {  	[sflag:s22] =	ssyncset.done $0x0  }
0x92: {  	[sflag:s22] =	ssyncadd.s32 $0xFFFFF000  }
0x93: {  	_ =	swait.ge [sflag:s22], $0x1000  }
0x94: {  	s25 =	simm.s32 $0x1000;
	[sflag:s22] =	ssyncset.done $0x0  }
.LBB2_4:
0x95: {  	[sflag:s22] =	ssyncadd.s32 $0xFFFFF000  }
0x96: {  	s24 =	sadd.s32 $0x8, s24;
	s26 =	smov.u32 s25;
	s25 =	sadd.s32 $0x1000, s25  }
0x97: {  	p0 =	sne.s32 s25, $0xA000;
	_ =	swait.ge [sflag:s22], $0x1000  }
0x98: {  	[sflag:s22] =	ssyncset.done $0x0  }
0x99: {  	[sflag:s22] =	ssyncadd.s32 $0xFFFFF000  }
0x9a: {  	_ =	swait.ge [sflag:s21], $0x1000  }
0x9b: {  	[sflag:s21] =	ssyncset.done $0x0  }
0x9c: {  	[sflag:s21] =	ssyncadd.s32 $0xFFFFF000  }
0x9d: {  	_ =	swait.ge [sflag:s21], $0x1000  }
0x9e: {  	[sflag:s21] =	ssyncset.done $0x0  }
0x9f: {  	[sflag:s21] =	ssyncadd.s32 $0xFFFFF000  }
0xa0: {  	_ =	swait.ge [sflag:s21], $0x1000  }
0xa1: {  	[sflag:s21] =	ssyncset.done $0x0  }
0xa2: {  	[sflag:s21] =	ssyncadd.s32 $0xFFFFF000  }
0xa3: {  	_ =	swait.ge [sflag:s21], $0x1000  }
0xa4: {  	[sflag:s21] =	ssyncset.done $0x0  }
0xa5: {  	[sflag:s21] =	ssyncadd.s32 $0xFFFFF000  }
0xa6: {  	_ =	swait.ge [sflag:s21], $0x1000  }
0xa7: {  	[sflag:s21] =	ssyncset.done $0x0  }
0xa8: {  	[sflag:s21] =	ssyncadd.s32 $0xFFFFF000  }
0xa9: {  	_ =	swait.ge [sflag:s21], $0x1000  }
0xaa: {  	[sflag:s21] =	ssyncset.done $0x0  }
0xab: {  	[sflag:s21] =	ssyncadd.s32 $0xFFFFF000  }
0xac: {  	s28 =	sand.u32 $0x8, s24;
	p1 =	seq.s32 s26, $0x9000;
	_ =	swait.ge [sflag:s21], $0x1000  }
0xad: {  	s1 =	sshra.s32 s26, $0x2;
	s0 =	sshll.u32 s28, $0xC;
	[sflag:s21] =	ssyncset.done $0x0  }
0xae: {  	s4 =	sadd.s32 $0x2800, s1;
	s16 =	sor.u32 $0x5000, s0;
	[sflag:s21] =	ssyncadd.s32 $0xFFFFF000  }
0xaf: {  	s31 =	sshll.u32 @!p1 s28, $0xC;
	_ =	swait.ge [sflag:s21], $0x1000  }
0xb0: {  	s30 =	ssub.s32 @!p1 $0x11000, s31;
	s29 =	ssub.s32 @!p1 $0x12000, s31;
	[sflag:s21] =	ssyncset.done $0x0  }
0xb1: {  	s28 =	ssub.s32 @!p1 $0x13000, s31;
	[sflag:s21] =	ssyncadd.s32 $0xFFFFF000  }
0xb2: {  	[spmem:s3] =	stream.indirect.scatter.add.f32 [tilespmem:s16], [sflag:$0x2], $0x20, s4, s20, $0xb8;
	[tilespmem:$0x1F000] =	vst v63  }
0xb3: {  	s4 =	sor.u32 $0x6000, s0;
	s16 =	sadd.s32 $0x2880, s1  }
0xb4: {  	[spmem:s3] =	stream.indirect.scatter.add.f32 [tilespmem:s4], [sflag:$0x2], $0x20, s16, s20, $0xb8;
	[tilespmem:$0x1F000] =	vst v63  }
0xb5: {  	s4 =	sor.u32 $0x7000, s0;
	s16 =	sadd.s32 $0x2900, s1  }
0xb6: {  	[spmem:s3] =	stream.indirect.scatter.add.f32 [tilespmem:s4], [sflag:$0x2], $0x20, s16, s20, $0xb8;
	[tilespmem:$0x1F000] =	vst v63  }
0xb7: {  	s4 =	sadd.s32 $0x8000, s0;
	s16 =	sadd.s32 $0x2980, s1  }
0xb8: {  	[spmem:s3] =	stream.indirect.scatter.add.f32 [tilespmem:s4], [sflag:$0x2], $0x20, s16, s20, $0xb8;
	[tilespmem:$0x1F000] =	vst v63  }
0xb9: {  	s5 =	sadd.s32 $0x2B80, s1;
	s4 =	sadd.s32 $0x9000, s0;
	s16 =	sadd.s32 $0x2A00, s1  }
0xba: {  	[spmem:s3] =	stream.indirect.scatter.add.f32 [tilespmem:s4], [sflag:$0x2], $0x20, s16, s20, $0xb8;
	[tilespmem:$0x1F000] =	vst v63  }
0xbb: {  	s6 =	sadd.s32 $0xC000, s0;
	s4 =	sadd.s32 $0xA000, s0;
	s16 =	sadd.s32 $0x2A80, s1  }
0xbc: {  	[spmem:s3] =	stream.indirect.scatter.add.f32 [tilespmem:s4], [sflag:$0x2], $0x20, s16, s20, $0xb8;
	[tilespmem:$0x1F000] =	vst v63  }
0xbd: {  	s0 =	sadd.s32 $0xB000, s0;
	s1 =	sadd.s32 $0x2B00, s1;
	s4 =	sshra.s32 @!p1 s26, $0x2  }
0xbe: {  	[spmem:s3] =	stream.indirect.scatter.add.f32 [tilespmem:s0], [sflag:$0x2], $0x20, s1, s20, $0xb8;
	[tilespmem:$0x1F000] =	vst v63  }
0xbf: {  	s0 =	sadd.s32 @!p1 $0x400, s4;
	s1 =	simm.s32 @!p1 $0x80  }
0xc0: {  	[spmem:s3] =	stream.indirect.scatter.add.f32 [tilespmem:s6], [sflag:$0x2], $0x20, s5, s20, $0xb8;
	[tilespmem:$0x1F000] =	vst v63  }
0xc1: {  	s5 =	ssub.s32 @!p1 $0xD000, s31;
	s6 =	sadd.s32 @!p1 $0x480, s4  }
0xc2: {  	[tilespmem:s5], [sflag:$0x1] =	stream.indirect.gather @!p1 [spmem:s2], $0x20, s0, s1, $0xb8;
	[tilespmem:$0x1F000] =	vst v63  }
0xc3: {  	s0 =	ssub.s32 @!p1 $0xE000, s31;
	s5 =	sadd.s32 @!p1 $0x500, s4  }
0xc4: {  	[tilespmem:s0], [sflag:$0x1] =	stream.indirect.gather @!p1 [spmem:s2], $0x20, s6, s1, $0xb8;
	[tilespmem:$0x1F000] =	vst v63  }
0xc5: {  	s0 =	sxor.u32 @!p1 $0xF000, s31;
	s6 =	sadd.s32 @!p1 $0x580, s4  }
0xc6: {  	[tilespmem:s0], [sflag:$0x1] =	stream.indirect.gather @!p1 [spmem:s2], $0x20, s5, s1, $0xb8;
	[tilespmem:$0x1F000] =	vst v63  }
0xc7: {  	s16 =	sadd.s32 @!p1 $0x600, s4;
	s5 =	ssub.s32 @!p1 $0x10000, s31;
	s0 =	sadd.s32 @!p1 $0x5000, s0  }
0xc8: {  	[tilespmem:s5], [sflag:$0x1] =	stream.indirect.gather @!p1 [spmem:s2], $0x20, s6, s1, $0xb8;
	[tilespmem:$0x1F000] =	vst v63  }
0xc9: {  	s5 =	sadd.s32 @!p1 $0x680, s4  }
0xca: {  	[tilespmem:s30], [sflag:$0x1] =	stream.indirect.gather @!p1 [spmem:s2], $0x20, s16, s1, $0xb8;
	[tilespmem:$0x1F000] =	vst v63  }
0xcb: {  	s6 =	sadd.s32 @!p1 $0x700, s4  }
0xcc: {  	[tilespmem:s29], [sflag:$0x1] =	stream.indirect.gather @!p1 [spmem:s2], $0x20, s5, s1, $0xb8;
	[tilespmem:$0x1F000] =	vst v63  }
0xcd: {  	s4 =	sadd.s32 @!p1 $0x780, s4  }
0xce: {  	[tilespmem:s28], [sflag:$0x1] =	stream.indirect.gather @!p1 [spmem:s2], $0x20, s6, s1, $0xb8;
	[tilespmem:$0x1F000] =	vst v63  }
0xcf: {  	_ = 	snop  }
0xd0: {  	[tilespmem:s0], [sflag:$0x1] =	stream.indirect.gather @!p1 [spmem:s2], $0x20, s4, s1, $0xb8;
	[tilespmem:$0x1F000] =	vst v63  }
0xd1: {  	_ =	swait.ge [sflag:s22], $0x1000  }
0xd2: {  	[sflag:s22] =	ssyncset.done $0x0  }
0xd3: {  	[sflag:s22] =	ssyncadd.s32 $0xFFFFF000  }
0xd4: {  	_ =	swait.ge [sflag:s22], $0x1000  }
0xd5: {  	[sflag:s22] =	ssyncset.done $0x0  }
0xd6: {  	[sflag:s22] =	ssyncadd.s32 $0xFFFFF000  }
0xd7: {  	_ =	swait.ge [sflag:s22], $0x1000  }
0xd8: {  	[sflag:s22] =	ssyncset.done $0x0  }
0xd9: {  	[sflag:s22] =	ssyncadd.s32 $0xFFFFF000  }
0xda: {  	_ =	swait.ge [sflag:s22], $0x1000  }
0xdb: {  	[sflag:s22] =	ssyncset.done $0x0  }
0xdc: {  	[sflag:s22] =	ssyncadd.s32 $0xFFFFF000  }
0xdd: {  	_ =	swait.ge [sflag:s22], $0x1000  }
0xde: {  	[sflag:s22] =	ssyncset.done $0x0  }
0xdf: {  	[sflag:s22] =	ssyncadd.s32 $0xFFFFF000  }
.Ltmp1:
0xe0: {  	_ =	swait.ge [sflag:s22], $0x1000;
	(pc) =	sbr.rel @p0 .LBB2_4-.Ltmp1, $4  }
0xe1: {  	[sflag:s22] =	ssyncset.done $0x0  }
0xe2: {  	[sflag:s22] =	ssyncadd.s32 $0xFFFFF000  }
0xe3: {  	_ =	swait.ge [sflag:s22], $0x1000  }
0xe4: {  	[sflag:s22] =	ssyncset.done $0x0  }
0xe5: {  	[sflag:s22] =	ssyncadd.s32 $0xFFFFF000  }
0xe6: {  	_ =	swait.ge [sflag:s22], $0x1000  }
0xe7: {  	s23 =	sadd.s32 $0x1, s23;
	[sflag:s22] =	ssyncset.done $0x0  }
0xe8: {  	p0 =	sne.s32 s23, s14;
	[sflag:s22] =	ssyncadd.s32 $0xFFFFF000  }
.Ltmp2:
0xe9: {  	s0 =	sshrl.u32 s8, $0x3;
	[bflag:$0x0] =	sbarrier.arrive $0xFFFF;
	(pc) =	sbr.rel @p0 .LBB2_1-.Ltmp2, $4  }
0xea: {  	[hbm:s13], [sflag:s17] =	dma.local [spmem:s0], $0xA00  }
0xeb: {  	_ =	swait.ge [sflag:s15], $0xA00  }
0xec: {  	[sflag:s15] =	ssyncset.done $0x0  }
0xed: {  	[sflag:s15] =	ssyncadd.s32 $0xFFFFF600  }
0xee: {  	_ =	sfence.sel $0x180000  }
0xef: {  	[bflag:$0x0] =	sbarrier.arrive $0xFFFF  }
0xf0: {  	_ =	strace $0x9000004D  }
0xf1: {  	s0 =	stileid.u32;
	[bflag:$0x2] =	sbarrier.arrive $0xFFFF  }
0xf2: {  	p0 =	sne.s32 s0, $0x0;
	s0 =	rddreg [dreg:$0x3]  }
0xf3: {  	s0 =	sadd.s32 @!p0 $0x100000, s0  }
0xf4: {  	[sflag:s0] =	ssyncadd.tile.s32 @!p0 $0x1;
	_ =	shalt  }
.Lfunc_end2:
_tile_overlayer_lowered:
.L_overlay_start_2:
0xf5: {  	(tag) =	ssettag $0x2  }
0xf6: {  	s0 =	rddreg [dreg:$0x0];
	s2 =	stileid.u32  }
0xf7: {  	s1 =	rddreg [dreg:$0x1];
	p0 =	sne.s32 s2, $0x0  }
0xf8: {  	s3 =	rddreg [dreg:$0x2];
	[bflag:$0x3] =	sbarrier.arrive $0xFFFF;
	s2 =	simm.s32 @!p0 $0x1C03  }
0xf9: {  	[timem:s3], [sflag:s2] =	dma.local @!p0 [hbm:s0], s1  }
0xfa: {  	s0 =	simm.s32 @!p0 $0x3  }
0xfb: {  	_ =	swait.ge @!p0 [sflag:s0], s1  }
0xfc: {  	s1 =	ssub.s32 @!p0 $0x0, s1;
	[sflag:s0] =	ssyncset.done @!p0 $0x0  }
0xfd: {  	[sflag:s0] =	ssyncadd.s32 @!p0 s1  }
0xfe: {  	[bflag:$0x3] =	sbarrier.arrive $0xFFFF  }
0xff: {  	_ =	shalt  }

// kernel: kernel.20.cloned.1.call-start
scs
__scs_entry_jumppad:
0x0: {  	(pc) =	sbr.rel $0x88, $3  }
0x1: {  	(tag) =	ssettag $0x0;
	lr =	simm.s32 $0x1  }
0x2: {  	[smem:$0x3F92] =	sst lr;
	_ =	strace $0xD0000000  }
0x3: {  	_ = 	snop  }
0x4: {  	_ = 	snop  }
0x5: {  	_ = 	snop  }
0x6: {  	_ = 	snop  }
0x7: {  	_ = 	snop  }
__scs_overlays_trampoline_lowered:
0x8: {  	[smem:$0x3FA1] =	sst s0  }
0x9: {  	[smem:$0x3FA2] =	sst s1  }
0xa: {  	[smem:$0x3FA3] =	sst s2  }
0xb: {  	[smem:$0x3FA4] =	sst s3  }
0xc: {  	[smem:$0x3FA5] =	sst s4  }
0xd: {  	[smem:$0x3FA6] =	sst s5  }
0xe: {  	[smem:$0x3FA7] =	sst s6  }
0xf: {  	[smem:$0x3FA8] =	sst s7  }
0x10: {  	[smem:$0x3FA9] =	sst s8  }
0x11: {  	[smem:$0x3FAA] =	sst s9;
	s0 =	simm.s32 @!p0 $0x0  }
0x12: {  	s1 =	sld [smem:$0x3F90];
	s0 =	simm.s32 @p0 $0x1  }
0x13: {  	[smem:$0x3FAB] =	sst s0;
	s0 =	simm.s32 @!p1 $0x0  }
0x14: {  	s2 =	sld [smem:$0x3F8F];
	s0 =	simm.s32 @p1 $0x1  }
0x15: {  	[smem:$0x3FAC] =	sst s0;
	s0 =	simm.s32 @!p2 $0x0  }
0x16: {  	s3 =	sld [smem:$0x3FDB];
	s0 =	simm.s32 @p2 $0x1  }
0x17: {  	s4 =	simm.s32 $0x1BF5;
	[smem:$0x3FAE] =	sst s0  }
0x18: {  	s0 =	sld [smem:$0x3F91];
	_ =	swait.ge [sflag:s4], $0x0  }
0x19: {  	s7 =	sld [smem:$0x3F92]  }
0x1a: {  	s8 =	sadd.s32 $0xFFFFE003, lr  }
0x1b: {  	s9 =	sadd.s32 $0xFFFFFEF7, lr;
	s5 =	simm.s32 $0xFFFFFFFF;
	p2 =	slt.u32 s8, $0xFFFFF086  }
0x1c: {  	p1 =	slt.u32 s9, $0xF7A;
	s5 =	simm.s32 @!p2 $0x0  }
0x1d: {  	s5 =	simm.s32 @p1 $0x1;
	p0 =	seq.s32 s7, s2  }
0x1e: {  	s7 =	smul.u32 @!p0 $0xF7A, s2;
	p2 =	seq.s32 @!p0 s5, $0x0  }
0x1f: {  	s9 =	smul.u32 $0xF7A, s1;
	s8 =	simm.s32 @!p0 $0x1BF5;
	p2 =	por !p2, p0  }
0x20: {  	[sflag:s8] =	ssyncset.s32 @!p0 $0xFFFFF086;
	s6 =	sadd.s32 @!p0 s3, s7;
	s7 =	simm.s32 @!p0 $0x108  }
0x21: {  	s3 =	sadd.s32 s3, s9;
	s6 =	sadd.s32 @!p0 $0x88, s6;
	s7 =	simm.s32 @p2 $0x1082  }
0x22: {  	[simem:s7], [sflag:s8] =	dma.local @!p0 [hbm:s6], $0xF7A  }
0x23: {  	s9 =	sor.u32 $0xD0000000, s2;
	s6 =	simm.s32 $0x108;
	_ =	swait.ge @!p0 [sflag:s8], $0x0  }
0x24: {  	s3 =	sadd.s32 $0x88, s3;
	s6 =	simm.s32 @!p1 $0x1082;
	[sflag:s4] =	ssyncset.s32 $0xFFFFF086  }
0x25: {  	[simem:s6], [sflag:s4] =	dma.local [hbm:s3], $0xF7A  }
0x26: {  	[smem:$0x3F92] =	sst s1;
	(tag) =	ssettag s2;
	_ =	strace s9  }
0x27: {  	s1 =	sld [smem:$0x3FA2]  }
0x28: {  	s2 =	sld [smem:$0x3FA3]  }
0x29: {  	s4 =	sld [smem:$0x3FA5]  }
0x2a: {  	p0 =	seq.s32 s5, $0x0;
	s5 =	sld [smem:$0x3FA6]  }
0x2b: {  	s6 =	sld [smem:$0x3FA7]  }
0x2c: {  	s7 =	sld [smem:$0x3FA8]  }
0x2d: {  	s3 =	simm.s32 $0x108;
	s8 =	sld [smem:$0x3FA9]  }
0x2e: {  	s3 =	simm.s32 @!p0 $0x1082;
	s9 =	sld [smem:$0x3FAA]  }
0x2f: {  	lr =	sadd.s32 s0, s3;
	s0 =	sld [smem:$0x3FA1]  }
0x30: {  	s3 =	sld [smem:$0x3FA4]  }
0x31: {  	[smem:$0x3FAD] =	sst s10  }
0x32: {  	s10 =	sld [smem:$0x3FAB];
	_ =	sdelay $0x3  }
0x33: {  	p0 =	seq.s32 s10, $0x1;
	s10 =	sld [smem:$0x3FAD];
	_ =	sdelay $0x3  }
0x34: {  	[smem:$0x3FAD] =	sst s10  }
0x35: {  	s10 =	sld [smem:$0x3FAC];
	_ =	sdelay $0x3  }
0x36: {  	p1 =	seq.s32 s10, $0x1;
	s10 =	sld [smem:$0x3FAD];
	_ =	sdelay $0x3  }
0x37: {  	[smem:$0x3FAD] =	sst s10  }
0x38: {  	s10 =	sld [smem:$0x3FAE]  }
0x39: {  	_ = 	snop;
	(pc) =	sbr.ind lr, $3  }
0x3a: {  	_ = 	snop  }
0x3b: {  	_ = 	snop  }
0x3c: {  	p2 =	seq.s32 s10, $0x1;
	s10 =	sld [smem:$0x3FAD]  }
0x3d: {  	_ =	shalt  }
0x3e: {  	_ =	shalt  }
0x3f: {  	_ =	shalt  }
0x40: {  	_ =	shalt  }
0x41: {  	_ =	shalt  }
0x42: {  	_ =	shalt  }
0x43: {  	_ =	shalt  }
0x44: {  	_ =	shalt  }
0x45: {  	_ =	shalt  }
0x46: {  	_ =	shalt  }
0x47: {  	_ =	shalt  }
0x48: {  	_ =	shalt  }
0x49: {  	_ =	shalt  }
0x4a: {  	_ =	shalt  }
0x4b: {  	_ =	shalt  }
0x4c: {  	_ =	shalt  }
0x4d: {  	_ =	shalt  }
0x4e: {  	_ =	shalt  }
0x4f: {  	_ =	shalt  }
0x50: {  	_ =	shalt  }
0x51: {  	_ =	shalt  }
0x52: {  	_ =	shalt  }
0x53: {  	_ =	shalt  }
0x54: {  	_ =	shalt  }
0x55: {  	_ =	shalt  }
0x56: {  	_ =	shalt  }
0x57: {  	_ =	shalt  }
0x58: {  	_ =	shalt  }
0x59: {  	_ =	shalt  }
0x5a: {  	_ =	shalt  }
0x5b: {  	_ =	shalt  }
0x5c: {  	_ =	shalt  }
0x5d: {  	_ =	shalt  }
0x5e: {  	_ =	shalt  }
0x5f: {  	_ =	shalt  }
0x60: {  	_ =	shalt  }
0x61: {  	_ =	shalt  }
0x62: {  	_ =	shalt  }
0x63: {  	_ =	shalt  }
0x64: {  	_ =	shalt  }
0x65: {  	_ =	shalt  }
0x66: {  	_ =	shalt  }
0x67: {  	_ =	shalt  }
0x68: {  	_ =	shalt  }
0x69: {  	_ =	shalt  }
0x6a: {  	_ =	shalt  }
0x6b: {  	_ =	shalt  }
0x6c: {  	_ =	shalt  }
0x6d: {  	_ =	shalt  }
0x6e: {  	_ =	shalt  }
0x6f: {  	_ =	shalt  }
0x70: {  	_ =	shalt  }
0x71: {  	_ =	shalt  }
0x72: {  	_ =	shalt  }
0x73: {  	_ =	shalt  }
0x74: {  	_ =	shalt  }
0x75: {  	_ =	shalt  }
0x76: {  	_ =	shalt  }
0x77: {  	_ =	shalt  }
0x78: {  	_ =	shalt  }
0x79: {  	_ =	shalt  }
0x7a: {  	_ =	shalt  }
0x7b: {  	_ =	shalt  }
0x7c: {  	_ =	shalt  }
0x7d: {  	_ =	shalt  }
0x7e: {  	_ =	shalt  }
0x7f: {  	_ =	shalt  }
0x80: {  	_ =	shalt  }
0x81: {  	_ =	shalt  }
0x82: {  	_ =	shalt  }
0x83: {  	_ =	shalt  }
0x84: {  	_ =	shalt  }
0x85: {  	_ =	shalt  }
0x86: {  	_ =	shalt  }
0x87: {  	_ =	shalt  }
.Lfunc_end0:
.L_simem_size_0:
called_computation.3_lowered:
.L_overlay_start_0:
0x88: {  	s2 =	sld [smem:$0x3FD9]  }
0x89: {  	s3 =	sld [smem:$0x3FFE];
	_ =	sdelay $0x1  }
0x8a: {  	s1 =	srdreg.scid  }
0x8b: {  	s0 =	sand.u32 $0x1, s1  }
0x8c: {  	s16 =	sshll.u32 s0, $0xA;
	s2 =	sadd.s32 s3, s2  }
0x8d: {  	s2 =	sadd.s32 s2, s16  }
0x8e: {  	[smem:$0x3FB9] =	sst s2  }
0x8f: {  	_ = 	snop  }
0x90: {  	(tm) =	ssettm $0x1  }
0x91: {  	s17 =	sld [smem:$0x3FFB];
	_ =	sdelay $0x3  }
0x92: {  	_ =	strace s17  }
0x93: {  	s2 =	sld [smem:$0x3FFC];
	_ =	sdelay $0x3  }
0x94: {  	_ =	strace s2  }
0x95: {  	s2 =	sld [smem:$0x3FFD];
	_ =	sdelay $0x3  }
0x96: {  	_ =	strace s2  }
0x97: {  	_ =	strace $0x8FFFFFFF  }
0x98: {  	s18 =	sld [smem:$0x3FDB];
	_ =	sdelay $0x1  }
0x99: {  	s19 =	simm.s32 $_scs_section_size  }
0x9a: {  	s4 =	simm.s32 $_size__tile_overlayer_lowered;
	s5 =	simm.s32 $_tile_overlayer_lowered  }
0x9b: {  	s22 =	simm.s32 $0x1BFF;
	s21 =	sshll.u32 s5, $0x1;
	s2 =	sadd.s32 s19, s18  }
0x9c: {  	s6 =	simm.s32 $0x0;
	s20 =	sshll.u32 s4, $0x1;
	s4 =	sadd.s32 s21, s2  }
0x9d: {  	[timem:s6], [sflag:s22] =	dma.local [hbm:s4], s20  }
0x9e: {  	_ =	swait.ge [sflag:s22], s20  }
0x9f: {  	s3 =	ssub.s32 $0x0, s20;
	[sflag:s22] =	ssyncset.done $0x0  }
0xa0: {  	[sflag:s22] =	ssyncadd.s32 s3;
	_ =	sdelay $0x1  }
0xa1: {  	s23 =	simm.s32 $0x1B8B  }
0xa2: {  	_ =	swait.ge [sflag:s23], $0x1  }
0xa3: {  	[sflag:s23] =	ssyncset.done $0x0  }
0xa4: {  	s25 =	simm.s32 $0x1B8E;
	s24 =	sld [smem:$0x3FFE];
	[sflag:s23] =	ssyncadd.s32 $0xFFFFFFFF  }
0xa5: {  	s26 =	simm.s32 $execute0_lowered;
	[smem:$0x3FD2] =	sst s25  }
0xa6: {  	s4 =	sshll.u32 s26, $0x1;
	_ =	strace $0x8000004F;
	[dreg:$0x1] =	wrdreg $0xFFFFFFFF  }
0xa7: {  	s28 =	simm.s32 $_size_execute0_lowered;
	s2 =	sadd.s32 s2, s4;
	[dreg:$0x0] =	wrdreg $0x0  }
0xa8: {  	s4 =	sshll.u32 s28, $0x1;
	[dreg:$0x2] =	wrdreg s2  }
0xa9: {  	[dreg:$0x3] =	wrdreg s4  }
0xaa: {  	[dreg:$0x4] =	wrdreg $0xC0  }
0xab: {  	_ =	task [dreg:s6], $0x5FFFF  }
0xac: {  	[dreg:$0x1] =	wrdreg $0xFFFFFFFF  }
0xad: {  	[dreg:$0x0] =	wrdreg $0x60  }
0xae: {  	[dreg:$0x2] =	wrdreg s24  }
0xaf: {  	[dreg:$0x3] =	wrdreg $0x1A0000  }
0xb0: {  	[dreg:$0x4] =	wrdreg $0x150000  }
0xb1: {  	[dreg:$0x5] =	wrdreg $0x9  }
0xb2: {  	_ =	task.clear_ibuf [dreg:s6], $0x6FFFF;
	_ =	strace $0x9000004F  }
0xb3: {  	s29 =	simm.s32 $0x9;
	_ =	strace $0x80000051  }
0xb4: {  	_ =	swait.ge [sflag:s29], $0x1  }
0xb5: {  	[sflag:s29] =	ssyncadd.s32 $0xFFFFFFFF  }
0xb6: {  	_ =	strace $0x90000051  }
0xb7: {  	_ =	sfence  }
0xb8: {  	s30 =	sld [smem:$0x0];
	_ =	sdelay $0x2  }
0xb9: {  	s31 =	sshll.u32 s1, $0xD;
	s1 =	sshrl.u32 s1, $0x2  }
0xba: {  	s3 =	sand.u32 $0x4000, s31;
	s1 =	sadd.s32 s1, s30  }
0xbb: {  	s0 =	sor.u32 s3, s0;
	s1 =	sshll.u32 s1, $0x11  }
0xbc: {  	s0 =	sor.u32 s1, s0  }
0xbd: {  	s0 =	sadd.s32 $0x8F2B, s0  }
0xbe: {  	[sflag:s0] =	ssyncadd.remote.s32 $0x1  }
0xbf: {  	_ =	sfence.sel $0xFFFF  }
0xc0: {  	[dreg:$0x0] =	wrdreg $0xFFFFFFFF;
	(pc) =	sbr.abs _section_cstart, $3  }
0xc1: {  	[dreg:$0x1] =	wrdreg $0xFFFFFFFF  }
0xc2: {  	_ =	task.clear_ibuf [dreg:s6], $0x2FFFF;
	_ =	strace $0x9FFFFFFF  }
0xc3: {  	(tm) =	ssettm $0x7FFFFFFF  }
tec
execute0_lowered:
.L_overlay_start_1:
0x0: {  	(tag) =	ssettag $0x1  }
0x1: {  	s0 =	rddreg [dreg:$0x0]  }
0x2: {  	s2 =	rddreg [dreg:$0x1]  }
0x3: {  	s3 =	rddreg [dreg:$0x2]  }
0x4: {  	s4 =	stileid.u32;
	s6 =	simm.s32 $0x0;
	s5 =	srdreg.scid  }
0x5: {  	s15 =	simm.s32 $0x3;
	s19 =	simm.s32 $0x5000;
	s20 =	simm.s32 $0x80  }
0x6: {  	s21 =	simm.s32 $0x1;
	s22 =	simm.s32 $0x2;
	s1 =	smul.u32 $0x5000, s4  }
0x7: {  	[smem:$0x7FF] =	sst s6;
	s5 =	sand.u32 $0x1, s5;
	s10 =	smul.u32 $0x14000, s4  }
0x8: {  	s7 =	sshll.u32 s4, $0x1;
	s31 =	sshll.u32 s4, $0x6;
	s8 =	smul.u32 $0x50000, s5  }
0x9: {  	_ =	strace $0x80000050;
	s24 =	sor.u32 s5, s7;
	s5 =	ssub.s32 $0x2, s5  }
0xa: {  	s17 =	sor.u32 $0x1C03, s31;
	s23 =	sshrl.u32 s1, $0x3;
	s6 =	smul.u32 $0x500, s24  }
0xb: {  	s26 =	sshrl.u32 s5, $0x1;
	s30 =	sshrl.u32 s10, $0x2;
	s16 =	sadd.s32 s1, s2  }
0xc: {  	s9 =	sadd.s32 s23, s0;
	s25 =	sadd.s32 s1, s8;
	s14 =	ssub.s32 s5, s26  }
0xd: {  	s12 =	sadd.s32 s30, s3;
	s8 =	sadd.s32 s1, s3;
	s18 =	sshrl.u32 s16, $0x3  }
0xe: {  	s23 =	simm.s32 $0x0;
	s7 =	sshrl.u32 s25, $0x3;
	s6 =	sadd.s32 s6, s0  }
0xf: {  	s10 =	sadd.s32 $0x2000, s12;
	s11 =	sadd.s32 $0x3000, s12;
	s14 =	smax.u32 s14, $0x1  }
0x10: {  	s0 =	sadd.s32 s7, s0;
	s28 =	sadd.s32 $0x17E00, s6;
	s29 =	sadd.s32 $0x3E00, s6  }
0x11: {  	s7 =	sadd.s32 $0xDE00, s9;
	s9 =	sadd.s32 $0x1000, s12;
	[dreg:$0x4] =	wrdreg s28  }
0x12: {  	v0 =	vimm.f32 $0.0e+00;
	s12 =	sadd.s32 $0x4000, s12;
	[dreg:$0x5] =	wrdreg s29;
	s13 =	sadd.s32 $0x21E00, s0  }
.LBB2_1:
0x13: {  	s0 =	simm.s32 $0x0;
	s1 =	rddreg [dreg:$0x4]  }
0x14: {  	[tilespmem:s0], [sflag:$0x3] =	stream.linear.gather [hbm4b:s1+s0], $0x2800, $0x38;
	[tilespmem:$0x1F000] =	vst v63  }
0x15: {  	_ =	swait.ge [sflag:s15], $0x2800  }
0x16: {  	[sflag:s15] =	ssyncset.done $0x0  }
0x17: {  	s4 =	simm.s32 $0x2800;
	s31 =	rddreg [dreg:$0x5];
	[sflag:s15] =	ssyncadd.s32 $0xFFFFD800  }
0x18: {  	[tilespmem:s4], [sflag:$0x3] =	stream.linear.gather [hbm4b:s31+s0], $0x2800, $0x38;
	[tilespmem:$0x1F000] =	vst v63  }
0x19: {  	_ =	swait.ge [sflag:s15], $0x2800  }
0x1a: {  	[sflag:s15] =	ssyncset.done $0x0  }
0x1b: {  	[sflag:s15] =	ssyncadd.s32 $0xFFFFD800  }
0x1c: {  	[spmem:s18], [sflag:s17] =	dma.local [hbm:s7], $0xA00  }
0x1d: {  	_ =	swait.ge [sflag:s15], $0xA00  }
0x1e: {  	[sflag:s15] =	ssyncset.done $0x0  }
0x1f: {  	s24 =	simm.s32 $0x80;
	s25 =	simm.s32 $0x0;
	[sflag:s15] =	ssyncadd.s32 $0xFFFFF600  }
.LBB2_2:
0x20: {  	p0 =	sne.s32 s24, $0x3F80;
	[tilespmem:s25+$0x5000] =	vst v0;
	s26 =	smov.u32 s24;
	s24 =	sadd.s32 $0x80, s24  }
.Ltmp0:
0x21: {  	[tilespmem:s25+$0x5010] =	vst v0;
	(pc) =	sbr.rel @p0 .LBB2_2-.Ltmp0, $2  }
0x22: {  	_ =	sdelay $0x2  }
0x23: {  	s25 =	sshra.s32 s26, $0x2  }
0x24: {  	[tilespmem:s25+$0x5000] =	vst v0  }
0x25: {  	[tilespmem:s25+$0x5010] =	vst v0  }
0x26: {  	[spmem:s8] =	stream.linear.scatter [tilespmem:s19], [sflag:$0x3], $0x1000, $0x38;
	[tilespmem:$0x1F000] =	vst v63  }
0x27: {  	_ =	swait.ge [sflag:s15], $0x1000  }
0x28: {  	[sflag:s15] =	ssyncset.done $0x0  }
0x29: {  	[sflag:s15] =	ssyncadd.s32 $0xFFFFF000  }
0x2a: {  	[spmem:s9] =	stream.linear.scatter [tilespmem:s19], [sflag:$0x3], $0x1000, $0x38;
	[tilespmem:$0x1F000] =	vst v63  }
0x2b: {  	_ =	swait.ge [sflag:s15], $0x1000  }
0x2c: {  	[sflag:s15] =	ssyncset.done $0x0  }
0x2d: {  	[sflag:s15] =	ssyncadd.s32 $0xFFFFF000  }
0x2e: {  	[spmem:s10] =	stream.linear.scatter [tilespmem:s19], [sflag:$0x3], $0x1000, $0x38;
	[tilespmem:$0x1F000] =	vst v63  }
0x2f: {  	_ =	swait.ge [sflag:s15], $0x1000  }
0x30: {  	[sflag:s15] =	ssyncset.done $0x0  }
0x31: {  	[sflag:s15] =	ssyncadd.s32 $0xFFFFF000  }
0x32: {  	[spmem:s11] =	stream.linear.scatter [tilespmem:s19], [sflag:$0x3], $0x1000, $0x38;
	[tilespmem:$0x1F000] =	vst v63  }
0x33: {  	_ =	swait.ge [sflag:s15], $0x1000  }
0x34: {  	[sflag:s15] =	ssyncset.done $0x0  }
0x35: {  	[sflag:s15] =	ssyncadd.s32 $0xFFFFF000  }
0x36: {  	[spmem:s12] =	stream.linear.scatter [tilespmem:s19], [sflag:$0x3], $0x1000, $0x38;
	[tilespmem:$0x1F000] =	vst v63  }
0x37: {  	_ =	swait.ge [sflag:s15], $0x1000  }
0x38: {  	[sflag:s15] =	ssyncset.done $0x0  }
0x39: {  	[sflag:s15] =	ssyncadd.s32 $0xFFFFF000  }
0x3a: {  	s24 =	simm.s32 $0x0;
	[bflag:$0x0] =	sbarrier.arrive $0xFFFF  }
0x3b: {  	[tilespmem:s19], [sflag:$0x1] =	stream.indirect.gather [spmem:s2], $0x20, s24, s20, $0xb8;
	[tilespmem:$0x1F000] =	vst v63  }
0x3c: {  	s0 =	simm.s32 $0x6000  }
0x3d: {  	[tilespmem:s0], [sflag:$0x1] =	stream.indirect.gather [spmem:s2], $0x20, s20, s20, $0xb8;
	[tilespmem:$0x1F000] =	vst v63  }
0x3e: {  	s5 =	simm.s32 $0x100;
	s1 =	simm.s32 $0x7000  }
0x3f: {  	[tilespmem:s1], [sflag:$0x1] =	stream.indirect.gather [spmem:s2], $0x20, s5, s20, $0xb8;
	[tilespmem:$0x1F000] =	vst v63  }
0x40: {  	s6 =	simm.s32 $0x180;
	s16 =	simm.s32 $0x8000  }
0x41: {  	[tilespmem:s16], [sflag:$0x1] =	stream.indirect.gather [spmem:s2], $0x20, s6, s20, $0xb8;
	[tilespmem:$0x1F000] =	vst v63  }
0x42: {  	s25 =	simm.s32 $0x200;
	s26 =	simm.s32 $0x9000  }
0x43: {  	[tilespmem:s26], [sflag:$0x1] =	stream.indirect.gather [spmem:s2], $0x20, s25, s20, $0xb8;
	[tilespmem:$0x1F000] =	vst v63  }
0x44: {  	s28 =	simm.s32 $0x280;
	s29 =	simm.s32 $0xA000  }
0x45: {  	[tilespmem:s29], [sflag:$0x1] =	stream.indirect.gather [spmem:s2], $0x20, s28, s20, $0xb8;
	[tilespmem:$0x1F000] =	vst v63  }
0x46: {  	s30 =	simm.s32 $0x300;
	s31 =	simm.s32 $0xB000  }
0x47: {  	[tilespmem:s31], [sflag:$0x1] =	stream.indirect.gather [spmem:s2], $0x20, s30, s20, $0xb8;
	[tilespmem:$0x1F000] =	vst v63  }
0x48: {  	s4 =	simm.s32 $0xC000;
	s1 =	simm.s32 $0x380  }
0x49: {  	[tilespmem:s4], [sflag:$0x1] =	stream.indirect.gather [spmem:s2], $0x20, s1, s20, $0xb8;
	[tilespmem:$0x1F000] =	vst v63  }
0x4a: {  	_ =	swait.ge [sflag:s21], $0x1000  }
0x4b: {  	[sflag:s21] =	ssyncset.done $0x0  }
0x4c: {  	[sflag:s21] =	ssyncadd.s32 $0xFFFFF000  }
0x4d: {  	_ =	swait.ge [sflag:s21], $0x1000  }
0x4e: {  	[sflag:s21] =	ssyncset.done $0x0  }
0x4f: {  	[sflag:s21] =	ssyncadd.s32 $0xFFFFF000  }
0x50: {  	_ =	swait.ge [sflag:s21], $0x1000  }
0x51: {  	[sflag:s21] =	ssyncset.done $0x0  }
0x52: {  	[sflag:s21] =	ssyncadd.s32 $0xFFFFF000  }
0x53: {  	_ =	swait.ge [sflag:s21], $0x1000  }
0x54: {  	[sflag:s21] =	ssyncset.done $0x0  }
0x55: {  	[sflag:s21] =	ssyncadd.s32 $0xFFFFF000  }
0x56: {  	_ =	swait.ge [sflag:s21], $0x1000  }
0x57: {  	[sflag:s21] =	ssyncset.done $0x0  }
0x58: {  	[sflag:s21] =	ssyncadd.s32 $0xFFFFF000  }
0x59: {  	_ =	swait.ge [sflag:s21], $0x1000  }
0x5a: {  	[sflag:s21] =	ssyncset.done $0x0  }
0x5b: {  	[sflag:s21] =	ssyncadd.s32 $0xFFFFF000  }
0x5c: {  	_ =	swait.ge [sflag:s21], $0x1000  }
0x5d: {  	[sflag:s21] =	ssyncset.done $0x0  }
0x5e: {  	[sflag:s21] =	ssyncadd.s32 $0xFFFFF000  }
0x5f: {  	s25 =	sand.u32 $0x8, s24;
	_ =	swait.ge [sflag:s21], $0x1000  }
0x60: {  	s26 =	sshll.u32 s25, $0xC;
	[sflag:s21] =	ssyncset.done $0x0  }
0x61: {  	s28 =	sor.u32 $0x5000, s26;
	s29 =	simm.s32 $0x2800;
	[sflag:s21] =	ssyncadd.s32 $0xFFFFF000  }
0x62: {  	[spmem:s3] =	stream.indirect.scatter.add.f32 [tilespmem:s28], [sflag:$0x2], $0x20, s29, s20, $0xb8;
	[tilespmem:$0x1F000] =	vst v63  }
0x63: {  	s6 =	simm.s32 $0x2880;
	s5 =	sor.u32 $0x6000, s26  }
0x64: {  	[spmem:s3] =	stream.indirect.scatter.add.f32 [tilespmem:s5], [sflag:$0x2], $0x20, s6, s20, $0xb8;
	[tilespmem:$0x1F000] =	vst v63  }
0x65: {  	s16 =	sor.u32 $0x7000, s26;
	s30 =	simm.s32 $0x2900  }
0x66: {  	[spmem:s3] =	stream.indirect.scatter.add.f32 [tilespmem:s16], [sflag:$0x2], $0x20, s30, s20, $0xb8;
	[tilespmem:$0x1F000] =	vst v63  }
0x67: {  	s0 =	simm.s32 $0x2980;
	s31 =	sadd.s32 $0x8000, s26  }
0x68: {  	[spmem:s3] =	stream.indirect.scatter.add.f32 [tilespmem:s31], [sflag:$0x2], $0x20, s0, s20, $0xb8;
	[tilespmem:$0x1F000] =	vst v63  }
0x69: {  	s1 =	sadd.s32 $0x9000, s26;
	s4 =	simm.s32 $0x2A00  }
0x6a: {  	[spmem:s3] =	stream.indirect.scatter.add.f32 [tilespmem:s1], [sflag:$0x2], $0x20, s4, s20, $0xb8;
	[tilespmem:$0x1F000] =	vst v63  }
0x6b: {  	s5 =	sadd.s32 $0xA000, s26;
	s6 =	simm.s32 $0x2A80  }
0x6c: {  	[spmem:s3] =	stream.indirect.scatter.add.f32 [tilespmem:s5], [sflag:$0x2], $0x20, s6, s20, $0xb8;
	[tilespmem:$0x1F000] =	vst v63  }
0x6d: {  	p0 =	por $0x0, $0x0;
	s16 =	sadd.s32 $0xB000, s26;
	s30 =	simm.s32 $0x2B00  }
0x6e: {  	[spmem:s3] =	stream.indirect.scatter.add.f32 [tilespmem:s16], [sflag:$0x2], $0x20, s30, s20, $0xb8;
	[tilespmem:$0x1F000] =	vst v63  }
0x6f: {  	s25 =	sshll.u32 @!p0 s25, $0xC;
	s26 =	sadd.s32 $0xC000, s26;
	s31 =	simm.s32 $0x2B80  }
0x70: {  	[spmem:s3] =	stream.indirect.scatter.add.f32 [tilespmem:s26], [sflag:$0x2], $0x20, s31, s20, $0xb8;
	[tilespmem:$0x1F000] =	vst v63  }
0x71: {  	s28 =	simm.s32 @!p0 $0x80;
	s29 =	ssub.s32 @!p0 $0xD000, s25;
	s26 =	simm.s32 @!p0 $0x400  }
0x72: {  	[tilespmem:s29], [sflag:$0x1] =	stream.indirect.gather @!p0 [spmem:s2], $0x20, s26, s28, $0xb8;
	[tilespmem:$0x1F000] =	vst v63  }
0x73: {  	s26 =	simm.s32 @!p0 $0x480;
	s29 =	ssub.s32 @!p0 $0xE000, s25  }
0x74: {  	[tilespmem:s29], [sflag:$0x1] =	stream.indirect.gather @!p0 [spmem:s2], $0x20, s26, s28, $0xb8;
	[tilespmem:$0x1F000] =	vst v63  }
0x75: {  	s26 =	simm.s32 @!p0 $0x500;
	s29 =	sxor.u32 @!p0 $0xF000, s25  }
0x76: {  	[tilespmem:s29], [sflag:$0x1] =	stream.indirect.gather @!p0 [spmem:s2], $0x20, s26, s28, $0xb8;
	[tilespmem:$0x1F000] =	vst v63  }
0x77: {  	s30 =	ssub.s32 @!p0 $0x10000, s25;
	s26 =	simm.s32 @!p0 $0x580  }
0x78: {  	[tilespmem:s30], [sflag:$0x1] =	stream.indirect.gather @!p0 [spmem:s2], $0x20, s26, s28, $0xb8;
	[tilespmem:$0x1F000] =	vst v63  }
0x79: {  	s26 =	ssub.s32 @!p0 $0x11000, s25;
	s30 =	simm.s32 @!p0 $0x600  }
0x7a: {  	[tilespmem:s26], [sflag:$0x1] =	stream.indirect.gather @!p0 [spmem:s2], $0x20, s30, s28, $0xb8;
	[tilespmem:$0x1F000] =	vst v63  }
0x7b: {  	s26 =	ssub.s32 @!p0 $0x12000, s25;
	s30 =	simm.s32 @!p0 $0x680  }
0x7c: {  	[tilespmem:s26], [sflag:$0x1] =	stream.indirect.gather @!p0 [spmem:s2], $0x20, s30, s28, $0xb8;
	[tilespmem:$0x1F000] =	vst v63  }
0x7d: {  	s25 =	ssub.s32 @!p0 $0x13000, s25;
	s26 =	simm.s32 @!p0 $0x700  }
0x7e: {  	[tilespmem:s25], [sflag:$0x1] =	stream.indirect.gather @!p0 [spmem:s2], $0x20, s26, s28, $0xb8;
	[tilespmem:$0x1F000] =	vst v63  }
0x7f: {  	s25 =	sadd.s32 @!p0 $0x5000, s29;
	s26 =	simm.s32 @!p0 $0x780  }
0x80: {  	[tilespmem:s25], [sflag:$0x1] =	stream.indirect.gather @!p0 [spmem:s2], $0x20, s26, s28, $0xb8;
	[tilespmem:$0x1F000] =	vst v63  }
0x81: {  	_ =	swait.ge [sflag:s22], $0x1000  }
0x82: {  	[sflag:s22] =	ssyncset.done $0x0  }
0x83: {  	[sflag:s22] =	ssyncadd.s32 $0xFFFFF000  }
0x84: {  	_ =	swait.ge [sflag:s22], $0x1000  }
0x85: {  	[sflag:s22] =	ssyncset.done $0x0  }
0x86: {  	[sflag:s22] =	ssyncadd.s32 $0xFFFFF000  }
0x87: {  	_ =	swait.ge [sflag:s22], $0x1000  }
0x88: {  	[sflag:s22] =	ssyncset.done $0x0  }
0x89: {  	[sflag:s22] =	ssyncadd.s32 $0xFFFFF000  }
0x8a: {  	_ =	swait.ge [sflag:s22], $0x1000  }
0x8b: {  	[sflag:s22] =	ssyncset.done $0x0  }
0x8c: {  	[sflag:s22] =	ssyncadd.s32 $0xFFFFF000  }
0x8d: {  	_ =	swait.ge [sflag:s22], $0x1000  }
0x8e: {  	[sflag:s22] =	ssyncset.done $0x0  }
0x8f: {  	[sflag:s22] =	ssyncadd.s32 $0xFFFFF000  }
0x90: {  	_ =	swait.ge [sflag:s22], $0x1000  }
0x91: {  	[sflag:s22] =	ssyncset.done $0x0  }
0x92: {  	[sflag:s22] =	ssyncadd.s32 $0xFFFFF000  }
0x93: {  	_ =	swait.ge [sflag:s22], $0x1000  }
0x94: {  	s25 =	simm.s32 $0x1000;
	[sflag:s22] =	ssyncset.done $0x0  }
.LBB2_4:
0x95: {  	[sflag:s22] =	ssyncadd.s32 $0xFFFFF000  }
0x96: {  	s24 =	sadd.s32 $0x8, s24;
	s26 =	smov.u32 s25;
	s25 =	sadd.s32 $0x1000, s25  }
0x97: {  	p0 =	sne.s32 s25, $0xA000;
	_ =	swait.ge [sflag:s22], $0x1000  }
0x98: {  	[sflag:s22] =	ssyncset.done $0x0  }
0x99: {  	[sflag:s22] =	ssyncadd.s32 $0xFFFFF000  }
0x9a: {  	_ =	swait.ge [sflag:s21], $0x1000  }
0x9b: {  	[sflag:s21] =	ssyncset.done $0x0  }
0x9c: {  	[sflag:s21] =	ssyncadd.s32 $0xFFFFF000  }
0x9d: {  	_ =	swait.ge [sflag:s21], $0x1000  }
0x9e: {  	[sflag:s21] =	ssyncset.done $0x0  }
0x9f: {  	[sflag:s21] =	ssyncadd.s32 $0xFFFFF000  }
0xa0: {  	_ =	swait.ge [sflag:s21], $0x1000  }
0xa1: {  	[sflag:s21] =	ssyncset.done $0x0  }
0xa2: {  	[sflag:s21] =	ssyncadd.s32 $0xFFFFF000  }
0xa3: {  	_ =	swait.ge [sflag:s21], $0x1000  }
0xa4: {  	[sflag:s21] =	ssyncset.done $0x0  }
0xa5: {  	[sflag:s21] =	ssyncadd.s32 $0xFFFFF000  }
0xa6: {  	_ =	swait.ge [sflag:s21], $0x1000  }
0xa7: {  	[sflag:s21] =	ssyncset.done $0x0  }
0xa8: {  	[sflag:s21] =	ssyncadd.s32 $0xFFFFF000  }
0xa9: {  	_ =	swait.ge [sflag:s21], $0x1000  }
0xaa: {  	[sflag:s21] =	ssyncset.done $0x0  }
0xab: {  	[sflag:s21] =	ssyncadd.s32 $0xFFFFF000  }
0xac: {  	s28 =	sand.u32 $0x8, s24;
	p1 =	seq.s32 s26, $0x9000;
	_ =	swait.ge [sflag:s21], $0x1000  }
0xad: {  	s1 =	sshra.s32 s26, $0x2;
	s0 =	sshll.u32 s28, $0xC;
	[sflag:s21] =	ssyncset.done $0x0  }
0xae: {  	s4 =	sadd.s32 $0x2800, s1;
	s16 =	sor.u32 $0x5000, s0;
	[sflag:s21] =	ssyncadd.s32 $0xFFFFF000  }
0xaf: {  	s31 =	sshll.u32 @!p1 s28, $0xC;
	_ =	swait.ge [sflag:s21], $0x1000  }
0xb0: {  	s30 =	ssub.s32 @!p1 $0x11000, s31;
	s29 =	ssub.s32 @!p1 $0x12000, s31;
	[sflag:s21] =	ssyncset.done $0x0  }
0xb1: {  	s28 =	ssub.s32 @!p1 $0x13000, s31;
	[sflag:s21] =	ssyncadd.s32 $0xFFFFF000  }
0xb2: {  	[spmem:s3] =	stream.indirect.scatter.add.f32 [tilespmem:s16], [sflag:$0x2], $0x20, s4, s20, $0xb8;
	[tilespmem:$0x1F000] =	vst v63  }
0xb3: {  	s4 =	sor.u32 $0x6000, s0;
	s16 =	sadd.s32 $0x2880, s1  }
0xb4: {  	[spmem:s3] =	stream.indirect.scatter.add.f32 [tilespmem:s4], [sflag:$0x2], $0x20, s16, s20, $0xb8;
	[tilespmem:$0x1F000] =	vst v63  }
0xb5: {  	s4 =	sor.u32 $0x7000, s0;
	s16 =	sadd.s32 $0x2900, s1  }
0xb6: {  	[spmem:s3] =	stream.indirect.scatter.add.f32 [tilespmem:s4], [sflag:$0x2], $0x20, s16, s20, $0xb8;
	[tilespmem:$0x1F000] =	vst v63  }
0xb7: {  	s4 =	sadd.s32 $0x8000, s0;
	s16 =	sadd.s32 $0x2980, s1  }
0xb8: {  	[spmem:s3] =	stream.indirect.scatter.add.f32 [tilespmem:s4], [sflag:$0x2], $0x20, s16, s20, $0xb8;
	[tilespmem:$0x1F000] =	vst v63  }
0xb9: {  	s5 =	sadd.s32 $0x2B80, s1;
	s4 =	sadd.s32 $0x9000, s0;
	s16 =	sadd.s32 $0x2A00, s1  }
0xba: {  	[spmem:s3] =	stream.indirect.scatter.add.f32 [tilespmem:s4], [sflag:$0x2], $0x20, s16, s20, $0xb8;
	[tilespmem:$0x1F000] =	vst v63  }
0xbb: {  	s6 =	sadd.s32 $0xC000, s0;
	s4 =	sadd.s32 $0xA000, s0;
	s16 =	sadd.s32 $0x2A80, s1  }
0xbc: {  	[spmem:s3] =	stream.indirect.scatter.add.f32 [tilespmem:s4], [sflag:$0x2], $0x20, s16, s20, $0xb8;
	[tilespmem:$0x1F000] =	vst v63  }
0xbd: {  	s0 =	sadd.s32 $0xB000, s0;
	s1 =	sadd.s32 $0x2B00, s1;
	s4 =	sshra.s32 @!p1 s26, $0x2  }
0xbe: {  	[spmem:s3] =	stream.indirect.scatter.add.f32 [tilespmem:s0], [sflag:$0x2], $0x20, s1, s20, $0xb8;
	[tilespmem:$0x1F000] =	vst v63  }
0xbf: {  	s0 =	sadd.s32 @!p1 $0x400, s4;
	s1 =	simm.s32 @!p1 $0x80  }
0xc0: {  	[spmem:s3] =	stream.indirect.scatter.add.f32 [tilespmem:s6], [sflag:$0x2], $0x20, s5, s20, $0xb8;
	[tilespmem:$0x1F000] =	vst v63  }
0xc1: {  	s5 =	ssub.s32 @!p1 $0xD000, s31;
	s6 =	sadd.s32 @!p1 $0x480, s4  }
0xc2: {  	[tilespmem:s5], [sflag:$0x1] =	stream.indirect.gather @!p1 [spmem:s2], $0x20, s0, s1, $0xb8;
	[tilespmem:$0x1F000] =	vst v63  }
0xc3: {  	s0 =	ssub.s32 @!p1 $0xE000, s31;
	s5 =	sadd.s32 @!p1 $0x500, s4  }
0xc4: {  	[tilespmem:s0], [sflag:$0x1] =	stream.indirect.gather @!p1 [spmem:s2], $0x20, s6, s1, $0xb8;
	[tilespmem:$0x1F000] =	vst v63  }
0xc5: {  	s0 =	sxor.u32 @!p1 $0xF000, s31;
	s6 =	sadd.s32 @!p1 $0x580, s4  }
0xc6: {  	[tilespmem:s0], [sflag:$0x1] =	stream.indirect.gather @!p1 [spmem:s2], $0x20, s5, s1, $0xb8;
	[tilespmem:$0x1F000] =	vst v63  }
0xc7: {  	s16 =	sadd.s32 @!p1 $0x600, s4;
	s5 =	ssub.s32 @!p1 $0x10000, s31;
	s0 =	sadd.s32 @!p1 $0x5000, s0  }
0xc8: {  	[tilespmem:s5], [sflag:$0x1] =	stream.indirect.gather @!p1 [spmem:s2], $0x20, s6, s1, $0xb8;
	[tilespmem:$0x1F000] =	vst v63  }
0xc9: {  	s5 =	sadd.s32 @!p1 $0x680, s4  }
0xca: {  	[tilespmem:s30], [sflag:$0x1] =	stream.indirect.gather @!p1 [spmem:s2], $0x20, s16, s1, $0xb8;
	[tilespmem:$0x1F000] =	vst v63  }
0xcb: {  	s6 =	sadd.s32 @!p1 $0x700, s4  }
0xcc: {  	[tilespmem:s29], [sflag:$0x1] =	stream.indirect.gather @!p1 [spmem:s2], $0x20, s5, s1, $0xb8;
	[tilespmem:$0x1F000] =	vst v63  }
0xcd: {  	s4 =	sadd.s32 @!p1 $0x780, s4  }
0xce: {  	[tilespmem:s28], [sflag:$0x1] =	stream.indirect.gather @!p1 [spmem:s2], $0x20, s6, s1, $0xb8;
	[tilespmem:$0x1F000] =	vst v63  }
0xcf: {  	_ = 	snop  }
0xd0: {  	[tilespmem:s0], [sflag:$0x1] =	stream.indirect.gather @!p1 [spmem:s2], $0x20, s4, s1, $0xb8;
	[tilespmem:$0x1F000] =	vst v63  }
0xd1: {  	_ =	swait.ge [sflag:s22], $0x1000  }
0xd2: {  	[sflag:s22] =	ssyncset.done $0x0  }
0xd3: {  	[sflag:s22] =	ssyncadd.s32 $0xFFFFF000  }
0xd4: {  	_ =	swait.ge [sflag:s22], $0x1000  }
0xd5: {  	[sflag:s22] =	ssyncset.done $0x0  }
0xd6: {  	[sflag:s22] =	ssyncadd.s32 $0xFFFFF000  }
0xd7: {  	_ =	swait.ge [sflag:s22], $0x1000  }
0xd8: {  	[sflag:s22] =	ssyncset.done $0x0  }
0xd9: {  	[sflag:s22] =	ssyncadd.s32 $0xFFFFF000  }
0xda: {  	_ =	swait.ge [sflag:s22], $0x1000  }
0xdb: {  	[sflag:s22] =	ssyncset.done $0x0  }
0xdc: {  	[sflag:s22] =	ssyncadd.s32 $0xFFFFF000  }
0xdd: {  	_ =	swait.ge [sflag:s22], $0x1000  }
0xde: {  	[sflag:s22] =	ssyncset.done $0x0  }
0xdf: {  	[sflag:s22] =	ssyncadd.s32 $0xFFFFF000  }
.Ltmp1:
0xe0: {  	_ =	swait.ge [sflag:s22], $0x1000;
	(pc) =	sbr.rel @p0 .LBB2_4-.Ltmp1, $4  }
0xe1: {  	[sflag:s22] =	ssyncset.done $0x0  }
0xe2: {  	[sflag:s22] =	ssyncadd.s32 $0xFFFFF000  }
0xe3: {  	_ =	swait.ge [sflag:s22], $0x1000  }
0xe4: {  	[sflag:s22] =	ssyncset.done $0x0  }
0xe5: {  	[sflag:s22] =	ssyncadd.s32 $0xFFFFF000  }
0xe6: {  	_ =	swait.ge [sflag:s22], $0x1000  }
0xe7: {  	s23 =	sadd.s32 $0x1, s23;
	[sflag:s22] =	ssyncset.done $0x0  }
0xe8: {  	p0 =	sne.s32 s23, s14;
	[sflag:s22] =	ssyncadd.s32 $0xFFFFF000  }
.Ltmp2:
0xe9: {  	s0 =	sshrl.u32 s8, $0x3;
	[bflag:$0x0] =	sbarrier.arrive $0xFFFF;
	(pc) =	sbr.rel @p0 .LBB2_1-.Ltmp2, $4  }
0xea: {  	[hbm:s13], [sflag:s17] =	dma.local [spmem:s0], $0xA00  }
0xeb: {  	_ =	swait.ge [sflag:s15], $0xA00  }
0xec: {  	[sflag:s15] =	ssyncset.done $0x0  }
0xed: {  	[sflag:s15] =	ssyncadd.s32 $0xFFFFF600  }
0xee: {  	_ =	sfence.sel $0x180000  }
0xef: {  	[bflag:$0x0] =	sbarrier.arrive $0xFFFF  }
0xf0: {  	_ =	strace $0x90000050  }
0xf1: {  	s0 =	stileid.u32;
	[bflag:$0x2] =	sbarrier.arrive $0xFFFF  }
0xf2: {  	p0 =	sne.s32 s0, $0x0;
	s0 =	rddreg [dreg:$0x3]  }
0xf3: {  	s0 =	sadd.s32 @!p0 $0x100000, s0  }
0xf4: {  	[sflag:s0] =	ssyncadd.tile.s32 @!p0 $0x1;
	_ =	shalt  }
.Lfunc_end2:
_tile_overlayer_lowered:
.L_overlay_start_2:
0xf5: {  	(tag) =	ssettag $0x2  }
0xf6: {  	s0 =	rddreg [dreg:$0x0];
	s2 =	stileid.u32  }
0xf7: {  	s1 =	rddreg [dreg:$0x1];
	p0 =	sne.s32 s2, $0x0  }
0xf8: {  	s3 =	rddreg [dreg:$0x2];
	[bflag:$0x3] =	sbarrier.arrive $0xFFFF;
	s2 =	simm.s32 @!p0 $0x1C03  }
0xf9: {  	[timem:s3], [sflag:s2] =	dma.local @!p0 [hbm:s0], s1  }
0xfa: {  	s0 =	simm.s32 @!p0 $0x3  }
0xfb: {  	_ =	swait.ge @!p0 [sflag:s0], s1  }
0xfc: {  	s1 =	ssub.s32 @!p0 $0x0, s1;
	[sflag:s0] =	ssyncset.done @!p0 $0x0  }
0xfd: {  	[sflag:s0] =	ssyncadd.s32 @!p0 s1  }
0xfe: {  	[bflag:$0x3] =	sbarrier.arrive $0xFFFF  }
0xff: {  	_ =	shalt  }

</sc_bundles>
